<compile_context>
chip_gen: v7x
topology: tpu7x:2x2x1
jax: 0.10.2.dev20260603
libtpu: 0.0.44.dev20260713+nightly
codegen_flags: <defaults>
</compile_context>

<pallas_src>
import functools

import jax
import jax.numpy as jnp
from jax import lax
from jax.experimental import pallas as pl
from jax.experimental.pallas import tpu as pltpu
from jax.experimental.pallas import tpu_sc as plsc

B = 16384
ITEM_D = 32
CAT_D = 6
BRAND_D = 10
TAIL_D = CAT_D + BRAND_D
OUT_D = ITEM_D + TAIL_D
PAD_D = 128

CAT_WORDS = 101 * CAT_D
BRAND_OFF = 608
BRAND_WORDS = 201 * BRAND_D
TBL_WORDS = BRAND_OFF + BRAND_WORDS

NC = 2
NS = 16
NW = NC * NS
BPW = B // NW
CHUNK = 128
NCHUNK = BPW // CHUNK
NGROUP = BPW // 16


def _body(item_idx_hbm, cat_idx_hbm, brand_idx_hbm,
          item_tbl_hbm, cat_flat_hbm, brand_flat_hbm,
          out_hbm,
          idx_v, ig, tb, tbl_vm, sem, gsem, osem):
    wid = lax.axis_index("s") * NC + lax.axis_index("c")
    base = wid * BPW

    stage = [
        pltpu.make_async_copy(item_idx_hbm.at[pl.ds(base, BPW)],
                              idx_v.at[pl.ds(0, BPW)], sem),
        pltpu.make_async_copy(cat_idx_hbm.at[pl.ds(base, BPW)],
                              idx_v.at[pl.ds(BPW, BPW)], sem),
        pltpu.make_async_copy(brand_idx_hbm.at[pl.ds(base, BPW)],
                              idx_v.at[pl.ds(2 * BPW, BPW)], sem),
        pltpu.make_async_copy(cat_flat_hbm,
                              tbl_vm.at[pl.ds(0, CAT_WORDS)], sem),
        pltpu.make_async_copy(brand_flat_hbm,
                              tbl_vm.at[pl.ds(BRAND_OFF, BRAND_WORDS)], sem),
    ]
    for c in stage:
        c.start()
    for c in stage:
        c.wait()

    for i in range(BPW // 16):
        sl = pl.ds(i * 16, 16)
        idx_v[sl] = idx_v[sl] + 1

    copies = [
        pltpu.make_async_copy(
            item_tbl_hbm.at[idx_v.at[pl.ds(j * CHUNK, CHUNK)]],
            ig.at[pl.ds(j * CHUNK, CHUNK)], gsem)
        for j in range(NCHUNK)
    ]
    for c in copies:
        c.start()

    iota16 = lax.iota(jnp.int32, 16)
    out_cols = [jnp.full((16,), c, jnp.int32) for c in range(TAIL_D)]
    for g in range(NGROUP):
        sl = pl.ds(g * 16, 16)
        rows16 = iota16 + (g * 16)
        ic6 = idx_v[pl.ds(BPW + g * 16, 16)] * CAT_D
        ib10 = idx_v[pl.ds(2 * BPW + g * 16, 16)] * BRAND_D
        for c in range(TAIL_D):
            if c < CAT_D:
                v = plsc.load_gather(tbl_vm, [ic6 + (CAT_D + c)])
            else:
                v = plsc.load_gather(
                    tbl_vm, [ib10 + (BRAND_OFF + BRAND_D + c - CAT_D)])
            plsc.store_scatter(tb, [rows16, out_cols[c]], v)

    rows = pl.ds(wid * BPW, BPW)
    tail_out = pltpu.make_async_copy(
        tb, out_hbm.at[rows, pl.ds(ITEM_D, TAIL_D)], osem)
    tail_out.start()

    for c in copies:
        c.wait()
    item_out = pltpu.make_async_copy(
        ig, out_hbm.at[rows, pl.ds(0, ITEM_D)], osem)
    item_out.start()

    tail_out.wait()
    item_out.wait()


def kernel(item_id, category_id, brand_id, item_table, cat_table, brand_table):
    mesh = plsc.VectorSubcoreMesh(core_axis_name="c", subcore_axis_name="s")
    k = functools.partial(
        pl.kernel,
        mesh=mesh,
        compiler_params=pltpu.CompilerParams(use_tc_tiling_on_sc=False,
                                             needs_layout_passes=False,
                                             disable_bounds_checks=True,
                                             disable_semaphore_checks=True,
                                             skip_device_barrier=True),
        out_type=jax.ShapeDtypeStruct((B, PAD_D), jnp.float32),
        scratch_types=[
            pltpu.VMEM((3 * BPW,), jnp.int32),
            pltpu.VMEM((BPW, ITEM_D), jnp.float32),
            pltpu.VMEM((BPW, TAIL_D), jnp.float32),
            pltpu.VMEM((TBL_WORDS,), jnp.float32),
            pltpu.SemaphoreType.DMA,
            pltpu.SemaphoreType.DMA,
            pltpu.SemaphoreType.DMA,
        ],
    )(_body)
    out = k(item_id, category_id, brand_id,
            item_table,
            cat_table.reshape(-1),
            brand_table.reshape(-1))
    return out[:, :OUT_D]

# --- scband reference (transcript-rebuilt; emitter-appended) ---
"""Pipeline reference for scband-candidate-model-21242908246316 (READ-ONLY COPY).

The authoritative reference and input builder live on the scoring server;
editing this copy changes nothing except your own understanding.
"""

import jax, jax.numpy as jnp
import numpy as np

B = 16384
ITEM_VOCAB = 1000
CAT_VOCAB = 100
BRAND_VOCAB = 200


def setup_inputs(seed: int = 0) -> dict:
    key = jax.random.key(seed)
    k1, k2, k3, k4, k5, k6 = jax.random.split(key, 6)
    item_id = jax.random.randint(k1, (B,), 0, ITEM_VOCAB, dtype=jnp.int32)
    category_id = jax.random.randint(k2, (B,), 0, CAT_VOCAB, dtype=jnp.int32)
    brand_id = jax.random.randint(k3, (B,), 0, BRAND_VOCAB, dtype=jnp.int32)
    # Embedding tables sized vocab+1 to match StringLookup/IntegerLookup OOV slot at index 0.
    item_table = jax.random.normal(k4, (ITEM_VOCAB + 1, 32), dtype=jnp.float32) * 0.05
    cat_table = jax.random.normal(k5, (CAT_VOCAB + 1, 6), dtype=jnp.float32) * 0.05
    brand_table = jax.random.normal(k6, (BRAND_VOCAB + 1, 10), dtype=jnp.float32) * 0.05
    return {
        "item_id": item_id,
        "category_id": category_id,
        "brand_id": brand_id,
        "item_table": item_table,
        "cat_table": cat_table,
        "brand_table": brand_table,
    }


def reference(item_id, category_id, brand_id, item_table, cat_table, brand_table):
    # StringLookup/IntegerLookup with vocabulary [0..V-1] maps raw id v -> v + 1
    # (index 0 reserved for OOV). Then Embedding gathers rows.
    item_idx = item_id + 1
    cat_idx = category_id + 1
    brand_idx = brand_id + 1
    e_item = jnp.take(item_table, item_idx, axis=0)
    e_cat = jnp.take(cat_table, cat_idx, axis=0)
    e_brand = jnp.take(brand_table, brand_idx, axis=0)
    return jnp.concatenate([e_item, e_cat, e_brand], axis=1)

if __name__ == "__main__":
    import jax
    _d = setup_inputs()
    print(jax.jit(kernel)(*tuple(_d.values())))

</pallas_src>

<mosaic_0001>
#map = affine_map<(d0, d1) -> (0)>
#map1 = affine_map<(d0, d1) -> (0, 0)>
module attributes {stable_mosaic.version = 14 : i64} {
  func.func @_body(%arg0: i32, %arg1: i32, %arg2: memref<16384xi32, #tpu.memory_space<hbm>>, %arg3: memref<16384xi32, #tpu.memory_space<hbm>>, %arg4: memref<16384xi32, #tpu.memory_space<hbm>>, %arg5: memref<1001x32xf32, #tpu.memory_space<hbm>>, %arg6: memref<606xf32, #tpu.memory_space<hbm>>, %arg7: memref<2010xf32, #tpu.memory_space<hbm>>, %arg8: memref<16384x128xf32, #tpu.memory_space<hbm>>, %arg9: memref<1536xi32, #tpu.memory_space<vmem>>, %arg10: memref<512x32xf32, #tpu.memory_space<vmem>>, %arg11: memref<512x16xf32, #tpu.memory_space<vmem>>, %arg12: memref<2618xf32, #tpu.memory_space<vmem>>, %arg13: memref<!tpu.dma_semaphore, #tpu.memory_space<semaphore_mem>>, %arg14: memref<!tpu.dma_semaphore, #tpu.memory_space<semaphore_mem>>, %arg15: memref<!tpu.dma_semaphore, #tpu.memory_space<semaphore_mem>>) attributes {dimension_semantics = [#tpu.dimension_semantics<core_parallel>, #tpu.dimension_semantics<subcore_parallel>], iteration_bounds = array<i64: 2, 16>, scalar_prefetch = 0 : i64, scratch_operands = 7 : i64, tpu.core_type = #tpu.core_type<sc_vector_subcore>, window_params = [{transform_indices = #map}, {transform_indices = #map}, {transform_indices = #map}, {transform_indices = #map1}, {transform_indices = #map}, {transform_indices = #map}, {transform_indices = #map1}]} {
    %mul3A = arith.constant 2 : i32
    %mul3A_0 = arith.muli %arg1, %mul3A : i32
    %add3A = arith.addi %mul3A_0, %arg0 : i32
    %mul3A_1 = arith.constant 512 : i32
    %mul3A_2 = arith.muli %add3A, %mul3A_1 : i32
    %dma_start3A = arith.constant 0 : i32
    %dma_start3A_3 = tpu.memref_slice %arg9[%dma_start3A] : memref<1536xi32, #tpu.memory_space<vmem>> -> memref<512xi32, #tpu.memory_space<vmem>>
    %dma_start3A_4 = tpu.memref_slice %arg2[%mul3A_2] : memref<16384xi32, #tpu.memory_space<hbm>> -> memref<512xi32, #tpu.memory_space<hbm>>
    %dma_start3A_5 = arith.constant 0 : i32
    %dma_start3A_6 = tpu.memref_slice %arg9[%dma_start3A_5] : memref<1536xi32, #tpu.memory_space<vmem>> -> memref<512xi32, #tpu.memory_space<vmem>>
    %dma_start3A_7 = tpu.memref_slice %arg2[%mul3A_2] : memref<16384xi32, #tpu.memory_space<hbm>> -> memref<512xi32, #tpu.memory_space<hbm>>
    tpu.enqueue_dma source(%dma_start3A_7 : memref<512xi32, #tpu.memory_space<hbm>>) target(%dma_start3A_6 : memref<512xi32, #tpu.memory_space<vmem>>) target_semaphore(%arg13 : memref<!tpu.dma_semaphore, #tpu.memory_space<semaphore_mem>>)
    %dma_start3A_8 = arith.constant 512 : i32
    %dma_start3A_9 = tpu.memref_slice %arg9[%dma_start3A_8] : memref<1536xi32, #tpu.memory_space<vmem>> -> memref<512xi32, #tpu.memory_space<vmem>>
    %dma_start3A_10 = tpu.memref_slice %arg3[%mul3A_2] : memref<16384xi32, #tpu.memory_space<hbm>> -> memref<512xi32, #tpu.memory_space<hbm>>
    %dma_start3A_11 = arith.constant 512 : i32
    %dma_start3A_12 = tpu.memref_slice %arg9[%dma_start3A_11] : memref<1536xi32, #tpu.memory_space<vmem>> -> memref<512xi32, #tpu.memory_space<vmem>>
    %dma_start3A_13 = tpu.memref_slice %arg3[%mul3A_2] : memref<16384xi32, #tpu.memory_space<hbm>> -> memref<512xi32, #tpu.memory_space<hbm>>
    tpu.enqueue_dma source(%dma_start3A_13 : memref<512xi32, #tpu.memory_space<hbm>>) target(%dma_start3A_12 : memref<512xi32, #tpu.memory_space<vmem>>) target_semaphore(%arg13 : memref<!tpu.dma_semaphore, #tpu.memory_space<semaphore_mem>>)
    %dma_start3A_14 = arith.constant 1024 : i32
    %dma_start3A_15 = tpu.memref_slice %arg9[%dma_start3A_14] : memref<1536xi32, #tpu.memory_space<vmem>> -> memref<512xi32, #tpu.memory_space<vmem>>
    %dma_start3A_16 = tpu.memref_slice %arg4[%mul3A_2] : memref<16384xi32, #tpu.memory_space<hbm>> -> memref<512xi32, #tpu.memory_space<hbm>>
    %dma_start3A_17 = arith.constant 1024 : i32
    %dma_start3A_18 = tpu.memref_slice %arg9[%dma_start3A_17] : memref<1536xi32, #tpu.memory_space<vmem>> -> memref<512xi32, #tpu.memory_space<vmem>>
    %dma_start3A_19 = tpu.memref_slice %arg4[%mul3A_2] : memref<16384xi32, #tpu.memory_space<hbm>> -> memref<512xi32, #tpu.memory_space<hbm>>
    tpu.enqueue_dma source(%dma_start3A_19 : memref<512xi32, #tpu.memory_space<hbm>>) target(%dma_start3A_18 : memref<512xi32, #tpu.memory_space<vmem>>) target_semaphore(%arg13 : memref<!tpu.dma_semaphore, #tpu.memory_space<semaphore_mem>>)
    %dma_start3A_20 = arith.constant 0 : i32
    %dma_start3A_21 = tpu.memref_slice %arg12[%dma_start3A_20] : memref<2618xf32, #tpu.memory_space<vmem>> -> memref<606xf32, #tpu.memory_space<vmem>>
    %dma_start3A_22 = arith.constant 0 : i32
    %dma_start3A_23 = tpu.memref_slice %arg12[%dma_start3A_22] : memref<2618xf32, #tpu.memory_space<vmem>> -> memref<606xf32, #tpu.memory_space<vmem>>
    tpu.enqueue_dma source(%arg6 : memref<606xf32, #tpu.memory_space<hbm>>) target(%dma_start3A_23 : memref<606xf32, #tpu.memory_space<vmem>>) target_semaphore(%arg13 : memref<!tpu.dma_semaphore, #tpu.memory_space<semaphore_mem>>)
    %dma_start3A_24 = arith.constant 608 : i32
    %dma_start3A_25 = tpu.memref_slice %arg12[%dma_start3A_24] : memref<2618xf32, #tpu.memory_space<vmem>> -> memref<2010xf32, #tpu.memory_space<vmem>>
    %dma_start3A_26 = arith.constant 608 : i32
    %dma_start3A_27 = tpu.memref_slice %arg12[%dma_start3A_26] : memref<2618xf32, #tpu.memory_space<vmem>> -> memref<2010xf32, #tpu.memory_space<vmem>>
    tpu.enqueue_dma source(%arg7 : memref<2010xf32, #tpu.memory_space<hbm>>) target(%dma_start3A_27 : memref<2010xf32, #tpu.memory_space<vmem>>) target_semaphore(%arg13 : memref<!tpu.dma_semaphore, #tpu.memory_space<semaphore_mem>>)
    %dma_wait3A = arith.constant 0 : i32
    %dma_wait3A_28 = tpu.memref_slice %arg9[%dma_wait3A] : memref<1536xi32, #tpu.memory_space<vmem>> -> memref<512xi32, #tpu.memory_space<vmem>>
    %dma_wait3A_29 = tpu.memref_slice %arg2[%mul3A_2] : memref<16384xi32, #tpu.memory_space<hbm>> -> memref<512xi32, #tpu.memory_space<hbm>>
    %dma_wait3A_30 = arith.constant 0 : i32
    %dma_wait3A_31 = tpu.memref_slice %arg9[%dma_wait3A_30] : memref<1536xi32, #tpu.memory_space<vmem>> -> memref<512xi32, #tpu.memory_space<vmem>>
    %dma_wait3A_32 = tpu.memref_slice %arg2[%mul3A_2] : memref<16384xi32, #tpu.memory_space<hbm>> -> memref<512xi32, #tpu.memory_space<hbm>>
    tpu.wait_dma2 semaphore(%arg13 : memref<!tpu.dma_semaphore, #tpu.memory_space<semaphore_mem>>) src(%dma_wait3A_32 : memref<512xi32, #tpu.memory_space<hbm>>) dst(%dma_wait3A_31 : memref<512xi32, #tpu.memory_space<vmem>>)
    %dma_wait3A_33 = arith.constant 512 : i32
    %dma_wait3A_34 = tpu.memref_slice %arg9[%dma_wait3A_33] : memref<1536xi32, #tpu.memory_space<vmem>> -> memref<512xi32, #tpu.memory_space<vmem>>
    %dma_wait3A_35 = tpu.memref_slice %arg3[%mul3A_2] : memref<16384xi32, #tpu.memory_space<hbm>> -> memref<512xi32, #tpu.memory_space<hbm>>
    %dma_wait3A_36 = arith.constant 512 : i32
    %dma_wait3A_37 = tpu.memref_slice %arg9[%dma_wait3A_36] : memref<1536xi32, #tpu.memory_space<vmem>> -> memref<512xi32, #tpu.memory_space<vmem>>
    %dma_wait3A_38 = tpu.memref_slice %arg3[%mul3A_2] : memref<16384xi32, #tpu.memory_space<hbm>> -> memref<512xi32, #tpu.memory_space<hbm>>
    tpu.wait_dma2 semaphore(%arg13 : memref<!tpu.dma_semaphore, #tpu.memory_space<semaphore_mem>>) src(%dma_wait3A_38 : memref<512xi32, #tpu.memory_space<hbm>>) dst(%dma_wait3A_37 : memref<512xi32, #tpu.memory_space<vmem>>)
    %dma_wait3A_39 = arith.constant 1024 : i32
    %dma_wait3A_40 = tpu.memref_slice %arg9[%dma_wait3A_39] : memref<1536xi32, #tpu.memory_space<vmem>> -> memref<512xi32, #tpu.memory_space<vmem>>
    %dma_wait3A_41 = tpu.memref_slice %arg4[%mul3A_2] : memref<16384xi32, #tpu.memory_space<hbm>> -> memref<512xi32, #tpu.memory_space<hbm>>
    %dma_wait3A_42 = arith.constant 1024 : i32
    %dma_wait3A_43 = tpu.memref_slice %arg9[%dma_wait3A_42] : memref<1536xi32, #tpu.memory_space<vmem>> -> memref<512xi32, #tpu.memory_space<vmem>>
    %dma_wait3A_44 = tpu.memref_slice %arg4[%mul3A_2] : memref<16384xi32, #tpu.memory_space<hbm>> -> memref<512xi32, #tpu.memory_space<hbm>>
    tpu.wait_dma2 semaphore(%arg13 : memref<!tpu.dma_semaphore, #tpu.memory_space<semaphore_mem>>) src(%dma_wait3A_44 : memref<512xi32, #tpu.memory_space<hbm>>) dst(%dma_wait3A_43 : memref<512xi32, #tpu.memory_space<vmem>>)
    %dma_wait3A_45 = arith.constant 0 : i32
    %dma_wait3A_46 = tpu.memref_slice %arg12[%dma_wait3A_45] : memref<2618xf32, #tpu.memory_space<vmem>> -> memref<606xf32, #tpu.memory_space<vmem>>
    %dma_wait3A_47 = arith.constant 0 : i32
    %dma_wait3A_48 = tpu.memref_slice %arg12[%dma_wait3A_47] : memref<2618xf32, #tpu.memory_space<vmem>> -> memref<606xf32, #tpu.memory_space<vmem>>
    tpu.wait_dma2 semaphore(%arg13 : memref<!tpu.dma_semaphore, #tpu.memory_space<semaphore_mem>>) src(%arg6 : memref<606xf32, #tpu.memory_space<hbm>>) dst(%dma_wait3A_48 : memref<606xf32, #tpu.memory_space<vmem>>)
    %dma_wait3A_49 = arith.constant 608 : i32
    %dma_wait3A_50 = tpu.memref_slice %arg12[%dma_wait3A_49] : memref<2618xf32, #tpu.memory_space<vmem>> -> memref<2010xf32, #tpu.memory_space<vmem>>
    %dma_wait3A_51 = arith.constant 608 : i32
    %dma_wait3A_52 = tpu.memref_slice %arg12[%dma_wait3A_51] : memref<2618xf32, #tpu.memory_space<vmem>> -> memref<2010xf32, #tpu.memory_space<vmem>>
    tpu.wait_dma2 semaphore(%arg13 : memref<!tpu.dma_semaphore, #tpu.memory_space<semaphore_mem>>) src(%arg7 : memref<2010xf32, #tpu.memory_space<hbm>>) dst(%dma_wait3A_52 : memref<2010xf32, #tpu.memory_space<vmem>>)
    %get3A = arith.constant 0 : index
    %get3A_53 = tpu.vector_load %arg9[%get3A] {strides = array<i32>} : memref<1536xi32, #tpu.memory_space<vmem>>, vector<16xi32>,
    %add3A_54 = arith.constant 1 : i32
    %add3A_55 = vector.broadcast %add3A_54 : i32 to vector<16xi32>
    %add3A_56 = arith.addi %get3A_53, %add3A_55 : vector<16xi32>
    %swap3A = arith.constant 0 : index
    %swap3A_57 = tpu.vector_load %arg9[%swap3A] {strides = array<i32>} : memref<1536xi32, #tpu.memory_space<vmem>>, vector<16xi32>,
    tpu.vector_store %arg9[%swap3A], %add3A_56 {strides = array<i32>} : memref<1536xi32, #tpu.memory_space<vmem>>, vector<16xi32>,
    %get3A_58 = arith.constant 16 : index
    %get3A_59 = tpu.vector_load %arg9[%get3A_58] {strides = array<i32>} : memref<1536xi32, #tpu.memory_space<vmem>>, vector<16xi32>,
    %add3A_60 = arith.constant 1 : i32
    %add3A_61 = vector.broadcast %add3A_60 : i32 to vector<16xi32>
    %add3A_62 = arith.addi %get3A_59, %add3A_61 : vector<16xi32>
    %swap3A_63 = arith.constant 16 : index
    %swap3A_64 = tpu.vector_load %arg9[%swap3A_63] {strides = array<i32>} : memref<1536xi32, #tpu.memory_space<vmem>>, vector<16xi32>,
    tpu.vector_store %arg9[%swap3A_63], %add3A_62 {strides = array<i32>} : memref<1536xi32, #tpu.memory_space<vmem>>, vector<16xi32>,
    %get3A_65 = arith.constant 32 : index
    %get3A_66 = tpu.vector_load %arg9[%get3A_65] {strides = array<i32>} : memref<1536xi32, #tpu.memory_space<vmem>>, vector<16xi32>,
    %add3A_67 = arith.constant 1 : i32
    %add3A_68 = vector.broadcast %add3A_67 : i32 to vector<16xi32>
    %add3A_69 = arith.addi %get3A_66, %add3A_68 : vector<16xi32>
    %swap3A_70 = arith.constant 32 : index
    %swap3A_71 = tpu.vector_load %arg9[%swap3A_70] {strides = array<i32>} : memref<1536xi32, #tpu.memory_space<vmem>>, vector<16xi32>,
    tpu.vector_store %arg9[%swap3A_70], %add3A_69 {strides = array<i32>} : memref<1536xi32, #tpu.memory_space<vmem>>, vector<16xi32>,
    %get3A_72 = arith.constant 48 : index
    %get3A_73 = tpu.vector_load %arg9[%get3A_72] {strides = array<i32>} : memref<1536xi32, #tpu.memory_space<vmem>>, vector<16xi32>,
    %add3A_74 = arith.constant 1 : i32
    %add3A_75 = vector.broadcast %add3A_74 : i32 to vector<16xi32>
    %add3A_76 = arith.addi %get3A_73, %add3A_75 : vector<16xi32>
    %swap3A_77 = arith.constant 48 : index
    %swap3A_78 = tpu.vector_load %arg9[%swap3A_77] {strides = array<i32>} : memref<1536xi32, #tpu.memory_space<vmem>>, vector<16xi32>,
    tpu.vector_store %arg9[%swap3A_77], %add3A_76 {strides = array<i32>} : memref<1536xi32, #tpu.memory_space<vmem>>, vector<16xi32>,
    %get3A_79 = arith.constant 64 : index
    %get3A_80 = tpu.vector_load %arg9[%get3A_79] {strides = array<i32>} : memref<1536xi32, #tpu.memory_space<vmem>>, vector<16xi32>,
    %add3A_81 = arith.constant 1 : i32
    %add3A_82 = vector.broadcast %add3A_81 : i32 to vector<16xi32>
    %add3A_83 = arith.addi %get3A_80, %add3A_82 : vector<16xi32>
    %swap3A_84 = arith.constant 64 : index
    %swap3A_85 = tpu.vector_load %arg9[%swap3A_84] {strides = array<i32>} : memref<1536xi32, #tpu.memory_space<vmem>>, vector<16xi32>,
    tpu.vector_store %arg9[%swap3A_84], %add3A_83 {strides = array<i32>} : memref<1536xi32, #tpu.memory_space<vmem>>, vector<16xi32>,
    %get3A_86 = arith.constant 80 : index
    %get3A_87 = tpu.vector_load %arg9[%get3A_86] {strides = array<i32>} : memref<1536xi32, #tpu.memory_space<vmem>>, vector<16xi32>,
    %add3A_88 = arith.constant 1 : i32
    %add3A_89 = vector.broadcast %add3A_88 : i32 to vector<16xi32>
    %add3A_90 = arith.addi %get3A_87, %add3A_89 : vector<16xi32>
    %swap3A_91 = arith.constant 80 : index
    %swap3A_92 = tpu.vector_load %arg9[%swap3A_91] {strides = array<i32>} : memref<1536xi32, #tpu.memory_space<vmem>>, vector<16xi32>,
    tpu.vector_store %arg9[%swap3A_91], %add3A_90 {strides = array<i32>} : memref<1536xi32, #tpu.memory_space<vmem>>, vector<16xi32>,
    %get3A_93 = arith.constant 96 : index
    %get3A_94 = tpu.vector_load %arg9[%get3A_93] {strides = array<i32>} : memref<1536xi32, #tpu.memory_space<vmem>>, vector<16xi32>,
    %add3A_95 = arith.constant 1 : i32
    %add3A_96 = vector.broadcast %add3A_95 : i32 to vector<16xi32>
    %add3A_97 = arith.addi %get3A_94, %add3A_96 : vector<16xi32>
    %swap3A_98 = arith.constant 96 : index
    %swap3A_99 = tpu.vector_load %arg9[%swap3A_98] {strides = array<i32>} : memref<1536xi32, #tpu.memory_space<vmem>>, vector<16xi32>,
    tpu.vector_store %arg9[%swap3A_98], %add3A_97 {strides = array<i32>} : memref<1536xi32, #tpu.memory_space<vmem>>, vector<16xi32>,
    %get3A_100 = arith.constant 112 : index
    %get3A_101 = tpu.vector_load %arg9[%get3A_100] {strides = array<i32>} : memref<1536xi32, #tpu.memory_space<vmem>>, vector<16xi32>,
    %add3A_102 = arith.constant 1 : i32
    %add3A_103 = vector.broadcast %add3A_102 : i32 to vector<16xi32>
    %add3A_104 = arith.addi %get3A_101, %add3A_103 : vector<16xi32>
    %swap3A_105 = arith.constant 112 : index
    %swap3A_106 = tpu.vector_load %arg9[%swap3A_105] {strides = array<i32>} : memref<1536xi32, #tpu.memory_space<vmem>>, vector<16xi32>,
    tpu.vector_store %arg9[%swap3A_105], %add3A_104 {strides = array<i32>} : memref<1536xi32, #tpu.memory_space<vmem>>, vector<16xi32>,
    %get3A_107 = arith.constant 128 : index
    %get3A_108 = tpu.vector_load %arg9[%get3A_107] {strides = array<i32>} : memref<1536xi32, #tpu.memory_space<vmem>>, vector<16xi32>,
    %add3A_109 = arith.constant 1 : i32
    %add3A_110 = vector.broadcast %add3A_109 : i32 to vector<16xi32>
    %add3A_111 = arith.addi %get3A_108, %add3A_110 : vector<16xi32>
    %swap3A_112 = arith.constant 128 : index
    %swap3A_113 = tpu.vector_load %arg9[%swap3A_112] {strides = array<i32>} : memref<1536xi32, #tpu.memory_space<vmem>>, vector<16xi32>,
    tpu.vector_store %arg9[%swap3A_112], %add3A_111 {strides = array<i32>} : memref<1536xi32, #tpu.memory_space<vmem>>, vector<16xi32>,
    %get3A_114 = arith.constant 144 : index
    %get3A_115 = tpu.vector_load %arg9[%get3A_114] {strides = array<i32>} : memref<1536xi32, #tpu.memory_space<vmem>>, vector<16xi32>,
    %add3A_116 = arith.constant 1 : i32
    %add3A_117 = vector.broadcast %add3A_116 : i32 to vector<16xi32>
    %add3A_118 = arith.addi %get3A_115, %add3A_117 : vector<16xi32>
    %swap3A_119 = arith.constant 144 : index
    %swap3A_120 = tpu.vector_load %arg9[%swap3A_119] {strides = array<i32>} : memref<1536xi32, #tpu.memory_space<vmem>>, vector<16xi32>,
    tpu.vector_store %arg9[%swap3A_119], %add3A_118 {strides = array<i32>} : memref<1536xi32, #tpu.memory_space<vmem>>, vector<16xi32>,
    %get3A_121 = arith.constant 160 : index
    %get3A_122 = tpu.vector_load %arg9[%get3A_121] {strides = array<i32>} : memref<1536xi32, #tpu.memory_space<vmem>>, vector<16xi32>,
    %add3A_123 = arith.constant 1 : i32
    %add3A_124 = vector.broadcast %add3A_123 : i32 to vector<16xi32>
    %add3A_125 = arith.addi %get3A_122, %add3A_124 : vector<16xi32>
    %swap3A_126 = arith.constant 160 : index
    %swap3A_127 = tpu.vector_load %arg9[%swap3A_126] {strides = array<i32>} : memref<1536xi32, #tpu.memory_space<vmem>>, vector<16xi32>,
    tpu.vector_store %arg9[%swap3A_126], %add3A_125 {strides = array<i32>} : memref<1536xi32, #tpu.memory_space<vmem>>, vector<16xi32>,
    %get3A_128 = arith.constant 176 : index
    %get3A_129 = tpu.vector_load %arg9[%get3A_128] {strides = array<i32>} : memref<1536xi32, #tpu.memory_space<vmem>>, vector<16xi32>,
    %add3A_130 = arith.constant 1 : i32
    %add3A_131 = vector.broadcast %add3A_130 : i32 to vector<16xi32>
    %add3A_132 = arith.addi %get3A_129, %add3A_131 : vector<16xi32>
    %swap3A_133 = arith.constant 176 : index
    %swap3A_134 = tpu.vector_load %arg9[%swap3A_133] {strides = array<i32>} : memref<1536xi32, #tpu.memory_space<vmem>>, vector<16xi32>,
    tpu.vector_store %arg9[%swap3A_133], %add3A_132 {strides = array<i32>} : memref<1536xi32, #tpu.memory_space<vmem>>, vector<16xi32>,
    %get3A_135 = arith.constant 192 : index
    %get3A_136 = tpu.vector_load %arg9[%get3A_135] {strides = array<i32>} : memref<1536xi32, #tpu.memory_space<vmem>>, vector<16xi32>,
    %add3A_137 = arith.constant 1 : i32
    %add3A_138 = vector.broadcast %add3A_137 : i32 to vector<16xi32>
    %add3A_139 = arith.addi %get3A_136, %add3A_138 : vector<16xi32>
    %swap3A_140 = arith.constant 192 : index
    %swap3A_141 = tpu.vector_load %arg9[%swap3A_140] {strides = array<i32>} : memref<1536xi32, #tpu.memory_space<vmem>>, vector<16xi32>,
    tpu.vector_store %arg9[%swap3A_140], %add3A_139 {strides = array<i32>} : memref<1536xi32, #tpu.memory_space<vmem>>, vector<16xi32>,
    %get3A_142 = arith.constant 208 : index
    %get3A_143 = tpu.vector_load %arg9[%get3A_142] {strides = array<i32>} : memref<1536xi32, #tpu.memory_space<vmem>>, vector<16xi32>,
    %add3A_144 = arith.constant 1 : i32
    %add3A_145 = vector.broadcast %add3A_144 : i32 to vector<16xi32>
    %add3A_146 = arith.addi %get3A_143, %add3A_145 : vector<16xi32>
    %swap3A_147 = arith.constant 208 : index
    %swap3A_148 = tpu.vector_load %arg9[%swap3A_147] {strides = array<i32>} : memref<1536xi32, #tpu.memory_space<vmem>>, vector<16xi32>,
    tpu.vector_store %arg9[%swap3A_147], %add3A_146 {strides = array<i32>} : memref<1536xi32, #tpu.memory_space<vmem>>, vector<16xi32>,
    %get3A_149 = arith.constant 224 : index
    %get3A_150 = tpu.vector_load %arg9[%get3A_149] {strides = array<i32>} : memref<1536xi32, #tpu.memory_space<vmem>>, vector<16xi32>,
    %add3A_151 = arith.constant 1 : i32
    %add3A_152 = vector.broadcast %add3A_151 : i32 to vector<16xi32>
    %add3A_153 = arith.addi %get3A_150, %add3A_152 : vector<16xi32>
    %swap3A_154 = arith.constant 224 : index
    %swap3A_155 = tpu.vector_load %arg9[%swap3A_154] {strides = array<i32>} : memref<1536xi32, #tpu.memory_space<vmem>>, vector<16xi32>,
    tpu.vector_store %arg9[%swap3A_154], %add3A_153 {strides = array<i32>} : memref<1536xi32, #tpu.memory_space<vmem>>, vector<16xi32>,
    %get3A_156 = arith.constant 240 : index
    %get3A_157 = tpu.vector_load %arg9[%get3A_156] {strides = array<i32>} : memref<1536xi32, #tpu.memory_space<vmem>>, vector<16xi32>,
    %add3A_158 = arith.constant 1 : i32
    %add3A_159 = vector.broadcast %add3A_158 : i32 to vector<16xi32>
    %add3A_160 = arith.addi %get3A_157, %add3A_159 : vector<16xi32>
    %swap3A_161 = arith.constant 240 : index
    %swap3A_162 = tpu.vector_load %arg9[%swap3A_161] {strides = array<i32>} : memref<1536xi32, #tpu.memory_space<vmem>>, vector<16xi32>,
    tpu.vector_store %arg9[%swap3A_161], %add3A_160 {strides = array<i32>} : memref<1536xi32, #tpu.memory_space<vmem>>, vector<16xi32>,
    %get3A_163 = arith.constant 256 : index
    %get3A_164 = tpu.vector_load %arg9[%get3A_163] {strides = array<i32>} : memref<1536xi32, #tpu.memory_space<vmem>>, vector<16xi32>,
    %add3A_165 = arith.constant 1 : i32
    %add3A_166 = vector.broadcast %add3A_165 : i32 to vector<16xi32>
    %add3A_167 = arith.addi %get3A_164, %add3A_166 : vector<16xi32>
    %swap3A_168 = arith.constant 256 : index
    %swap3A_169 = tpu.vector_load %arg9[%swap3A_168] {strides = array<i32>} : memref<1536xi32, #tpu.memory_space<vmem>>, vector<16xi32>,
    tpu.vector_store %arg9[%swap3A_168], %add3A_167 {strides = array<i32>} : memref<1536xi32, #tpu.memory_space<vmem>>, vector<16xi32>,
    %get3A_170 = arith.constant 272 : index
    %get3A_171 = tpu.vector_load %arg9[%get3A_170] {strides = array<i32>} : memref<1536xi32, #tpu.memory_space<vmem>>, vector<16xi32>,
    %add3A_172 = arith.constant 1 : i32
    %add3A_173 = vector.broadcast %add3A_172 : i32 to vector<16xi32>
    %add3A_174 = arith.addi %get3A_171, %add3A_173 : vector<16xi32>
    %swap3A_175 = arith.constant 272 : index
    %swap3A_176 = tpu.vector_load %arg9[%swap3A_175] {strides = array<i32>} : memref<1536xi32, #tpu.memory_space<vmem>>, vector<16xi32>,
    tpu.vector_store %arg9[%swap3A_175], %add3A_174 {strides = array<i32>} : memref<1536xi32, #tpu.memory_space<vmem>>, vector<16xi32>,
    %get3A_177 = arith.constant 288 : index
    %get3A_178 = tpu.vector_load %arg9[%get3A_177] {strides = array<i32>} : memref<1536xi32, #tpu.memory_space<vmem>>, vector<16xi32>,
    %add3A_179 = arith.constant 1 : i32
    %add3A_180 = vector.broadcast %add3A_179 : i32 to vector<16xi32>
    %add3A_181 = arith.addi %get3A_178, %add3A_180 : vector<16xi32>
    %swap3A_182 = arith.constant 288 : index
    %swap3A_183 = tpu.vector_load %arg9[%swap3A_182] {strides = array<i32>} : memref<1536xi32, #tpu.memory_space<vmem>>, vector<16xi32>,
    tpu.vector_store %arg9[%swap3A_182], %add3A_181 {strides = array<i32>} : memref<1536xi32, #tpu.memory_space<vmem>>, vector<16xi32>,
    %get3A_184 = arith.constant 304 : index
    %get3A_185 = tpu.vector_load %arg9[%get3A_184] {strides = array<i32>} : memref<1536xi32, #tpu.memory_space<vmem>>, vector<16xi32>,
    %add3A_186 = arith.constant 1 : i32
    %add3A_187 = vector.broadcast %add3A_186 : i32 to vector<16xi32>
    %add3A_188 = arith.addi %get3A_185, %add3A_187 : vector<16xi32>
    %swap3A_189 = arith.constant 304 : index
    %swap3A_190 = tpu.vector_load %arg9[%swap3A_189] {strides = array<i32>} : memref<1536xi32, #tpu.memory_space<vmem>>, vector<16xi32>,
    tpu.vector_store %arg9[%swap3A_189], %add3A_188 {strides = array<i32>} : memref<1536xi32, #tpu.memory_space<vmem>>, vector<16xi32>,
    %get3A_191 = arith.constant 320 : index
    %get3A_192 = tpu.vector_load %arg9[%get3A_191] {strides = array<i32>} : memref<1536xi32, #tpu.memory_space<vmem>>, vector<16xi32>,
    %add3A_193 = arith.constant 1 : i32
    %add3A_194 = vector.broadcast %add3A_193 : i32 to vector<16xi32>
    %add3A_195 = arith.addi %get3A_192, %add3A_194 : vector<16xi32>
    %swap3A_196 = arith.constant 320 : index
    %swap3A_197 = tpu.vector_load %arg9[%swap3A_196] {strides = array<i32>} : memref<1536xi32, #tpu.memory_space<vmem>>, vector<16xi32>,
    tpu.vector_store %arg9[%swap3A_196], %add3A_195 {strides = array<i32>} : memref<1536xi32, #tpu.memory_space<vmem>>, vector<16xi32>,
    %get3A_198 = arith.constant 336 : index
    %get3A_199 = tpu.vector_load %arg9[%get3A_198] {strides = array<i32>} : memref<1536xi32, #tpu.memory_space<vmem>>, vector<16xi32>,
    %add3A_200 = arith.constant 1 : i32
    %add3A_201 = vector.broadcast %add3A_200 : i32 to vector<16xi32>
    %add3A_202 = arith.addi %get3A_199, %add3A_201 : vector<16xi32>
    %swap3A_203 = arith.constant 336 : index
    %swap3A_204 = tpu.vector_load %arg9[%swap3A_203] {strides = array<i32>} : memref<1536xi32, #tpu.memory_space<vmem>>, vector<16xi32>,
    tpu.vector_store %arg9[%swap3A_203], %add3A_202 {strides = array<i32>} : memref<1536xi32, #tpu.memory_space<vmem>>, vector<16xi32>,
    %get3A_205 = arith.constant 352 : index
    %get3A_206 = tpu.vector_load %arg9[%get3A_205] {strides = array<i32>} : memref<1536xi32, #tpu.memory_space<vmem>>, vector<16xi32>,
    %add3A_207 = arith.constant 1 : i32
    %add3A_208 = vector.broadcast %add3A_207 : i32 to vector<16xi32>
    %add3A_209 = arith.addi %get3A_206, %add3A_208 : vector<16xi32>
    %swap3A_210 = arith.constant 352 : index
    %swap3A_211 = tpu.vector_load %arg9[%swap3A_210] {strides = array<i32>} : memref<1536xi32, #tpu.memory_space<vmem>>, vector<16xi32>,
    tpu.vector_store %arg9[%swap3A_210], %add3A_209 {strides = array<i32>} : memref<1536xi32, #tpu.memory_space<vmem>>, vector<16xi32>,
    %get3A_212 = arith.constant 368 : index
    %get3A_213 = tpu.vector_load %arg9[%get3A_212] {strides = array<i32>} : memref<1536xi32, #tpu.memory_space<vmem>>, vector<16xi32>,
    %add3A_214 = arith.constant 1 : i32
    %add3A_215 = vector.broadcast %add3A_214 : i32 to vector<16xi32>
    %add3A_216 = arith.addi %get3A_213, %add3A_215 : vector<16xi32>
    %swap3A_217 = arith.constant 368 : index
    %swap3A_218 = tpu.vector_load %arg9[%swap3A_217] {strides = array<i32>} : memref<1536xi32, #tpu.memory_space<vmem>>, vector<16xi32>,
    tpu.vector_store %arg9[%swap3A_217], %add3A_216 {strides = array<i32>} : memref<1536xi32, #tpu.memory_space<vmem>>, vector<16xi32>,
    %get3A_219 = arith.constant 384 : index
    %get3A_220 = tpu.vector_load %arg9[%get3A_219] {strides = array<i32>} : memref<1536xi32, #tpu.memory_space<vmem>>, vector<16xi32>,
    %add3A_221 = arith.constant 1 : i32
    %add3A_222 = vector.broadcast %add3A_221 : i32 to vector<16xi32>
    %add3A_223 = arith.addi %get3A_220, %add3A_222 : vector<16xi32>
    %swap3A_224 = arith.constant 384 : index
    %swap3A_225 = tpu.vector_load %arg9[%swap3A_224] {strides = array<i32>} : memref<1536xi32, #tpu.memory_space<vmem>>, vector<16xi32>,
    tpu.vector_store %arg9[%swap3A_224], %add3A_223 {strides = array<i32>} : memref<1536xi32, #tpu.memory_space<vmem>>, vector<16xi32>,
    %get3A_226 = arith.constant 400 : index
    %get3A_227 = tpu.vector_load %arg9[%get3A_226] {strides = array<i32>} : memref<1536xi32, #tpu.memory_space<vmem>>, vector<16xi32>,
    %add3A_228 = arith.constant 1 : i32
    %add3A_229 = vector.broadcast %add3A_228 : i32 to vector<16xi32>
    %add3A_230 = arith.addi %get3A_227, %add3A_229 : vector<16xi32>
    %swap3A_231 = arith.constant 400 : index
    %swap3A_232 = tpu.vector_load %arg9[%swap3A_231] {strides = array<i32>} : memref<1536xi32, #tpu.memory_space<vmem>>, vector<16xi32>,
    tpu.vector_store %arg9[%swap3A_231], %add3A_230 {strides = array<i32>} : memref<1536xi32, #tpu.memory_space<vmem>>, vector<16xi32>,
    %get3A_233 = arith.constant 416 : index
    %get3A_234 = tpu.vector_load %arg9[%get3A_233] {strides = array<i32>} : memref<1536xi32, #tpu.memory_space<vmem>>, vector<16xi32>,
    %add3A_235 = arith.constant 1 : i32
    %add3A_236 = vector.broadcast %add3A_235 : i32 to vector<16xi32>
    %add3A_237 = arith.addi %get3A_234, %add3A_236 : vector<16xi32>
    %swap3A_238 = arith.constant 416 : index
    %swap3A_239 = tpu.vector_load %arg9[%swap3A_238] {strides = array<i32>} : memref<1536xi32, #tpu.memory_space<vmem>>, vector<16xi32>,
    tpu.vector_store %arg9[%swap3A_238], %add3A_237 {strides = array<i32>} : memref<1536xi32, #tpu.memory_space<vmem>>, vector<16xi32>,
    %get3A_240 = arith.constant 432 : index
    %get3A_241 = tpu.vector_load %arg9[%get3A_240] {strides = array<i32>} : memref<1536xi32, #tpu.memory_space<vmem>>, vector<16xi32>,
    %add3A_242 = arith.constant 1 : i32
    %add3A_243 = vector.broadcast %add3A_242 : i32 to vector<16xi32>
    %add3A_244 = arith.addi %get3A_241, %add3A_243 : vector<16xi32>
    %swap3A_245 = arith.constant 432 : index
    %swap3A_246 = tpu.vector_load %arg9[%swap3A_245] {strides = array<i32>} : memref<1536xi32, #tpu.memory_space<vmem>>, vector<16xi32>,
    tpu.vector_store %arg9[%swap3A_245], %add3A_244 {strides = array<i32>} : memref<1536xi32, #tpu.memory_space<vmem>>, vector<16xi32>,
    %get3A_247 = arith.constant 448 : index
    %get3A_248 = tpu.vector_load %arg9[%get3A_247] {strides = array<i32>} : memref<1536xi32, #tpu.memory_space<vmem>>, vector<16xi32>,
    %add3A_249 = arith.constant 1 : i32
    %add3A_250 = vector.broadcast %add3A_249 : i32 to vector<16xi32>
    %add3A_251 = arith.addi %get3A_248, %add3A_250 : vector<16xi32>
    %swap3A_252 = arith.constant 448 : index
    %swap3A_253 = tpu.vector_load %arg9[%swap3A_252] {strides = array<i32>} : memref<1536xi32, #tpu.memory_space<vmem>>, vector<16xi32>,
    tpu.vector_store %arg9[%swap3A_252], %add3A_251 {strides = array<i32>} : memref<1536xi32, #tpu.memory_space<vmem>>, vector<16xi32>,
    %get3A_254 = arith.constant 464 : index
    %get3A_255 = tpu.vector_load %arg9[%get3A_254] {strides = array<i32>} : memref<1536xi32, #tpu.memory_space<vmem>>, vector<16xi32>,
    %add3A_256 = arith.constant 1 : i32
    %add3A_257 = vector.broadcast %add3A_256 : i32 to vector<16xi32>
    %add3A_258 = arith.addi %get3A_255, %add3A_257 : vector<16xi32>
    %swap3A_259 = arith.constant 464 : index
    %swap3A_260 = tpu.vector_load %arg9[%swap3A_259] {strides = array<i32>} : memref<1536xi32, #tpu.memory_space<vmem>>, vector<16xi32>,
    tpu.vector_store %arg9[%swap3A_259], %add3A_258 {strides = array<i32>} : memref<1536xi32, #tpu.memory_space<vmem>>, vector<16xi32>,
    %get3A_261 = arith.constant 480 : index
    %get3A_262 = tpu.vector_load %arg9[%get3A_261] {strides = array<i32>} : memref<1536xi32, #tpu.memory_space<vmem>>, vector<16xi32>,
    %add3A_263 = arith.constant 1 : i32
    %add3A_264 = vector.broadcast %add3A_263 : i32 to vector<16xi32>
    %add3A_265 = arith.addi %get3A_262, %add3A_264 : vector<16xi32>
    %swap3A_266 = arith.constant 480 : index
    %swap3A_267 = tpu.vector_load %arg9[%swap3A_266] {strides = array<i32>} : memref<1536xi32, #tpu.memory_space<vmem>>, vector<16xi32>,
    tpu.vector_store %arg9[%swap3A_266], %add3A_265 {strides = array<i32>} : memref<1536xi32, #tpu.memory_space<vmem>>, vector<16xi32>,
    %get3A_268 = arith.constant 496 : index
    %get3A_269 = tpu.vector_load %arg9[%get3A_268] {strides = array<i32>} : memref<1536xi32, #tpu.memory_space<vmem>>, vector<16xi32>,
    %add3A_270 = arith.constant 1 : i32
    %add3A_271 = vector.broadcast %add3A_270 : i32 to vector<16xi32>
    %add3A_272 = arith.addi %get3A_269, %add3A_271 : vector<16xi32>
    %swap3A_273 = arith.constant 496 : index
    %swap3A_274 = tpu.vector_load %arg9[%swap3A_273] {strides = array<i32>} : memref<1536xi32, #tpu.memory_space<vmem>>, vector<16xi32>,
    tpu.vector_store %arg9[%swap3A_273], %add3A_272 {strides = array<i32>} : memref<1536xi32, #tpu.memory_space<vmem>>, vector<16xi32>,
    %dma_start3A_275 = arith.constant 0 : i32
    %dma_start3A_276 = arith.constant 0 : i32
    %dma_start3A_277 = tpu.memref_slice %arg10[%dma_start3A_275, %dma_start3A_276] : memref<512x32xf32, #tpu.memory_space<vmem>> -> memref<128x32xf32, #tpu.memory_space<vmem>>
    %dma_start3A_278 = arith.constant 0 : i32
    %dma_start3A_279 = tpu.memref_slice %arg9[%dma_start3A_278] : memref<1536xi32, #tpu.memory_space<vmem>> -> memref<128xi32, #tpu.memory_space<vmem>>
    %dma_start3A_280 = arith.constant 0 : i32
    %dma_start3A_281 = arith.constant 0 : i32
    %dma_start3A_282 = tpu.memref_slice %arg5[%dma_start3A_280, %dma_start3A_281] : memref<1001x32xf32, #tpu.memory_space<hbm>> -> memref<1001x32xf32, #tpu.memory_space<hbm>>
    tpu.enqueue_indirect_dma source(%dma_start3A_282 : memref<1001x32xf32, #tpu.memory_space<hbm>>) target(%dma_start3A_277 : memref<128x32xf32, #tpu.memory_space<vmem>>) offsets(%dma_start3A_279 : memref<128xi32, #tpu.memory_space<vmem>>) semaphore(%arg14 : memref<!tpu.dma_semaphore, #tpu.memory_space<semaphore_mem>>)
    %dma_start3A_283 = arith.constant 128 : i32
    %dma_start3A_284 = arith.constant 0 : i32
    %dma_start3A_285 = tpu.memref_slice %arg10[%dma_start3A_283, %dma_start3A_284] : memref<512x32xf32, #tpu.memory_space<vmem>> -> memref<128x32xf32, #tpu.memory_space<vmem>>
    %dma_start3A_286 = arith.constant 128 : i32
    %dma_start3A_287 = tpu.memref_slice %arg9[%dma_start3A_286] : memref<1536xi32, #tpu.memory_space<vmem>> -> memref<128xi32, #tpu.memory_space<vmem>>
    %dma_start3A_288 = arith.constant 0 : i32
    %dma_start3A_289 = arith.constant 0 : i32
    %dma_start3A_290 = tpu.memref_slice %arg5[%dma_start3A_288, %dma_start3A_289] : memref<1001x32xf32, #tpu.memory_space<hbm>> -> memref<1001x32xf32, #tpu.memory_space<hbm>>
    tpu.enqueue_indirect_dma source(%dma_start3A_290 : memref<1001x32xf32, #tpu.memory_space<hbm>>) target(%dma_start3A_285 : memref<128x32xf32, #tpu.memory_space<vmem>>) offsets(%dma_start3A_287 : memref<128xi32, #tpu.memory_space<vmem>>) semaphore(%arg14 : memref<!tpu.dma_semaphore, #tpu.memory_space<semaphore_mem>>)
    %dma_start3A_291 = arith.constant 256 : i32
    %dma_start3A_292 = arith.constant 0 : i32
    %dma_start3A_293 = tpu.memref_slice %arg10[%dma_start3A_291, %dma_start3A_292] : memref<512x32xf32, #tpu.memory_space<vmem>> -> memref<128x32xf32, #tpu.memory_space<vmem>>
    %dma_start3A_294 = arith.constant 256 : i32
    %dma_start3A_295 = tpu.memref_slice %arg9[%dma_start3A_294] : memref<1536xi32, #tpu.memory_space<vmem>> -> memref<128xi32, #tpu.memory_space<vmem>>
    %dma_start3A_296 = arith.constant 0 : i32
    %dma_start3A_297 = arith.constant 0 : i32
    %dma_start3A_298 = tpu.memref_slice %arg5[%dma_start3A_296, %dma_start3A_297] : memref<1001x32xf32, #tpu.memory_space<hbm>> -> memref<1001x32xf32, #tpu.memory_space<hbm>>
    tpu.enqueue_indirect_dma source(%dma_start3A_298 : memref<1001x32xf32, #tpu.memory_space<hbm>>) target(%dma_start3A_293 : memref<128x32xf32, #tpu.memory_space<vmem>>) offsets(%dma_start3A_295 : memref<128xi32, #tpu.memory_space<vmem>>) semaphore(%arg14 : memref<!tpu.dma_semaphore, #tpu.memory_space<semaphore_mem>>)
    %dma_start3A_299 = arith.constant 384 : i32
    %dma_start3A_300 = arith.constant 0 : i32
    %dma_start3A_301 = tpu.memref_slice %arg10[%dma_start3A_299, %dma_start3A_300] : memref<512x32xf32, #tpu.memory_space<vmem>> -> memref<128x32xf32, #tpu.memory_space<vmem>>
    %dma_start3A_302 = arith.constant 384 : i32
    %dma_start3A_303 = tpu.memref_slice %arg9[%dma_start3A_302] : memref<1536xi32, #tpu.memory_space<vmem>> -> memref<128xi32, #tpu.memory_space<vmem>>
    %dma_start3A_304 = arith.constant 0 : i32
    %dma_start3A_305 = arith.constant 0 : i32
    %dma_start3A_306 = tpu.memref_slice %arg5[%dma_start3A_304, %dma_start3A_305] : memref<1001x32xf32, #tpu.memory_space<hbm>> -> memref<1001x32xf32, #tpu.memory_space<hbm>>
    tpu.enqueue_indirect_dma source(%dma_start3A_306 : memref<1001x32xf32, #tpu.memory_space<hbm>>) target(%dma_start3A_301 : memref<128x32xf32, #tpu.memory_space<vmem>>) offsets(%dma_start3A_303 : memref<128xi32, #tpu.memory_space<vmem>>) semaphore(%arg14 : memref<!tpu.dma_semaphore, #tpu.memory_space<semaphore_mem>>)
    %iota3A = tpu.iota {dimensions = array<i32: 0>} : vector<16xi32>
    %broadcast_in_dim3A = arith.constant 0 : i32
    %broadcast_in_dim3A_307 = vector.broadcast %broadcast_in_dim3A : i32 to vector<16xi32>
    %broadcast_in_dim3A_308 = arith.constant 1 : i32
    %broadcast_in_dim3A_309 = vector.broadcast %broadcast_in_dim3A_308 : i32 to vector<16xi32>
    %broadcast_in_dim3A_310 = arith.constant 2 : i32
    %broadcast_in_dim3A_311 = vector.broadcast %broadcast_in_dim3A_310 : i32 to vector<16xi32>
    %broadcast_in_dim3A_312 = arith.constant 3 : i32
    %broadcast_in_dim3A_313 = vector.broadcast %broadcast_in_dim3A_312 : i32 to vector<16xi32>
    %broadcast_in_dim3A_314 = arith.constant 4 : i32
    %broadcast_in_dim3A_315 = vector.broadcast %broadcast_in_dim3A_314 : i32 to vector<16xi32>
    %broadcast_in_dim3A_316 = arith.constant 5 : i32
    %broadcast_in_dim3A_317 = vector.broadcast %broadcast_in_dim3A_316 : i32 to vector<16xi32>
    %broadcast_in_dim3A_318 = arith.constant 6 : i32
    %broadcast_in_dim3A_319 = vector.broadcast %broadcast_in_dim3A_318 : i32 to vector<16xi32>
    %broadcast_in_dim3A_320 = arith.constant 7 : i32
    %broadcast_in_dim3A_321 = vector.broadcast %broadcast_in_dim3A_320 : i32 to vector<16xi32>
    %broadcast_in_dim3A_322 = arith.constant 8 : i32
    %broadcast_in_dim3A_323 = vector.broadcast %broadcast_in_dim3A_322 : i32 to vector<16xi32>
    %broadcast_in_dim3A_324 = arith.constant 9 : i32
    %broadcast_in_dim3A_325 = vector.broadcast %broadcast_in_dim3A_324 : i32 to vector<16xi32>
    %broadcast_in_dim3A_326 = arith.constant 10 : i32
    %broadcast_in_dim3A_327 = vector.broadcast %broadcast_in_dim3A_326 : i32 to vector<16xi32>
    %broadcast_in_dim3A_328 = arith.constant 11 : i32
    %broadcast_in_dim3A_329 = vector.broadcast %broadcast_in_dim3A_328 : i32 to vector<16xi32>
    %broadcast_in_dim3A_330 = arith.constant 12 : i32
    %broadcast_in_dim3A_331 = vector.broadcast %broadcast_in_dim3A_330 : i32 to vector<16xi32>
    %broadcast_in_dim3A_332 = arith.constant 13 : i32
    %broadcast_in_dim3A_333 = vector.broadcast %broadcast_in_dim3A_332 : i32 to vector<16xi32>
    %broadcast_in_dim3A_334 = arith.constant 14 : i32
    %broadcast_in_dim3A_335 = vector.broadcast %broadcast_in_dim3A_334 : i32 to vector<16xi32>
    %broadcast_in_dim3A_336 = arith.constant 15 : i32
    %broadcast_in_dim3A_337 = vector.broadcast %broadcast_in_dim3A_336 : i32 to vector<16xi32>
    %add3A_338 = arith.constant 0 : i32
    %add3A_339 = vector.broadcast %add3A_338 : i32 to vector<16xi32>
    %add3A_340 = arith.addi %iota3A, %add3A_339 : vector<16xi32>
    %get3A_341 = arith.constant 512 : index
    %get3A_342 = tpu.vector_load %arg9[%get3A_341] {strides = array<i32>} : memref<1536xi32, #tpu.memory_space<vmem>>, vector<16xi32>,
    %mul3A_343 = arith.constant 6 : i32
    %mul3A_344 = vector.broadcast %mul3A_343 : i32 to vector<16xi32>
    %mul3A_345 = arith.muli %get3A_342, %mul3A_344 : vector<16xi32>
    %get3A_346 = arith.constant 1024 : index
    %get3A_347 = tpu.vector_load %arg9[%get3A_346] {strides = array<i32>} : memref<1536xi32, #tpu.memory_space<vmem>>, vector<16xi32>,
    %mul3A_348 = arith.constant 10 : i32
    %mul3A_349 = vector.broadcast %mul3A_348 : i32 to vector<16xi32>
    %mul3A_350 = arith.muli %get3A_347, %mul3A_349 : vector<16xi32>
    %add3A_351 = arith.constant 6 : i32
    %add3A_352 = vector.broadcast %add3A_351 : i32 to vector<16xi32>
    %add3A_353 = arith.addi %mul3A_345, %add3A_352 : vector<16xi32>
    %gather3A = tpu.vector_load_idx %arg12[%add3A_353] : memref<2618xf32, #tpu.memory_space<vmem>>[vector<16xi32>], vector<16xf32>,
    tpu.vector_store_idx %arg11[%add3A_340, %broadcast_in_dim3A_307], %gather3A : memref<512x16xf32, #tpu.memory_space<vmem>>[vector<16xi32>, vector<16xi32>], vector<16xf32>,
    %add3A_354 = arith.constant 7 : i32
    %add3A_355 = vector.broadcast %add3A_354 : i32 to vector<16xi32>
    %add3A_356 = arith.addi %mul3A_345, %add3A_355 : vector<16xi32>
    %gather3A_357 = tpu.vector_load_idx %arg12[%add3A_356] : memref<2618xf32, #tpu.memory_space<vmem>>[vector<16xi32>], vector<16xf32>,
    tpu.vector_store_idx %arg11[%add3A_340, %broadcast_in_dim3A_309], %gather3A_357 : memref<512x16xf32, #tpu.memory_space<vmem>>[vector<16xi32>, vector<16xi32>], vector<16xf32>,
    %add3A_358 = arith.constant 8 : i32
    %add3A_359 = vector.broadcast %add3A_358 : i32 to vector<16xi32>
    %add3A_360 = arith.addi %mul3A_345, %add3A_359 : vector<16xi32>
    %gather3A_361 = tpu.vector_load_idx %arg12[%add3A_360] : memref<2618xf32, #tpu.memory_space<vmem>>[vector<16xi32>], vector<16xf32>,
    tpu.vector_store_idx %arg11[%add3A_340, %broadcast_in_dim3A_311], %gather3A_361 : memref<512x16xf32, #tpu.memory_space<vmem>>[vector<16xi32>, vector<16xi32>], vector<16xf32>,
    %add3A_362 = arith.constant 9 : i32
    %add3A_363 = vector.broadcast %add3A_362 : i32 to vector<16xi32>
    %add3A_364 = arith.addi %mul3A_345, %add3A_363 : vector<16xi32>
    %gather3A_365 = tpu.vector_load_idx %arg12[%add3A_364] : memref<2618xf32, #tpu.memory_space<vmem>>[vector<16xi32>], vector<16xf32>,
    tpu.vector_store_idx %arg11[%add3A_340, %broadcast_in_dim3A_313], %gather3A_365 : memref<512x16xf32, #tpu.memory_space<vmem>>[vector<16xi32>, vector<16xi32>], vector<16xf32>,
    %add3A_366 = arith.constant 10 : i32
    %add3A_367 = vector.broadcast %add3A_366 : i32 to vector<16xi32>
    %add3A_368 = arith.addi %mul3A_345, %add3A_367 : vector<16xi32>
    %gather3A_369 = tpu.vector_load_idx %arg12[%add3A_368] : memref<2618xf32, #tpu.memory_space<vmem>>[vector<16xi32>], vector<16xf32>,
    tpu.vector_store_idx %arg11[%add3A_340, %broadcast_in_dim3A_315], %gather3A_369 : memref<512x16xf32, #tpu.memory_space<vmem>>[vector<16xi32>, vector<16xi32>], vector<16xf32>,
    %add3A_370 = arith.constant 11 : i32
    %add3A_371 = vector.broadcast %add3A_370 : i32 to vector<16xi32>
    %add3A_372 = arith.addi %mul3A_345, %add3A_371 : vector<16xi32>
    %gather3A_373 = tpu.vector_load_idx %arg12[%add3A_372] : memref<2618xf32, #tpu.memory_space<vmem>>[vector<16xi32>], vector<16xf32>,
    tpu.vector_store_idx %arg11[%add3A_340, %broadcast_in_dim3A_317], %gather3A_373 : memref<512x16xf32, #tpu.memory_space<vmem>>[vector<16xi32>, vector<16xi32>], vector<16xf32>,
    %add3A_374 = arith.constant 618 : i32
    %add3A_375 = vector.broadcast %add3A_374 : i32 to vector<16xi32>
    %add3A_376 = arith.addi %mul3A_350, %add3A_375 : vector<16xi32>
    %gather3A_377 = tpu.vector_load_idx %arg12[%add3A_376] : memref<2618xf32, #tpu.memory_space<vmem>>[vector<16xi32>], vector<16xf32>,
    tpu.vector_store_idx %arg11[%add3A_340, %broadcast_in_dim3A_319], %gather3A_377 : memref<512x16xf32, #tpu.memory_space<vmem>>[vector<16xi32>, vector<16xi32>], vector<16xf32>,
    %add3A_378 = arith.constant 619 : i32
    %add3A_379 = vector.broadcast %add3A_378 : i32 to vector<16xi32>
    %add3A_380 = arith.addi %mul3A_350, %add3A_379 : vector<16xi32>
    %gather3A_381 = tpu.vector_load_idx %arg12[%add3A_380] : memref<2618xf32, #tpu.memory_space<vmem>>[vector<16xi32>], vector<16xf32>,
    tpu.vector_store_idx %arg11[%add3A_340, %broadcast_in_dim3A_321], %gather3A_381 : memref<512x16xf32, #tpu.memory_space<vmem>>[vector<16xi32>, vector<16xi32>], vector<16xf32>,
    %add3A_382 = arith.constant 620 : i32
    %add3A_383 = vector.broadcast %add3A_382 : i32 to vector<16xi32>
    %add3A_384 = arith.addi %mul3A_350, %add3A_383 : vector<16xi32>
    %gather3A_385 = tpu.vector_load_idx %arg12[%add3A_384] : memref<2618xf32, #tpu.memory_space<vmem>>[vector<16xi32>], vector<16xf32>,
    tpu.vector_store_idx %arg11[%add3A_340, %broadcast_in_dim3A_323], %gather3A_385 : memref<512x16xf32, #tpu.memory_space<vmem>>[vector<16xi32>, vector<16xi32>], vector<16xf32>,
    %add3A_386 = arith.constant 621 : i32
    %add3A_387 = vector.broadcast %add3A_386 : i32 to vector<16xi32>
    %add3A_388 = arith.addi %mul3A_350, %add3A_387 : vector<16xi32>
    %gather3A_389 = tpu.vector_load_idx %arg12[%add3A_388] : memref<2618xf32, #tpu.memory_space<vmem>>[vector<16xi32>], vector<16xf32>,
    tpu.vector_store_idx %arg11[%add3A_340, %broadcast_in_dim3A_325], %gather3A_389 : memref<512x16xf32, #tpu.memory_space<vmem>>[vector<16xi32>, vector<16xi32>], vector<16xf32>,
    %add3A_390 = arith.constant 622 : i32
    %add3A_391 = vector.broadcast %add3A_390 : i32 to vector<16xi32>
    %add3A_392 = arith.addi %mul3A_350, %add3A_391 : vector<16xi32>
    %gather3A_393 = tpu.vector_load_idx %arg12[%add3A_392] : memref<2618xf32, #tpu.memory_space<vmem>>[vector<16xi32>], vector<16xf32>,
    tpu.vector_store_idx %arg11[%add3A_340, %broadcast_in_dim3A_327], %gather3A_393 : memref<512x16xf32, #tpu.memory_space<vmem>>[vector<16xi32>, vector<16xi32>], vector<16xf32>,
    %add3A_394 = arith.constant 623 : i32
    %add3A_395 = vector.broadcast %add3A_394 : i32 to vector<16xi32>
    %add3A_396 = arith.addi %mul3A_350, %add3A_395 : vector<16xi32>
    %gather3A_397 = tpu.vector_load_idx %arg12[%add3A_396] : memref<2618xf32, #tpu.memory_space<vmem>>[vector<16xi32>], vector<16xf32>,
    tpu.vector_store_idx %arg11[%add3A_340, %broadcast_in_dim3A_329], %gather3A_397 : memref<512x16xf32, #tpu.memory_space<vmem>>[vector<16xi32>, vector<16xi32>], vector<16xf32>,
    %add3A_398 = arith.constant 624 : i32
    %add3A_399 = vector.broadcast %add3A_398 : i32 to vector<16xi32>
    %add3A_400 = arith.addi %mul3A_350, %add3A_399 : vector<16xi32>
    %gather3A_401 = tpu.vector_load_idx %arg12[%add3A_400] : memref<2618xf32, #tpu.memory_space<vmem>>[vector<16xi32>], vector<16xf32>,
    tpu.vector_store_idx %arg11[%add3A_340, %broadcast_in_dim3A_331], %gather3A_401 : memref<512x16xf32, #tpu.memory_space<vmem>>[vector<16xi32>, vector<16xi32>], vector<16xf32>,
    %add3A_402 = arith.constant 625 : i32
    %add3A_403 = vector.broadcast %add3A_402 : i32 to vector<16xi32>
    %add3A_404 = arith.addi %mul3A_350, %add3A_403 : vector<16xi32>
    %gather3A_405 = tpu.vector_load_idx %arg12[%add3A_404] : memref<2618xf32, #tpu.memory_space<vmem>>[vector<16xi32>], vector<16xf32>,
    tpu.vector_store_idx %arg11[%add3A_340, %broadcast_in_dim3A_333], %gather3A_405 : memref<512x16xf32, #tpu.memory_space<vmem>>[vector<16xi32>, vector<16xi32>], vector<16xf32>,
    %add3A_406 = arith.constant 626 : i32
    %add3A_407 = vector.broadcast %add3A_406 : i32 to vector<16xi32>
    %add3A_408 = arith.addi %mul3A_350, %add3A_407 : vector<16xi32>
    %gather3A_409 = tpu.vector_load_idx %arg12[%add3A_408] : memref<2618xf32, #tpu.memory_space<vmem>>[vector<16xi32>], vector<16xf32>,
    tpu.vector_store_idx %arg11[%add3A_340, %broadcast_in_dim3A_335], %gather3A_409 : memref<512x16xf32, #tpu.memory_space<vmem>>[vector<16xi32>, vector<16xi32>], vector<16xf32>,
    %add3A_410 = arith.constant 627 : i32
    %add3A_411 = vector.broadcast %add3A_410 : i32 to vector<16xi32>
    %add3A_412 = arith.addi %mul3A_350, %add3A_411 : vector<16xi32>
    %gather3A_413 = tpu.vector_load_idx %arg12[%add3A_412] : memref<2618xf32, #tpu.memory_space<vmem>>[vector<16xi32>], vector<16xf32>,
    tpu.vector_store_idx %arg11[%add3A_340, %broadcast_in_dim3A_337], %gather3A_413 : memref<512x16xf32, #tpu.memory_space<vmem>>[vector<16xi32>, vector<16xi32>], vector<16xf32>,
    %add3A_414 = arith.constant 16 : i32
    %add3A_415 = vector.broadcast %add3A_414 : i32 to vector<16xi32>
    %add3A_416 = arith.addi %iota3A, %add3A_415 : vector<16xi32>
    %get3A_417 = arith.constant 528 : index
    %get3A_418 = tpu.vector_load %arg9[%get3A_417] {strides = array<i32>} : memref<1536xi32, #tpu.memory_space<vmem>>, vector<16xi32>,
    %mul3A_419 = arith.constant 6 : i32
    %mul3A_420 = vector.broadcast %mul3A_419 : i32 to vector<16xi32>
    %mul3A_421 = arith.muli %get3A_418, %mul3A_420 : vector<16xi32>
    %get3A_422 = arith.constant 1040 : index
    %get3A_423 = tpu.vector_load %arg9[%get3A_422] {strides = array<i32>} : memref<1536xi32, #tpu.memory_space<vmem>>, vector<16xi32>,
    %mul3A_424 = arith.constant 10 : i32
    %mul3A_425 = vector.broadcast %mul3A_424 : i32 to vector<16xi32>
    %mul3A_426 = arith.muli %get3A_423, %mul3A_425 : vector<16xi32>
    %add3A_427 = arith.constant 6 : i32
    %add3A_428 = vector.broadcast %add3A_427 : i32 to vector<16xi32>
    %add3A_429 = arith.addi %mul3A_421, %add3A_428 : vector<16xi32>
    %gather3A_430 = tpu.vector_load_idx %arg12[%add3A_429] : memref<2618xf32, #tpu.memory_space<vmem>>[vector<16xi32>], vector<16xf32>,
    tpu.vector_store_idx %arg11[%add3A_416, %broadcast_in_dim3A_307], %gather3A_430 : memref<512x16xf32, #tpu.memory_space<vmem>>[vector<16xi32>, vector<16xi32>], vector<16xf32>,
    %add3A_431 = arith.constant 7 : i32
    %add3A_432 = vector.broadcast %add3A_431 : i32 to vector<16xi32>
    %add3A_433 = arith.addi %mul3A_421, %add3A_432 : vector<16xi32>
    %gather3A_434 = tpu.vector_load_idx %arg12[%add3A_433] : memref<2618xf32, #tpu.memory_space<vmem>>[vector<16xi32>], vector<16xf32>,
    tpu.vector_store_idx %arg11[%add3A_416, %broadcast_in_dim3A_309], %gather3A_434 : memref<512x16xf32, #tpu.memory_space<vmem>>[vector<16xi32>, vector<16xi32>], vector<16xf32>,
    %add3A_435 = arith.constant 8 : i32
    %add3A_436 = vector.broadcast %add3A_435 : i32 to vector<16xi32>
    %add3A_437 = arith.addi %mul3A_421, %add3A_436 : vector<16xi32>
    %gather3A_438 = tpu.vector_load_idx %arg12[%add3A_437] : memref<2618xf32, #tpu.memory_space<vmem>>[vector<16xi32>], vector<16xf32>,
    tpu.vector_store_idx %arg11[%add3A_416, %broadcast_in_dim3A_311], %gather3A_438 : memref<512x16xf32, #tpu.memory_space<vmem>>[vector<16xi32>, vector<16xi32>], vector<16xf32>,
    %add3A_439 = arith.constant 9 : i32
    %add3A_440 = vector.broadcast %add3A_439 : i32 to vector<16xi32>
    %add3A_441 = arith.addi %mul3A_421, %add3A_440 : vector<16xi32>
    %gather3A_442 = tpu.vector_load_idx %arg12[%add3A_441] : memref<2618xf32, #tpu.memory_space<vmem>>[vector<16xi32>], vector<16xf32>,
    tpu.vector_store_idx %arg11[%add3A_416, %broadcast_in_dim3A_313], %gather3A_442 : memref<512x16xf32, #tpu.memory_space<vmem>>[vector<16xi32>, vector<16xi32>], vector<16xf32>,
    %add3A_443 = arith.constant 10 : i32
    %add3A_444 = vector.broadcast %add3A_443 : i32 to vector<16xi32>
    %add3A_445 = arith.addi %mul3A_421, %add3A_444 : vector<16xi32>
    %gather3A_446 = tpu.vector_load_idx %arg12[%add3A_445] : memref<2618xf32, #tpu.memory_space<vmem>>[vector<16xi32>], vector<16xf32>,
    tpu.vector_store_idx %arg11[%add3A_416, %broadcast_in_dim3A_315], %gather3A_446 : memref<512x16xf32, #tpu.memory_space<vmem>>[vector<16xi32>, vector<16xi32>], vector<16xf32>,
    %add3A_447 = arith.constant 11 : i32
    %add3A_448 = vector.broadcast %add3A_447 : i32 to vector<16xi32>
    %add3A_449 = arith.addi %mul3A_421, %add3A_448 : vector<16xi32>
    %gather3A_450 = tpu.vector_load_idx %arg12[%add3A_449] : memref<2618xf32, #tpu.memory_space<vmem>>[vector<16xi32>], vector<16xf32>,
    tpu.vector_store_idx %arg11[%add3A_416, %broadcast_in_dim3A_317], %gather3A_450 : memref<512x16xf32, #tpu.memory_space<vmem>>[vector<16xi32>, vector<16xi32>], vector<16xf32>,
    %add3A_451 = arith.constant 618 : i32
    %add3A_452 = vector.broadcast %add3A_451 : i32 to vector<16xi32>
    %add3A_453 = arith.addi %mul3A_426, %add3A_452 : vector<16xi32>
    %gather3A_454 = tpu.vector_load_idx %arg12[%add3A_453] : memref<2618xf32, #tpu.memory_space<vmem>>[vector<16xi32>], vector<16xf32>,
    tpu.vector_store_idx %arg11[%add3A_416, %broadcast_in_dim3A_319], %gather3A_454 : memref<512x16xf32, #tpu.memory_space<vmem>>[vector<16xi32>, vector<16xi32>], vector<16xf32>,
    %add3A_455 = arith.constant 619 : i32
    %add3A_456 = vector.broadcast %add3A_455 : i32 to vector<16xi32>
    %add3A_457 = arith.addi %mul3A_426, %add3A_456 : vector<16xi32>
    %gather3A_458 = tpu.vector_load_idx %arg12[%add3A_457] : memref<2618xf32, #tpu.memory_space<vmem>>[vector<16xi32>], vector<16xf32>,
    tpu.vector_store_idx %arg11[%add3A_416, %broadcast_in_dim3A_321], %gather3A_458 : memref<512x16xf32, #tpu.memory_space<vmem>>[vector<16xi32>, vector<16xi32>], vector<16xf32>,
    %add3A_459 = arith.constant 620 : i32
    %add3A_460 = vector.broadcast %add3A_459 : i32 to vector<16xi32>
    %add3A_461 = arith.addi %mul3A_426, %add3A_460 : vector<16xi32>
    %gather3A_462 = tpu.vector_load_idx %arg12[%add3A_461] : memref<2618xf32, #tpu.memory_space<vmem>>[vector<16xi32>], vector<16xf32>,
    tpu.vector_store_idx %arg11[%add3A_416, %broadcast_in_dim3A_323], %gather3A_462 : memref<512x16xf32, #tpu.memory_space<vmem>>[vector<16xi32>, vector<16xi32>], vector<16xf32>,
    %add3A_463 = arith.constant 621 : i32
    %add3A_464 = vector.broadcast %add3A_463 : i32 to vector<16xi32>
    %add3A_465 = arith.addi %mul3A_426, %add3A_464 : vector<16xi32>
    %gather3A_466 = tpu.vector_load_idx %arg12[%add3A_465] : memref<2618xf32, #tpu.memory_space<vmem>>[vector<16xi32>], vector<16xf32>,
    tpu.vector_store_idx %arg11[%add3A_416, %broadcast_in_dim3A_325], %gather3A_466 : memref<512x16xf32, #tpu.memory_space<vmem>>[vector<16xi32>, vector<16xi32>], vector<16xf32>,
    %add3A_467 = arith.constant 622 : i32
    %add3A_468 = vector.broadcast %add3A_467 : i32 to vector<16xi32>
    %add3A_469 = arith.addi %mul3A_426, %add3A_468 : vector<16xi32>
    %gather3A_470 = tpu.vector_load_idx %arg12[%add3A_469] : memref<2618xf32, #tpu.memory_space<vmem>>[vector<16xi32>], vector<16xf32>,
    tpu.vector_store_idx %arg11[%add3A_416, %broadcast_in_dim3A_327], %gather3A_470 : memref<512x16xf32, #tpu.memory_space<vmem>>[vector<16xi32>, vector<16xi32>], vector<16xf32>,
    %add3A_471 = arith.constant 623 : i32
    %add3A_472 = vector.broadcast %add3A_471 : i32 to vector<16xi32>
    %add3A_473 = arith.addi %mul3A_426, %add3A_472 : vector<16xi32>
    %gather3A_474 = tpu.vector_load_idx %arg12[%add3A_473] : memref<2618xf32, #tpu.memory_space<vmem>>[vector<16xi32>], vector<16xf32>,
    tpu.vector_store_idx %arg11[%add3A_416, %broadcast_in_dim3A_329], %gather3A_474 : memref<512x16xf32, #tpu.memory_space<vmem>>[vector<16xi32>, vector<16xi32>], vector<16xf32>,
    %add3A_475 = arith.constant 624 : i32
    %add3A_476 = vector.broadcast %add3A_475 : i32 to vector<16xi32>
    %add3A_477 = arith.addi %mul3A_426, %add3A_476 : vector<16xi32>
    %gather3A_478 = tpu.vector_load_idx %arg12[%add3A_477] : memref<2618xf32, #tpu.memory_space<vmem>>[vector<16xi32>], vector<16xf32>,
    tpu.vector_store_idx %arg11[%add3A_416, %broadcast_in_dim3A_331], %gather3A_478 : memref<512x16xf32, #tpu.memory_space<vmem>>[vector<16xi32>, vector<16xi32>], vector<16xf32>,
    %add3A_479 = arith.constant 625 : i32
    %add3A_480 = vector.broadcast %add3A_479 : i32 to vector<16xi32>
    %add3A_481 = arith.addi %mul3A_426, %add3A_480 : vector<16xi32>
    %gather3A_482 = tpu.vector_load_idx %arg12[%add3A_481] : memref<2618xf32, #tpu.memory_space<vmem>>[vector<16xi32>], vector<16xf32>,
    tpu.vector_store_idx %arg11[%add3A_416, %broadcast_in_dim3A_333], %gather3A_482 : memref<512x16xf32, #tpu.memory_space<vmem>>[vector<16xi32>, vector<16xi32>], vector<16xf32>,
    %add3A_483 = arith.constant 626 : i32
    %add3A_484 = vector.broadcast %add3A_483 : i32 to vector<16xi32>
    %add3A_485 = arith.addi %mul3A_426, %add3A_484 : vector<16xi32>
    %gather3A_486 = tpu.vector_load_idx %arg12[%add3A_485] : memref<2618xf32, #tpu.memory_space<vmem>>[vector<16xi32>], vector<16xf32>,
    tpu.vector_store_idx %arg11[%add3A_416, %broadcast_in_dim3A_335], %gather3A_486 : memref<512x16xf32, #tpu.memory_space<vmem>>[vector<16xi32>, vector<16xi32>], vector<16xf32>,
    %add3A_487 = arith.constant 627 : i32
    %add3A_488 = vector.broadcast %add3A_487 : i32 to vector<16xi32>
    %add3A_489 = arith.addi %mul3A_426, %add3A_488 : vector<16xi32>
    %gather3A_490 = tpu.vector_load_idx %arg12[%add3A_489] : memref<2618xf32, #tpu.memory_space<vmem>>[vector<16xi32>], vector<16xf32>,
    tpu.vector_store_idx %arg11[%add3A_416, %broadcast_in_dim3A_337], %gather3A_490 : memref<512x16xf32, #tpu.memory_space<vmem>>[vector<16xi32>, vector<16xi32>], vector<16xf32>,
    %add3A_491 = arith.constant 32 : i32
    %add3A_492 = vector.broadcast %add3A_491 : i32 to vector<16xi32>
    %add3A_493 = arith.addi %iota3A, %add3A_492 : vector<16xi32>
    %get3A_494 = arith.constant 544 : index
    %get3A_495 = tpu.vector_load %arg9[%get3A_494] {strides = array<i32>} : memref<1536xi32, #tpu.memory_space<vmem>>, vector<16xi32>,
    %mul3A_496 = arith.constant 6 : i32
    %mul3A_497 = vector.broadcast %mul3A_496 : i32 to vector<16xi32>
    %mul3A_498 = arith.muli %get3A_495, %mul3A_497 : vector<16xi32>
    %get3A_499 = arith.constant 1056 : index
    %get3A_500 = tpu.vector_load %arg9[%get3A_499] {strides = array<i32>} : memref<1536xi32, #tpu.memory_space<vmem>>, vector<16xi32>,
    %mul3A_501 = arith.constant 10 : i32
    %mul3A_502 = vector.broadcast %mul3A_501 : i32 to vector<16xi32>
    %mul3A_503 = arith.muli %get3A_500, %mul3A_502 : vector<16xi32>
    %add3A_504 = arith.constant 6 : i32
    %add3A_505 = vector.broadcast %add3A_504 : i32 to vector<16xi32>
    %add3A_506 = arith.addi %mul3A_498, %add3A_505 : vector<16xi32>
    %gather3A_507 = tpu.vector_load_idx %arg12[%add3A_506] : memref<2618xf32, #tpu.memory_space<vmem>>[vector<16xi32>], vector<16xf32>,
    tpu.vector_store_idx %arg11[%add3A_493, %broadcast_in_dim3A_307], %gather3A_507 : memref<512x16xf32, #tpu.memory_space<vmem>>[vector<16xi32>, vector<16xi32>], vector<16xf32>,
    %add3A_508 = arith.constant 7 : i32
    %add3A_509 = vector.broadcast %add3A_508 : i32 to vector<16xi32>
    %add3A_510 = arith.addi %mul3A_498, %add3A_509 : vector<16xi32>
    %gather3A_511 = tpu.vector_load_idx %arg12[%add3A_510] : memref<2618xf32, #tpu.memory_space<vmem>>[vector<16xi32>], vector<16xf32>,
    tpu.vector_store_idx %arg11[%add3A_493, %broadcast_in_dim3A_309], %gather3A_511 : memref<512x16xf32, #tpu.memory_space<vmem>>[vector<16xi32>, vector<16xi32>], vector<16xf32>,
    %add3A_512 = arith.constant 8 : i32
    %add3A_513 = vector.broadcast %add3A_512 : i32 to vector<16xi32>
    %add3A_514 = arith.addi %mul3A_498, %add3A_513 : vector<16xi32>
    %gather3A_515 = tpu.vector_load_idx %arg12[%add3A_514] : memref<2618xf32, #tpu.memory_space<vmem>>[vector<16xi32>], vector<16xf32>,
    tpu.vector_store_idx %arg11[%add3A_493, %broadcast_in_dim3A_311], %gather3A_515 : memref<512x16xf32, #tpu.memory_space<vmem>>[vector<16xi32>, vector<16xi32>], vector<16xf32>,
    %add3A_516 = arith.constant 9 : i32
    %add3A_517 = vector.broadcast %add3A_516 : i32 to vector<16xi32>
    %add3A_518 = arith.addi %mul3A_498, %add3A_517 : vector<16xi32>
    %gather3A_519 = tpu.vector_load_idx %arg12[%add3A_518] : memref<2618xf32, #tpu.memory_space<vmem>>[vector<16xi32>], vector<16xf32>,
    tpu.vector_store_idx %arg11[%add3A_493, %broadcast_in_dim3A_313], %gather3A_519 : memref<512x16xf32, #tpu.memory_space<vmem>>[vector<16xi32>, vector<16xi32>], vector<16xf32>,
    %add3A_520 = arith.constant 10 : i32
    %add3A_521 = vector.broadcast %add3A_520 : i32 to vector<16xi32>
    %add3A_522 = arith.addi %mul3A_498, %add3A_521 : vector<16xi32>
    %gather3A_523 = tpu.vector_load_idx %arg12[%add3A_522] : memref<2618xf32, #tpu.memory_space<vmem>>[vector<16xi32>], vector<16xf32>,
    tpu.vector_store_idx %arg11[%add3A_493, %broadcast_in_dim3A_315], %gather3A_523 : memref<512x16xf32, #tpu.memory_space<vmem>>[vector<16xi32>, vector<16xi32>], vector<16xf32>,
    %add3A_524 = arith.constant 11 : i32
    %add3A_525 = vector.broadcast %add3A_524 : i32 to vector<16xi32>
    %add3A_526 = arith.addi %mul3A_498, %add3A_525 : vector<16xi32>
    %gather3A_527 = tpu.vector_load_idx %arg12[%add3A_526] : memref<2618xf32, #tpu.memory_space<vmem>>[vector<16xi32>], vector<16xf32>,
    tpu.vector_store_idx %arg11[%add3A_493, %broadcast_in_dim3A_317], %gather3A_527 : memref<512x16xf32, #tpu.memory_space<vmem>>[vector<16xi32>, vector<16xi32>], vector<16xf32>,
    %add3A_528 = arith.constant 618 : i32
    %add3A_529 = vector.broadcast %add3A_528 : i32 to vector<16xi32>
    %add3A_530 = arith.addi %mul3A_503, %add3A_529 : vector<16xi32>
    %gather3A_531 = tpu.vector_load_idx %arg12[%add3A_530] : memref<2618xf32, #tpu.memory_space<vmem>>[vector<16xi32>], vector<16xf32>,
    tpu.vector_store_idx %arg11[%add3A_493, %broadcast_in_dim3A_319], %gather3A_531 : memref<512x16xf32, #tpu.memory_space<vmem>>[vector<16xi32>, vector<16xi32>], vector<16xf32>,
    %add3A_532 = arith.constant 619 : i32
    %add3A_533 = vector.broadcast %add3A_532 : i32 to vector<16xi32>
    %add3A_534 = arith.addi %mul3A_503, %add3A_533 : vector<16xi32>
    %gather3A_535 = tpu.vector_load_idx %arg12[%add3A_534] : memref<2618xf32, #tpu.memory_space<vmem>>[vector<16xi32>], vector<16xf32>,
    tpu.vector_store_idx %arg11[%add3A_493, %broadcast_in_dim3A_321], %gather3A_535 : memref<512x16xf32, #tpu.memory_space<vmem>>[vector<16xi32>, vector<16xi32>], vector<16xf32>,
    %add3A_536 = arith.constant 620 : i32
    %add3A_537 = vector.broadcast %add3A_536 : i32 to vector<16xi32>
    %add3A_538 = arith.addi %mul3A_503, %add3A_537 : vector<16xi32>
    %gather3A_539 = tpu.vector_load_idx %arg12[%add3A_538] : memref<2618xf32, #tpu.memory_space<vmem>>[vector<16xi32>], vector<16xf32>,
    tpu.vector_store_idx %arg11[%add3A_493, %broadcast_in_dim3A_323], %gather3A_539 : memref<512x16xf32, #tpu.memory_space<vmem>>[vector<16xi32>, vector<16xi32>], vector<16xf32>,
    %add3A_540 = arith.constant 621 : i32
    %add3A_541 = vector.broadcast %add3A_540 : i32 to vector<16xi32>
    %add3A_542 = arith.addi %mul3A_503, %add3A_541 : vector<16xi32>
    %gather3A_543 = tpu.vector_load_idx %arg12[%add3A_542] : memref<2618xf32, #tpu.memory_space<vmem>>[vector<16xi32>], vector<16xf32>,
    tpu.vector_store_idx %arg11[%add3A_493, %broadcast_in_dim3A_325], %gather3A_543 : memref<512x16xf32, #tpu.memory_space<vmem>>[vector<16xi32>, vector<16xi32>], vector<16xf32>,
    %add3A_544 = arith.constant 622 : i32
    %add3A_545 = vector.broadcast %add3A_544 : i32 to vector<16xi32>
    %add3A_546 = arith.addi %mul3A_503, %add3A_545 : vector<16xi32>
    %gather3A_547 = tpu.vector_load_idx %arg12[%add3A_546] : memref<2618xf32, #tpu.memory_space<vmem>>[vector<16xi32>], vector<16xf32>,
    tpu.vector_store_idx %arg11[%add3A_493, %broadcast_in_dim3A_327], %gather3A_547 : memref<512x16xf32, #tpu.memory_space<vmem>>[vector<16xi32>, vector<16xi32>], vector<16xf32>,
    %add3A_548 = arith.constant 623 : i32
    %add3A_549 = vector.broadcast %add3A_548 : i32 to vector<16xi32>
    %add3A_550 = arith.addi %mul3A_503, %add3A_549 : vector<16xi32>
    %gather3A_551 = tpu.vector_load_idx %arg12[%add3A_550] : memref<2618xf32, #tpu.memory_space<vmem>>[vector<16xi32>], vector<16xf32>,
    tpu.vector_store_idx %arg11[%add3A_493, %broadcast_in_dim3A_329], %gather3A_551 : memref<512x16xf32, #tpu.memory_space<vmem>>[vector<16xi32>, vector<16xi32>], vector<16xf32>,
    %add3A_552 = arith.constant 624 : i32
    %add3A_553 = vector.broadcast %add3A_552 : i32 to vector<16xi32>
    %add3A_554 = arith.addi %mul3A_503, %add3A_553 : vector<16xi32>
    %gather3A_555 = tpu.vector_load_idx %arg12[%add3A_554] : memref<2618xf32, #tpu.memory_space<vmem>>[vector<16xi32>], vector<16xf32>,
    tpu.vector_store_idx %arg11[%add3A_493, %broadcast_in_dim3A_331], %gather3A_555 : memref<512x16xf32, #tpu.memory_space<vmem>>[vector<16xi32>, vector<16xi32>], vector<16xf32>,
    %add3A_556 = arith.constant 625 : i32
    %add3A_557 = vector.broadcast %add3A_556 : i32 to vector<16xi32>
    %add3A_558 = arith.addi %mul3A_503, %add3A_557 : vector<16xi32>
    %gather3A_559 = tpu.vector_load_idx %arg12[%add3A_558] : memref<2618xf32, #tpu.memory_space<vmem>>[vector<16xi32>], vector<16xf32>,
    tpu.vector_store_idx %arg11[%add3A_493, %broadcast_in_dim3A_333], %gather3A_559 : memref<512x16xf32, #tpu.memory_space<vmem>>[vector<16xi32>, vector<16xi32>], vector<16xf32>,
    %add3A_560 = arith.constant 626 : i32
    %add3A_561 = vector.broadcast %add3A_560 : i32 to vector<16xi32>
    %add3A_562 = arith.addi %mul3A_503, %add3A_561 : vector<16xi32>
    %gather3A_563 = tpu.vector_load_idx %arg12[%add3A_562] : memref<2618xf32, #tpu.memory_space<vmem>>[vector<16xi32>], vector<16xf32>,
    tpu.vector_store_idx %arg11[%add3A_493, %broadcast_in_dim3A_335], %gather3A_563 : memref<512x16xf32, #tpu.memory_space<vmem>>[vector<16xi32>, vector<16xi32>], vector<16xf32>,
    %add3A_564 = arith.constant 627 : i32
    %add3A_565 = vector.broadcast %add3A_564 : i32 to vector<16xi32>
    %add3A_566 = arith.addi %mul3A_503, %add3A_565 : vector<16xi32>
    %gather3A_567 = tpu.vector_load_idx %arg12[%add3A_566] : memref<2618xf32, #tpu.memory_space<vmem>>[vector<16xi32>], vector<16xf32>,
    tpu.vector_store_idx %arg11[%add3A_493, %broadcast_in_dim3A_337], %gather3A_567 : memref<512x16xf32, #tpu.memory_space<vmem>>[vector<16xi32>, vector<16xi32>], vector<16xf32>,
    %add3A_568 = arith.constant 48 : i32
    %add3A_569 = vector.broadcast %add3A_568 : i32 to vector<16xi32>
    %add3A_570 = arith.addi %iota3A, %add3A_569 : vector<16xi32>
    %get3A_571 = arith.constant 560 : index
    %get3A_572 = tpu.vector_load %arg9[%get3A_571] {strides = array<i32>} : memref<1536xi32, #tpu.memory_space<vmem>>, vector<16xi32>,
    %mul3A_573 = arith.constant 6 : i32
    %mul3A_574 = vector.broadcast %mul3A_573 : i32 to vector<16xi32>
    %mul3A_575 = arith.muli %get3A_572, %mul3A_574 : vector<16xi32>
    %get3A_576 = arith.constant 1072 : index
    %get3A_577 = tpu.vector_load %arg9[%get3A_576] {strides = array<i32>} : memref<1536xi32, #tpu.memory_space<vmem>>, vector<16xi32>,
    %mul3A_578 = arith.constant 10 : i32
    %mul3A_579 = vector.broadcast %mul3A_578 : i32 to vector<16xi32>
    %mul3A_580 = arith.muli %get3A_577, %mul3A_579 : vector<16xi32>
    %add3A_581 = arith.constant 6 : i32
    %add3A_582 = vector.broadcast %add3A_581 : i32 to vector<16xi32>
    %add3A_583 = arith.addi %mul3A_575, %add3A_582 : vector<16xi32>
    %gather3A_584 = tpu.vector_load_idx %arg12[%add3A_583] : memref<2618xf32, #tpu.memory_space<vmem>>[vector<16xi32>], vector<16xf32>,
    tpu.vector_store_idx %arg11[%add3A_570, %broadcast_in_dim3A_307], %gather3A_584 : memref<512x16xf32, #tpu.memory_space<vmem>>[vector<16xi32>, vector<16xi32>], vector<16xf32>,
    %add3A_585 = arith.constant 7 : i32
    %add3A_586 = vector.broadcast %add3A_585 : i32 to vector<16xi32>
    %add3A_587 = arith.addi %mul3A_575, %add3A_586 : vector<16xi32>
    %gather3A_588 = tpu.vector_load_idx %arg12[%add3A_587] : memref<2618xf32, #tpu.memory_space<vmem>>[vector<16xi32>], vector<16xf32>,
    tpu.vector_store_idx %arg11[%add3A_570, %broadcast_in_dim3A_309], %gather3A_588 : memref<512x16xf32, #tpu.memory_space<vmem>>[vector<16xi32>, vector<16xi32>], vector<16xf32>,
    %add3A_589 = arith.constant 8 : i32
    %add3A_590 = vector.broadcast %add3A_589 : i32 to vector<16xi32>
    %add3A_591 = arith.addi %mul3A_575, %add3A_590 : vector<16xi32>
    %gather3A_592 = tpu.vector_load_idx %arg12[%add3A_591] : memref<2618xf32, #tpu.memory_space<vmem>>[vector<16xi32>], vector<16xf32>,
    tpu.vector_store_idx %arg11[%add3A_570, %broadcast_in_dim3A_311], %gather3A_592 : memref<512x16xf32, #tpu.memory_space<vmem>>[vector<16xi32>, vector<16xi32>], vector<16xf32>,
    %add3A_593 = arith.constant 9 : i32
    %add3A_594 = vector.broadcast %add3A_593 : i32 to vector<16xi32>
    %add3A_595 = arith.addi %mul3A_575, %add3A_594 : vector<16xi32>
    %gather3A_596 = tpu.vector_load_idx %arg12[%add3A_595] : memref<2618xf32, #tpu.memory_space<vmem>>[vector<16xi32>], vector<16xf32>,
    tpu.vector_store_idx %arg11[%add3A_570, %broadcast_in_dim3A_313], %gather3A_596 : memref<512x16xf32, #tpu.memory_space<vmem>>[vector<16xi32>, vector<16xi32>], vector<16xf32>,
    %add3A_597 = arith.constant 10 : i32
    %add3A_598 = vector.broadcast %add3A_597 : i32 to vector<16xi32>
    %add3A_599 = arith.addi %mul3A_575, %add3A_598 : vector<16xi32>
    %gather3A_600 = tpu.vector_load_idx %arg12[%add3A_599] : memref<2618xf32, #tpu.memory_space<vmem>>[vector<16xi32>], vector<16xf32>,
    tpu.vector_store_idx %arg11[%add3A_570, %broadcast_in_dim3A_315], %gather3A_600 : memref<512x16xf32, #tpu.memory_space<vmem>>[vector<16xi32>, vector<16xi32>], vector<16xf32>,
    %add3A_601 = arith.constant 11 : i32
    %add3A_602 = vector.broadcast %add3A_601 : i32 to vector<16xi32>
    %add3A_603 = arith.addi %mul3A_575, %add3A_602 : vector<16xi32>
    %gather3A_604 = tpu.vector_load_idx %arg12[%add3A_603] : memref<2618xf32, #tpu.memory_space<vmem>>[vector<16xi32>], vector<16xf32>,
    tpu.vector_store_idx %arg11[%add3A_570, %broadcast_in_dim3A_317], %gather3A_604 : memref<512x16xf32, #tpu.memory_space<vmem>>[vector<16xi32>, vector<16xi32>], vector<16xf32>,
    %add3A_605 = arith.constant 618 : i32
    %add3A_606 = vector.broadcast %add3A_605 : i32 to vector<16xi32>
    %add3A_607 = arith.addi %mul3A_580, %add3A_606 : vector<16xi32>
    %gather3A_608 = tpu.vector_load_idx %arg12[%add3A_607] : memref<2618xf32, #tpu.memory_space<vmem>>[vector<16xi32>], vector<16xf32>,
    tpu.vector_store_idx %arg11[%add3A_570, %broadcast_in_dim3A_319], %gather3A_608 : memref<512x16xf32, #tpu.memory_space<vmem>>[vector<16xi32>, vector<16xi32>], vector<16xf32>,
    %add3A_609 = arith.constant 619 : i32
    %add3A_610 = vector.broadcast %add3A_609 : i32 to vector<16xi32>
    %add3A_611 = arith.addi %mul3A_580, %add3A_610 : vector<16xi32>
    %gather3A_612 = tpu.vector_load_idx %arg12[%add3A_611] : memref<2618xf32, #tpu.memory_space<vmem>>[vector<16xi32>], vector<16xf32>,
    tpu.vector_store_idx %arg11[%add3A_570, %broadcast_in_dim3A_321], %gather3A_612 : memref<512x16xf32, #tpu.memory_space<vmem>>[vector<16xi32>, vector<16xi32>], vector<16xf32>,
    %add3A_613 = arith.constant 620 : i32
    %add3A_614 = vector.broadcast %add3A_613 : i32 to vector<16xi32>
    %add3A_615 = arith.addi %mul3A_580, %add3A_614 : vector<16xi32>
    %gather3A_616 = tpu.vector_load_idx %arg12[%add3A_615] : memref<2618xf32, #tpu.memory_space<vmem>>[vector<16xi32>], vector<16xf32>,
    tpu.vector_store_idx %arg11[%add3A_570, %broadcast_in_dim3A_323], %gather3A_616 : memref<512x16xf32, #tpu.memory_space<vmem>>[vector<16xi32>, vector<16xi32>], vector<16xf32>,
    %add3A_617 = arith.constant 621 : i32
    %add3A_618 = vector.broadcast %add3A_617 : i32 to vector<16xi32>
    %add3A_619 = arith.addi %mul3A_580, %add3A_618 : vector<16xi32>
    %gather3A_620 = tpu.vector_load_idx %arg12[%add3A_619] : memref<2618xf32, #tpu.memory_space<vmem>>[vector<16xi32>], vector<16xf32>,
    tpu.vector_store_idx %arg11[%add3A_570, %broadcast_in_dim3A_325], %gather3A_620 : memref<512x16xf32, #tpu.memory_space<vmem>>[vector<16xi32>, vector<16xi32>], vector<16xf32>,
    %add3A_621 = arith.constant 622 : i32
    %add3A_622 = vector.broadcast %add3A_621 : i32 to vector<16xi32>
    %add3A_623 = arith.addi %mul3A_580, %add3A_622 : vector<16xi32>
    %gather3A_624 = tpu.vector_load_idx %arg12[%add3A_623] : memref<2618xf32, #tpu.memory_space<vmem>>[vector<16xi32>], vector<16xf32>,
    tpu.vector_store_idx %arg11[%add3A_570, %broadcast_in_dim3A_327], %gather3A_624 : memref<512x16xf32, #tpu.memory_space<vmem>>[vector<16xi32>, vector<16xi32>], vector<16xf32>,
    %add3A_625 = arith.constant 623 : i32
    %add3A_626 = vector.broadcast %add3A_625 : i32 to vector<16xi32>
    %add3A_627 = arith.addi %mul3A_580, %add3A_626 : vector<16xi32>
    %gather3A_628 = tpu.vector_load_idx %arg12[%add3A_627] : memref<2618xf32, #tpu.memory_space<vmem>>[vector<16xi32>], vector<16xf32>,
    tpu.vector_store_idx %arg11[%add3A_570, %broadcast_in_dim3A_329], %gather3A_628 : memref<512x16xf32, #tpu.memory_space<vmem>>[vector<16xi32>, vector<16xi32>], vector<16xf32>,
    %add3A_629 = arith.constant 624 : i32
    %add3A_630 = vector.broadcast %add3A_629 : i32 to vector<16xi32>
    %add3A_631 = arith.addi %mul3A_580, %add3A_630 : vector<16xi32>
    %gather3A_632 = tpu.vector_load_idx %arg12[%add3A_631] : memref<2618xf32, #tpu.memory_space<vmem>>[vector<16xi32>], vector<16xf32>,
    tpu.vector_store_idx %arg11[%add3A_570, %broadcast_in_dim3A_331], %gather3A_632 : memref<512x16xf32, #tpu.memory_space<vmem>>[vector<16xi32>, vector<16xi32>], vector<16xf32>,
    %add3A_633 = arith.constant 625 : i32
    %add3A_634 = vector.broadcast %add3A_633 : i32 to vector<16xi32>
    %add3A_635 = arith.addi %mul3A_580, %add3A_634 : vector<16xi32>
    %gather3A_636 = tpu.vector_load_idx %arg12[%add3A_635] : memref<2618xf32, #tpu.memory_space<vmem>>[vector<16xi32>], vector<16xf32>,
    tpu.vector_store_idx %arg11[%add3A_570, %broadcast_in_dim3A_333], %gather3A_636 : memref<512x16xf32, #tpu.memory_space<vmem>>[vector<16xi32>, vector<16xi32>], vector<16xf32>,
    %add3A_637 = arith.constant 626 : i32
    %add3A_638 = vector.broadcast %add3A_637 : i32 to vector<16xi32>
    %add3A_639 = arith.addi %mul3A_580, %add3A_638 : vector<16xi32>
    %gather3A_640 = tpu.vector_load_idx %arg12[%add3A_639] : memref<2618xf32, #tpu.memory_space<vmem>>[vector<16xi32>], vector<16xf32>,
    tpu.vector_store_idx %arg11[%add3A_570, %broadcast_in_dim3A_335], %gather3A_640 : memref<512x16xf32, #tpu.memory_space<vmem>>[vector<16xi32>, vector<16xi32>], vector<16xf32>,
    %add3A_641 = arith.constant 627 : i32
    %add3A_642 = vector.broadcast %add3A_641 : i32 to vector<16xi32>
    %add3A_643 = arith.addi %mul3A_580, %add3A_642 : vector<16xi32>
    %gather3A_644 = tpu.vector_load_idx %arg12[%add3A_643] : memref<2618xf32, #tpu.memory_space<vmem>>[vector<16xi32>], vector<16xf32>,
    tpu.vector_store_idx %arg11[%add3A_570, %broadcast_in_dim3A_337], %gather3A_644 : memref<512x16xf32, #tpu.memory_space<vmem>>[vector<16xi32>, vector<16xi32>], vector<16xf32>,
    %add3A_645 = arith.constant 64 : i32
    %add3A_646 = vector.broadcast %add3A_645 : i32 to vector<16xi32>
    %add3A_647 = arith.addi %iota3A, %add3A_646 : vector<16xi32>
    %get3A_648 = arith.constant 576 : index
    %get3A_649 = tpu.vector_load %arg9[%get3A_648] {strides = array<i32>} : memref<1536xi32, #tpu.memory_space<vmem>>, vector<16xi32>,
    %mul3A_650 = arith.constant 6 : i32
    %mul3A_651 = vector.broadcast %mul3A_650 : i32 to vector<16xi32>
    %mul3A_652 = arith.muli %get3A_649, %mul3A_651 : vector<16xi32>
    %get3A_653 = arith.constant 1088 : index
    %get3A_654 = tpu.vector_load %arg9[%get3A_653] {strides = array<i32>} : memref<1536xi32, #tpu.memory_space<vmem>>, vector<16xi32>,
    %mul3A_655 = arith.constant 10 : i32
    %mul3A_656 = vector.broadcast %mul3A_655 : i32 to vector<16xi32>
    %mul3A_657 = arith.muli %get3A_654, %mul3A_656 : vector<16xi32>
    %add3A_658 = arith.constant 6 : i32
    %add3A_659 = vector.broadcast %add3A_658 : i32 to vector<16xi32>
    %add3A_660 = arith.addi %mul3A_652, %add3A_659 : vector<16xi32>
    %gather3A_661 = tpu.vector_load_idx %arg12[%add3A_660] : memref<2618xf32, #tpu.memory_space<vmem>>[vector<16xi32>], vector<16xf32>,
    tpu.vector_store_idx %arg11[%add3A_647, %broadcast_in_dim3A_307], %gather3A_661 : memref<512x16xf32, #tpu.memory_space<vmem>>[vector<16xi32>, vector<16xi32>], vector<16xf32>,
    %add3A_662 = arith.constant 7 : i32
    %add3A_663 = vector.broadcast %add3A_662 : i32 to vector<16xi32>
    %add3A_664 = arith.addi %mul3A_652, %add3A_663 : vector<16xi32>
    %gather3A_665 = tpu.vector_load_idx %arg12[%add3A_664] : memref<2618xf32, #tpu.memory_space<vmem>>[vector<16xi32>], vector<16xf32>,
    tpu.vector_store_idx %arg11[%add3A_647, %broadcast_in_dim3A_309], %gather3A_665 : memref<512x16xf32, #tpu.memory_space<vmem>>[vector<16xi32>, vector<16xi32>], vector<16xf32>,
    %add3A_666 = arith.constant 8 : i32
    %add3A_667 = vector.broadcast %add3A_666 : i32 to vector<16xi32>
    %add3A_668 = arith.addi %mul3A_652, %add3A_667 : vector<16xi32>
    %gather3A_669 = tpu.vector_load_idx %arg12[%add3A_668] : memref<2618xf32, #tpu.memory_space<vmem>>[vector<16xi32>], vector<16xf32>,
    tpu.vector_store_idx %arg11[%add3A_647, %broadcast_in_dim3A_311], %gather3A_669 : memref<512x16xf32, #tpu.memory_space<vmem>>[vector<16xi32>, vector<16xi32>], vector<16xf32>,
    %add3A_670 = arith.constant 9 : i32
    %add3A_671 = vector.broadcast %add3A_670 : i32 to vector<16xi32>
    %add3A_672 = arith.addi %mul3A_652, %add3A_671 : vector<16xi32>
    %gather3A_673 = tpu.vector_load_idx %arg12[%add3A_672] : memref<2618xf32, #tpu.memory_space<vmem>>[vector<16xi32>], vector<16xf32>,
    tpu.vector_store_idx %arg11[%add3A_647, %broadcast_in_dim3A_313], %gather3A_673 : memref<512x16xf32, #tpu.memory_space<vmem>>[vector<16xi32>, vector<16xi32>], vector<16xf32>,
    %add3A_674 = arith.constant 10 : i32
    %add3A_675 = vector.broadcast %add3A_674 : i32 to vector<16xi32>
    %add3A_676 = arith.addi %mul3A_652, %add3A_675 : vector<16xi32>
    %gather3A_677 = tpu.vector_load_idx %arg12[%add3A_676] : memref<2618xf32, #tpu.memory_space<vmem>>[vector<16xi32>], vector<16xf32>,
    tpu.vector_store_idx %arg11[%add3A_647, %broadcast_in_dim3A_315], %gather3A_677 : memref<512x16xf32, #tpu.memory_space<vmem>>[vector<16xi32>, vector<16xi32>], vector<16xf32>,
    %add3A_678 = arith.constant 11 : i32
    %add3A_679 = vector.broadcast %add3A_678 : i32 to vector<16xi32>
    %add3A_680 = arith.addi %mul3A_652, %add3A_679 : vector<16xi32>
    %gather3A_681 = tpu.vector_load_idx %arg12[%add3A_680] : memref<2618xf32, #tpu.memory_space<vmem>>[vector<16xi32>], vector<16xf32>,
    tpu.vector_store_idx %arg11[%add3A_647, %broadcast_in_dim3A_317], %gather3A_681 : memref<512x16xf32, #tpu.memory_space<vmem>>[vector<16xi32>, vector<16xi32>], vector<16xf32>,
    %add3A_682 = arith.constant 618 : i32
    %add3A_683 = vector.broadcast %add3A_682 : i32 to vector<16xi32>
    %add3A_684 = arith.addi %mul3A_657, %add3A_683 : vector<16xi32>
    %gather3A_685 = tpu.vector_load_idx %arg12[%add3A_684] : memref<2618xf32, #tpu.memory_space<vmem>>[vector<16xi32>], vector<16xf32>,
    tpu.vector_store_idx %arg11[%add3A_647, %broadcast_in_dim3A_319], %gather3A_685 : memref<512x16xf32, #tpu.memory_space<vmem>>[vector<16xi32>, vector<16xi32>], vector<16xf32>,
    %add3A_686 = arith.constant 619 : i32
    %add3A_687 = vector.broadcast %add3A_686 : i32 to vector<16xi32>
    %add3A_688 = arith.addi %mul3A_657, %add3A_687 : vector<16xi32>
    %gather3A_689 = tpu.vector_load_idx %arg12[%add3A_688] : memref<2618xf32, #tpu.memory_space<vmem>>[vector<16xi32>], vector<16xf32>,
    tpu.vector_store_idx %arg11[%add3A_647, %broadcast_in_dim3A_321], %gather3A_689 : memref<512x16xf32, #tpu.memory_space<vmem>>[vector<16xi32>, vector<16xi32>], vector<16xf32>,
    %add3A_690 = arith.constant 620 : i32
    %add3A_691 = vector.broadcast %add3A_690 : i32 to vector<16xi32>
    %add3A_692 = arith.addi %mul3A_657, %add3A_691 : vector<16xi32>
    %gather3A_693 = tpu.vector_load_idx %arg12[%add3A_692] : memref<2618xf32, #tpu.memory_space<vmem>>[vector<16xi32>], vector<16xf32>,
    tpu.vector_store_idx %arg11[%add3A_647, %broadcast_in_dim3A_323], %gather3A_693 : memref<512x16xf32, #tpu.memory_space<vmem>>[vector<16xi32>, vector<16xi32>], vector<16xf32>,
    %add3A_694 = arith.constant 621 : i32
    %add3A_695 = vector.broadcast %add3A_694 : i32 to vector<16xi32>
    %add3A_696 = arith.addi %mul3A_657, %add3A_695 : vector<16xi32>
    %gather3A_697 = tpu.vector_load_idx %arg12[%add3A_696] : memref<2618xf32, #tpu.memory_space<vmem>>[vector<16xi32>], vector<16xf32>,
    tpu.vector_store_idx %arg11[%add3A_647, %broadcast_in_dim3A_325], %gather3A_697 : memref<512x16xf32, #tpu.memory_space<vmem>>[vector<16xi32>, vector<16xi32>], vector<16xf32>,
    %add3A_698 = arith.constant 622 : i32
    %add3A_699 = vector.broadcast %add3A_698 : i32 to vector<16xi32>
    %add3A_700 = arith.addi %mul3A_657, %add3A_699 : vector<16xi32>
    %gather3A_701 = tpu.vector_load_idx %arg12[%add3A_700] : memref<2618xf32, #tpu.memory_space<vmem>>[vector<16xi32>], vector<16xf32>,
    tpu.vector_store_idx %arg11[%add3A_647, %broadcast_in_dim3A_327], %gather3A_701 : memref<512x16xf32, #tpu.memory_space<vmem>>[vector<16xi32>, vector<16xi32>], vector<16xf32>,
    %add3A_702 = arith.constant 623 : i32
    %add3A_703 = vector.broadcast %add3A_702 : i32 to vector<16xi32>
    %add3A_704 = arith.addi %mul3A_657, %add3A_703 : vector<16xi32>
    %gather3A_705 = tpu.vector_load_idx %arg12[%add3A_704] : memref<2618xf32, #tpu.memory_space<vmem>>[vector<16xi32>], vector<16xf32>,
    tpu.vector_store_idx %arg11[%add3A_647, %broadcast_in_dim3A_329], %gather3A_705 : memref<512x16xf32, #tpu.memory_space<vmem>>[vector<16xi32>, vector<16xi32>], vector<16xf32>,
    %add3A_706 = arith.constant 624 : i32
    %add3A_707 = vector.broadcast %add3A_706 : i32 to vector<16xi32>
    %add3A_708 = arith.addi %mul3A_657, %add3A_707 : vector<16xi32>
    %gather3A_709 = tpu.vector_load_idx %arg12[%add3A_708] : memref<2618xf32, #tpu.memory_space<vmem>>[vector<16xi32>], vector<16xf32>,
    tpu.vector_store_idx %arg11[%add3A_647, %broadcast_in_dim3A_331], %gather3A_709 : memref<512x16xf32, #tpu.memory_space<vmem>>[vector<16xi32>, vector<16xi32>], vector<16xf32>,
    %add3A_710 = arith.constant 625 : i32
    %add3A_711 = vector.broadcast %add3A_710 : i32 to vector<16xi32>
    %add3A_712 = arith.addi %mul3A_657, %add3A_711 : vector<16xi32>
    %gather3A_713 = tpu.vector_load_idx %arg12[%add3A_712] : memref<2618xf32, #tpu.memory_space<vmem>>[vector<16xi32>], vector<16xf32>,
    tpu.vector_store_idx %arg11[%add3A_647, %broadcast_in_dim3A_333], %gather3A_713 : memref<512x16xf32, #tpu.memory_space<vmem>>[vector<16xi32>, vector<16xi32>], vector<16xf32>,
    %add3A_714 = arith.constant 626 : i32
    %add3A_715 = vector.broadcast %add3A_714 : i32 to vector<16xi32>
    %add3A_716 = arith.addi %mul3A_657, %add3A_715 : vector<16xi32>
    %gather3A_717 = tpu.vector_load_idx %arg12[%add3A_716] : memref<2618xf32, #tpu.memory_space<vmem>>[vector<16xi32>], vector<16xf32>,
    tpu.vector_store_idx %arg11[%add3A_647, %broadcast_in_dim3A_335], %gather3A_717 : memref<512x16xf32, #tpu.memory_space<vmem>>[vector<16xi32>, vector<16xi32>], vector<16xf32>,
    %add3A_718 = arith.constant 627 : i32
    %add3A_719 = vector.broadcast %add3A_718 : i32 to vector<16xi32>
    %add3A_720 = arith.addi %mul3A_657, %add3A_719 : vector<16xi32>
    %gather3A_721 = tpu.vector_load_idx %arg12[%add3A_720] : memref<2618xf32, #tpu.memory_space<vmem>>[vector<16xi32>], vector<16xf32>,
    tpu.vector_store_idx %arg11[%add3A_647, %broadcast_in_dim3A_337], %gather3A_721 : memref<512x16xf32, #tpu.memory_space<vmem>>[vector<16xi32>, vector<16xi32>], vector<16xf32>,
    %add3A_722 = arith.constant 80 : i32
    %add3A_723 = vector.broadcast %add3A_722 : i32 to vector<16xi32>
    %add3A_724 = arith.addi %iota3A, %add3A_723 : vector<16xi32>
    %get3A_725 = arith.constant 592 : index
    %get3A_726 = tpu.vector_load %arg9[%get3A_725] {strides = array<i32>} : memref<1536xi32, #tpu.memory_space<vmem>>, vector<16xi32>,
    %mul3A_727 = arith.constant 6 : i32
    %mul3A_728 = vector.broadcast %mul3A_727 : i32 to vector<16xi32>
    %mul3A_729 = arith.muli %get3A_726, %mul3A_728 : vector<16xi32>
    %get3A_730 = arith.constant 1104 : index
    %get3A_731 = tpu.vector_load %arg9[%get3A_730] {strides = array<i32>} : memref<1536xi32, #tpu.memory_space<vmem>>, vector<16xi32>,
    %mul3A_732 = arith.constant 10 : i32
    %mul3A_733 = vector.broadcast %mul3A_732 : i32 to vector<16xi32>
    %mul3A_734 = arith.muli %get3A_731, %mul3A_733 : vector<16xi32>
    %add3A_735 = arith.constant 6 : i32
    %add3A_736 = vector.broadcast %add3A_735 : i32 to vector<16xi32>
    %add3A_737 = arith.addi %mul3A_729, %add3A_736 : vector<16xi32>
    %gather3A_738 = tpu.vector_load_idx %arg12[%add3A_737] : memref<2618xf32, #tpu.memory_space<vmem>>[vector<16xi32>], vector<16xf32>,
    tpu.vector_store_idx %arg11[%add3A_724, %broadcast_in_dim3A_307], %gather3A_738 : memref<512x16xf32, #tpu.memory_space<vmem>>[vector<16xi32>, vector<16xi32>], vector<16xf32>,
    %add3A_739 = arith.constant 7 : i32
    %add3A_740 = vector.broadcast %add3A_739 : i32 to vector<16xi32>
    %add3A_741 = arith.addi %mul3A_729, %add3A_740 : vector<16xi32>
    %gather3A_742 = tpu.vector_load_idx %arg12[%add3A_741] : memref<2618xf32, #tpu.memory_space<vmem>>[vector<16xi32>], vector<16xf32>,
    tpu.vector_store_idx %arg11[%add3A_724, %broadcast_in_dim3A_309], %gather3A_742 : memref<512x16xf32, #tpu.memory_space<vmem>>[vector<16xi32>, vector<16xi32>], vector<16xf32>,
    %add3A_743 = arith.constant 8 : i32
    %add3A_744 = vector.broadcast %add3A_743 : i32 to vector<16xi32>
    %add3A_745 = arith.addi %mul3A_729, %add3A_744 : vector<16xi32>
    %gather3A_746 = tpu.vector_load_idx %arg12[%add3A_745] : memref<2618xf32, #tpu.memory_space<vmem>>[vector<16xi32>], vector<16xf32>,
    tpu.vector_store_idx %arg11[%add3A_724, %broadcast_in_dim3A_311], %gather3A_746 : memref<512x16xf32, #tpu.memory_space<vmem>>[vector<16xi32>, vector<16xi32>], vector<16xf32>,
    %add3A_747 = arith.constant 9 : i32
    %add3A_748 = vector.broadcast %add3A_747 : i32 to vector<16xi32>
    %add3A_749 = arith.addi %mul3A_729, %add3A_748 : vector<16xi32>
    %gather3A_750 = tpu.vector_load_idx %arg12[%add3A_749] : memref<2618xf32, #tpu.memory_space<vmem>>[vector<16xi32>], vector<16xf32>,
    tpu.vector_store_idx %arg11[%add3A_724, %broadcast_in_dim3A_313], %gather3A_750 : memref<512x16xf32, #tpu.memory_space<vmem>>[vector<16xi32>, vector<16xi32>], vector<16xf32>,
    %add3A_751 = arith.constant 10 : i32
    %add3A_752 = vector.broadcast %add3A_751 : i32 to vector<16xi32>
    %add3A_753 = arith.addi %mul3A_729, %add3A_752 : vector<16xi32>
    %gather3A_754 = tpu.vector_load_idx %arg12[%add3A_753] : memref<2618xf32, #tpu.memory_space<vmem>>[vector<16xi32>], vector<16xf32>,
    tpu.vector_store_idx %arg11[%add3A_724, %broadcast_in_dim3A_315], %gather3A_754 : memref<512x16xf32, #tpu.memory_space<vmem>>[vector<16xi32>, vector<16xi32>], vector<16xf32>,
    %add3A_755 = arith.constant 11 : i32
    %add3A_756 = vector.broadcast %add3A_755 : i32 to vector<16xi32>
    %add3A_757 = arith.addi %mul3A_729, %add3A_756 : vector<16xi32>
    %gather3A_758 = tpu.vector_load_idx %arg12[%add3A_757] : memref<2618xf32, #tpu.memory_space<vmem>>[vector<16xi32>], vector<16xf32>,
    tpu.vector_store_idx %arg11[%add3A_724, %broadcast_in_dim3A_317], %gather3A_758 : memref<512x16xf32, #tpu.memory_space<vmem>>[vector<16xi32>, vector<16xi32>], vector<16xf32>,
    %add3A_759 = arith.constant 618 : i32
    %add3A_760 = vector.broadcast %add3A_759 : i32 to vector<16xi32>
    %add3A_761 = arith.addi %mul3A_734, %add3A_760 : vector<16xi32>
    %gather3A_762 = tpu.vector_load_idx %arg12[%add3A_761] : memref<2618xf32, #tpu.memory_space<vmem>>[vector<16xi32>], vector<16xf32>,
    tpu.vector_store_idx %arg11[%add3A_724, %broadcast_in_dim3A_319], %gather3A_762 : memref<512x16xf32, #tpu.memory_space<vmem>>[vector<16xi32>, vector<16xi32>], vector<16xf32>,
    %add3A_763 = arith.constant 619 : i32
    %add3A_764 = vector.broadcast %add3A_763 : i32 to vector<16xi32>
    %add3A_765 = arith.addi %mul3A_734, %add3A_764 : vector<16xi32>
    %gather3A_766 = tpu.vector_load_idx %arg12[%add3A_765] : memref<2618xf32, #tpu.memory_space<vmem>>[vector<16xi32>], vector<16xf32>,
    tpu.vector_store_idx %arg11[%add3A_724, %broadcast_in_dim3A_321], %gather3A_766 : memref<512x16xf32, #tpu.memory_space<vmem>>[vector<16xi32>, vector<16xi32>], vector<16xf32>,
    %add3A_767 = arith.constant 620 : i32
    %add3A_768 = vector.broadcast %add3A_767 : i32 to vector<16xi32>
    %add3A_769 = arith.addi %mul3A_734, %add3A_768 : vector<16xi32>
    %gather3A_770 = tpu.vector_load_idx %arg12[%add3A_769] : memref<2618xf32, #tpu.memory_space<vmem>>[vector<16xi32>], vector<16xf32>,
    tpu.vector_store_idx %arg11[%add3A_724, %broadcast_in_dim3A_323], %gather3A_770 : memref<512x16xf32, #tpu.memory_space<vmem>>[vector<16xi32>, vector<16xi32>], vector<16xf32>,
    %add3A_771 = arith.constant 621 : i32
    %add3A_772 = vector.broadcast %add3A_771 : i32 to vector<16xi32>
    %add3A_773 = arith.addi %mul3A_734, %add3A_772 : vector<16xi32>
    %gather3A_774 = tpu.vector_load_idx %arg12[%add3A_773] : memref<2618xf32, #tpu.memory_space<vmem>>[vector<16xi32>], vector<16xf32>,
    tpu.vector_store_idx %arg11[%add3A_724, %broadcast_in_dim3A_325], %gather3A_774 : memref<512x16xf32, #tpu.memory_space<vmem>>[vector<16xi32>, vector<16xi32>], vector<16xf32>,
    %add3A_775 = arith.constant 622 : i32
    %add3A_776 = vector.broadcast %add3A_775 : i32 to vector<16xi32>
    %add3A_777 = arith.addi %mul3A_734, %add3A_776 : vector<16xi32>
    %gather3A_778 = tpu.vector_load_idx %arg12[%add3A_777] : memref<2618xf32, #tpu.memory_space<vmem>>[vector<16xi32>], vector<16xf32>,
    tpu.vector_store_idx %arg11[%add3A_724, %broadcast_in_dim3A_327], %gather3A_778 : memref<512x16xf32, #tpu.memory_space<vmem>>[vector<16xi32>, vector<16xi32>], vector<16xf32>,
    %add3A_779 = arith.constant 623 : i32
    %add3A_780 = vector.broadcast %add3A_779 : i32 to vector<16xi32>
    %add3A_781 = arith.addi %mul3A_734, %add3A_780 : vector<16xi32>
    %gather3A_782 = tpu.vector_load_idx %arg12[%add3A_781] : memref<2618xf32, #tpu.memory_space<vmem>>[vector<16xi32>], vector<16xf32>,
    tpu.vector_store_idx %arg11[%add3A_724, %broadcast_in_dim3A_329], %gather3A_782 : memref<512x16xf32, #tpu.memory_space<vmem>>[vector<16xi32>, vector<16xi32>], vector<16xf32>,
    %add3A_783 = arith.constant 624 : i32
    %add3A_784 = vector.broadcast %add3A_783 : i32 to vector<16xi32>
    %add3A_785 = arith.addi %mul3A_734, %add3A_784 : vector<16xi32>
    %gather3A_786 = tpu.vector_load_idx %arg12[%add3A_785] : memref<2618xf32, #tpu.memory_space<vmem>>[vector<16xi32>], vector<16xf32>,
    tpu.vector_store_idx %arg11[%add3A_724, %broadcast_in_dim3A_331], %gather3A_786 : memref<512x16xf32, #tpu.memory_space<vmem>>[vector<16xi32>, vector<16xi32>], vector<16xf32>,
    %add3A_787 = arith.constant 625 : i32
    %add3A_788 = vector.broadcast %add3A_787 : i32 to vector<16xi32>
    %add3A_789 = arith.addi %mul3A_734, %add3A_788 : vector<16xi32>
    %gather3A_790 = tpu.vector_load_idx %arg12[%add3A_789] : memref<2618xf32, #tpu.memory_space<vmem>>[vector<16xi32>], vector<16xf32>,
    tpu.vector_store_idx %arg11[%add3A_724, %broadcast_in_dim3A_333], %gather3A_790 : memref<512x16xf32, #tpu.memory_space<vmem>>[vector<16xi32>, vector<16xi32>], vector<16xf32>,
    %add3A_791 = arith.constant 626 : i32
    %add3A_792 = vector.broadcast %add3A_791 : i32 to vector<16xi32>
    %add3A_793 = arith.addi %mul3A_734, %add3A_792 : vector<16xi32>
    %gather3A_794 = tpu.vector_load_idx %arg12[%add3A_793] : memref<2618xf32, #tpu.memory_space<vmem>>[vector<16xi32>], vector<16xf32>,
    tpu.vector_store_idx %arg11[%add3A_724, %broadcast_in_dim3A_335], %gather3A_794 : memref<512x16xf32, #tpu.memory_space<vmem>>[vector<16xi32>, vector<16xi32>], vector<16xf32>,
    %add3A_795 = arith.constant 627 : i32
    %add3A_796 = vector.broadcast %add3A_795 : i32 to vector<16xi32>
    %add3A_797 = arith.addi %mul3A_734, %add3A_796 : vector<16xi32>
    %gather3A_798 = tpu.vector_load_idx %arg12[%add3A_797] : memref<2618xf32, #tpu.memory_space<vmem>>[vector<16xi32>], vector<16xf32>,
    tpu.vector_store_idx %arg11[%add3A_724, %broadcast_in_dim3A_337], %gather3A_798 : memref<512x16xf32, #tpu.memory_space<vmem>>[vector<16xi32>, vector<16xi32>], vector<16xf32>,
    %add3A_799 = arith.constant 96 : i32
    %add3A_800 = vector.broadcast %add3A_799 : i32 to vector<16xi32>
    %add3A_801 = arith.addi %iota3A, %add3A_800 : vector<16xi32>
    %get3A_802 = arith.constant 608 : index
    %get3A_803 = tpu.vector_load %arg9[%get3A_802] {strides = array<i32>} : memref<1536xi32, #tpu.memory_space<vmem>>, vector<16xi32>,
    %mul3A_804 = arith.constant 6 : i32
    %mul3A_805 = vector.broadcast %mul3A_804 : i32 to vector<16xi32>
    %mul3A_806 = arith.muli %get3A_803, %mul3A_805 : vector<16xi32>
    %get3A_807 = arith.constant 1120 : index
    %get3A_808 = tpu.vector_load %arg9[%get3A_807] {strides = array<i32>} : memref<1536xi32, #tpu.memory_space<vmem>>, vector<16xi32>,
    %mul3A_809 = arith.constant 10 : i32
    %mul3A_810 = vector.broadcast %mul3A_809 : i32 to vector<16xi32>
    %mul3A_811 = arith.muli %get3A_808, %mul3A_810 : vector<16xi32>
    %add3A_812 = arith.constant 6 : i32
    %add3A_813 = vector.broadcast %add3A_812 : i32 to vector<16xi32>
    %add3A_814 = arith.addi %mul3A_806, %add3A_813 : vector<16xi32>
    %gather3A_815 = tpu.vector_load_idx %arg12[%add3A_814] : memref<2618xf32, #tpu.memory_space<vmem>>[vector<16xi32>], vector<16xf32>,
    tpu.vector_store_idx %arg11[%add3A_801, %broadcast_in_dim3A_307], %gather3A_815 : memref<512x16xf32, #tpu.memory_space<vmem>>[vector<16xi32>, vector<16xi32>], vector<16xf32>,
    %add3A_816 = arith.constant 7 : i32
    %add3A_817 = vector.broadcast %add3A_816 : i32 to vector<16xi32>
    %add3A_818 = arith.addi %mul3A_806, %add3A_817 : vector<16xi32>
    %gather3A_819 = tpu.vector_load_idx %arg12[%add3A_818] : memref<2618xf32, #tpu.memory_space<vmem>>[vector<16xi32>], vector<16xf32>,
    tpu.vector_store_idx %arg11[%add3A_801, %broadcast_in_dim3A_309], %gather3A_819 : memref<512x16xf32, #tpu.memory_space<vmem>>[vector<16xi32>, vector<16xi32>], vector<16xf32>,
    %add3A_820 = arith.constant 8 : i32
    %add3A_821 = vector.broadcast %add3A_820 : i32 to vector<16xi32>
    %add3A_822 = arith.addi %mul3A_806, %add3A_821 : vector<16xi32>
    %gather3A_823 = tpu.vector_load_idx %arg12[%add3A_822] : memref<2618xf32, #tpu.memory_space<vmem>>[vector<16xi32>], vector<16xf32>,
    tpu.vector_store_idx %arg11[%add3A_801, %broadcast_in_dim3A_311], %gather3A_823 : memref<512x16xf32, #tpu.memory_space<vmem>>[vector<16xi32>, vector<16xi32>], vector<16xf32>,
    %add3A_824 = arith.constant 9 : i32
    %add3A_825 = vector.broadcast %add3A_824 : i32 to vector<16xi32>
    %add3A_826 = arith.addi %mul3A_806, %add3A_825 : vector<16xi32>
    %gather3A_827 = tpu.vector_load_idx %arg12[%add3A_826] : memref<2618xf32, #tpu.memory_space<vmem>>[vector<16xi32>], vector<16xf32>,
    tpu.vector_store_idx %arg11[%add3A_801, %broadcast_in_dim3A_313], %gather3A_827 : memref<512x16xf32, #tpu.memory_space<vmem>>[vector<16xi32>, vector<16xi32>], vector<16xf32>,
    %add3A_828 = arith.constant 10 : i32
    %add3A_829 = vector.broadcast %add3A_828 : i32 to vector<16xi32>
    %add3A_830 = arith.addi %mul3A_806, %add3A_829 : vector<16xi32>
    %gather3A_831 = tpu.vector_load_idx %arg12[%add3A_830] : memref<2618xf32, #tpu.memory_space<vmem>>[vector<16xi32>], vector<16xf32>,
    tpu.vector_store_idx %arg11[%add3A_801, %broadcast_in_dim3A_315], %gather3A_831 : memref<512x16xf32, #tpu.memory_space<vmem>>[vector<16xi32>, vector<16xi32>], vector<16xf32>,
    %add3A_832 = arith.constant 11 : i32
    %add3A_833 = vector.broadcast %add3A_832 : i32 to vector<16xi32>
    %add3A_834 = arith.addi %mul3A_806, %add3A_833 : vector<16xi32>
    %gather3A_835 = tpu.vector_load_idx %arg12[%add3A_834] : memref<2618xf32, #tpu.memory_space<vmem>>[vector<16xi32>], vector<16xf32>,
    tpu.vector_store_idx %arg11[%add3A_801, %broadcast_in_dim3A_317], %gather3A_835 : memref<512x16xf32, #tpu.memory_space<vmem>>[vector<16xi32>, vector<16xi32>], vector<16xf32>,
    %add3A_836 = arith.constant 618 : i32
    %add3A_837 = vector.broadcast %add3A_836 : i32 to vector<16xi32>
    %add3A_838 = arith.addi %mul3A_811, %add3A_837 : vector<16xi32>
    %gather3A_839 = tpu.vector_load_idx %arg12[%add3A_838] : memref<2618xf32, #tpu.memory_space<vmem>>[vector<16xi32>], vector<16xf32>,
    tpu.vector_store_idx %arg11[%add3A_801, %broadcast_in_dim3A_319], %gather3A_839 : memref<512x16xf32, #tpu.memory_space<vmem>>[vector<16xi32>, vector<16xi32>], vector<16xf32>,
    %add3A_840 = arith.constant 619 : i32
    %add3A_841 = vector.broadcast %add3A_840 : i32 to vector<16xi32>
    %add3A_842 = arith.addi %mul3A_811, %add3A_841 : vector<16xi32>
    %gather3A_843 = tpu.vector_load_idx %arg12[%add3A_842] : memref<2618xf32, #tpu.memory_space<vmem>>[vector<16xi32>], vector<16xf32>,
    tpu.vector_store_idx %arg11[%add3A_801, %broadcast_in_dim3A_321], %gather3A_843 : memref<512x16xf32, #tpu.memory_space<vmem>>[vector<16xi32>, vector<16xi32>], vector<16xf32>,
    %add3A_844 = arith.constant 620 : i32
    %add3A_845 = vector.broadcast %add3A_844 : i32 to vector<16xi32>
    %add3A_846 = arith.addi %mul3A_811, %add3A_845 : vector<16xi32>
    %gather3A_847 = tpu.vector_load_idx %arg12[%add3A_846] : memref<2618xf32, #tpu.memory_space<vmem>>[vector<16xi32>], vector<16xf32>,
    tpu.vector_store_idx %arg11[%add3A_801, %broadcast_in_dim3A_323], %gather3A_847 : memref<512x16xf32, #tpu.memory_space<vmem>>[vector<16xi32>, vector<16xi32>], vector<16xf32>,
    %add3A_848 = arith.constant 621 : i32
    %add3A_849 = vector.broadcast %add3A_848 : i32 to vector<16xi32>
    %add3A_850 = arith.addi %mul3A_811, %add3A_849 : vector<16xi32>
    %gather3A_851 = tpu.vector_load_idx %arg12[%add3A_850] : memref<2618xf32, #tpu.memory_space<vmem>>[vector<16xi32>], vector<16xf32>,
    tpu.vector_store_idx %arg11[%add3A_801, %broadcast_in_dim3A_325], %gather3A_851 : memref<512x16xf32, #tpu.memory_space<vmem>>[vector<16xi32>, vector<16xi32>], vector<16xf32>,
    %add3A_852 = arith.constant 622 : i32
    %add3A_853 = vector.broadcast %add3A_852 : i32 to vector<16xi32>
    %add3A_854 = arith.addi %mul3A_811, %add3A_853 : vector<16xi32>
    %gather3A_855 = tpu.vector_load_idx %arg12[%add3A_854] : memref<2618xf32, #tpu.memory_space<vmem>>[vector<16xi32>], vector<16xf32>,
    tpu.vector_store_idx %arg11[%add3A_801, %broadcast_in_dim3A_327], %gather3A_855 : memref<512x16xf32, #tpu.memory_space<vmem>>[vector<16xi32>, vector<16xi32>], vector<16xf32>,
    %add3A_856 = arith.constant 623 : i32
    %add3A_857 = vector.broadcast %add3A_856 : i32 to vector<16xi32>
    %add3A_858 = arith.addi %mul3A_811, %add3A_857 : vector<16xi32>
    %gather3A_859 = tpu.vector_load_idx %arg12[%add3A_858] : memref<2618xf32, #tpu.memory_space<vmem>>[vector<16xi32>], vector<16xf32>,
    tpu.vector_store_idx %arg11[%add3A_801, %broadcast_in_dim3A_329], %gather3A_859 : memref<512x16xf32, #tpu.memory_space<vmem>>[vector<16xi32>, vector<16xi32>], vector<16xf32>,
    %add3A_860 = arith.constant 624 : i32
    %add3A_861 = vector.broadcast %add3A_860 : i32 to vector<16xi32>
    %add3A_862 = arith.addi %mul3A_811, %add3A_861 : vector<16xi32>
    %gather3A_863 = tpu.vector_load_idx %arg12[%add3A_862] : memref<2618xf32, #tpu.memory_space<vmem>>[vector<16xi32>], vector<16xf32>,
    tpu.vector_store_idx %arg11[%add3A_801, %broadcast_in_dim3A_331], %gather3A_863 : memref<512x16xf32, #tpu.memory_space<vmem>>[vector<16xi32>, vector<16xi32>], vector<16xf32>,
    %add3A_864 = arith.constant 625 : i32
    %add3A_865 = vector.broadcast %add3A_864 : i32 to vector<16xi32>
    %add3A_866 = arith.addi %mul3A_811, %add3A_865 : vector<16xi32>
    %gather3A_867 = tpu.vector_load_idx %arg12[%add3A_866] : memref<2618xf32, #tpu.memory_space<vmem>>[vector<16xi32>], vector<16xf32>,
    tpu.vector_store_idx %arg11[%add3A_801, %broadcast_in_dim3A_333], %gather3A_867 : memref<512x16xf32, #tpu.memory_space<vmem>>[vector<16xi32>, vector<16xi32>], vector<16xf32>,
    %add3A_868 = arith.constant 626 : i32
    %add3A_869 = vector.broadcast %add3A_868 : i32 to vector<16xi32>
    %add3A_870 = arith.addi %mul3A_811, %add3A_869 : vector<16xi32>
    %gather3A_871 = tpu.vector_load_idx %arg12[%add3A_870] : memref<2618xf32, #tpu.memory_space<vmem>>[vector<16xi32>], vector<16xf32>,
    tpu.vector_store_idx %arg11[%add3A_801, %broadcast_in_dim3A_335], %gather3A_871 : memref<512x16xf32, #tpu.memory_space<vmem>>[vector<16xi32>, vector<16xi32>], vector<16xf32>,
    %add3A_872 = arith.constant 627 : i32
    %add3A_873 = vector.broadcast %add3A_872 : i32 to vector<16xi32>
    %add3A_874 = arith.addi %mul3A_811, %add3A_873 : vector<16xi32>
    %gather3A_875 = tpu.vector_load_idx %arg12[%add3A_874] : memref<2618xf32, #tpu.memory_space<vmem>>[vector<16xi32>], vector<16xf32>,
    tpu.vector_store_idx %arg11[%add3A_801, %broadcast_in_dim3A_337], %gather3A_875 : memref<512x16xf32, #tpu.memory_space<vmem>>[vector<16xi32>, vector<16xi32>], vector<16xf32>,
    %add3A_876 = arith.constant 112 : i32
    %add3A_877 = vector.broadcast %add3A_876 : i32 to vector<16xi32>
    %add3A_878 = arith.addi %iota3A, %add3A_877 : vector<16xi32>
    %get3A_879 = arith.constant 624 : index
    %get3A_880 = tpu.vector_load %arg9[%get3A_879] {strides = array<i32>} : memref<1536xi32, #tpu.memory_space<vmem>>, vector<16xi32>,
    %mul3A_881 = arith.constant 6 : i32
    %mul3A_882 = vector.broadcast %mul3A_881 : i32 to vector<16xi32>
    %mul3A_883 = arith.muli %get3A_880, %mul3A_882 : vector<16xi32>
    %get3A_884 = arith.constant 1136 : index
    %get3A_885 = tpu.vector_load %arg9[%get3A_884] {strides = array<i32>} : memref<1536xi32, #tpu.memory_space<vmem>>, vector<16xi32>,
    %mul3A_886 = arith.constant 10 : i32
    %mul3A_887 = vector.broadcast %mul3A_886 : i32 to vector<16xi32>
    %mul3A_888 = arith.muli %get3A_885, %mul3A_887 : vector<16xi32>
    %add3A_889 = arith.constant 6 : i32
    %add3A_890 = vector.broadcast %add3A_889 : i32 to vector<16xi32>
    %add3A_891 = arith.addi %mul3A_883, %add3A_890 : vector<16xi32>
    %gather3A_892 = tpu.vector_load_idx %arg12[%add3A_891] : memref<2618xf32, #tpu.memory_space<vmem>>[vector<16xi32>], vector<16xf32>,
    tpu.vector_store_idx %arg11[%add3A_878, %broadcast_in_dim3A_307], %gather3A_892 : memref<512x16xf32, #tpu.memory_space<vmem>>[vector<16xi32>, vector<16xi32>], vector<16xf32>,
    %add3A_893 = arith.constant 7 : i32
    %add3A_894 = vector.broadcast %add3A_893 : i32 to vector<16xi32>
    %add3A_895 = arith.addi %mul3A_883, %add3A_894 : vector<16xi32>
    %gather3A_896 = tpu.vector_load_idx %arg12[%add3A_895] : memref<2618xf32, #tpu.memory_space<vmem>>[vector<16xi32>], vector<16xf32>,
    tpu.vector_store_idx %arg11[%add3A_878, %broadcast_in_dim3A_309], %gather3A_896 : memref<512x16xf32, #tpu.memory_space<vmem>>[vector<16xi32>, vector<16xi32>], vector<16xf32>,
    %add3A_897 = arith.constant 8 : i32
    %add3A_898 = vector.broadcast %add3A_897 : i32 to vector<16xi32>
    %add3A_899 = arith.addi %mul3A_883, %add3A_898 : vector<16xi32>
    %gather3A_900 = tpu.vector_load_idx %arg12[%add3A_899] : memref<2618xf32, #tpu.memory_space<vmem>>[vector<16xi32>], vector<16xf32>,
    tpu.vector_store_idx %arg11[%add3A_878, %broadcast_in_dim3A_311], %gather3A_900 : memref<512x16xf32, #tpu.memory_space<vmem>>[vector<16xi32>, vector<16xi32>], vector<16xf32>,
    %add3A_901 = arith.constant 9 : i32
    %add3A_902 = vector.broadcast %add3A_901 : i32 to vector<16xi32>
    %add3A_903 = arith.addi %mul3A_883, %add3A_902 : vector<16xi32>
    %gather3A_904 = tpu.vector_load_idx %arg12[%add3A_903] : memref<2618xf32, #tpu.memory_space<vmem>>[vector<16xi32>], vector<16xf32>,
    tpu.vector_store_idx %arg11[%add3A_878, %broadcast_in_dim3A_313], %gather3A_904 : memref<512x16xf32, #tpu.memory_space<vmem>>[vector<16xi32>, vector<16xi32>], vector<16xf32>,
    %add3A_905 = arith.constant 10 : i32
    %add3A_906 = vector.broadcast %add3A_905 : i32 to vector<16xi32>
    %add3A_907 = arith.addi %mul3A_883, %add3A_906 : vector<16xi32>
    %gather3A_908 = tpu.vector_load_idx %arg12[%add3A_907] : memref<2618xf32, #tpu.memory_space<vmem>>[vector<16xi32>], vector<16xf32>,
    tpu.vector_store_idx %arg11[%add3A_878, %broadcast_in_dim3A_315], %gather3A_908 : memref<512x16xf32, #tpu.memory_space<vmem>>[vector<16xi32>, vector<16xi32>], vector<16xf32>,
    %add3A_909 = arith.constant 11 : i32
    %add3A_910 = vector.broadcast %add3A_909 : i32 to vector<16xi32>
    %add3A_911 = arith.addi %mul3A_883, %add3A_910 : vector<16xi32>
    %gather3A_912 = tpu.vector_load_idx %arg12[%add3A_911] : memref<2618xf32, #tpu.memory_space<vmem>>[vector<16xi32>], vector<16xf32>,
    tpu.vector_store_idx %arg11[%add3A_878, %broadcast_in_dim3A_317], %gather3A_912 : memref<512x16xf32, #tpu.memory_space<vmem>>[vector<16xi32>, vector<16xi32>], vector<16xf32>,
    %add3A_913 = arith.constant 618 : i32
    %add3A_914 = vector.broadcast %add3A_913 : i32 to vector<16xi32>
    %add3A_915 = arith.addi %mul3A_888, %add3A_914 : vector<16xi32>
    %gather3A_916 = tpu.vector_load_idx %arg12[%add3A_915] : memref<2618xf32, #tpu.memory_space<vmem>>[vector<16xi32>], vector<16xf32>,
    tpu.vector_store_idx %arg11[%add3A_878, %broadcast_in_dim3A_319], %gather3A_916 : memref<512x16xf32, #tpu.memory_space<vmem>>[vector<16xi32>, vector<16xi32>], vector<16xf32>,
    %add3A_917 = arith.constant 619 : i32
    %add3A_918 = vector.broadcast %add3A_917 : i32 to vector<16xi32>
    %add3A_919 = arith.addi %mul3A_888, %add3A_918 : vector<16xi32>
    %gather3A_920 = tpu.vector_load_idx %arg12[%add3A_919] : memref<2618xf32, #tpu.memory_space<vmem>>[vector<16xi32>], vector<16xf32>,
    tpu.vector_store_idx %arg11[%add3A_878, %broadcast_in_dim3A_321], %gather3A_920 : memref<512x16xf32, #tpu.memory_space<vmem>>[vector<16xi32>, vector<16xi32>], vector<16xf32>,
    %add3A_921 = arith.constant 620 : i32
    %add3A_922 = vector.broadcast %add3A_921 : i32 to vector<16xi32>
    %add3A_923 = arith.addi %mul3A_888, %add3A_922 : vector<16xi32>
    %gather3A_924 = tpu.vector_load_idx %arg12[%add3A_923] : memref<2618xf32, #tpu.memory_space<vmem>>[vector<16xi32>], vector<16xf32>,
    tpu.vector_store_idx %arg11[%add3A_878, %broadcast_in_dim3A_323], %gather3A_924 : memref<512x16xf32, #tpu.memory_space<vmem>>[vector<16xi32>, vector<16xi32>], vector<16xf32>,
    %add3A_925 = arith.constant 621 : i32
    %add3A_926 = vector.broadcast %add3A_925 : i32 to vector<16xi32>
    %add3A_927 = arith.addi %mul3A_888, %add3A_926 : vector<16xi32>
    %gather3A_928 = tpu.vector_load_idx %arg12[%add3A_927] : memref<2618xf32, #tpu.memory_space<vmem>>[vector<16xi32>], vector<16xf32>,
    tpu.vector_store_idx %arg11[%add3A_878, %broadcast_in_dim3A_325], %gather3A_928 : memref<512x16xf32, #tpu.memory_space<vmem>>[vector<16xi32>, vector<16xi32>], vector<16xf32>,
    %add3A_929 = arith.constant 622 : i32
    %add3A_930 = vector.broadcast %add3A_929 : i32 to vector<16xi32>
    %add3A_931 = arith.addi %mul3A_888, %add3A_930 : vector<16xi32>
    %gather3A_932 = tpu.vector_load_idx %arg12[%add3A_931] : memref<2618xf32, #tpu.memory_space<vmem>>[vector<16xi32>], vector<16xf32>,
    tpu.vector_store_idx %arg11[%add3A_878, %broadcast_in_dim3A_327], %gather3A_932 : memref<512x16xf32, #tpu.memory_space<vmem>>[vector<16xi32>, vector<16xi32>], vector<16xf32>,
    %add3A_933 = arith.constant 623 : i32
    %add3A_934 = vector.broadcast %add3A_933 : i32 to vector<16xi32>
    %add3A_935 = arith.addi %mul3A_888, %add3A_934 : vector<16xi32>
    %gather3A_936 = tpu.vector_load_idx %arg12[%add3A_935] : memref<2618xf32, #tpu.memory_space<vmem>>[vector<16xi32>], vector<16xf32>,
    tpu.vector_store_idx %arg11[%add3A_878, %broadcast_in_dim3A_329], %gather3A_936 : memref<512x16xf32, #tpu.memory_space<vmem>>[vector<16xi32>, vector<16xi32>], vector<16xf32>,
    %add3A_937 = arith.constant 624 : i32
    %add3A_938 = vector.broadcast %add3A_937 : i32 to vector<16xi32>
    %add3A_939 = arith.addi %mul3A_888, %add3A_938 : vector<16xi32>
    %gather3A_940 = tpu.vector_load_idx %arg12[%add3A_939] : memref<2618xf32, #tpu.memory_space<vmem>>[vector<16xi32>], vector<16xf32>,
    tpu.vector_store_idx %arg11[%add3A_878, %broadcast_in_dim3A_331], %gather3A_940 : memref<512x16xf32, #tpu.memory_space<vmem>>[vector<16xi32>, vector<16xi32>], vector<16xf32>,
    %add3A_941 = arith.constant 625 : i32
    %add3A_942 = vector.broadcast %add3A_941 : i32 to vector<16xi32>
    %add3A_943 = arith.addi %mul3A_888, %add3A_942 : vector<16xi32>
    %gather3A_944 = tpu.vector_load_idx %arg12[%add3A_943] : memref<2618xf32, #tpu.memory_space<vmem>>[vector<16xi32>], vector<16xf32>,
    tpu.vector_store_idx %arg11[%add3A_878, %broadcast_in_dim3A_333], %gather3A_944 : memref<512x16xf32, #tpu.memory_space<vmem>>[vector<16xi32>, vector<16xi32>], vector<16xf32>,
    %add3A_945 = arith.constant 626 : i32
    %add3A_946 = vector.broadcast %add3A_945 : i32 to vector<16xi32>
    %add3A_947 = arith.addi %mul3A_888, %add3A_946 : vector<16xi32>
    %gather3A_948 = tpu.vector_load_idx %arg12[%add3A_947] : memref<2618xf32, #tpu.memory_space<vmem>>[vector<16xi32>], vector<16xf32>,
    tpu.vector_store_idx %arg11[%add3A_878, %broadcast_in_dim3A_335], %gather3A_948 : memref<512x16xf32, #tpu.memory_space<vmem>>[vector<16xi32>, vector<16xi32>], vector<16xf32>,
    %add3A_949 = arith.constant 627 : i32
    %add3A_950 = vector.broadcast %add3A_949 : i32 to vector<16xi32>
    %add3A_951 = arith.addi %mul3A_888, %add3A_950 : vector<16xi32>
    %gather3A_952 = tpu.vector_load_idx %arg12[%add3A_951] : memref<2618xf32, #tpu.memory_space<vmem>>[vector<16xi32>], vector<16xf32>,
    tpu.vector_store_idx %arg11[%add3A_878, %broadcast_in_dim3A_337], %gather3A_952 : memref<512x16xf32, #tpu.memory_space<vmem>>[vector<16xi32>, vector<16xi32>], vector<16xf32>,
    %add3A_953 = arith.constant 128 : i32
    %add3A_954 = vector.broadcast %add3A_953 : i32 to vector<16xi32>
    %add3A_955 = arith.addi %iota3A, %add3A_954 : vector<16xi32>
    %get3A_956 = arith.constant 640 : index
    %get3A_957 = tpu.vector_load %arg9[%get3A_956] {strides = array<i32>} : memref<1536xi32, #tpu.memory_space<vmem>>, vector<16xi32>,
    %mul3A_958 = arith.constant 6 : i32
    %mul3A_959 = vector.broadcast %mul3A_958 : i32 to vector<16xi32>
    %mul3A_960 = arith.muli %get3A_957, %mul3A_959 : vector<16xi32>
    %get3A_961 = arith.constant 1152 : index
    %get3A_962 = tpu.vector_load %arg9[%get3A_961] {strides = array<i32>} : memref<1536xi32, #tpu.memory_space<vmem>>, vector<16xi32>,
    %mul3A_963 = arith.constant 10 : i32
    %mul3A_964 = vector.broadcast %mul3A_963 : i32 to vector<16xi32>
    %mul3A_965 = arith.muli %get3A_962, %mul3A_964 : vector<16xi32>
    %add3A_966 = arith.constant 6 : i32
    %add3A_967 = vector.broadcast %add3A_966 : i32 to vector<16xi32>
    %add3A_968 = arith.addi %mul3A_960, %add3A_967 : vector<16xi32>
    %gather3A_969 = tpu.vector_load_idx %arg12[%add3A_968] : memref<2618xf32, #tpu.memory_space<vmem>>[vector<16xi32>], vector<16xf32>,
    tpu.vector_store_idx %arg11[%add3A_955, %broadcast_in_dim3A_307], %gather3A_969 : memref<512x16xf32, #tpu.memory_space<vmem>>[vector<16xi32>, vector<16xi32>], vector<16xf32>,
    %add3A_970 = arith.constant 7 : i32
    %add3A_971 = vector.broadcast %add3A_970 : i32 to vector<16xi32>
    %add3A_972 = arith.addi %mul3A_960, %add3A_971 : vector<16xi32>
    %gather3A_973 = tpu.vector_load_idx %arg12[%add3A_972] : memref<2618xf32, #tpu.memory_space<vmem>>[vector<16xi32>], vector<16xf32>,
    tpu.vector_store_idx %arg11[%add3A_955, %broadcast_in_dim3A_309], %gather3A_973 : memref<512x16xf32, #tpu.memory_space<vmem>>[vector<16xi32>, vector<16xi32>], vector<16xf32>,
    %add3A_974 = arith.constant 8 : i32
    %add3A_975 = vector.broadcast %add3A_974 : i32 to vector<16xi32>
    %add3A_976 = arith.addi %mul3A_960, %add3A_975 : vector<16xi32>
    %gather3A_977 = tpu.vector_load_idx %arg12[%add3A_976] : memref<2618xf32, #tpu.memory_space<vmem>>[vector<16xi32>], vector<16xf32>,
    tpu.vector_store_idx %arg11[%add3A_955, %broadcast_in_dim3A_311], %gather3A_977 : memref<512x16xf32, #tpu.memory_space<vmem>>[vector<16xi32>, vector<16xi32>], vector<16xf32>,
    %add3A_978 = arith.constant 9 : i32
    %add3A_979 = vector.broadcast %add3A_978 : i32 to vector<16xi32>
    %add3A_980 = arith.addi %mul3A_960, %add3A_979 : vector<16xi32>
    %gather3A_981 = tpu.vector_load_idx %arg12[%add3A_980] : memref<2618xf32, #tpu.memory_space<vmem>>[vector<16xi32>], vector<16xf32>,
    tpu.vector_store_idx %arg11[%add3A_955, %broadcast_in_dim3A_313], %gather3A_981 : memref<512x16xf32, #tpu.memory_space<vmem>>[vector<16xi32>, vector<16xi32>], vector<16xf32>,
    %add3A_982 = arith.constant 10 : i32
    %add3A_983 = vector.broadcast %add3A_982 : i32 to vector<16xi32>
    %add3A_984 = arith.addi %mul3A_960, %add3A_983 : vector<16xi32>
    %gather3A_985 = tpu.vector_load_idx %arg12[%add3A_984] : memref<2618xf32, #tpu.memory_space<vmem>>[vector<16xi32>], vector<16xf32>,
    tpu.vector_store_idx %arg11[%add3A_955, %broadcast_in_dim3A_315], %gather3A_985 : memref<512x16xf32, #tpu.memory_space<vmem>>[vector<16xi32>, vector<16xi32>], vector<16xf32>,
    %add3A_986 = arith.constant 11 : i32
    %add3A_987 = vector.broadcast %add3A_986 : i32 to vector<16xi32>
    %add3A_988 = arith.addi %mul3A_960, %add3A_987 : vector<16xi32>
    %gather3A_989 = tpu.vector_load_idx %arg12[%add3A_988] : memref<2618xf32, #tpu.memory_space<vmem>>[vector<16xi32>], vector<16xf32>,
    tpu.vector_store_idx %arg11[%add3A_955, %broadcast_in_dim3A_317], %gather3A_989 : memref<512x16xf32, #tpu.memory_space<vmem>>[vector<16xi32>, vector<16xi32>], vector<16xf32>,
    %add3A_990 = arith.constant 618 : i32
    %add3A_991 = vector.broadcast %add3A_990 : i32 to vector<16xi32>
    %add3A_992 = arith.addi %mul3A_965, %add3A_991 : vector<16xi32>
    %gather3A_993 = tpu.vector_load_idx %arg12[%add3A_992] : memref<2618xf32, #tpu.memory_space<vmem>>[vector<16xi32>], vector<16xf32>,
    tpu.vector_store_idx %arg11[%add3A_955, %broadcast_in_dim3A_319], %gather3A_993 : memref<512x16xf32, #tpu.memory_space<vmem>>[vector<16xi32>, vector<16xi32>], vector<16xf32>,
    %add3A_994 = arith.constant 619 : i32
    %add3A_995 = vector.broadcast %add3A_994 : i32 to vector<16xi32>
    %add3A_996 = arith.addi %mul3A_965, %add3A_995 : vector<16xi32>
    %gather3A_997 = tpu.vector_load_idx %arg12[%add3A_996] : memref<2618xf32, #tpu.memory_space<vmem>>[vector<16xi32>], vector<16xf32>,
    tpu.vector_store_idx %arg11[%add3A_955, %broadcast_in_dim3A_321], %gather3A_997 : memref<512x16xf32, #tpu.memory_space<vmem>>[vector<16xi32>, vector<16xi32>], vector<16xf32>,
    %add3A_998 = arith.constant 620 : i32
    %add3A_999 = vector.broadcast %add3A_998 : i32 to vector<16xi32>
    %add3A_1000 = arith.addi %mul3A_965, %add3A_999 : vector<16xi32>
    %gather3A_1001 = tpu.vector_load_idx %arg12[%add3A_1000] : memref<2618xf32, #tpu.memory_space<vmem>>[vector<16xi32>], vector<16xf32>,
    tpu.vector_store_idx %arg11[%add3A_955, %broadcast_in_dim3A_323], %gather3A_1001 : memref<512x16xf32, #tpu.memory_space<vmem>>[vector<16xi32>, vector<16xi32>], vector<16xf32>,
    %add3A_1002 = arith.constant 621 : i32
    %add3A_1003 = vector.broadcast %add3A_1002 : i32 to vector<16xi32>
    %add3A_1004 = arith.addi %mul3A_965, %add3A_1003 : vector<16xi32>
    %gather3A_1005 = tpu.vector_load_idx %arg12[%add3A_1004] : memref<2618xf32, #tpu.memory_space<vmem>>[vector<16xi32>], vector<16xf32>,
    tpu.vector_store_idx %arg11[%add3A_955, %broadcast_in_dim3A_325], %gather3A_1005 : memref<512x16xf32, #tpu.memory_space<vmem>>[vector<16xi32>, vector<16xi32>], vector<16xf32>,
    %add3A_1006 = arith.constant 622 : i32
    %add3A_1007 = vector.broadcast %add3A_1006 : i32 to vector<16xi32>
    %add3A_1008 = arith.addi %mul3A_965, %add3A_1007 : vector<16xi32>
    %gather3A_1009 = tpu.vector_load_idx %arg12[%add3A_1008] : memref<2618xf32, #tpu.memory_space<vmem>>[vector<16xi32>], vector<16xf32>,
    tpu.vector_store_idx %arg11[%add3A_955, %broadcast_in_dim3A_327], %gather3A_1009 : memref<512x16xf32, #tpu.memory_space<vmem>>[vector<16xi32>, vector<16xi32>], vector<16xf32>,
    %add3A_1010 = arith.constant 623 : i32
    %add3A_1011 = vector.broadcast %add3A_1010 : i32 to vector<16xi32>
    %add3A_1012 = arith.addi %mul3A_965, %add3A_1011 : vector<16xi32>
    %gather3A_1013 = tpu.vector_load_idx %arg12[%add3A_1012] : memref<2618xf32, #tpu.memory_space<vmem>>[vector<16xi32>], vector<16xf32>,
    tpu.vector_store_idx %arg11[%add3A_955, %broadcast_in_dim3A_329], %gather3A_1013 : memref<512x16xf32, #tpu.memory_space<vmem>>[vector<16xi32>, vector<16xi32>], vector<16xf32>,
    %add3A_1014 = arith.constant 624 : i32
    %add3A_1015 = vector.broadcast %add3A_1014 : i32 to vector<16xi32>
    %add3A_1016 = arith.addi %mul3A_965, %add3A_1015 : vector<16xi32>
    %gather3A_1017 = tpu.vector_load_idx %arg12[%add3A_1016] : memref<2618xf32, #tpu.memory_space<vmem>>[vector<16xi32>], vector<16xf32>,
    tpu.vector_store_idx %arg11[%add3A_955, %broadcast_in_dim3A_331], %gather3A_1017 : memref<512x16xf32, #tpu.memory_space<vmem>>[vector<16xi32>, vector<16xi32>], vector<16xf32>,
    %add3A_1018 = arith.constant 625 : i32
    %add3A_1019 = vector.broadcast %add3A_1018 : i32 to vector<16xi32>
    %add3A_1020 = arith.addi %mul3A_965, %add3A_1019 : vector<16xi32>
    %gather3A_1021 = tpu.vector_load_idx %arg12[%add3A_1020] : memref<2618xf32, #tpu.memory_space<vmem>>[vector<16xi32>], vector<16xf32>,
    tpu.vector_store_idx %arg11[%add3A_955, %broadcast_in_dim3A_333], %gather3A_1021 : memref<512x16xf32, #tpu.memory_space<vmem>>[vector<16xi32>, vector<16xi32>], vector<16xf32>,
    %add3A_1022 = arith.constant 626 : i32
    %add3A_1023 = vector.broadcast %add3A_1022 : i32 to vector<16xi32>
    %add3A_1024 = arith.addi %mul3A_965, %add3A_1023 : vector<16xi32>
    %gather3A_1025 = tpu.vector_load_idx %arg12[%add3A_1024] : memref<2618xf32, #tpu.memory_space<vmem>>[vector<16xi32>], vector<16xf32>,
    tpu.vector_store_idx %arg11[%add3A_955, %broadcast_in_dim3A_335], %gather3A_1025 : memref<512x16xf32, #tpu.memory_space<vmem>>[vector<16xi32>, vector<16xi32>], vector<16xf32>,
    %add3A_1026 = arith.constant 627 : i32
    %add3A_1027 = vector.broadcast %add3A_1026 : i32 to vector<16xi32>
    %add3A_1028 = arith.addi %mul3A_965, %add3A_1027 : vector<16xi32>
    %gather3A_1029 = tpu.vector_load_idx %arg12[%add3A_1028] : memref<2618xf32, #tpu.memory_space<vmem>>[vector<16xi32>], vector<16xf32>,
    tpu.vector_store_idx %arg11[%add3A_955, %broadcast_in_dim3A_337], %gather3A_1029 : memref<512x16xf32, #tpu.memory_space<vmem>>[vector<16xi32>, vector<16xi32>], vector<16xf32>,
    %add3A_1030 = arith.constant 144 : i32
    %add3A_1031 = vector.broadcast %add3A_1030 : i32 to vector<16xi32>
    %add3A_1032 = arith.addi %iota3A, %add3A_1031 : vector<16xi32>
    %get3A_1033 = arith.constant 656 : index
    %get3A_1034 = tpu.vector_load %arg9[%get3A_1033] {strides = array<i32>} : memref<1536xi32, #tpu.memory_space<vmem>>, vector<16xi32>,
    %mul3A_1035 = arith.constant 6 : i32
    %mul3A_1036 = vector.broadcast %mul3A_1035 : i32 to vector<16xi32>
    %mul3A_1037 = arith.muli %get3A_1034, %mul3A_1036 : vector<16xi32>
    %get3A_1038 = arith.constant 1168 : index
    %get3A_1039 = tpu.vector_load %arg9[%get3A_1038] {strides = array<i32>} : memref<1536xi32, #tpu.memory_space<vmem>>, vector<16xi32>,
    %mul3A_1040 = arith.constant 10 : i32
    %mul3A_1041 = vector.broadcast %mul3A_1040 : i32 to vector<16xi32>
    %mul3A_1042 = arith.muli %get3A_1039, %mul3A_1041 : vector<16xi32>
    %add3A_1043 = arith.constant 6 : i32
    %add3A_1044 = vector.broadcast %add3A_1043 : i32 to vector<16xi32>
    %add3A_1045 = arith.addi %mul3A_1037, %add3A_1044 : vector<16xi32>
    %gather3A_1046 = tpu.vector_load_idx %arg12[%add3A_1045] : memref<2618xf32, #tpu.memory_space<vmem>>[vector<16xi32>], vector<16xf32>,
    tpu.vector_store_idx %arg11[%add3A_1032, %broadcast_in_dim3A_307], %gather3A_1046 : memref<512x16xf32, #tpu.memory_space<vmem>>[vector<16xi32>, vector<16xi32>], vector<16xf32>,
    %add3A_1047 = arith.constant 7 : i32
    %add3A_1048 = vector.broadcast %add3A_1047 : i32 to vector<16xi32>
    %add3A_1049 = arith.addi %mul3A_1037, %add3A_1048 : vector<16xi32>
    %gather3A_1050 = tpu.vector_load_idx %arg12[%add3A_1049] : memref<2618xf32, #tpu.memory_space<vmem>>[vector<16xi32>], vector<16xf32>,
    tpu.vector_store_idx %arg11[%add3A_1032, %broadcast_in_dim3A_309], %gather3A_1050 : memref<512x16xf32, #tpu.memory_space<vmem>>[vector<16xi32>, vector<16xi32>], vector<16xf32>,
    %add3A_1051 = arith.constant 8 : i32
    %add3A_1052 = vector.broadcast %add3A_1051 : i32 to vector<16xi32>
    %add3A_1053 = arith.addi %mul3A_1037, %add3A_1052 : vector<16xi32>
    %gather3A_1054 = tpu.vector_load_idx %arg12[%add3A_1053] : memref<2618xf32, #tpu.memory_space<vmem>>[vector<16xi32>], vector<16xf32>,
    tpu.vector_store_idx %arg11[%add3A_1032, %broadcast_in_dim3A_311], %gather3A_1054 : memref<512x16xf32, #tpu.memory_space<vmem>>[vector<16xi32>, vector<16xi32>], vector<16xf32>,
    %add3A_1055 = arith.constant 9 : i32
    %add3A_1056 = vector.broadcast %add3A_1055 : i32 to vector<16xi32>
    %add3A_1057 = arith.addi %mul3A_1037, %add3A_1056 : vector<16xi32>
    %gather3A_1058 = tpu.vector_load_idx %arg12[%add3A_1057] : memref<2618xf32, #tpu.memory_space<vmem>>[vector<16xi32>], vector<16xf32>,
    tpu.vector_store_idx %arg11[%add3A_1032, %broadcast_in_dim3A_313], %gather3A_1058 : memref<512x16xf32, #tpu.memory_space<vmem>>[vector<16xi32>, vector<16xi32>], vector<16xf32>,
    %add3A_1059 = arith.constant 10 : i32
    %add3A_1060 = vector.broadcast %add3A_1059 : i32 to vector<16xi32>
    %add3A_1061 = arith.addi %mul3A_1037, %add3A_1060 : vector<16xi32>
    %gather3A_1062 = tpu.vector_load_idx %arg12[%add3A_1061] : memref<2618xf32, #tpu.memory_space<vmem>>[vector<16xi32>], vector<16xf32>,
    tpu.vector_store_idx %arg11[%add3A_1032, %broadcast_in_dim3A_315], %gather3A_1062 : memref<512x16xf32, #tpu.memory_space<vmem>>[vector<16xi32>, vector<16xi32>], vector<16xf32>,
    %add3A_1063 = arith.constant 11 : i32
    %add3A_1064 = vector.broadcast %add3A_1063 : i32 to vector<16xi32>
    %add3A_1065 = arith.addi %mul3A_1037, %add3A_1064 : vector<16xi32>
    %gather3A_1066 = tpu.vector_load_idx %arg12[%add3A_1065] : memref<2618xf32, #tpu.memory_space<vmem>>[vector<16xi32>], vector<16xf32>,
    tpu.vector_store_idx %arg11[%add3A_1032, %broadcast_in_dim3A_317], %gather3A_1066 : memref<512x16xf32, #tpu.memory_space<vmem>>[vector<16xi32>, vector<16xi32>], vector<16xf32>,
    %add3A_1067 = arith.constant 618 : i32
    %add3A_1068 = vector.broadcast %add3A_1067 : i32 to vector<16xi32>
    %add3A_1069 = arith.addi %mul3A_1042, %add3A_1068 : vector<16xi32>
    %gather3A_1070 = tpu.vector_load_idx %arg12[%add3A_1069] : memref<2618xf32, #tpu.memory_space<vmem>>[vector<16xi32>], vector<16xf32>,
    tpu.vector_store_idx %arg11[%add3A_1032, %broadcast_in_dim3A_319], %gather3A_1070 : memref<512x16xf32, #tpu.memory_space<vmem>>[vector<16xi32>, vector<16xi32>], vector<16xf32>,
    %add3A_1071 = arith.constant 619 : i32
    %add3A_1072 = vector.broadcast %add3A_1071 : i32 to vector<16xi32>
    %add3A_1073 = arith.addi %mul3A_1042, %add3A_1072 : vector<16xi32>
    %gather3A_1074 = tpu.vector_load_idx %arg12[%add3A_1073] : memref<2618xf32, #tpu.memory_space<vmem>>[vector<16xi32>], vector<16xf32>,
    tpu.vector_store_idx %arg11[%add3A_1032, %broadcast_in_dim3A_321], %gather3A_1074 : memref<512x16xf32, #tpu.memory_space<vmem>>[vector<16xi32>, vector<16xi32>], vector<16xf32>,
    %add3A_1075 = arith.constant 620 : i32
    %add3A_1076 = vector.broadcast %add3A_1075 : i32 to vector<16xi32>
    %add3A_1077 = arith.addi %mul3A_1042, %add3A_1076 : vector<16xi32>
    %gather3A_1078 = tpu.vector_load_idx %arg12[%add3A_1077] : memref<2618xf32, #tpu.memory_space<vmem>>[vector<16xi32>], vector<16xf32>,
    tpu.vector_store_idx %arg11[%add3A_1032, %broadcast_in_dim3A_323], %gather3A_1078 : memref<512x16xf32, #tpu.memory_space<vmem>>[vector<16xi32>, vector<16xi32>], vector<16xf32>,
    %add3A_1079 = arith.constant 621 : i32
    %add3A_1080 = vector.broadcast %add3A_1079 : i32 to vector<16xi32>
    %add3A_1081 = arith.addi %mul3A_1042, %add3A_1080 : vector<16xi32>
    %gather3A_1082 = tpu.vector_load_idx %arg12[%add3A_1081] : memref<2618xf32, #tpu.memory_space<vmem>>[vector<16xi32>], vector<16xf32>,
    tpu.vector_store_idx %arg11[%add3A_1032, %broadcast_in_dim3A_325], %gather3A_1082 : memref<512x16xf32, #tpu.memory_space<vmem>>[vector<16xi32>, vector<16xi32>], vector<16xf32>,
    %add3A_1083 = arith.constant 622 : i32
    %add3A_1084 = vector.broadcast %add3A_1083 : i32 to vector<16xi32>
    %add3A_1085 = arith.addi %mul3A_1042, %add3A_1084 : vector<16xi32>
    %gather3A_1086 = tpu.vector_load_idx %arg12[%add3A_1085] : memref<2618xf32, #tpu.memory_space<vmem>>[vector<16xi32>], vector<16xf32>,
    tpu.vector_store_idx %arg11[%add3A_1032, %broadcast_in_dim3A_327], %gather3A_1086 : memref<512x16xf32, #tpu.memory_space<vmem>>[vector<16xi32>, vector<16xi32>], vector<16xf32>,
    %add3A_1087 = arith.constant 623 : i32
    %add3A_1088 = vector.broadcast %add3A_1087 : i32 to vector<16xi32>
    %add3A_1089 = arith.addi %mul3A_1042, %add3A_1088 : vector<16xi32>
    %gather3A_1090 = tpu.vector_load_idx %arg12[%add3A_1089] : memref<2618xf32, #tpu.memory_space<vmem>>[vector<16xi32>], vector<16xf32>,
    tpu.vector_store_idx %arg11[%add3A_1032, %broadcast_in_dim3A_329], %gather3A_1090 : memref<512x16xf32, #tpu.memory_space<vmem>>[vector<16xi32>, vector<16xi32>], vector<16xf32>,
    %add3A_1091 = arith.constant 624 : i32
    %add3A_1092 = vector.broadcast %add3A_1091 : i32 to vector<16xi32>
    %add3A_1093 = arith.addi %mul3A_1042, %add3A_1092 : vector<16xi32>
    %gather3A_1094 = tpu.vector_load_idx %arg12[%add3A_1093] : memref<2618xf32, #tpu.memory_space<vmem>>[vector<16xi32>], vector<16xf32>,
    tpu.vector_store_idx %arg11[%add3A_1032, %broadcast_in_dim3A_331], %gather3A_1094 : memref<512x16xf32, #tpu.memory_space<vmem>>[vector<16xi32>, vector<16xi32>], vector<16xf32>,
    %add3A_1095 = arith.constant 625 : i32
    %add3A_1096 = vector.broadcast %add3A_1095 : i32 to vector<16xi32>
    %add3A_1097 = arith.addi %mul3A_1042, %add3A_1096 : vector<16xi32>
    %gather3A_1098 = tpu.vector_load_idx %arg12[%add3A_1097] : memref<2618xf32, #tpu.memory_space<vmem>>[vector<16xi32>], vector<16xf32>,
    tpu.vector_store_idx %arg11[%add3A_1032, %broadcast_in_dim3A_333], %gather3A_1098 : memref<512x16xf32, #tpu.memory_space<vmem>>[vector<16xi32>, vector<16xi32>], vector<16xf32>,
    %add3A_1099 = arith.constant 626 : i32
    %add3A_1100 = vector.broadcast %add3A_1099 : i32 to vector<16xi32>
    %add3A_1101 = arith.addi %mul3A_1042, %add3A_1100 : vector<16xi32>
    %gather3A_1102 = tpu.vector_load_idx %arg12[%add3A_1101] : memref<2618xf32, #tpu.memory_space<vmem>>[vector<16xi32>], vector<16xf32>,
    tpu.vector_store_idx %arg11[%add3A_1032, %broadcast_in_dim3A_335], %gather3A_1102 : memref<512x16xf32, #tpu.memory_space<vmem>>[vector<16xi32>, vector<16xi32>], vector<16xf32>,
    %add3A_1103 = arith.constant 627 : i32
    %add3A_1104 = vector.broadcast %add3A_1103 : i32 to vector<16xi32>
    %add3A_1105 = arith.addi %mul3A_1042, %add3A_1104 : vector<16xi32>
    %gather3A_1106 = tpu.vector_load_idx %arg12[%add3A_1105] : memref<2618xf32, #tpu.memory_space<vmem>>[vector<16xi32>], vector<16xf32>,
    tpu.vector_store_idx %arg11[%add3A_1032, %broadcast_in_dim3A_337], %gather3A_1106 : memref<512x16xf32, #tpu.memory_space<vmem>>[vector<16xi32>, vector<16xi32>], vector<16xf32>,
    %add3A_1107 = arith.constant 160 : i32
    %add3A_1108 = vector.broadcast %add3A_1107 : i32 to vector<16xi32>
    %add3A_1109 = arith.addi %iota3A, %add3A_1108 : vector<16xi32>
    %get3A_1110 = arith.constant 672 : index
    %get3A_1111 = tpu.vector_load %arg9[%get3A_1110] {strides = array<i32>} : memref<1536xi32, #tpu.memory_space<vmem>>, vector<16xi32>,
    %mul3A_1112 = arith.constant 6 : i32
    %mul3A_1113 = vector.broadcast %mul3A_1112 : i32 to vector<16xi32>
    %mul3A_1114 = arith.muli %get3A_1111, %mul3A_1113 : vector<16xi32>
    %get3A_1115 = arith.constant 1184 : index
    %get3A_1116 = tpu.vector_load %arg9[%get3A_1115] {strides = array<i32>} : memref<1536xi32, #tpu.memory_space<vmem>>, vector<16xi32>,
    %mul3A_1117 = arith.constant 10 : i32
    %mul3A_1118 = vector.broadcast %mul3A_1117 : i32 to vector<16xi32>
    %mul3A_1119 = arith.muli %get3A_1116, %mul3A_1118 : vector<16xi32>
    %add3A_1120 = arith.constant 6 : i32
    %add3A_1121 = vector.broadcast %add3A_1120 : i32 to vector<16xi32>
    %add3A_1122 = arith.addi %mul3A_1114, %add3A_1121 : vector<16xi32>
    %gather3A_1123 = tpu.vector_load_idx %arg12[%add3A_1122] : memref<2618xf32, #tpu.memory_space<vmem>>[vector<16xi32>], vector<16xf32>,
    tpu.vector_store_idx %arg11[%add3A_1109, %broadcast_in_dim3A_307], %gather3A_1123 : memref<512x16xf32, #tpu.memory_space<vmem>>[vector<16xi32>, vector<16xi32>], vector<16xf32>,
    %add3A_1124 = arith.constant 7 : i32
    %add3A_1125 = vector.broadcast %add3A_1124 : i32 to vector<16xi32>
    %add3A_1126 = arith.addi %mul3A_1114, %add3A_1125 : vector<16xi32>
    %gather3A_1127 = tpu.vector_load_idx %arg12[%add3A_1126] : memref<2618xf32, #tpu.memory_space<vmem>>[vector<16xi32>], vector<16xf32>,
    tpu.vector_store_idx %arg11[%add3A_1109, %broadcast_in_dim3A_309], %gather3A_1127 : memref<512x16xf32, #tpu.memory_space<vmem>>[vector<16xi32>, vector<16xi32>], vector<16xf32>,
    %add3A_1128 = arith.constant 8 : i32
    %add3A_1129 = vector.broadcast %add3A_1128 : i32 to vector<16xi32>
    %add3A_1130 = arith.addi %mul3A_1114, %add3A_1129 : vector<16xi32>
    %gather3A_1131 = tpu.vector_load_idx %arg12[%add3A_1130] : memref<2618xf32, #tpu.memory_space<vmem>>[vector<16xi32>], vector<16xf32>,
    tpu.vector_store_idx %arg11[%add3A_1109, %broadcast_in_dim3A_311], %gather3A_1131 : memref<512x16xf32, #tpu.memory_space<vmem>>[vector<16xi32>, vector<16xi32>], vector<16xf32>,
    %add3A_1132 = arith.constant 9 : i32
    %add3A_1133 = vector.broadcast %add3A_1132 : i32 to vector<16xi32>
    %add3A_1134 = arith.addi %mul3A_1114, %add3A_1133 : vector<16xi32>
    %gather3A_1135 = tpu.vector_load_idx %arg12[%add3A_1134] : memref<2618xf32, #tpu.memory_space<vmem>>[vector<16xi32>], vector<16xf32>,
    tpu.vector_store_idx %arg11[%add3A_1109, %broadcast_in_dim3A_313], %gather3A_1135 : memref<512x16xf32, #tpu.memory_space<vmem>>[vector<16xi32>, vector<16xi32>], vector<16xf32>,
    %add3A_1136 = arith.constant 10 : i32
    %add3A_1137 = vector.broadcast %add3A_1136 : i32 to vector<16xi32>
    %add3A_1138 = arith.addi %mul3A_1114, %add3A_1137 : vector<16xi32>
    %gather3A_1139 = tpu.vector_load_idx %arg12[%add3A_1138] : memref<2618xf32, #tpu.memory_space<vmem>>[vector<16xi32>], vector<16xf32>,
    tpu.vector_store_idx %arg11[%add3A_1109, %broadcast_in_dim3A_315], %gather3A_1139 : memref<512x16xf32, #tpu.memory_space<vmem>>[vector<16xi32>, vector<16xi32>], vector<16xf32>,
    %add3A_1140 = arith.constant 11 : i32
    %add3A_1141 = vector.broadcast %add3A_1140 : i32 to vector<16xi32>
    %add3A_1142 = arith.addi %mul3A_1114, %add3A_1141 : vector<16xi32>
    %gather3A_1143 = tpu.vector_load_idx %arg12[%add3A_1142] : memref<2618xf32, #tpu.memory_space<vmem>>[vector<16xi32>], vector<16xf32>,
    tpu.vector_store_idx %arg11[%add3A_1109, %broadcast_in_dim3A_317], %gather3A_1143 : memref<512x16xf32, #tpu.memory_space<vmem>>[vector<16xi32>, vector<16xi32>], vector<16xf32>,
    %add3A_1144 = arith.constant 618 : i32
    %add3A_1145 = vector.broadcast %add3A_1144 : i32 to vector<16xi32>
    %add3A_1146 = arith.addi %mul3A_1119, %add3A_1145 : vector<16xi32>
    %gather3A_1147 = tpu.vector_load_idx %arg12[%add3A_1146] : memref<2618xf32, #tpu.memory_space<vmem>>[vector<16xi32>], vector<16xf32>,
    tpu.vector_store_idx %arg11[%add3A_1109, %broadcast_in_dim3A_319], %gather3A_1147 : memref<512x16xf32, #tpu.memory_space<vmem>>[vector<16xi32>, vector<16xi32>], vector<16xf32>,
    %add3A_1148 = arith.constant 619 : i32
    %add3A_1149 = vector.broadcast %add3A_1148 : i32 to vector<16xi32>
    %add3A_1150 = arith.addi %mul3A_1119, %add3A_1149 : vector<16xi32>
    %gather3A_1151 = tpu.vector_load_idx %arg12[%add3A_1150] : memref<2618xf32, #tpu.memory_space<vmem>>[vector<16xi32>], vector<16xf32>,
    tpu.vector_store_idx %arg11[%add3A_1109, %broadcast_in_dim3A_321], %gather3A_1151 : memref<512x16xf32, #tpu.memory_space<vmem>>[vector<16xi32>, vector<16xi32>], vector<16xf32>,
    %add3A_1152 = arith.constant 620 : i32
    %add3A_1153 = vector.broadcast %add3A_1152 : i32 to vector<16xi32>
    %add3A_1154 = arith.addi %mul3A_1119, %add3A_1153 : vector<16xi32>
    %gather3A_1155 = tpu.vector_load_idx %arg12[%add3A_1154] : memref<2618xf32, #tpu.memory_space<vmem>>[vector<16xi32>], vector<16xf32>,
    tpu.vector_store_idx %arg11[%add3A_1109, %broadcast_in_dim3A_323], %gather3A_1155 : memref<512x16xf32, #tpu.memory_space<vmem>>[vector<16xi32>, vector<16xi32>], vector<16xf32>,
    %add3A_1156 = arith.constant 621 : i32
    %add3A_1157 = vector.broadcast %add3A_1156 : i32 to vector<16xi32>
    %add3A_1158 = arith.addi %mul3A_1119, %add3A_1157 : vector<16xi32>
    %gather3A_1159 = tpu.vector_load_idx %arg12[%add3A_1158] : memref<2618xf32, #tpu.memory_space<vmem>>[vector<16xi32>], vector<16xf32>,
    tpu.vector_store_idx %arg11[%add3A_1109, %broadcast_in_dim3A_325], %gather3A_1159 : memref<512x16xf32, #tpu.memory_space<vmem>>[vector<16xi32>, vector<16xi32>], vector<16xf32>,
    %add3A_1160 = arith.constant 622 : i32
    %add3A_1161 = vector.broadcast %add3A_1160 : i32 to vector<16xi32>
    %add3A_1162 = arith.addi %mul3A_1119, %add3A_1161 : vector<16xi32>
    %gather3A_1163 = tpu.vector_load_idx %arg12[%add3A_1162] : memref<2618xf32, #tpu.memory_space<vmem>>[vector<16xi32>], vector<16xf32>,
    tpu.vector_store_idx %arg11[%add3A_1109, %broadcast_in_dim3A_327], %gather3A_1163 : memref<512x16xf32, #tpu.memory_space<vmem>>[vector<16xi32>, vector<16xi32>], vector<16xf32>,
    %add3A_1164 = arith.constant 623 : i32
    %add3A_1165 = vector.broadcast %add3A_1164 : i32 to vector<16xi32>
    %add3A_1166 = arith.addi %mul3A_1119, %add3A_1165 : vector<16xi32>
    %gather3A_1167 = tpu.vector_load_idx %arg12[%add3A_1166] : memref<2618xf32, #tpu.memory_space<vmem>>[vector<16xi32>], vector<16xf32>,
    tpu.vector_store_idx %arg11[%add3A_1109, %broadcast_in_dim3A_329], %gather3A_1167 : memref<512x16xf32, #tpu.memory_space<vmem>>[vector<16xi32>, vector<16xi32>], vector<16xf32>,
    %add3A_1168 = arith.constant 624 : i32
    %add3A_1169 = vector.broadcast %add3A_1168 : i32 to vector<16xi32>
    %add3A_1170 = arith.addi %mul3A_1119, %add3A_1169 : vector<16xi32>
    %gather3A_1171 = tpu.vector_load_idx %arg12[%add3A_1170] : memref<2618xf32, #tpu.memory_space<vmem>>[vector<16xi32>], vector<16xf32>,
    tpu.vector_store_idx %arg11[%add3A_1109, %broadcast_in_dim3A_331], %gather3A_1171 : memref<512x16xf32, #tpu.memory_space<vmem>>[vector<16xi32>, vector<16xi32>], vector<16xf32>,
    %add3A_1172 = arith.constant 625 : i32
    %add3A_1173 = vector.broadcast %add3A_1172 : i32 to vector<16xi32>
    %add3A_1174 = arith.addi %mul3A_1119, %add3A_1173 : vector<16xi32>
    %gather3A_1175 = tpu.vector_load_idx %arg12[%add3A_1174] : memref<2618xf32, #tpu.memory_space<vmem>>[vector<16xi32>], vector<16xf32>,
    tpu.vector_store_idx %arg11[%add3A_1109, %broadcast_in_dim3A_333], %gather3A_1175 : memref<512x16xf32, #tpu.memory_space<vmem>>[vector<16xi32>, vector<16xi32>], vector<16xf32>,
    %add3A_1176 = arith.constant 626 : i32
    %add3A_1177 = vector.broadcast %add3A_1176 : i32 to vector<16xi32>
    %add3A_1178 = arith.addi %mul3A_1119, %add3A_1177 : vector<16xi32>
    %gather3A_1179 = tpu.vector_load_idx %arg12[%add3A_1178] : memref<2618xf32, #tpu.memory_space<vmem>>[vector<16xi32>], vector<16xf32>,
    tpu.vector_store_idx %arg11[%add3A_1109, %broadcast_in_dim3A_335], %gather3A_1179 : memref<512x16xf32, #tpu.memory_space<vmem>>[vector<16xi32>, vector<16xi32>], vector<16xf32>,
    %add3A_1180 = arith.constant 627 : i32
    %add3A_1181 = vector.broadcast %add3A_1180 : i32 to vector<16xi32>
    %add3A_1182 = arith.addi %mul3A_1119, %add3A_1181 : vector<16xi32>
    %gather3A_1183 = tpu.vector_load_idx %arg12[%add3A_1182] : memref<2618xf32, #tpu.memory_space<vmem>>[vector<16xi32>], vector<16xf32>,
    tpu.vector_store_idx %arg11[%add3A_1109, %broadcast_in_dim3A_337], %gather3A_1183 : memref<512x16xf32, #tpu.memory_space<vmem>>[vector<16xi32>, vector<16xi32>], vector<16xf32>,
    %add3A_1184 = arith.constant 176 : i32
    %add3A_1185 = vector.broadcast %add3A_1184 : i32 to vector<16xi32>
    %add3A_1186 = arith.addi %iota3A, %add3A_1185 : vector<16xi32>
    %get3A_1187 = arith.constant 688 : index
    %get3A_1188 = tpu.vector_load %arg9[%get3A_1187] {strides = array<i32>} : memref<1536xi32, #tpu.memory_space<vmem>>, vector<16xi32>,
    %mul3A_1189 = arith.constant 6 : i32
    %mul3A_1190 = vector.broadcast %mul3A_1189 : i32 to vector<16xi32>
    %mul3A_1191 = arith.muli %get3A_1188, %mul3A_1190 : vector<16xi32>
    %get3A_1192 = arith.constant 1200 : index
    %get3A_1193 = tpu.vector_load %arg9[%get3A_1192] {strides = array<i32>} : memref<1536xi32, #tpu.memory_space<vmem>>, vector<16xi32>,
    %mul3A_1194 = arith.constant 10 : i32
    %mul3A_1195 = vector.broadcast %mul3A_1194 : i32 to vector<16xi32>
    %mul3A_1196 = arith.muli %get3A_1193, %mul3A_1195 : vector<16xi32>
    %add3A_1197 = arith.constant 6 : i32
    %add3A_1198 = vector.broadcast %add3A_1197 : i32 to vector<16xi32>
    %add3A_1199 = arith.addi %mul3A_1191, %add3A_1198 : vector<16xi32>
    %gather3A_1200 = tpu.vector_load_idx %arg12[%add3A_1199] : memref<2618xf32, #tpu.memory_space<vmem>>[vector<16xi32>], vector<16xf32>,
    tpu.vector_store_idx %arg11[%add3A_1186, %broadcast_in_dim3A_307], %gather3A_1200 : memref<512x16xf32, #tpu.memory_space<vmem>>[vector<16xi32>, vector<16xi32>], vector<16xf32>,
    %add3A_1201 = arith.constant 7 : i32
    %add3A_1202 = vector.broadcast %add3A_1201 : i32 to vector<16xi32>
    %add3A_1203 = arith.addi %mul3A_1191, %add3A_1202 : vector<16xi32>
    %gather3A_1204 = tpu.vector_load_idx %arg12[%add3A_1203] : memref<2618xf32, #tpu.memory_space<vmem>>[vector<16xi32>], vector<16xf32>,
    tpu.vector_store_idx %arg11[%add3A_1186, %broadcast_in_dim3A_309], %gather3A_1204 : memref<512x16xf32, #tpu.memory_space<vmem>>[vector<16xi32>, vector<16xi32>], vector<16xf32>,
    %add3A_1205 = arith.constant 8 : i32
    %add3A_1206 = vector.broadcast %add3A_1205 : i32 to vector<16xi32>
    %add3A_1207 = arith.addi %mul3A_1191, %add3A_1206 : vector<16xi32>
    %gather3A_1208 = tpu.vector_load_idx %arg12[%add3A_1207] : memref<2618xf32, #tpu.memory_space<vmem>>[vector<16xi32>], vector<16xf32>,
    tpu.vector_store_idx %arg11[%add3A_1186, %broadcast_in_dim3A_311], %gather3A_1208 : memref<512x16xf32, #tpu.memory_space<vmem>>[vector<16xi32>, vector<16xi32>], vector<16xf32>,
    %add3A_1209 = arith.constant 9 : i32
    %add3A_1210 = vector.broadcast %add3A_1209 : i32 to vector<16xi32>
    %add3A_1211 = arith.addi %mul3A_1191, %add3A_1210 : vector<16xi32>
    %gather3A_1212 = tpu.vector_load_idx %arg12[%add3A_1211] : memref<2618xf32, #tpu.memory_space<vmem>>[vector<16xi32>], vector<16xf32>,
    tpu.vector_store_idx %arg11[%add3A_1186, %broadcast_in_dim3A_313], %gather3A_1212 : memref<512x16xf32, #tpu.memory_space<vmem>>[vector<16xi32>, vector<16xi32>], vector<16xf32>,
    %add3A_1213 = arith.constant 10 : i32
    %add3A_1214 = vector.broadcast %add3A_1213 : i32 to vector<16xi32>
    %add3A_1215 = arith.addi %mul3A_1191, %add3A_1214 : vector<16xi32>
    %gather3A_1216 = tpu.vector_load_idx %arg12[%add3A_1215] : memref<2618xf32, #tpu.memory_space<vmem>>[vector<16xi32>], vector<16xf32>,
    tpu.vector_store_idx %arg11[%add3A_1186, %broadcast_in_dim3A_315], %gather3A_1216 : memref<512x16xf32, #tpu.memory_space<vmem>>[vector<16xi32>, vector<16xi32>], vector<16xf32>,
    %add3A_1217 = arith.constant 11 : i32
    %add3A_1218 = vector.broadcast %add3A_1217 : i32 to vector<16xi32>
    %add3A_1219 = arith.addi %mul3A_1191, %add3A_1218 : vector<16xi32>
    %gather3A_1220 = tpu.vector_load_idx %arg12[%add3A_1219] : memref<2618xf32, #tpu.memory_space<vmem>>[vector<16xi32>], vector<16xf32>,
    tpu.vector_store_idx %arg11[%add3A_1186, %broadcast_in_dim3A_317], %gather3A_1220 : memref<512x16xf32, #tpu.memory_space<vmem>>[vector<16xi32>, vector<16xi32>], vector<16xf32>,
    %add3A_1221 = arith.constant 618 : i32
    %add3A_1222 = vector.broadcast %add3A_1221 : i32 to vector<16xi32>
    %add3A_1223 = arith.addi %mul3A_1196, %add3A_1222 : vector<16xi32>
    %gather3A_1224 = tpu.vector_load_idx %arg12[%add3A_1223] : memref<2618xf32, #tpu.memory_space<vmem>>[vector<16xi32>], vector<16xf32>,
    tpu.vector_store_idx %arg11[%add3A_1186, %broadcast_in_dim3A_319], %gather3A_1224 : memref<512x16xf32, #tpu.memory_space<vmem>>[vector<16xi32>, vector<16xi32>], vector<16xf32>,
    %add3A_1225 = arith.constant 619 : i32
    %add3A_1226 = vector.broadcast %add3A_1225 : i32 to vector<16xi32>
    %add3A_1227 = arith.addi %mul3A_1196, %add3A_1226 : vector<16xi32>
    %gather3A_1228 = tpu.vector_load_idx %arg12[%add3A_1227] : memref<2618xf32, #tpu.memory_space<vmem>>[vector<16xi32>], vector<16xf32>,
    tpu.vector_store_idx %arg11[%add3A_1186, %broadcast_in_dim3A_321], %gather3A_1228 : memref<512x16xf32, #tpu.memory_space<vmem>>[vector<16xi32>, vector<16xi32>], vector<16xf32>,
    %add3A_1229 = arith.constant 620 : i32
    %add3A_1230 = vector.broadcast %add3A_1229 : i32 to vector<16xi32>
    %add3A_1231 = arith.addi %mul3A_1196, %add3A_1230 : vector<16xi32>
    %gather3A_1232 = tpu.vector_load_idx %arg12[%add3A_1231] : memref<2618xf32, #tpu.memory_space<vmem>>[vector<16xi32>], vector<16xf32>,
    tpu.vector_store_idx %arg11[%add3A_1186, %broadcast_in_dim3A_323], %gather3A_1232 : memref<512x16xf32, #tpu.memory_space<vmem>>[vector<16xi32>, vector<16xi32>], vector<16xf32>,
    %add3A_1233 = arith.constant 621 : i32
    %add3A_1234 = vector.broadcast %add3A_1233 : i32 to vector<16xi32>
    %add3A_1235 = arith.addi %mul3A_1196, %add3A_1234 : vector<16xi32>
    %gather3A_1236 = tpu.vector_load_idx %arg12[%add3A_1235] : memref<2618xf32, #tpu.memory_space<vmem>>[vector<16xi32>], vector<16xf32>,
    tpu.vector_store_idx %arg11[%add3A_1186, %broadcast_in_dim3A_325], %gather3A_1236 : memref<512x16xf32, #tpu.memory_space<vmem>>[vector<16xi32>, vector<16xi32>], vector<16xf32>,
    %add3A_1237 = arith.constant 622 : i32
    %add3A_1238 = vector.broadcast %add3A_1237 : i32 to vector<16xi32>
    %add3A_1239 = arith.addi %mul3A_1196, %add3A_1238 : vector<16xi32>
    %gather3A_1240 = tpu.vector_load_idx %arg12[%add3A_1239] : memref<2618xf32, #tpu.memory_space<vmem>>[vector<16xi32>], vector<16xf32>,
    tpu.vector_store_idx %arg11[%add3A_1186, %broadcast_in_dim3A_327], %gather3A_1240 : memref<512x16xf32, #tpu.memory_space<vmem>>[vector<16xi32>, vector<16xi32>], vector<16xf32>,
    %add3A_1241 = arith.constant 623 : i32
    %add3A_1242 = vector.broadcast %add3A_1241 : i32 to vector<16xi32>
    %add3A_1243 = arith.addi %mul3A_1196, %add3A_1242 : vector<16xi32>
    %gather3A_1244 = tpu.vector_load_idx %arg12[%add3A_1243] : memref<2618xf32, #tpu.memory_space<vmem>>[vector<16xi32>], vector<16xf32>,
    tpu.vector_store_idx %arg11[%add3A_1186, %broadcast_in_dim3A_329], %gather3A_1244 : memref<512x16xf32, #tpu.memory_space<vmem>>[vector<16xi32>, vector<16xi32>], vector<16xf32>,
    %add3A_1245 = arith.constant 624 : i32
    %add3A_1246 = vector.broadcast %add3A_1245 : i32 to vector<16xi32>
    %add3A_1247 = arith.addi %mul3A_1196, %add3A_1246 : vector<16xi32>
    %gather3A_1248 = tpu.vector_load_idx %arg12[%add3A_1247] : memref<2618xf32, #tpu.memory_space<vmem>>[vector<16xi32>], vector<16xf32>,
    tpu.vector_store_idx %arg11[%add3A_1186, %broadcast_in_dim3A_331], %gather3A_1248 : memref<512x16xf32, #tpu.memory_space<vmem>>[vector<16xi32>, vector<16xi32>], vector<16xf32>,
    %add3A_1249 = arith.constant 625 : i32
    %add3A_1250 = vector.broadcast %add3A_1249 : i32 to vector<16xi32>
    %add3A_1251 = arith.addi %mul3A_1196, %add3A_1250 : vector<16xi32>
    %gather3A_1252 = tpu.vector_load_idx %arg12[%add3A_1251] : memref<2618xf32, #tpu.memory_space<vmem>>[vector<16xi32>], vector<16xf32>,
    tpu.vector_store_idx %arg11[%add3A_1186, %broadcast_in_dim3A_333], %gather3A_1252 : memref<512x16xf32, #tpu.memory_space<vmem>>[vector<16xi32>, vector<16xi32>], vector<16xf32>,
    %add3A_1253 = arith.constant 626 : i32
    %add3A_1254 = vector.broadcast %add3A_1253 : i32 to vector<16xi32>
    %add3A_1255 = arith.addi %mul3A_1196, %add3A_1254 : vector<16xi32>
    %gather3A_1256 = tpu.vector_load_idx %arg12[%add3A_1255] : memref<2618xf32, #tpu.memory_space<vmem>>[vector<16xi32>], vector<16xf32>,
    tpu.vector_store_idx %arg11[%add3A_1186, %broadcast_in_dim3A_335], %gather3A_1256 : memref<512x16xf32, #tpu.memory_space<vmem>>[vector<16xi32>, vector<16xi32>], vector<16xf32>,
    %add3A_1257 = arith.constant 627 : i32
    %add3A_1258 = vector.broadcast %add3A_1257 : i32 to vector<16xi32>
    %add3A_1259 = arith.addi %mul3A_1196, %add3A_1258 : vector<16xi32>
    %gather3A_1260 = tpu.vector_load_idx %arg12[%add3A_1259] : memref<2618xf32, #tpu.memory_space<vmem>>[vector<16xi32>], vector<16xf32>,
    tpu.vector_store_idx %arg11[%add3A_1186, %broadcast_in_dim3A_337], %gather3A_1260 : memref<512x16xf32, #tpu.memory_space<vmem>>[vector<16xi32>, vector<16xi32>], vector<16xf32>,
    %add3A_1261 = arith.constant 192 : i32
    %add3A_1262 = vector.broadcast %add3A_1261 : i32 to vector<16xi32>
    %add3A_1263 = arith.addi %iota3A, %add3A_1262 : vector<16xi32>
    %get3A_1264 = arith.constant 704 : index
    %get3A_1265 = tpu.vector_load %arg9[%get3A_1264] {strides = array<i32>} : memref<1536xi32, #tpu.memory_space<vmem>>, vector<16xi32>,
    %mul3A_1266 = arith.constant 6 : i32
    %mul3A_1267 = vector.broadcast %mul3A_1266 : i32 to vector<16xi32>
    %mul3A_1268 = arith.muli %get3A_1265, %mul3A_1267 : vector<16xi32>
    %get3A_1269 = arith.constant 1216 : index
    %get3A_1270 = tpu.vector_load %arg9[%get3A_1269] {strides = array<i32>} : memref<1536xi32, #tpu.memory_space<vmem>>, vector<16xi32>,
    %mul3A_1271 = arith.constant 10 : i32
    %mul3A_1272 = vector.broadcast %mul3A_1271 : i32 to vector<16xi32>
    %mul3A_1273 = arith.muli %get3A_1270, %mul3A_1272 : vector<16xi32>
    %add3A_1274 = arith.constant 6 : i32
    %add3A_1275 = vector.broadcast %add3A_1274 : i32 to vector<16xi32>
    %add3A_1276 = arith.addi %mul3A_1268, %add3A_1275 : vector<16xi32>
    %gather3A_1277 = tpu.vector_load_idx %arg12[%add3A_1276] : memref<2618xf32, #tpu.memory_space<vmem>>[vector<16xi32>], vector<16xf32>,
    tpu.vector_store_idx %arg11[%add3A_1263, %broadcast_in_dim3A_307], %gather3A_1277 : memref<512x16xf32, #tpu.memory_space<vmem>>[vector<16xi32>, vector<16xi32>], vector<16xf32>,
    %add3A_1278 = arith.constant 7 : i32
    %add3A_1279 = vector.broadcast %add3A_1278 : i32 to vector<16xi32>
    %add3A_1280 = arith.addi %mul3A_1268, %add3A_1279 : vector<16xi32>
    %gather3A_1281 = tpu.vector_load_idx %arg12[%add3A_1280] : memref<2618xf32, #tpu.memory_space<vmem>>[vector<16xi32>], vector<16xf32>,
    tpu.vector_store_idx %arg11[%add3A_1263, %broadcast_in_dim3A_309], %gather3A_1281 : memref<512x16xf32, #tpu.memory_space<vmem>>[vector<16xi32>, vector<16xi32>], vector<16xf32>,
    %add3A_1282 = arith.constant 8 : i32
    %add3A_1283 = vector.broadcast %add3A_1282 : i32 to vector<16xi32>
    %add3A_1284 = arith.addi %mul3A_1268, %add3A_1283 : vector<16xi32>
    %gather3A_1285 = tpu.vector_load_idx %arg12[%add3A_1284] : memref<2618xf32, #tpu.memory_space<vmem>>[vector<16xi32>], vector<16xf32>,
    tpu.vector_store_idx %arg11[%add3A_1263, %broadcast_in_dim3A_311], %gather3A_1285 : memref<512x16xf32, #tpu.memory_space<vmem>>[vector<16xi32>, vector<16xi32>], vector<16xf32>,
    %add3A_1286 = arith.constant 9 : i32
    %add3A_1287 = vector.broadcast %add3A_1286 : i32 to vector<16xi32>
    %add3A_1288 = arith.addi %mul3A_1268, %add3A_1287 : vector<16xi32>
    %gather3A_1289 = tpu.vector_load_idx %arg12[%add3A_1288] : memref<2618xf32, #tpu.memory_space<vmem>>[vector<16xi32>], vector<16xf32>,
    tpu.vector_store_idx %arg11[%add3A_1263, %broadcast_in_dim3A_313], %gather3A_1289 : memref<512x16xf32, #tpu.memory_space<vmem>>[vector<16xi32>, vector<16xi32>], vector<16xf32>,
    %add3A_1290 = arith.constant 10 : i32
    %add3A_1291 = vector.broadcast %add3A_1290 : i32 to vector<16xi32>
    %add3A_1292 = arith.addi %mul3A_1268, %add3A_1291 : vector<16xi32>
    %gather3A_1293 = tpu.vector_load_idx %arg12[%add3A_1292] : memref<2618xf32, #tpu.memory_space<vmem>>[vector<16xi32>], vector<16xf32>,
    tpu.vector_store_idx %arg11[%add3A_1263, %broadcast_in_dim3A_315], %gather3A_1293 : memref<512x16xf32, #tpu.memory_space<vmem>>[vector<16xi32>, vector<16xi32>], vector<16xf32>,
    %add3A_1294 = arith.constant 11 : i32
    %add3A_1295 = vector.broadcast %add3A_1294 : i32 to vector<16xi32>
    %add3A_1296 = arith.addi %mul3A_1268, %add3A_1295 : vector<16xi32>
    %gather3A_1297 = tpu.vector_load_idx %arg12[%add3A_1296] : memref<2618xf32, #tpu.memory_space<vmem>>[vector<16xi32>], vector<16xf32>,
    tpu.vector_store_idx %arg11[%add3A_1263, %broadcast_in_dim3A_317], %gather3A_1297 : memref<512x16xf32, #tpu.memory_space<vmem>>[vector<16xi32>, vector<16xi32>], vector<16xf32>,
    %add3A_1298 = arith.constant 618 : i32
    %add3A_1299 = vector.broadcast %add3A_1298 : i32 to vector<16xi32>
    %add3A_1300 = arith.addi %mul3A_1273, %add3A_1299 : vector<16xi32>
    %gather3A_1301 = tpu.vector_load_idx %arg12[%add3A_1300] : memref<2618xf32, #tpu.memory_space<vmem>>[vector<16xi32>], vector<16xf32>,
    tpu.vector_store_idx %arg11[%add3A_1263, %broadcast_in_dim3A_319], %gather3A_1301 : memref<512x16xf32, #tpu.memory_space<vmem>>[vector<16xi32>, vector<16xi32>], vector<16xf32>,
    %add3A_1302 = arith.constant 619 : i32
    %add3A_1303 = vector.broadcast %add3A_1302 : i32 to vector<16xi32>
    %add3A_1304 = arith.addi %mul3A_1273, %add3A_1303 : vector<16xi32>
    %gather3A_1305 = tpu.vector_load_idx %arg12[%add3A_1304] : memref<2618xf32, #tpu.memory_space<vmem>>[vector<16xi32>], vector<16xf32>,
    tpu.vector_store_idx %arg11[%add3A_1263, %broadcast_in_dim3A_321], %gather3A_1305 : memref<512x16xf32, #tpu.memory_space<vmem>>[vector<16xi32>, vector<16xi32>], vector<16xf32>,
    %add3A_1306 = arith.constant 620 : i32
    %add3A_1307 = vector.broadcast %add3A_1306 : i32 to vector<16xi32>
    %add3A_1308 = arith.addi %mul3A_1273, %add3A_1307 : vector<16xi32>
    %gather3A_1309 = tpu.vector_load_idx %arg12[%add3A_1308] : memref<2618xf32, #tpu.memory_space<vmem>>[vector<16xi32>], vector<16xf32>,
    tpu.vector_store_idx %arg11[%add3A_1263, %broadcast_in_dim3A_323], %gather3A_1309 : memref<512x16xf32, #tpu.memory_space<vmem>>[vector<16xi32>, vector<16xi32>], vector<16xf32>,
    %add3A_1310 = arith.constant 621 : i32
    %add3A_1311 = vector.broadcast %add3A_1310 : i32 to vector<16xi32>
    %add3A_1312 = arith.addi %mul3A_1273, %add3A_1311 : vector<16xi32>
    %gather3A_1313 = tpu.vector_load_idx %arg12[%add3A_1312] : memref<2618xf32, #tpu.memory_space<vmem>>[vector<16xi32>], vector<16xf32>,
    tpu.vector_store_idx %arg11[%add3A_1263, %broadcast_in_dim3A_325], %gather3A_1313 : memref<512x16xf32, #tpu.memory_space<vmem>>[vector<16xi32>, vector<16xi32>], vector<16xf32>,
    %add3A_1314 = arith.constant 622 : i32
    %add3A_1315 = vector.broadcast %add3A_1314 : i32 to vector<16xi32>
    %add3A_1316 = arith.addi %mul3A_1273, %add3A_1315 : vector<16xi32>
    %gather3A_1317 = tpu.vector_load_idx %arg12[%add3A_1316] : memref<2618xf32, #tpu.memory_space<vmem>>[vector<16xi32>], vector<16xf32>,
    tpu.vector_store_idx %arg11[%add3A_1263, %broadcast_in_dim3A_327], %gather3A_1317 : memref<512x16xf32, #tpu.memory_space<vmem>>[vector<16xi32>, vector<16xi32>], vector<16xf32>,
    %add3A_1318 = arith.constant 623 : i32
    %add3A_1319 = vector.broadcast %add3A_1318 : i32 to vector<16xi32>
    %add3A_1320 = arith.addi %mul3A_1273, %add3A_1319 : vector<16xi32>
    %gather3A_1321 = tpu.vector_load_idx %arg12[%add3A_1320] : memref<2618xf32, #tpu.memory_space<vmem>>[vector<16xi32>], vector<16xf32>,
    tpu.vector_store_idx %arg11[%add3A_1263, %broadcast_in_dim3A_329], %gather3A_1321 : memref<512x16xf32, #tpu.memory_space<vmem>>[vector<16xi32>, vector<16xi32>], vector<16xf32>,
    %add3A_1322 = arith.constant 624 : i32
    %add3A_1323 = vector.broadcast %add3A_1322 : i32 to vector<16xi32>
    %add3A_1324 = arith.addi %mul3A_1273, %add3A_1323 : vector<16xi32>
    %gather3A_1325 = tpu.vector_load_idx %arg12[%add3A_1324] : memref<2618xf32, #tpu.memory_space<vmem>>[vector<16xi32>], vector<16xf32>,
    tpu.vector_store_idx %arg11[%add3A_1263, %broadcast_in_dim3A_331], %gather3A_1325 : memref<512x16xf32, #tpu.memory_space<vmem>>[vector<16xi32>, vector<16xi32>], vector<16xf32>,
    %add3A_1326 = arith.constant 625 : i32
    %add3A_1327 = vector.broadcast %add3A_1326 : i32 to vector<16xi32>
    %add3A_1328 = arith.addi %mul3A_1273, %add3A_1327 : vector<16xi32>
    %gather3A_1329 = tpu.vector_load_idx %arg12[%add3A_1328] : memref<2618xf32, #tpu.memory_space<vmem>>[vector<16xi32>], vector<16xf32>,
    tpu.vector_store_idx %arg11[%add3A_1263, %broadcast_in_dim3A_333], %gather3A_1329 : memref<512x16xf32, #tpu.memory_space<vmem>>[vector<16xi32>, vector<16xi32>], vector<16xf32>,
    %add3A_1330 = arith.constant 626 : i32
    %add3A_1331 = vector.broadcast %add3A_1330 : i32 to vector<16xi32>
    %add3A_1332 = arith.addi %mul3A_1273, %add3A_1331 : vector<16xi32>
    %gather3A_1333 = tpu.vector_load_idx %arg12[%add3A_1332] : memref<2618xf32, #tpu.memory_space<vmem>>[vector<16xi32>], vector<16xf32>,
    tpu.vector_store_idx %arg11[%add3A_1263, %broadcast_in_dim3A_335], %gather3A_1333 : memref<512x16xf32, #tpu.memory_space<vmem>>[vector<16xi32>, vector<16xi32>], vector<16xf32>,
    %add3A_1334 = arith.constant 627 : i32
    %add3A_1335 = vector.broadcast %add3A_1334 : i32 to vector<16xi32>
    %add3A_1336 = arith.addi %mul3A_1273, %add3A_1335 : vector<16xi32>
    %gather3A_1337 = tpu.vector_load_idx %arg12[%add3A_1336] : memref<2618xf32, #tpu.memory_space<vmem>>[vector<16xi32>], vector<16xf32>,
    tpu.vector_store_idx %arg11[%add3A_1263, %broadcast_in_dim3A_337], %gather3A_1337 : memref<512x16xf32, #tpu.memory_space<vmem>>[vector<16xi32>, vector<16xi32>], vector<16xf32>,
    %add3A_1338 = arith.constant 208 : i32
    %add3A_1339 = vector.broadcast %add3A_1338 : i32 to vector<16xi32>
    %add3A_1340 = arith.addi %iota3A, %add3A_1339 : vector<16xi32>
    %get3A_1341 = arith.constant 720 : index
    %get3A_1342 = tpu.vector_load %arg9[%get3A_1341] {strides = array<i32>} : memref<1536xi32, #tpu.memory_space<vmem>>, vector<16xi32>,
    %mul3A_1343 = arith.constant 6 : i32
    %mul3A_1344 = vector.broadcast %mul3A_1343 : i32 to vector<16xi32>
    %mul3A_1345 = arith.muli %get3A_1342, %mul3A_1344 : vector<16xi32>
    %get3A_1346 = arith.constant 1232 : index
    %get3A_1347 = tpu.vector_load %arg9[%get3A_1346] {strides = array<i32>} : memref<1536xi32, #tpu.memory_space<vmem>>, vector<16xi32>,
    %mul3A_1348 = arith.constant 10 : i32
    %mul3A_1349 = vector.broadcast %mul3A_1348 : i32 to vector<16xi32>
    %mul3A_1350 = arith.muli %get3A_1347, %mul3A_1349 : vector<16xi32>
    %add3A_1351 = arith.constant 6 : i32
    %add3A_1352 = vector.broadcast %add3A_1351 : i32 to vector<16xi32>
    %add3A_1353 = arith.addi %mul3A_1345, %add3A_1352 : vector<16xi32>
    %gather3A_1354 = tpu.vector_load_idx %arg12[%add3A_1353] : memref<2618xf32, #tpu.memory_space<vmem>>[vector<16xi32>], vector<16xf32>,
    tpu.vector_store_idx %arg11[%add3A_1340, %broadcast_in_dim3A_307], %gather3A_1354 : memref<512x16xf32, #tpu.memory_space<vmem>>[vector<16xi32>, vector<16xi32>], vector<16xf32>,
    %add3A_1355 = arith.constant 7 : i32
    %add3A_1356 = vector.broadcast %add3A_1355 : i32 to vector<16xi32>
    %add3A_1357 = arith.addi %mul3A_1345, %add3A_1356 : vector<16xi32>
    %gather3A_1358 = tpu.vector_load_idx %arg12[%add3A_1357] : memref<2618xf32, #tpu.memory_space<vmem>>[vector<16xi32>], vector<16xf32>,
    tpu.vector_store_idx %arg11[%add3A_1340, %broadcast_in_dim3A_309], %gather3A_1358 : memref<512x16xf32, #tpu.memory_space<vmem>>[vector<16xi32>, vector<16xi32>], vector<16xf32>,
    %add3A_1359 = arith.constant 8 : i32
    %add3A_1360 = vector.broadcast %add3A_1359 : i32 to vector<16xi32>
    %add3A_1361 = arith.addi %mul3A_1345, %add3A_1360 : vector<16xi32>
    %gather3A_1362 = tpu.vector_load_idx %arg12[%add3A_1361] : memref<2618xf32, #tpu.memory_space<vmem>>[vector<16xi32>], vector<16xf32>,
    tpu.vector_store_idx %arg11[%add3A_1340, %broadcast_in_dim3A_311], %gather3A_1362 : memref<512x16xf32, #tpu.memory_space<vmem>>[vector<16xi32>, vector<16xi32>], vector<16xf32>,
    %add3A_1363 = arith.constant 9 : i32
    %add3A_1364 = vector.broadcast %add3A_1363 : i32 to vector<16xi32>
    %add3A_1365 = arith.addi %mul3A_1345, %add3A_1364 : vector<16xi32>
    %gather3A_1366 = tpu.vector_load_idx %arg12[%add3A_1365] : memref<2618xf32, #tpu.memory_space<vmem>>[vector<16xi32>], vector<16xf32>,
    tpu.vector_store_idx %arg11[%add3A_1340, %broadcast_in_dim3A_313], %gather3A_1366 : memref<512x16xf32, #tpu.memory_space<vmem>>[vector<16xi32>, vector<16xi32>], vector<16xf32>,
    %add3A_1367 = arith.constant 10 : i32
    %add3A_1368 = vector.broadcast %add3A_1367 : i32 to vector<16xi32>
    %add3A_1369 = arith.addi %mul3A_1345, %add3A_1368 : vector<16xi32>
    %gather3A_1370 = tpu.vector_load_idx %arg12[%add3A_1369] : memref<2618xf32, #tpu.memory_space<vmem>>[vector<16xi32>], vector<16xf32>,
    tpu.vector_store_idx %arg11[%add3A_1340, %broadcast_in_dim3A_315], %gather3A_1370 : memref<512x16xf32, #tpu.memory_space<vmem>>[vector<16xi32>, vector<16xi32>], vector<16xf32>,
    %add3A_1371 = arith.constant 11 : i32
    %add3A_1372 = vector.broadcast %add3A_1371 : i32 to vector<16xi32>
    %add3A_1373 = arith.addi %mul3A_1345, %add3A_1372 : vector<16xi32>
    %gather3A_1374 = tpu.vector_load_idx %arg12[%add3A_1373] : memref<2618xf32, #tpu.memory_space<vmem>>[vector<16xi32>], vector<16xf32>,
    tpu.vector_store_idx %arg11[%add3A_1340, %broadcast_in_dim3A_317], %gather3A_1374 : memref<512x16xf32, #tpu.memory_space<vmem>>[vector<16xi32>, vector<16xi32>], vector<16xf32>,
    %add3A_1375 = arith.constant 618 : i32
    %add3A_1376 = vector.broadcast %add3A_1375 : i32 to vector<16xi32>
    %add3A_1377 = arith.addi %mul3A_1350, %add3A_1376 : vector<16xi32>
    %gather3A_1378 = tpu.vector_load_idx %arg12[%add3A_1377] : memref<2618xf32, #tpu.memory_space<vmem>>[vector<16xi32>], vector<16xf32>,
    tpu.vector_store_idx %arg11[%add3A_1340, %broadcast_in_dim3A_319], %gather3A_1378 : memref<512x16xf32, #tpu.memory_space<vmem>>[vector<16xi32>, vector<16xi32>], vector<16xf32>,
    %add3A_1379 = arith.constant 619 : i32
    %add3A_1380 = vector.broadcast %add3A_1379 : i32 to vector<16xi32>
    %add3A_1381 = arith.addi %mul3A_1350, %add3A_1380 : vector<16xi32>
    %gather3A_1382 = tpu.vector_load_idx %arg12[%add3A_1381] : memref<2618xf32, #tpu.memory_space<vmem>>[vector<16xi32>], vector<16xf32>,
    tpu.vector_store_idx %arg11[%add3A_1340, %broadcast_in_dim3A_321], %gather3A_1382 : memref<512x16xf32, #tpu.memory_space<vmem>>[vector<16xi32>, vector<16xi32>], vector<16xf32>,
    %add3A_1383 = arith.constant 620 : i32
    %add3A_1384 = vector.broadcast %add3A_1383 : i32 to vector<16xi32>
    %add3A_1385 = arith.addi %mul3A_1350, %add3A_1384 : vector<16xi32>
    %gather3A_1386 = tpu.vector_load_idx %arg12[%add3A_1385] : memref<2618xf32, #tpu.memory_space<vmem>>[vector<16xi32>], vector<16xf32>,
    tpu.vector_store_idx %arg11[%add3A_1340, %broadcast_in_dim3A_323], %gather3A_1386 : memref<512x16xf32, #tpu.memory_space<vmem>>[vector<16xi32>, vector<16xi32>], vector<16xf32>,
    %add3A_1387 = arith.constant 621 : i32
    %add3A_1388 = vector.broadcast %add3A_1387 : i32 to vector<16xi32>
    %add3A_1389 = arith.addi %mul3A_1350, %add3A_1388 : vector<16xi32>
    %gather3A_1390 = tpu.vector_load_idx %arg12[%add3A_1389] : memref<2618xf32, #tpu.memory_space<vmem>>[vector<16xi32>], vector<16xf32>,
    tpu.vector_store_idx %arg11[%add3A_1340, %broadcast_in_dim3A_325], %gather3A_1390 : memref<512x16xf32, #tpu.memory_space<vmem>>[vector<16xi32>, vector<16xi32>], vector<16xf32>,
    %add3A_1391 = arith.constant 622 : i32
    %add3A_1392 = vector.broadcast %add3A_1391 : i32 to vector<16xi32>
    %add3A_1393 = arith.addi %mul3A_1350, %add3A_1392 : vector<16xi32>
    %gather3A_1394 = tpu.vector_load_idx %arg12[%add3A_1393] : memref<2618xf32, #tpu.memory_space<vmem>>[vector<16xi32>], vector<16xf32>,
    tpu.vector_store_idx %arg11[%add3A_1340, %broadcast_in_dim3A_327], %gather3A_1394 : memref<512x16xf32, #tpu.memory_space<vmem>>[vector<16xi32>, vector<16xi32>], vector<16xf32>,
    %add3A_1395 = arith.constant 623 : i32
    %add3A_1396 = vector.broadcast %add3A_1395 : i32 to vector<16xi32>
    %add3A_1397 = arith.addi %mul3A_1350, %add3A_1396 : vector<16xi32>
    %gather3A_1398 = tpu.vector_load_idx %arg12[%add3A_1397] : memref<2618xf32, #tpu.memory_space<vmem>>[vector<16xi32>], vector<16xf32>,
    tpu.vector_store_idx %arg11[%add3A_1340, %broadcast_in_dim3A_329], %gather3A_1398 : memref<512x16xf32, #tpu.memory_space<vmem>>[vector<16xi32>, vector<16xi32>], vector<16xf32>,
    %add3A_1399 = arith.constant 624 : i32
    %add3A_1400 = vector.broadcast %add3A_1399 : i32 to vector<16xi32>
    %add3A_1401 = arith.addi %mul3A_1350, %add3A_1400 : vector<16xi32>
    %gather3A_1402 = tpu.vector_load_idx %arg12[%add3A_1401] : memref<2618xf32, #tpu.memory_space<vmem>>[vector<16xi32>], vector<16xf32>,
    tpu.vector_store_idx %arg11[%add3A_1340, %broadcast_in_dim3A_331], %gather3A_1402 : memref<512x16xf32, #tpu.memory_space<vmem>>[vector<16xi32>, vector<16xi32>], vector<16xf32>,
    %add3A_1403 = arith.constant 625 : i32
    %add3A_1404 = vector.broadcast %add3A_1403 : i32 to vector<16xi32>
    %add3A_1405 = arith.addi %mul3A_1350, %add3A_1404 : vector<16xi32>
    %gather3A_1406 = tpu.vector_load_idx %arg12[%add3A_1405] : memref<2618xf32, #tpu.memory_space<vmem>>[vector<16xi32>], vector<16xf32>,
    tpu.vector_store_idx %arg11[%add3A_1340, %broadcast_in_dim3A_333], %gather3A_1406 : memref<512x16xf32, #tpu.memory_space<vmem>>[vector<16xi32>, vector<16xi32>], vector<16xf32>,
    %add3A_1407 = arith.constant 626 : i32
    %add3A_1408 = vector.broadcast %add3A_1407 : i32 to vector<16xi32>
    %add3A_1409 = arith.addi %mul3A_1350, %add3A_1408 : vector<16xi32>
    %gather3A_1410 = tpu.vector_load_idx %arg12[%add3A_1409] : memref<2618xf32, #tpu.memory_space<vmem>>[vector<16xi32>], vector<16xf32>,
    tpu.vector_store_idx %arg11[%add3A_1340, %broadcast_in_dim3A_335], %gather3A_1410 : memref<512x16xf32, #tpu.memory_space<vmem>>[vector<16xi32>, vector<16xi32>], vector<16xf32>,
    %add3A_1411 = arith.constant 627 : i32
    %add3A_1412 = vector.broadcast %add3A_1411 : i32 to vector<16xi32>
    %add3A_1413 = arith.addi %mul3A_1350, %add3A_1412 : vector<16xi32>
    %gather3A_1414 = tpu.vector_load_idx %arg12[%add3A_1413] : memref<2618xf32, #tpu.memory_space<vmem>>[vector<16xi32>], vector<16xf32>,
    tpu.vector_store_idx %arg11[%add3A_1340, %broadcast_in_dim3A_337], %gather3A_1414 : memref<512x16xf32, #tpu.memory_space<vmem>>[vector<16xi32>, vector<16xi32>], vector<16xf32>,
    %add3A_1415 = arith.constant 224 : i32
    %add3A_1416 = vector.broadcast %add3A_1415 : i32 to vector<16xi32>
    %add3A_1417 = arith.addi %iota3A, %add3A_1416 : vector<16xi32>
    %get3A_1418 = arith.constant 736 : index
    %get3A_1419 = tpu.vector_load %arg9[%get3A_1418] {strides = array<i32>} : memref<1536xi32, #tpu.memory_space<vmem>>, vector<16xi32>,
    %mul3A_1420 = arith.constant 6 : i32
    %mul3A_1421 = vector.broadcast %mul3A_1420 : i32 to vector<16xi32>
    %mul3A_1422 = arith.muli %get3A_1419, %mul3A_1421 : vector<16xi32>
    %get3A_1423 = arith.constant 1248 : index
    %get3A_1424 = tpu.vector_load %arg9[%get3A_1423] {strides = array<i32>} : memref<1536xi32, #tpu.memory_space<vmem>>, vector<16xi32>,
    %mul3A_1425 = arith.constant 10 : i32
    %mul3A_1426 = vector.broadcast %mul3A_1425 : i32 to vector<16xi32>
    %mul3A_1427 = arith.muli %get3A_1424, %mul3A_1426 : vector<16xi32>
    %add3A_1428 = arith.constant 6 : i32
    %add3A_1429 = vector.broadcast %add3A_1428 : i32 to vector<16xi32>
    %add3A_1430 = arith.addi %mul3A_1422, %add3A_1429 : vector<16xi32>
    %gather3A_1431 = tpu.vector_load_idx %arg12[%add3A_1430] : memref<2618xf32, #tpu.memory_space<vmem>>[vector<16xi32>], vector<16xf32>,
    tpu.vector_store_idx %arg11[%add3A_1417, %broadcast_in_dim3A_307], %gather3A_1431 : memref<512x16xf32, #tpu.memory_space<vmem>>[vector<16xi32>, vector<16xi32>], vector<16xf32>,
    %add3A_1432 = arith.constant 7 : i32
    %add3A_1433 = vector.broadcast %add3A_1432 : i32 to vector<16xi32>
    %add3A_1434 = arith.addi %mul3A_1422, %add3A_1433 : vector<16xi32>
    %gather3A_1435 = tpu.vector_load_idx %arg12[%add3A_1434] : memref<2618xf32, #tpu.memory_space<vmem>>[vector<16xi32>], vector<16xf32>,
    tpu.vector_store_idx %arg11[%add3A_1417, %broadcast_in_dim3A_309], %gather3A_1435 : memref<512x16xf32, #tpu.memory_space<vmem>>[vector<16xi32>, vector<16xi32>], vector<16xf32>,
    %add3A_1436 = arith.constant 8 : i32
    %add3A_1437 = vector.broadcast %add3A_1436 : i32 to vector<16xi32>
    %add3A_1438 = arith.addi %mul3A_1422, %add3A_1437 : vector<16xi32>
    %gather3A_1439 = tpu.vector_load_idx %arg12[%add3A_1438] : memref<2618xf32, #tpu.memory_space<vmem>>[vector<16xi32>], vector<16xf32>,
    tpu.vector_store_idx %arg11[%add3A_1417, %broadcast_in_dim3A_311], %gather3A_1439 : memref<512x16xf32, #tpu.memory_space<vmem>>[vector<16xi32>, vector<16xi32>], vector<16xf32>,
    %add3A_1440 = arith.constant 9 : i32
    %add3A_1441 = vector.broadcast %add3A_1440 : i32 to vector<16xi32>
    %add3A_1442 = arith.addi %mul3A_1422, %add3A_1441 : vector<16xi32>
    %gather3A_1443 = tpu.vector_load_idx %arg12[%add3A_1442] : memref<2618xf32, #tpu.memory_space<vmem>>[vector<16xi32>], vector<16xf32>,
    tpu.vector_store_idx %arg11[%add3A_1417, %broadcast_in_dim3A_313], %gather3A_1443 : memref<512x16xf32, #tpu.memory_space<vmem>>[vector<16xi32>, vector<16xi32>], vector<16xf32>,
    %add3A_1444 = arith.constant 10 : i32
    %add3A_1445 = vector.broadcast %add3A_1444 : i32 to vector<16xi32>
    %add3A_1446 = arith.addi %mul3A_1422, %add3A_1445 : vector<16xi32>
    %gather3A_1447 = tpu.vector_load_idx %arg12[%add3A_1446] : memref<2618xf32, #tpu.memory_space<vmem>>[vector<16xi32>], vector<16xf32>,
    tpu.vector_store_idx %arg11[%add3A_1417, %broadcast_in_dim3A_315], %gather3A_1447 : memref<512x16xf32, #tpu.memory_space<vmem>>[vector<16xi32>, vector<16xi32>], vector<16xf32>,
    %add3A_1448 = arith.constant 11 : i32
    %add3A_1449 = vector.broadcast %add3A_1448 : i32 to vector<16xi32>
    %add3A_1450 = arith.addi %mul3A_1422, %add3A_1449 : vector<16xi32>
    %gather3A_1451 = tpu.vector_load_idx %arg12[%add3A_1450] : memref<2618xf32, #tpu.memory_space<vmem>>[vector<16xi32>], vector<16xf32>,
    tpu.vector_store_idx %arg11[%add3A_1417, %broadcast_in_dim3A_317], %gather3A_1451 : memref<512x16xf32, #tpu.memory_space<vmem>>[vector<16xi32>, vector<16xi32>], vector<16xf32>,
    %add3A_1452 = arith.constant 618 : i32
    %add3A_1453 = vector.broadcast %add3A_1452 : i32 to vector<16xi32>
    %add3A_1454 = arith.addi %mul3A_1427, %add3A_1453 : vector<16xi32>
    %gather3A_1455 = tpu.vector_load_idx %arg12[%add3A_1454] : memref<2618xf32, #tpu.memory_space<vmem>>[vector<16xi32>], vector<16xf32>,
    tpu.vector_store_idx %arg11[%add3A_1417, %broadcast_in_dim3A_319], %gather3A_1455 : memref<512x16xf32, #tpu.memory_space<vmem>>[vector<16xi32>, vector<16xi32>], vector<16xf32>,
    %add3A_1456 = arith.constant 619 : i32
    %add3A_1457 = vector.broadcast %add3A_1456 : i32 to vector<16xi32>
    %add3A_1458 = arith.addi %mul3A_1427, %add3A_1457 : vector<16xi32>
    %gather3A_1459 = tpu.vector_load_idx %arg12[%add3A_1458] : memref<2618xf32, #tpu.memory_space<vmem>>[vector<16xi32>], vector<16xf32>,
    tpu.vector_store_idx %arg11[%add3A_1417, %broadcast_in_dim3A_321], %gather3A_1459 : memref<512x16xf32, #tpu.memory_space<vmem>>[vector<16xi32>, vector<16xi32>], vector<16xf32>,
    %add3A_1460 = arith.constant 620 : i32
    %add3A_1461 = vector.broadcast %add3A_1460 : i32 to vector<16xi32>
    %add3A_1462 = arith.addi %mul3A_1427, %add3A_1461 : vector<16xi32>
    %gather3A_1463 = tpu.vector_load_idx %arg12[%add3A_1462] : memref<2618xf32, #tpu.memory_space<vmem>>[vector<16xi32>], vector<16xf32>,
    tpu.vector_store_idx %arg11[%add3A_1417, %broadcast_in_dim3A_323], %gather3A_1463 : memref<512x16xf32, #tpu.memory_space<vmem>>[vector<16xi32>, vector<16xi32>], vector<16xf32>,
    %add3A_1464 = arith.constant 621 : i32
    %add3A_1465 = vector.broadcast %add3A_1464 : i32 to vector<16xi32>
    %add3A_1466 = arith.addi %mul3A_1427, %add3A_1465 : vector<16xi32>
    %gather3A_1467 = tpu.vector_load_idx %arg12[%add3A_1466] : memref<2618xf32, #tpu.memory_space<vmem>>[vector<16xi32>], vector<16xf32>,
    tpu.vector_store_idx %arg11[%add3A_1417, %broadcast_in_dim3A_325], %gather3A_1467 : memref<512x16xf32, #tpu.memory_space<vmem>>[vector<16xi32>, vector<16xi32>], vector<16xf32>,
    %add3A_1468 = arith.constant 622 : i32
    %add3A_1469 = vector.broadcast %add3A_1468 : i32 to vector<16xi32>
    %add3A_1470 = arith.addi %mul3A_1427, %add3A_1469 : vector<16xi32>
    %gather3A_1471 = tpu.vector_load_idx %arg12[%add3A_1470] : memref<2618xf32, #tpu.memory_space<vmem>>[vector<16xi32>], vector<16xf32>,
    tpu.vector_store_idx %arg11[%add3A_1417, %broadcast_in_dim3A_327], %gather3A_1471 : memref<512x16xf32, #tpu.memory_space<vmem>>[vector<16xi32>, vector<16xi32>], vector<16xf32>,
    %add3A_1472 = arith.constant 623 : i32
    %add3A_1473 = vector.broadcast %add3A_1472 : i32 to vector<16xi32>
    %add3A_1474 = arith.addi %mul3A_1427, %add3A_1473 : vector<16xi32>
    %gather3A_1475 = tpu.vector_load_idx %arg12[%add3A_1474] : memref<2618xf32, #tpu.memory_space<vmem>>[vector<16xi32>], vector<16xf32>,
    tpu.vector_store_idx %arg11[%add3A_1417, %broadcast_in_dim3A_329], %gather3A_1475 : memref<512x16xf32, #tpu.memory_space<vmem>>[vector<16xi32>, vector<16xi32>], vector<16xf32>,
    %add3A_1476 = arith.constant 624 : i32
    %add3A_1477 = vector.broadcast %add3A_1476 : i32 to vector<16xi32>
    %add3A_1478 = arith.addi %mul3A_1427, %add3A_1477 : vector<16xi32>
    %gather3A_1479 = tpu.vector_load_idx %arg12[%add3A_1478] : memref<2618xf32, #tpu.memory_space<vmem>>[vector<16xi32>], vector<16xf32>,
    tpu.vector_store_idx %arg11[%add3A_1417, %broadcast_in_dim3A_331], %gather3A_1479 : memref<512x16xf32, #tpu.memory_space<vmem>>[vector<16xi32>, vector<16xi32>], vector<16xf32>,
    %add3A_1480 = arith.constant 625 : i32
    %add3A_1481 = vector.broadcast %add3A_1480 : i32 to vector<16xi32>
    %add3A_1482 = arith.addi %mul3A_1427, %add3A_1481 : vector<16xi32>
    %gather3A_1483 = tpu.vector_load_idx %arg12[%add3A_1482] : memref<2618xf32, #tpu.memory_space<vmem>>[vector<16xi32>], vector<16xf32>,
    tpu.vector_store_idx %arg11[%add3A_1417, %broadcast_in_dim3A_333], %gather3A_1483 : memref<512x16xf32, #tpu.memory_space<vmem>>[vector<16xi32>, vector<16xi32>], vector<16xf32>,
    %add3A_1484 = arith.constant 626 : i32
    %add3A_1485 = vector.broadcast %add3A_1484 : i32 to vector<16xi32>
    %add3A_1486 = arith.addi %mul3A_1427, %add3A_1485 : vector<16xi32>
    %gather3A_1487 = tpu.vector_load_idx %arg12[%add3A_1486] : memref<2618xf32, #tpu.memory_space<vmem>>[vector<16xi32>], vector<16xf32>,
    tpu.vector_store_idx %arg11[%add3A_1417, %broadcast_in_dim3A_335], %gather3A_1487 : memref<512x16xf32, #tpu.memory_space<vmem>>[vector<16xi32>, vector<16xi32>], vector<16xf32>,
    %add3A_1488 = arith.constant 627 : i32
    %add3A_1489 = vector.broadcast %add3A_1488 : i32 to vector<16xi32>
    %add3A_1490 = arith.addi %mul3A_1427, %add3A_1489 : vector<16xi32>
    %gather3A_1491 = tpu.vector_load_idx %arg12[%add3A_1490] : memref<2618xf32, #tpu.memory_space<vmem>>[vector<16xi32>], vector<16xf32>,
    tpu.vector_store_idx %arg11[%add3A_1417, %broadcast_in_dim3A_337], %gather3A_1491 : memref<512x16xf32, #tpu.memory_space<vmem>>[vector<16xi32>, vector<16xi32>], vector<16xf32>,
    %add3A_1492 = arith.constant 240 : i32
    %add3A_1493 = vector.broadcast %add3A_1492 : i32 to vector<16xi32>
    %add3A_1494 = arith.addi %iota3A, %add3A_1493 : vector<16xi32>
    %get3A_1495 = arith.constant 752 : index
    %get3A_1496 = tpu.vector_load %arg9[%get3A_1495] {strides = array<i32>} : memref<1536xi32, #tpu.memory_space<vmem>>, vector<16xi32>,
    %mul3A_1497 = arith.constant 6 : i32
    %mul3A_1498 = vector.broadcast %mul3A_1497 : i32 to vector<16xi32>
    %mul3A_1499 = arith.muli %get3A_1496, %mul3A_1498 : vector<16xi32>
    %get3A_1500 = arith.constant 1264 : index
    %get3A_1501 = tpu.vector_load %arg9[%get3A_1500] {strides = array<i32>} : memref<1536xi32, #tpu.memory_space<vmem>>, vector<16xi32>,
    %mul3A_1502 = arith.constant 10 : i32
    %mul3A_1503 = vector.broadcast %mul3A_1502 : i32 to vector<16xi32>
    %mul3A_1504 = arith.muli %get3A_1501, %mul3A_1503 : vector<16xi32>
    %add3A_1505 = arith.constant 6 : i32
    %add3A_1506 = vector.broadcast %add3A_1505 : i32 to vector<16xi32>
    %add3A_1507 = arith.addi %mul3A_1499, %add3A_1506 : vector<16xi32>
    %gather3A_1508 = tpu.vector_load_idx %arg12[%add3A_1507] : memref<2618xf32, #tpu.memory_space<vmem>>[vector<16xi32>], vector<16xf32>,
    tpu.vector_store_idx %arg11[%add3A_1494, %broadcast_in_dim3A_307], %gather3A_1508 : memref<512x16xf32, #tpu.memory_space<vmem>>[vector<16xi32>, vector<16xi32>], vector<16xf32>,
    %add3A_1509 = arith.constant 7 : i32
    %add3A_1510 = vector.broadcast %add3A_1509 : i32 to vector<16xi32>
    %add3A_1511 = arith.addi %mul3A_1499, %add3A_1510 : vector<16xi32>
    %gather3A_1512 = tpu.vector_load_idx %arg12[%add3A_1511] : memref<2618xf32, #tpu.memory_space<vmem>>[vector<16xi32>], vector<16xf32>,
    tpu.vector_store_idx %arg11[%add3A_1494, %broadcast_in_dim3A_309], %gather3A_1512 : memref<512x16xf32, #tpu.memory_space<vmem>>[vector<16xi32>, vector<16xi32>], vector<16xf32>,
    %add3A_1513 = arith.constant 8 : i32
    %add3A_1514 = vector.broadcast %add3A_1513 : i32 to vector<16xi32>
    %add3A_1515 = arith.addi %mul3A_1499, %add3A_1514 : vector<16xi32>
    %gather3A_1516 = tpu.vector_load_idx %arg12[%add3A_1515] : memref<2618xf32, #tpu.memory_space<vmem>>[vector<16xi32>], vector<16xf32>,
    tpu.vector_store_idx %arg11[%add3A_1494, %broadcast_in_dim3A_311], %gather3A_1516 : memref<512x16xf32, #tpu.memory_space<vmem>>[vector<16xi32>, vector<16xi32>], vector<16xf32>,
    %add3A_1517 = arith.constant 9 : i32
    %add3A_1518 = vector.broadcast %add3A_1517 : i32 to vector<16xi32>
    %add3A_1519 = arith.addi %mul3A_1499, %add3A_1518 : vector<16xi32>
    %gather3A_1520 = tpu.vector_load_idx %arg12[%add3A_1519] : memref<2618xf32, #tpu.memory_space<vmem>>[vector<16xi32>], vector<16xf32>,
    tpu.vector_store_idx %arg11[%add3A_1494, %broadcast_in_dim3A_313], %gather3A_1520 : memref<512x16xf32, #tpu.memory_space<vmem>>[vector<16xi32>, vector<16xi32>], vector<16xf32>,
    %add3A_1521 = arith.constant 10 : i32
    %add3A_1522 = vector.broadcast %add3A_1521 : i32 to vector<16xi32>
    %add3A_1523 = arith.addi %mul3A_1499, %add3A_1522 : vector<16xi32>
    %gather3A_1524 = tpu.vector_load_idx %arg12[%add3A_1523] : memref<2618xf32, #tpu.memory_space<vmem>>[vector<16xi32>], vector<16xf32>,
    tpu.vector_store_idx %arg11[%add3A_1494, %broadcast_in_dim3A_315], %gather3A_1524 : memref<512x16xf32, #tpu.memory_space<vmem>>[vector<16xi32>, vector<16xi32>], vector<16xf32>,
    %add3A_1525 = arith.constant 11 : i32
    %add3A_1526 = vector.broadcast %add3A_1525 : i32 to vector<16xi32>
    %add3A_1527 = arith.addi %mul3A_1499, %add3A_1526 : vector<16xi32>
    %gather3A_1528 = tpu.vector_load_idx %arg12[%add3A_1527] : memref<2618xf32, #tpu.memory_space<vmem>>[vector<16xi32>], vector<16xf32>,
    tpu.vector_store_idx %arg11[%add3A_1494, %broadcast_in_dim3A_317], %gather3A_1528 : memref<512x16xf32, #tpu.memory_space<vmem>>[vector<16xi32>, vector<16xi32>], vector<16xf32>,
    %add3A_1529 = arith.constant 618 : i32
    %add3A_1530 = vector.broadcast %add3A_1529 : i32 to vector<16xi32>
    %add3A_1531 = arith.addi %mul3A_1504, %add3A_1530 : vector<16xi32>
    %gather3A_1532 = tpu.vector_load_idx %arg12[%add3A_1531] : memref<2618xf32, #tpu.memory_space<vmem>>[vector<16xi32>], vector<16xf32>,
    tpu.vector_store_idx %arg11[%add3A_1494, %broadcast_in_dim3A_319], %gather3A_1532 : memref<512x16xf32, #tpu.memory_space<vmem>>[vector<16xi32>, vector<16xi32>], vector<16xf32>,
    %add3A_1533 = arith.constant 619 : i32
    %add3A_1534 = vector.broadcast %add3A_1533 : i32 to vector<16xi32>
    %add3A_1535 = arith.addi %mul3A_1504, %add3A_1534 : vector<16xi32>
    %gather3A_1536 = tpu.vector_load_idx %arg12[%add3A_1535] : memref<2618xf32, #tpu.memory_space<vmem>>[vector<16xi32>], vector<16xf32>,
    tpu.vector_store_idx %arg11[%add3A_1494, %broadcast_in_dim3A_321], %gather3A_1536 : memref<512x16xf32, #tpu.memory_space<vmem>>[vector<16xi32>, vector<16xi32>], vector<16xf32>,
    %add3A_1537 = arith.constant 620 : i32
    %add3A_1538 = vector.broadcast %add3A_1537 : i32 to vector<16xi32>
    %add3A_1539 = arith.addi %mul3A_1504, %add3A_1538 : vector<16xi32>
    %gather3A_1540 = tpu.vector_load_idx %arg12[%add3A_1539] : memref<2618xf32, #tpu.memory_space<vmem>>[vector<16xi32>], vector<16xf32>,
    tpu.vector_store_idx %arg11[%add3A_1494, %broadcast_in_dim3A_323], %gather3A_1540 : memref<512x16xf32, #tpu.memory_space<vmem>>[vector<16xi32>, vector<16xi32>], vector<16xf32>,
    %add3A_1541 = arith.constant 621 : i32
    %add3A_1542 = vector.broadcast %add3A_1541 : i32 to vector<16xi32>
    %add3A_1543 = arith.addi %mul3A_1504, %add3A_1542 : vector<16xi32>
    %gather3A_1544 = tpu.vector_load_idx %arg12[%add3A_1543] : memref<2618xf32, #tpu.memory_space<vmem>>[vector<16xi32>], vector<16xf32>,
    tpu.vector_store_idx %arg11[%add3A_1494, %broadcast_in_dim3A_325], %gather3A_1544 : memref<512x16xf32, #tpu.memory_space<vmem>>[vector<16xi32>, vector<16xi32>], vector<16xf32>,
    %add3A_1545 = arith.constant 622 : i32
    %add3A_1546 = vector.broadcast %add3A_1545 : i32 to vector<16xi32>
    %add3A_1547 = arith.addi %mul3A_1504, %add3A_1546 : vector<16xi32>
    %gather3A_1548 = tpu.vector_load_idx %arg12[%add3A_1547] : memref<2618xf32, #tpu.memory_space<vmem>>[vector<16xi32>], vector<16xf32>,
    tpu.vector_store_idx %arg11[%add3A_1494, %broadcast_in_dim3A_327], %gather3A_1548 : memref<512x16xf32, #tpu.memory_space<vmem>>[vector<16xi32>, vector<16xi32>], vector<16xf32>,
    %add3A_1549 = arith.constant 623 : i32
    %add3A_1550 = vector.broadcast %add3A_1549 : i32 to vector<16xi32>
    %add3A_1551 = arith.addi %mul3A_1504, %add3A_1550 : vector<16xi32>
    %gather3A_1552 = tpu.vector_load_idx %arg12[%add3A_1551] : memref<2618xf32, #tpu.memory_space<vmem>>[vector<16xi32>], vector<16xf32>,
    tpu.vector_store_idx %arg11[%add3A_1494, %broadcast_in_dim3A_329], %gather3A_1552 : memref<512x16xf32, #tpu.memory_space<vmem>>[vector<16xi32>, vector<16xi32>], vector<16xf32>,
    %add3A_1553 = arith.constant 624 : i32
    %add3A_1554 = vector.broadcast %add3A_1553 : i32 to vector<16xi32>
    %add3A_1555 = arith.addi %mul3A_1504, %add3A_1554 : vector<16xi32>
    %gather3A_1556 = tpu.vector_load_idx %arg12[%add3A_1555] : memref<2618xf32, #tpu.memory_space<vmem>>[vector<16xi32>], vector<16xf32>,
    tpu.vector_store_idx %arg11[%add3A_1494, %broadcast_in_dim3A_331], %gather3A_1556 : memref<512x16xf32, #tpu.memory_space<vmem>>[vector<16xi32>, vector<16xi32>], vector<16xf32>,
    %add3A_1557 = arith.constant 625 : i32
    %add3A_1558 = vector.broadcast %add3A_1557 : i32 to vector<16xi32>
    %add3A_1559 = arith.addi %mul3A_1504, %add3A_1558 : vector<16xi32>
    %gather3A_1560 = tpu.vector_load_idx %arg12[%add3A_1559] : memref<2618xf32, #tpu.memory_space<vmem>>[vector<16xi32>], vector<16xf32>,
    tpu.vector_store_idx %arg11[%add3A_1494, %broadcast_in_dim3A_333], %gather3A_1560 : memref<512x16xf32, #tpu.memory_space<vmem>>[vector<16xi32>, vector<16xi32>], vector<16xf32>,
    %add3A_1561 = arith.constant 626 : i32
    %add3A_1562 = vector.broadcast %add3A_1561 : i32 to vector<16xi32>
    %add3A_1563 = arith.addi %mul3A_1504, %add3A_1562 : vector<16xi32>
    %gather3A_1564 = tpu.vector_load_idx %arg12[%add3A_1563] : memref<2618xf32, #tpu.memory_space<vmem>>[vector<16xi32>], vector<16xf32>,
    tpu.vector_store_idx %arg11[%add3A_1494, %broadcast_in_dim3A_335], %gather3A_1564 : memref<512x16xf32, #tpu.memory_space<vmem>>[vector<16xi32>, vector<16xi32>], vector<16xf32>,
    %add3A_1565 = arith.constant 627 : i32
    %add3A_1566 = vector.broadcast %add3A_1565 : i32 to vector<16xi32>
    %add3A_1567 = arith.addi %mul3A_1504, %add3A_1566 : vector<16xi32>
    %gather3A_1568 = tpu.vector_load_idx %arg12[%add3A_1567] : memref<2618xf32, #tpu.memory_space<vmem>>[vector<16xi32>], vector<16xf32>,
    tpu.vector_store_idx %arg11[%add3A_1494, %broadcast_in_dim3A_337], %gather3A_1568 : memref<512x16xf32, #tpu.memory_space<vmem>>[vector<16xi32>, vector<16xi32>], vector<16xf32>,
    %add3A_1569 = arith.constant 256 : i32
    %add3A_1570 = vector.broadcast %add3A_1569 : i32 to vector<16xi32>
    %add3A_1571 = arith.addi %iota3A, %add3A_1570 : vector<16xi32>
    %get3A_1572 = arith.constant 768 : index
    %get3A_1573 = tpu.vector_load %arg9[%get3A_1572] {strides = array<i32>} : memref<1536xi32, #tpu.memory_space<vmem>>, vector<16xi32>,
    %mul3A_1574 = arith.constant 6 : i32
    %mul3A_1575 = vector.broadcast %mul3A_1574 : i32 to vector<16xi32>
    %mul3A_1576 = arith.muli %get3A_1573, %mul3A_1575 : vector<16xi32>
    %get3A_1577 = arith.constant 1280 : index
    %get3A_1578 = tpu.vector_load %arg9[%get3A_1577] {strides = array<i32>} : memref<1536xi32, #tpu.memory_space<vmem>>, vector<16xi32>,
    %mul3A_1579 = arith.constant 10 : i32
    %mul3A_1580 = vector.broadcast %mul3A_1579 : i32 to vector<16xi32>
    %mul3A_1581 = arith.muli %get3A_1578, %mul3A_1580 : vector<16xi32>
    %add3A_1582 = arith.constant 6 : i32
    %add3A_1583 = vector.broadcast %add3A_1582 : i32 to vector<16xi32>
    %add3A_1584 = arith.addi %mul3A_1576, %add3A_1583 : vector<16xi32>
    %gather3A_1585 = tpu.vector_load_idx %arg12[%add3A_1584] : memref<2618xf32, #tpu.memory_space<vmem>>[vector<16xi32>], vector<16xf32>,
    tpu.vector_store_idx %arg11[%add3A_1571, %broadcast_in_dim3A_307], %gather3A_1585 : memref<512x16xf32, #tpu.memory_space<vmem>>[vector<16xi32>, vector<16xi32>], vector<16xf32>,
    %add3A_1586 = arith.constant 7 : i32
    %add3A_1587 = vector.broadcast %add3A_1586 : i32 to vector<16xi32>
    %add3A_1588 = arith.addi %mul3A_1576, %add3A_1587 : vector<16xi32>
    %gather3A_1589 = tpu.vector_load_idx %arg12[%add3A_1588] : memref<2618xf32, #tpu.memory_space<vmem>>[vector<16xi32>], vector<16xf32>,
    tpu.vector_store_idx %arg11[%add3A_1571, %broadcast_in_dim3A_309], %gather3A_1589 : memref<512x16xf32, #tpu.memory_space<vmem>>[vector<16xi32>, vector<16xi32>], vector<16xf32>,
    %add3A_1590 = arith.constant 8 : i32
    %add3A_1591 = vector.broadcast %add3A_1590 : i32 to vector<16xi32>
    %add3A_1592 = arith.addi %mul3A_1576, %add3A_1591 : vector<16xi32>
    %gather3A_1593 = tpu.vector_load_idx %arg12[%add3A_1592] : memref<2618xf32, #tpu.memory_space<vmem>>[vector<16xi32>], vector<16xf32>,
    tpu.vector_store_idx %arg11[%add3A_1571, %broadcast_in_dim3A_311], %gather3A_1593 : memref<512x16xf32, #tpu.memory_space<vmem>>[vector<16xi32>, vector<16xi32>], vector<16xf32>,
    %add3A_1594 = arith.constant 9 : i32
    %add3A_1595 = vector.broadcast %add3A_1594 : i32 to vector<16xi32>
    %add3A_1596 = arith.addi %mul3A_1576, %add3A_1595 : vector<16xi32>
    %gather3A_1597 = tpu.vector_load_idx %arg12[%add3A_1596] : memref<2618xf32, #tpu.memory_space<vmem>>[vector<16xi32>], vector<16xf32>,
    tpu.vector_store_idx %arg11[%add3A_1571, %broadcast_in_dim3A_313], %gather3A_1597 : memref<512x16xf32, #tpu.memory_space<vmem>>[vector<16xi32>, vector<16xi32>], vector<16xf32>,
    %add3A_1598 = arith.constant 10 : i32
    %add3A_1599 = vector.broadcast %add3A_1598 : i32 to vector<16xi32>
    %add3A_1600 = arith.addi %mul3A_1576, %add3A_1599 : vector<16xi32>
    %gather3A_1601 = tpu.vector_load_idx %arg12[%add3A_1600] : memref<2618xf32, #tpu.memory_space<vmem>>[vector<16xi32>], vector<16xf32>,
    tpu.vector_store_idx %arg11[%add3A_1571, %broadcast_in_dim3A_315], %gather3A_1601 : memref<512x16xf32, #tpu.memory_space<vmem>>[vector<16xi32>, vector<16xi32>], vector<16xf32>,
    %add3A_1602 = arith.constant 11 : i32
    %add3A_1603 = vector.broadcast %add3A_1602 : i32 to vector<16xi32>
    %add3A_1604 = arith.addi %mul3A_1576, %add3A_1603 : vector<16xi32>
    %gather3A_1605 = tpu.vector_load_idx %arg12[%add3A_1604] : memref<2618xf32, #tpu.memory_space<vmem>>[vector<16xi32>], vector<16xf32>,
    tpu.vector_store_idx %arg11[%add3A_1571, %broadcast_in_dim3A_317], %gather3A_1605 : memref<512x16xf32, #tpu.memory_space<vmem>>[vector<16xi32>, vector<16xi32>], vector<16xf32>,
    %add3A_1606 = arith.constant 618 : i32
    %add3A_1607 = vector.broadcast %add3A_1606 : i32 to vector<16xi32>
    %add3A_1608 = arith.addi %mul3A_1581, %add3A_1607 : vector<16xi32>
    %gather3A_1609 = tpu.vector_load_idx %arg12[%add3A_1608] : memref<2618xf32, #tpu.memory_space<vmem>>[vector<16xi32>], vector<16xf32>,
    tpu.vector_store_idx %arg11[%add3A_1571, %broadcast_in_dim3A_319], %gather3A_1609 : memref<512x16xf32, #tpu.memory_space<vmem>>[vector<16xi32>, vector<16xi32>], vector<16xf32>,
    %add3A_1610 = arith.constant 619 : i32
    %add3A_1611 = vector.broadcast %add3A_1610 : i32 to vector<16xi32>
    %add3A_1612 = arith.addi %mul3A_1581, %add3A_1611 : vector<16xi32>
    %gather3A_1613 = tpu.vector_load_idx %arg12[%add3A_1612] : memref<2618xf32, #tpu.memory_space<vmem>>[vector<16xi32>], vector<16xf32>,
    tpu.vector_store_idx %arg11[%add3A_1571, %broadcast_in_dim3A_321], %gather3A_1613 : memref<512x16xf32, #tpu.memory_space<vmem>>[vector<16xi32>, vector<16xi32>], vector<16xf32>,
    %add3A_1614 = arith.constant 620 : i32
    %add3A_1615 = vector.broadcast %add3A_1614 : i32 to vector<16xi32>
    %add3A_1616 = arith.addi %mul3A_1581, %add3A_1615 : vector<16xi32>
    %gather3A_1617 = tpu.vector_load_idx %arg12[%add3A_1616] : memref<2618xf32, #tpu.memory_space<vmem>>[vector<16xi32>], vector<16xf32>,
    tpu.vector_store_idx %arg11[%add3A_1571, %broadcast_in_dim3A_323], %gather3A_1617 : memref<512x16xf32, #tpu.memory_space<vmem>>[vector<16xi32>, vector<16xi32>], vector<16xf32>,
    %add3A_1618 = arith.constant 621 : i32
    %add3A_1619 = vector.broadcast %add3A_1618 : i32 to vector<16xi32>
    %add3A_1620 = arith.addi %mul3A_1581, %add3A_1619 : vector<16xi32>
    %gather3A_1621 = tpu.vector_load_idx %arg12[%add3A_1620] : memref<2618xf32, #tpu.memory_space<vmem>>[vector<16xi32>], vector<16xf32>,
    tpu.vector_store_idx %arg11[%add3A_1571, %broadcast_in_dim3A_325], %gather3A_1621 : memref<512x16xf32, #tpu.memory_space<vmem>>[vector<16xi32>, vector<16xi32>], vector<16xf32>,
    %add3A_1622 = arith.constant 622 : i32
    %add3A_1623 = vector.broadcast %add3A_1622 : i32 to vector<16xi32>
    %add3A_1624 = arith.addi %mul3A_1581, %add3A_1623 : vector<16xi32>
    %gather3A_1625 = tpu.vector_load_idx %arg12[%add3A_1624] : memref<2618xf32, #tpu.memory_space<vmem>>[vector<16xi32>], vector<16xf32>,
    tpu.vector_store_idx %arg11[%add3A_1571, %broadcast_in_dim3A_327], %gather3A_1625 : memref<512x16xf32, #tpu.memory_space<vmem>>[vector<16xi32>, vector<16xi32>], vector<16xf32>,
    %add3A_1626 = arith.constant 623 : i32
    %add3A_1627 = vector.broadcast %add3A_1626 : i32 to vector<16xi32>
    %add3A_1628 = arith.addi %mul3A_1581, %add3A_1627 : vector<16xi32>
    %gather3A_1629 = tpu.vector_load_idx %arg12[%add3A_1628] : memref<2618xf32, #tpu.memory_space<vmem>>[vector<16xi32>], vector<16xf32>,
    tpu.vector_store_idx %arg11[%add3A_1571, %broadcast_in_dim3A_329], %gather3A_1629 : memref<512x16xf32, #tpu.memory_space<vmem>>[vector<16xi32>, vector<16xi32>], vector<16xf32>,
    %add3A_1630 = arith.constant 624 : i32
    %add3A_1631 = vector.broadcast %add3A_1630 : i32 to vector<16xi32>
    %add3A_1632 = arith.addi %mul3A_1581, %add3A_1631 : vector<16xi32>
    %gather3A_1633 = tpu.vector_load_idx %arg12[%add3A_1632] : memref<2618xf32, #tpu.memory_space<vmem>>[vector<16xi32>], vector<16xf32>,
    tpu.vector_store_idx %arg11[%add3A_1571, %broadcast_in_dim3A_331], %gather3A_1633 : memref<512x16xf32, #tpu.memory_space<vmem>>[vector<16xi32>, vector<16xi32>], vector<16xf32>,
    %add3A_1634 = arith.constant 625 : i32
    %add3A_1635 = vector.broadcast %add3A_1634 : i32 to vector<16xi32>
    %add3A_1636 = arith.addi %mul3A_1581, %add3A_1635 : vector<16xi32>
    %gather3A_1637 = tpu.vector_load_idx %arg12[%add3A_1636] : memref<2618xf32, #tpu.memory_space<vmem>>[vector<16xi32>], vector<16xf32>,
    tpu.vector_store_idx %arg11[%add3A_1571, %broadcast_in_dim3A_333], %gather3A_1637 : memref<512x16xf32, #tpu.memory_space<vmem>>[vector<16xi32>, vector<16xi32>], vector<16xf32>,
    %add3A_1638 = arith.constant 626 : i32
    %add3A_1639 = vector.broadcast %add3A_1638 : i32 to vector<16xi32>
    %add3A_1640 = arith.addi %mul3A_1581, %add3A_1639 : vector<16xi32>
    %gather3A_1641 = tpu.vector_load_idx %arg12[%add3A_1640] : memref<2618xf32, #tpu.memory_space<vmem>>[vector<16xi32>], vector<16xf32>,
    tpu.vector_store_idx %arg11[%add3A_1571, %broadcast_in_dim3A_335], %gather3A_1641 : memref<512x16xf32, #tpu.memory_space<vmem>>[vector<16xi32>, vector<16xi32>], vector<16xf32>,
    %add3A_1642 = arith.constant 627 : i32
    %add3A_1643 = vector.broadcast %add3A_1642 : i32 to vector<16xi32>
    %add3A_1644 = arith.addi %mul3A_1581, %add3A_1643 : vector<16xi32>
    %gather3A_1645 = tpu.vector_load_idx %arg12[%add3A_1644] : memref<2618xf32, #tpu.memory_space<vmem>>[vector<16xi32>], vector<16xf32>,
    tpu.vector_store_idx %arg11[%add3A_1571, %broadcast_in_dim3A_337], %gather3A_1645 : memref<512x16xf32, #tpu.memory_space<vmem>>[vector<16xi32>, vector<16xi32>], vector<16xf32>,
    %add3A_1646 = arith.constant 272 : i32
    %add3A_1647 = vector.broadcast %add3A_1646 : i32 to vector<16xi32>
    %add3A_1648 = arith.addi %iota3A, %add3A_1647 : vector<16xi32>
    %get3A_1649 = arith.constant 784 : index
    %get3A_1650 = tpu.vector_load %arg9[%get3A_1649] {strides = array<i32>} : memref<1536xi32, #tpu.memory_space<vmem>>, vector<16xi32>,
    %mul3A_1651 = arith.constant 6 : i32
    %mul3A_1652 = vector.broadcast %mul3A_1651 : i32 to vector<16xi32>
    %mul3A_1653 = arith.muli %get3A_1650, %mul3A_1652 : vector<16xi32>
    %get3A_1654 = arith.constant 1296 : index
    %get3A_1655 = tpu.vector_load %arg9[%get3A_1654] {strides = array<i32>} : memref<1536xi32, #tpu.memory_space<vmem>>, vector<16xi32>,
    %mul3A_1656 = arith.constant 10 : i32
    %mul3A_1657 = vector.broadcast %mul3A_1656 : i32 to vector<16xi32>
    %mul3A_1658 = arith.muli %get3A_1655, %mul3A_1657 : vector<16xi32>
    %add3A_1659 = arith.constant 6 : i32
    %add3A_1660 = vector.broadcast %add3A_1659 : i32 to vector<16xi32>
    %add3A_1661 = arith.addi %mul3A_1653, %add3A_1660 : vector<16xi32>
    %gather3A_1662 = tpu.vector_load_idx %arg12[%add3A_1661] : memref<2618xf32, #tpu.memory_space<vmem>>[vector<16xi32>], vector<16xf32>,
    tpu.vector_store_idx %arg11[%add3A_1648, %broadcast_in_dim3A_307], %gather3A_1662 : memref<512x16xf32, #tpu.memory_space<vmem>>[vector<16xi32>, vector<16xi32>], vector<16xf32>,
    %add3A_1663 = arith.constant 7 : i32
    %add3A_1664 = vector.broadcast %add3A_1663 : i32 to vector<16xi32>
    %add3A_1665 = arith.addi %mul3A_1653, %add3A_1664 : vector<16xi32>
    %gather3A_1666 = tpu.vector_load_idx %arg12[%add3A_1665] : memref<2618xf32, #tpu.memory_space<vmem>>[vector<16xi32>], vector<16xf32>,
    tpu.vector_store_idx %arg11[%add3A_1648, %broadcast_in_dim3A_309], %gather3A_1666 : memref<512x16xf32, #tpu.memory_space<vmem>>[vector<16xi32>, vector<16xi32>], vector<16xf32>,
    %add3A_1667 = arith.constant 8 : i32
    %add3A_1668 = vector.broadcast %add3A_1667 : i32 to vector<16xi32>
    %add3A_1669 = arith.addi %mul3A_1653, %add3A_1668 : vector<16xi32>
    %gather3A_1670 = tpu.vector_load_idx %arg12[%add3A_1669] : memref<2618xf32, #tpu.memory_space<vmem>>[vector<16xi32>], vector<16xf32>,
    tpu.vector_store_idx %arg11[%add3A_1648, %broadcast_in_dim3A_311], %gather3A_1670 : memref<512x16xf32, #tpu.memory_space<vmem>>[vector<16xi32>, vector<16xi32>], vector<16xf32>,
    %add3A_1671 = arith.constant 9 : i32
    %add3A_1672 = vector.broadcast %add3A_1671 : i32 to vector<16xi32>
    %add3A_1673 = arith.addi %mul3A_1653, %add3A_1672 : vector<16xi32>
    %gather3A_1674 = tpu.vector_load_idx %arg12[%add3A_1673] : memref<2618xf32, #tpu.memory_space<vmem>>[vector<16xi32>], vector<16xf32>,
    tpu.vector_store_idx %arg11[%add3A_1648, %broadcast_in_dim3A_313], %gather3A_1674 : memref<512x16xf32, #tpu.memory_space<vmem>>[vector<16xi32>, vector<16xi32>], vector<16xf32>,
    %add3A_1675 = arith.constant 10 : i32
    %add3A_1676 = vector.broadcast %add3A_1675 : i32 to vector<16xi32>
    %add3A_1677 = arith.addi %mul3A_1653, %add3A_1676 : vector<16xi32>
    %gather3A_1678 = tpu.vector_load_idx %arg12[%add3A_1677] : memref<2618xf32, #tpu.memory_space<vmem>>[vector<16xi32>], vector<16xf32>,
    tpu.vector_store_idx %arg11[%add3A_1648, %broadcast_in_dim3A_315], %gather3A_1678 : memref<512x16xf32, #tpu.memory_space<vmem>>[vector<16xi32>, vector<16xi32>], vector<16xf32>,
    %add3A_1679 = arith.constant 11 : i32
    %add3A_1680 = vector.broadcast %add3A_1679 : i32 to vector<16xi32>
    %add3A_1681 = arith.addi %mul3A_1653, %add3A_1680 : vector<16xi32>
    %gather3A_1682 = tpu.vector_load_idx %arg12[%add3A_1681] : memref<2618xf32, #tpu.memory_space<vmem>>[vector<16xi32>], vector<16xf32>,
    tpu.vector_store_idx %arg11[%add3A_1648, %broadcast_in_dim3A_317], %gather3A_1682 : memref<512x16xf32, #tpu.memory_space<vmem>>[vector<16xi32>, vector<16xi32>], vector<16xf32>,
    %add3A_1683 = arith.constant 618 : i32
    %add3A_1684 = vector.broadcast %add3A_1683 : i32 to vector<16xi32>
    %add3A_1685 = arith.addi %mul3A_1658, %add3A_1684 : vector<16xi32>
    %gather3A_1686 = tpu.vector_load_idx %arg12[%add3A_1685] : memref<2618xf32, #tpu.memory_space<vmem>>[vector<16xi32>], vector<16xf32>,
    tpu.vector_store_idx %arg11[%add3A_1648, %broadcast_in_dim3A_319], %gather3A_1686 : memref<512x16xf32, #tpu.memory_space<vmem>>[vector<16xi32>, vector<16xi32>], vector<16xf32>,
    %add3A_1687 = arith.constant 619 : i32
    %add3A_1688 = vector.broadcast %add3A_1687 : i32 to vector<16xi32>
    %add3A_1689 = arith.addi %mul3A_1658, %add3A_1688 : vector<16xi32>
    %gather3A_1690 = tpu.vector_load_idx %arg12[%add3A_1689] : memref<2618xf32, #tpu.memory_space<vmem>>[vector<16xi32>], vector<16xf32>,
    tpu.vector_store_idx %arg11[%add3A_1648, %broadcast_in_dim3A_321], %gather3A_1690 : memref<512x16xf32, #tpu.memory_space<vmem>>[vector<16xi32>, vector<16xi32>], vector<16xf32>,
    %add3A_1691 = arith.constant 620 : i32
    %add3A_1692 = vector.broadcast %add3A_1691 : i32 to vector<16xi32>
    %add3A_1693 = arith.addi %mul3A_1658, %add3A_1692 : vector<16xi32>
    %gather3A_1694 = tpu.vector_load_idx %arg12[%add3A_1693] : memref<2618xf32, #tpu.memory_space<vmem>>[vector<16xi32>], vector<16xf32>,
    tpu.vector_store_idx %arg11[%add3A_1648, %broadcast_in_dim3A_323], %gather3A_1694 : memref<512x16xf32, #tpu.memory_space<vmem>>[vector<16xi32>, vector<16xi32>], vector<16xf32>,
    %add3A_1695 = arith.constant 621 : i32
    %add3A_1696 = vector.broadcast %add3A_1695 : i32 to vector<16xi32>
    %add3A_1697 = arith.addi %mul3A_1658, %add3A_1696 : vector<16xi32>
    %gather3A_1698 = tpu.vector_load_idx %arg12[%add3A_1697] : memref<2618xf32, #tpu.memory_space<vmem>>[vector<16xi32>], vector<16xf32>,
    tpu.vector_store_idx %arg11[%add3A_1648, %broadcast_in_dim3A_325], %gather3A_1698 : memref<512x16xf32, #tpu.memory_space<vmem>>[vector<16xi32>, vector<16xi32>], vector<16xf32>,
    %add3A_1699 = arith.constant 622 : i32
    %add3A_1700 = vector.broadcast %add3A_1699 : i32 to vector<16xi32>
    %add3A_1701 = arith.addi %mul3A_1658, %add3A_1700 : vector<16xi32>
    %gather3A_1702 = tpu.vector_load_idx %arg12[%add3A_1701] : memref<2618xf32, #tpu.memory_space<vmem>>[vector<16xi32>], vector<16xf32>,
    tpu.vector_store_idx %arg11[%add3A_1648, %broadcast_in_dim3A_327], %gather3A_1702 : memref<512x16xf32, #tpu.memory_space<vmem>>[vector<16xi32>, vector<16xi32>], vector<16xf32>,
    %add3A_1703 = arith.constant 623 : i32
    %add3A_1704 = vector.broadcast %add3A_1703 : i32 to vector<16xi32>
    %add3A_1705 = arith.addi %mul3A_1658, %add3A_1704 : vector<16xi32>
    %gather3A_1706 = tpu.vector_load_idx %arg12[%add3A_1705] : memref<2618xf32, #tpu.memory_space<vmem>>[vector<16xi32>], vector<16xf32>,
    tpu.vector_store_idx %arg11[%add3A_1648, %broadcast_in_dim3A_329], %gather3A_1706 : memref<512x16xf32, #tpu.memory_space<vmem>>[vector<16xi32>, vector<16xi32>], vector<16xf32>,
    %add3A_1707 = arith.constant 624 : i32
    %add3A_1708 = vector.broadcast %add3A_1707 : i32 to vector<16xi32>
    %add3A_1709 = arith.addi %mul3A_1658, %add3A_1708 : vector<16xi32>
    %gather3A_1710 = tpu.vector_load_idx %arg12[%add3A_1709] : memref<2618xf32, #tpu.memory_space<vmem>>[vector<16xi32>], vector<16xf32>,
    tpu.vector_store_idx %arg11[%add3A_1648, %broadcast_in_dim3A_331], %gather3A_1710 : memref<512x16xf32, #tpu.memory_space<vmem>>[vector<16xi32>, vector<16xi32>], vector<16xf32>,
    %add3A_1711 = arith.constant 625 : i32
    %add3A_1712 = vector.broadcast %add3A_1711 : i32 to vector<16xi32>
    %add3A_1713 = arith.addi %mul3A_1658, %add3A_1712 : vector<16xi32>
    %gather3A_1714 = tpu.vector_load_idx %arg12[%add3A_1713] : memref<2618xf32, #tpu.memory_space<vmem>>[vector<16xi32>], vector<16xf32>,
    tpu.vector_store_idx %arg11[%add3A_1648, %broadcast_in_dim3A_333], %gather3A_1714 : memref<512x16xf32, #tpu.memory_space<vmem>>[vector<16xi32>, vector<16xi32>], vector<16xf32>,
    %add3A_1715 = arith.constant 626 : i32
    %add3A_1716 = vector.broadcast %add3A_1715 : i32 to vector<16xi32>
    %add3A_1717 = arith.addi %mul3A_1658, %add3A_1716 : vector<16xi32>
    %gather3A_1718 = tpu.vector_load_idx %arg12[%add3A_1717] : memref<2618xf32, #tpu.memory_space<vmem>>[vector<16xi32>], vector<16xf32>,
    tpu.vector_store_idx %arg11[%add3A_1648, %broadcast_in_dim3A_335], %gather3A_1718 : memref<512x16xf32, #tpu.memory_space<vmem>>[vector<16xi32>, vector<16xi32>], vector<16xf32>,
    %add3A_1719 = arith.constant 627 : i32
    %add3A_1720 = vector.broadcast %add3A_1719 : i32 to vector<16xi32>
    %add3A_1721 = arith.addi %mul3A_1658, %add3A_1720 : vector<16xi32>
    %gather3A_1722 = tpu.vector_load_idx %arg12[%add3A_1721] : memref<2618xf32, #tpu.memory_space<vmem>>[vector<16xi32>], vector<16xf32>,
    tpu.vector_store_idx %arg11[%add3A_1648, %broadcast_in_dim3A_337], %gather3A_1722 : memref<512x16xf32, #tpu.memory_space<vmem>>[vector<16xi32>, vector<16xi32>], vector<16xf32>,
    %add3A_1723 = arith.constant 288 : i32
    %add3A_1724 = vector.broadcast %add3A_1723 : i32 to vector<16xi32>
    %add3A_1725 = arith.addi %iota3A, %add3A_1724 : vector<16xi32>
    %get3A_1726 = arith.constant 800 : index
    %get3A_1727 = tpu.vector_load %arg9[%get3A_1726] {strides = array<i32>} : memref<1536xi32, #tpu.memory_space<vmem>>, vector<16xi32>,
    %mul3A_1728 = arith.constant 6 : i32
    %mul3A_1729 = vector.broadcast %mul3A_1728 : i32 to vector<16xi32>
    %mul3A_1730 = arith.muli %get3A_1727, %mul3A_1729 : vector<16xi32>
    %get3A_1731 = arith.constant 1312 : index
    %get3A_1732 = tpu.vector_load %arg9[%get3A_1731] {strides = array<i32>} : memref<1536xi32, #tpu.memory_space<vmem>>, vector<16xi32>,
    %mul3A_1733 = arith.constant 10 : i32
    %mul3A_1734 = vector.broadcast %mul3A_1733 : i32 to vector<16xi32>
    %mul3A_1735 = arith.muli %get3A_1732, %mul3A_1734 : vector<16xi32>
    %add3A_1736 = arith.constant 6 : i32
    %add3A_1737 = vector.broadcast %add3A_1736 : i32 to vector<16xi32>
    %add3A_1738 = arith.addi %mul3A_1730, %add3A_1737 : vector<16xi32>
    %gather3A_1739 = tpu.vector_load_idx %arg12[%add3A_1738] : memref<2618xf32, #tpu.memory_space<vmem>>[vector<16xi32>], vector<16xf32>,
    tpu.vector_store_idx %arg11[%add3A_1725, %broadcast_in_dim3A_307], %gather3A_1739 : memref<512x16xf32, #tpu.memory_space<vmem>>[vector<16xi32>, vector<16xi32>], vector<16xf32>,
    %add3A_1740 = arith.constant 7 : i32
    %add3A_1741 = vector.broadcast %add3A_1740 : i32 to vector<16xi32>
    %add3A_1742 = arith.addi %mul3A_1730, %add3A_1741 : vector<16xi32>
    %gather3A_1743 = tpu.vector_load_idx %arg12[%add3A_1742] : memref<2618xf32, #tpu.memory_space<vmem>>[vector<16xi32>], vector<16xf32>,
    tpu.vector_store_idx %arg11[%add3A_1725, %broadcast_in_dim3A_309], %gather3A_1743 : memref<512x16xf32, #tpu.memory_space<vmem>>[vector<16xi32>, vector<16xi32>], vector<16xf32>,
    %add3A_1744 = arith.constant 8 : i32
    %add3A_1745 = vector.broadcast %add3A_1744 : i32 to vector<16xi32>
    %add3A_1746 = arith.addi %mul3A_1730, %add3A_1745 : vector<16xi32>
    %gather3A_1747 = tpu.vector_load_idx %arg12[%add3A_1746] : memref<2618xf32, #tpu.memory_space<vmem>>[vector<16xi32>], vector<16xf32>,
    tpu.vector_store_idx %arg11[%add3A_1725, %broadcast_in_dim3A_311], %gather3A_1747 : memref<512x16xf32, #tpu.memory_space<vmem>>[vector<16xi32>, vector<16xi32>], vector<16xf32>,
    %add3A_1748 = arith.constant 9 : i32
    %add3A_1749 = vector.broadcast %add3A_1748 : i32 to vector<16xi32>
    %add3A_1750 = arith.addi %mul3A_1730, %add3A_1749 : vector<16xi32>
    %gather3A_1751 = tpu.vector_load_idx %arg12[%add3A_1750] : memref<2618xf32, #tpu.memory_space<vmem>>[vector<16xi32>], vector<16xf32>,
    tpu.vector_store_idx %arg11[%add3A_1725, %broadcast_in_dim3A_313], %gather3A_1751 : memref<512x16xf32, #tpu.memory_space<vmem>>[vector<16xi32>, vector<16xi32>], vector<16xf32>,
    %add3A_1752 = arith.constant 10 : i32
    %add3A_1753 = vector.broadcast %add3A_1752 : i32 to vector<16xi32>
    %add3A_1754 = arith.addi %mul3A_1730, %add3A_1753 : vector<16xi32>
    %gather3A_1755 = tpu.vector_load_idx %arg12[%add3A_1754] : memref<2618xf32, #tpu.memory_space<vmem>>[vector<16xi32>], vector<16xf32>,
    tpu.vector_store_idx %arg11[%add3A_1725, %broadcast_in_dim3A_315], %gather3A_1755 : memref<512x16xf32, #tpu.memory_space<vmem>>[vector<16xi32>, vector<16xi32>], vector<16xf32>,
    %add3A_1756 = arith.constant 11 : i32
    %add3A_1757 = vector.broadcast %add3A_1756 : i32 to vector<16xi32>
    %add3A_1758 = arith.addi %mul3A_1730, %add3A_1757 : vector<16xi32>
    %gather3A_1759 = tpu.vector_load_idx %arg12[%add3A_1758] : memref<2618xf32, #tpu.memory_space<vmem>>[vector<16xi32>], vector<16xf32>,
    tpu.vector_store_idx %arg11[%add3A_1725, %broadcast_in_dim3A_317], %gather3A_1759 : memref<512x16xf32, #tpu.memory_space<vmem>>[vector<16xi32>, vector<16xi32>], vector<16xf32>,
    %add3A_1760 = arith.constant 618 : i32
    %add3A_1761 = vector.broadcast %add3A_1760 : i32 to vector<16xi32>
    %add3A_1762 = arith.addi %mul3A_1735, %add3A_1761 : vector<16xi32>
    %gather3A_1763 = tpu.vector_load_idx %arg12[%add3A_1762] : memref<2618xf32, #tpu.memory_space<vmem>>[vector<16xi32>], vector<16xf32>,
    tpu.vector_store_idx %arg11[%add3A_1725, %broadcast_in_dim3A_319], %gather3A_1763 : memref<512x16xf32, #tpu.memory_space<vmem>>[vector<16xi32>, vector<16xi32>], vector<16xf32>,
    %add3A_1764 = arith.constant 619 : i32
    %add3A_1765 = vector.broadcast %add3A_1764 : i32 to vector<16xi32>
    %add3A_1766 = arith.addi %mul3A_1735, %add3A_1765 : vector<16xi32>
    %gather3A_1767 = tpu.vector_load_idx %arg12[%add3A_1766] : memref<2618xf32, #tpu.memory_space<vmem>>[vector<16xi32>], vector<16xf32>,
    tpu.vector_store_idx %arg11[%add3A_1725, %broadcast_in_dim3A_321], %gather3A_1767 : memref<512x16xf32, #tpu.memory_space<vmem>>[vector<16xi32>, vector<16xi32>], vector<16xf32>,
    %add3A_1768 = arith.constant 620 : i32
    %add3A_1769 = vector.broadcast %add3A_1768 : i32 to vector<16xi32>
    %add3A_1770 = arith.addi %mul3A_1735, %add3A_1769 : vector<16xi32>
    %gather3A_1771 = tpu.vector_load_idx %arg12[%add3A_1770] : memref<2618xf32, #tpu.memory_space<vmem>>[vector<16xi32>], vector<16xf32>,
    tpu.vector_store_idx %arg11[%add3A_1725, %broadcast_in_dim3A_323], %gather3A_1771 : memref<512x16xf32, #tpu.memory_space<vmem>>[vector<16xi32>, vector<16xi32>], vector<16xf32>,
    %add3A_1772 = arith.constant 621 : i32
    %add3A_1773 = vector.broadcast %add3A_1772 : i32 to vector<16xi32>
    %add3A_1774 = arith.addi %mul3A_1735, %add3A_1773 : vector<16xi32>
    %gather3A_1775 = tpu.vector_load_idx %arg12[%add3A_1774] : memref<2618xf32, #tpu.memory_space<vmem>>[vector<16xi32>], vector<16xf32>,
    tpu.vector_store_idx %arg11[%add3A_1725, %broadcast_in_dim3A_325], %gather3A_1775 : memref<512x16xf32, #tpu.memory_space<vmem>>[vector<16xi32>, vector<16xi32>], vector<16xf32>,
    %add3A_1776 = arith.constant 622 : i32
    %add3A_1777 = vector.broadcast %add3A_1776 : i32 to vector<16xi32>
    %add3A_1778 = arith.addi %mul3A_1735, %add3A_1777 : vector<16xi32>
    %gather3A_1779 = tpu.vector_load_idx %arg12[%add3A_1778] : memref<2618xf32, #tpu.memory_space<vmem>>[vector<16xi32>], vector<16xf32>,
    tpu.vector_store_idx %arg11[%add3A_1725, %broadcast_in_dim3A_327], %gather3A_1779 : memref<512x16xf32, #tpu.memory_space<vmem>>[vector<16xi32>, vector<16xi32>], vector<16xf32>,
    %add3A_1780 = arith.constant 623 : i32
    %add3A_1781 = vector.broadcast %add3A_1780 : i32 to vector<16xi32>
    %add3A_1782 = arith.addi %mul3A_1735, %add3A_1781 : vector<16xi32>
    %gather3A_1783 = tpu.vector_load_idx %arg12[%add3A_1782] : memref<2618xf32, #tpu.memory_space<vmem>>[vector<16xi32>], vector<16xf32>,
    tpu.vector_store_idx %arg11[%add3A_1725, %broadcast_in_dim3A_329], %gather3A_1783 : memref<512x16xf32, #tpu.memory_space<vmem>>[vector<16xi32>, vector<16xi32>], vector<16xf32>,
    %add3A_1784 = arith.constant 624 : i32
    %add3A_1785 = vector.broadcast %add3A_1784 : i32 to vector<16xi32>
    %add3A_1786 = arith.addi %mul3A_1735, %add3A_1785 : vector<16xi32>
    %gather3A_1787 = tpu.vector_load_idx %arg12[%add3A_1786] : memref<2618xf32, #tpu.memory_space<vmem>>[vector<16xi32>], vector<16xf32>,
    tpu.vector_store_idx %arg11[%add3A_1725, %broadcast_in_dim3A_331], %gather3A_1787 : memref<512x16xf32, #tpu.memory_space<vmem>>[vector<16xi32>, vector<16xi32>], vector<16xf32>,
    %add3A_1788 = arith.constant 625 : i32
    %add3A_1789 = vector.broadcast %add3A_1788 : i32 to vector<16xi32>
    %add3A_1790 = arith.addi %mul3A_1735, %add3A_1789 : vector<16xi32>
    %gather3A_1791 = tpu.vector_load_idx %arg12[%add3A_1790] : memref<2618xf32, #tpu.memory_space<vmem>>[vector<16xi32>], vector<16xf32>,
    tpu.vector_store_idx %arg11[%add3A_1725, %broadcast_in_dim3A_333], %gather3A_1791 : memref<512x16xf32, #tpu.memory_space<vmem>>[vector<16xi32>, vector<16xi32>], vector<16xf32>,
    %add3A_1792 = arith.constant 626 : i32
    %add3A_1793 = vector.broadcast %add3A_1792 : i32 to vector<16xi32>
    %add3A_1794 = arith.addi %mul3A_1735, %add3A_1793 : vector<16xi32>
    %gather3A_1795 = tpu.vector_load_idx %arg12[%add3A_1794] : memref<2618xf32, #tpu.memory_space<vmem>>[vector<16xi32>], vector<16xf32>,
    tpu.vector_store_idx %arg11[%add3A_1725, %broadcast_in_dim3A_335], %gather3A_1795 : memref<512x16xf32, #tpu.memory_space<vmem>>[vector<16xi32>, vector<16xi32>], vector<16xf32>,
    %add3A_1796 = arith.constant 627 : i32
    %add3A_1797 = vector.broadcast %add3A_1796 : i32 to vector<16xi32>
    %add3A_1798 = arith.addi %mul3A_1735, %add3A_1797 : vector<16xi32>
    %gather3A_1799 = tpu.vector_load_idx %arg12[%add3A_1798] : memref<2618xf32, #tpu.memory_space<vmem>>[vector<16xi32>], vector<16xf32>,
    tpu.vector_store_idx %arg11[%add3A_1725, %broadcast_in_dim3A_337], %gather3A_1799 : memref<512x16xf32, #tpu.memory_space<vmem>>[vector<16xi32>, vector<16xi32>], vector<16xf32>,
    %add3A_1800 = arith.constant 304 : i32
    %add3A_1801 = vector.broadcast %add3A_1800 : i32 to vector<16xi32>
    %add3A_1802 = arith.addi %iota3A, %add3A_1801 : vector<16xi32>
    %get3A_1803 = arith.constant 816 : index
    %get3A_1804 = tpu.vector_load %arg9[%get3A_1803] {strides = array<i32>} : memref<1536xi32, #tpu.memory_space<vmem>>, vector<16xi32>,
    %mul3A_1805 = arith.constant 6 : i32
    %mul3A_1806 = vector.broadcast %mul3A_1805 : i32 to vector<16xi32>
    %mul3A_1807 = arith.muli %get3A_1804, %mul3A_1806 : vector<16xi32>
    %get3A_1808 = arith.constant 1328 : index
    %get3A_1809 = tpu.vector_load %arg9[%get3A_1808] {strides = array<i32>} : memref<1536xi32, #tpu.memory_space<vmem>>, vector<16xi32>,
    %mul3A_1810 = arith.constant 10 : i32
    %mul3A_1811 = vector.broadcast %mul3A_1810 : i32 to vector<16xi32>
    %mul3A_1812 = arith.muli %get3A_1809, %mul3A_1811 : vector<16xi32>
    %add3A_1813 = arith.constant 6 : i32
    %add3A_1814 = vector.broadcast %add3A_1813 : i32 to vector<16xi32>
    %add3A_1815 = arith.addi %mul3A_1807, %add3A_1814 : vector<16xi32>
    %gather3A_1816 = tpu.vector_load_idx %arg12[%add3A_1815] : memref<2618xf32, #tpu.memory_space<vmem>>[vector<16xi32>], vector<16xf32>,
    tpu.vector_store_idx %arg11[%add3A_1802, %broadcast_in_dim3A_307], %gather3A_1816 : memref<512x16xf32, #tpu.memory_space<vmem>>[vector<16xi32>, vector<16xi32>], vector<16xf32>,
    %add3A_1817 = arith.constant 7 : i32
    %add3A_1818 = vector.broadcast %add3A_1817 : i32 to vector<16xi32>
    %add3A_1819 = arith.addi %mul3A_1807, %add3A_1818 : vector<16xi32>
    %gather3A_1820 = tpu.vector_load_idx %arg12[%add3A_1819] : memref<2618xf32, #tpu.memory_space<vmem>>[vector<16xi32>], vector<16xf32>,
    tpu.vector_store_idx %arg11[%add3A_1802, %broadcast_in_dim3A_309], %gather3A_1820 : memref<512x16xf32, #tpu.memory_space<vmem>>[vector<16xi32>, vector<16xi32>], vector<16xf32>,
    %add3A_1821 = arith.constant 8 : i32
    %add3A_1822 = vector.broadcast %add3A_1821 : i32 to vector<16xi32>
    %add3A_1823 = arith.addi %mul3A_1807, %add3A_1822 : vector<16xi32>
    %gather3A_1824 = tpu.vector_load_idx %arg12[%add3A_1823] : memref<2618xf32, #tpu.memory_space<vmem>>[vector<16xi32>], vector<16xf32>,
    tpu.vector_store_idx %arg11[%add3A_1802, %broadcast_in_dim3A_311], %gather3A_1824 : memref<512x16xf32, #tpu.memory_space<vmem>>[vector<16xi32>, vector<16xi32>], vector<16xf32>,
    %add3A_1825 = arith.constant 9 : i32
    %add3A_1826 = vector.broadcast %add3A_1825 : i32 to vector<16xi32>
    %add3A_1827 = arith.addi %mul3A_1807, %add3A_1826 : vector<16xi32>
    %gather3A_1828 = tpu.vector_load_idx %arg12[%add3A_1827] : memref<2618xf32, #tpu.memory_space<vmem>>[vector<16xi32>], vector<16xf32>,
    tpu.vector_store_idx %arg11[%add3A_1802, %broadcast_in_dim3A_313], %gather3A_1828 : memref<512x16xf32, #tpu.memory_space<vmem>>[vector<16xi32>, vector<16xi32>], vector<16xf32>,
    %add3A_1829 = arith.constant 10 : i32
    %add3A_1830 = vector.broadcast %add3A_1829 : i32 to vector<16xi32>
    %add3A_1831 = arith.addi %mul3A_1807, %add3A_1830 : vector<16xi32>
    %gather3A_1832 = tpu.vector_load_idx %arg12[%add3A_1831] : memref<2618xf32, #tpu.memory_space<vmem>>[vector<16xi32>], vector<16xf32>,
    tpu.vector_store_idx %arg11[%add3A_1802, %broadcast_in_dim3A_315], %gather3A_1832 : memref<512x16xf32, #tpu.memory_space<vmem>>[vector<16xi32>, vector<16xi32>], vector<16xf32>,
    %add3A_1833 = arith.constant 11 : i32
    %add3A_1834 = vector.broadcast %add3A_1833 : i32 to vector<16xi32>
    %add3A_1835 = arith.addi %mul3A_1807, %add3A_1834 : vector<16xi32>
    %gather3A_1836 = tpu.vector_load_idx %arg12[%add3A_1835] : memref<2618xf32, #tpu.memory_space<vmem>>[vector<16xi32>], vector<16xf32>,
    tpu.vector_store_idx %arg11[%add3A_1802, %broadcast_in_dim3A_317], %gather3A_1836 : memref<512x16xf32, #tpu.memory_space<vmem>>[vector<16xi32>, vector<16xi32>], vector<16xf32>,
    %add3A_1837 = arith.constant 618 : i32
    %add3A_1838 = vector.broadcast %add3A_1837 : i32 to vector<16xi32>
    %add3A_1839 = arith.addi %mul3A_1812, %add3A_1838 : vector<16xi32>
    %gather3A_1840 = tpu.vector_load_idx %arg12[%add3A_1839] : memref<2618xf32, #tpu.memory_space<vmem>>[vector<16xi32>], vector<16xf32>,
    tpu.vector_store_idx %arg11[%add3A_1802, %broadcast_in_dim3A_319], %gather3A_1840 : memref<512x16xf32, #tpu.memory_space<vmem>>[vector<16xi32>, vector<16xi32>], vector<16xf32>,
    %add3A_1841 = arith.constant 619 : i32
    %add3A_1842 = vector.broadcast %add3A_1841 : i32 to vector<16xi32>
    %add3A_1843 = arith.addi %mul3A_1812, %add3A_1842 : vector<16xi32>
    %gather3A_1844 = tpu.vector_load_idx %arg12[%add3A_1843] : memref<2618xf32, #tpu.memory_space<vmem>>[vector<16xi32>], vector<16xf32>,
    tpu.vector_store_idx %arg11[%add3A_1802, %broadcast_in_dim3A_321], %gather3A_1844 : memref<512x16xf32, #tpu.memory_space<vmem>>[vector<16xi32>, vector<16xi32>], vector<16xf32>,
    %add3A_1845 = arith.constant 620 : i32
    %add3A_1846 = vector.broadcast %add3A_1845 : i32 to vector<16xi32>
    %add3A_1847 = arith.addi %mul3A_1812, %add3A_1846 : vector<16xi32>
    %gather3A_1848 = tpu.vector_load_idx %arg12[%add3A_1847] : memref<2618xf32, #tpu.memory_space<vmem>>[vector<16xi32>], vector<16xf32>,
    tpu.vector_store_idx %arg11[%add3A_1802, %broadcast_in_dim3A_323], %gather3A_1848 : memref<512x16xf32, #tpu.memory_space<vmem>>[vector<16xi32>, vector<16xi32>], vector<16xf32>,
    %add3A_1849 = arith.constant 621 : i32
    %add3A_1850 = vector.broadcast %add3A_1849 : i32 to vector<16xi32>
    %add3A_1851 = arith.addi %mul3A_1812, %add3A_1850 : vector<16xi32>
    %gather3A_1852 = tpu.vector_load_idx %arg12[%add3A_1851] : memref<2618xf32, #tpu.memory_space<vmem>>[vector<16xi32>], vector<16xf32>,
    tpu.vector_store_idx %arg11[%add3A_1802, %broadcast_in_dim3A_325], %gather3A_1852 : memref<512x16xf32, #tpu.memory_space<vmem>>[vector<16xi32>, vector<16xi32>], vector<16xf32>,
    %add3A_1853 = arith.constant 622 : i32
    %add3A_1854 = vector.broadcast %add3A_1853 : i32 to vector<16xi32>
    %add3A_1855 = arith.addi %mul3A_1812, %add3A_1854 : vector<16xi32>
    %gather3A_1856 = tpu.vector_load_idx %arg12[%add3A_1855] : memref<2618xf32, #tpu.memory_space<vmem>>[vector<16xi32>], vector<16xf32>,
    tpu.vector_store_idx %arg11[%add3A_1802, %broadcast_in_dim3A_327], %gather3A_1856 : memref<512x16xf32, #tpu.memory_space<vmem>>[vector<16xi32>, vector<16xi32>], vector<16xf32>,
    %add3A_1857 = arith.constant 623 : i32
    %add3A_1858 = vector.broadcast %add3A_1857 : i32 to vector<16xi32>
    %add3A_1859 = arith.addi %mul3A_1812, %add3A_1858 : vector<16xi32>
    %gather3A_1860 = tpu.vector_load_idx %arg12[%add3A_1859] : memref<2618xf32, #tpu.memory_space<vmem>>[vector<16xi32>], vector<16xf32>,
    tpu.vector_store_idx %arg11[%add3A_1802, %broadcast_in_dim3A_329], %gather3A_1860 : memref<512x16xf32, #tpu.memory_space<vmem>>[vector<16xi32>, vector<16xi32>], vector<16xf32>,
    %add3A_1861 = arith.constant 624 : i32
    %add3A_1862 = vector.broadcast %add3A_1861 : i32 to vector<16xi32>
    %add3A_1863 = arith.addi %mul3A_1812, %add3A_1862 : vector<16xi32>
    %gather3A_1864 = tpu.vector_load_idx %arg12[%add3A_1863] : memref<2618xf32, #tpu.memory_space<vmem>>[vector<16xi32>], vector<16xf32>,
    tpu.vector_store_idx %arg11[%add3A_1802, %broadcast_in_dim3A_331], %gather3A_1864 : memref<512x16xf32, #tpu.memory_space<vmem>>[vector<16xi32>, vector<16xi32>], vector<16xf32>,
    %add3A_1865 = arith.constant 625 : i32
    %add3A_1866 = vector.broadcast %add3A_1865 : i32 to vector<16xi32>
    %add3A_1867 = arith.addi %mul3A_1812, %add3A_1866 : vector<16xi32>
    %gather3A_1868 = tpu.vector_load_idx %arg12[%add3A_1867] : memref<2618xf32, #tpu.memory_space<vmem>>[vector<16xi32>], vector<16xf32>,
    tpu.vector_store_idx %arg11[%add3A_1802, %broadcast_in_dim3A_333], %gather3A_1868 : memref<512x16xf32, #tpu.memory_space<vmem>>[vector<16xi32>, vector<16xi32>], vector<16xf32>,
    %add3A_1869 = arith.constant 626 : i32
    %add3A_1870 = vector.broadcast %add3A_1869 : i32 to vector<16xi32>
    %add3A_1871 = arith.addi %mul3A_1812, %add3A_1870 : vector<16xi32>
    %gather3A_1872 = tpu.vector_load_idx %arg12[%add3A_1871] : memref<2618xf32, #tpu.memory_space<vmem>>[vector<16xi32>], vector<16xf32>,
    tpu.vector_store_idx %arg11[%add3A_1802, %broadcast_in_dim3A_335], %gather3A_1872 : memref<512x16xf32, #tpu.memory_space<vmem>>[vector<16xi32>, vector<16xi32>], vector<16xf32>,
    %add3A_1873 = arith.constant 627 : i32
    %add3A_1874 = vector.broadcast %add3A_1873 : i32 to vector<16xi32>
    %add3A_1875 = arith.addi %mul3A_1812, %add3A_1874 : vector<16xi32>
    %gather3A_1876 = tpu.vector_load_idx %arg12[%add3A_1875] : memref<2618xf32, #tpu.memory_space<vmem>>[vector<16xi32>], vector<16xf32>,
    tpu.vector_store_idx %arg11[%add3A_1802, %broadcast_in_dim3A_337], %gather3A_1876 : memref<512x16xf32, #tpu.memory_space<vmem>>[vector<16xi32>, vector<16xi32>], vector<16xf32>,
    %add3A_1877 = arith.constant 320 : i32
    %add3A_1878 = vector.broadcast %add3A_1877 : i32 to vector<16xi32>
    %add3A_1879 = arith.addi %iota3A, %add3A_1878 : vector<16xi32>
    %get3A_1880 = arith.constant 832 : index
    %get3A_1881 = tpu.vector_load %arg9[%get3A_1880] {strides = array<i32>} : memref<1536xi32, #tpu.memory_space<vmem>>, vector<16xi32>,
    %mul3A_1882 = arith.constant 6 : i32
    %mul3A_1883 = vector.broadcast %mul3A_1882 : i32 to vector<16xi32>
    %mul3A_1884 = arith.muli %get3A_1881, %mul3A_1883 : vector<16xi32>
    %get3A_1885 = arith.constant 1344 : index
    %get3A_1886 = tpu.vector_load %arg9[%get3A_1885] {strides = array<i32>} : memref<1536xi32, #tpu.memory_space<vmem>>, vector<16xi32>,
    %mul3A_1887 = arith.constant 10 : i32
    %mul3A_1888 = vector.broadcast %mul3A_1887 : i32 to vector<16xi32>
    %mul3A_1889 = arith.muli %get3A_1886, %mul3A_1888 : vector<16xi32>
    %add3A_1890 = arith.constant 6 : i32
    %add3A_1891 = vector.broadcast %add3A_1890 : i32 to vector<16xi32>
    %add3A_1892 = arith.addi %mul3A_1884, %add3A_1891 : vector<16xi32>
    %gather3A_1893 = tpu.vector_load_idx %arg12[%add3A_1892] : memref<2618xf32, #tpu.memory_space<vmem>>[vector<16xi32>], vector<16xf32>,
    tpu.vector_store_idx %arg11[%add3A_1879, %broadcast_in_dim3A_307], %gather3A_1893 : memref<512x16xf32, #tpu.memory_space<vmem>>[vector<16xi32>, vector<16xi32>], vector<16xf32>,
    %add3A_1894 = arith.constant 7 : i32
    %add3A_1895 = vector.broadcast %add3A_1894 : i32 to vector<16xi32>
    %add3A_1896 = arith.addi %mul3A_1884, %add3A_1895 : vector<16xi32>
    %gather3A_1897 = tpu.vector_load_idx %arg12[%add3A_1896] : memref<2618xf32, #tpu.memory_space<vmem>>[vector<16xi32>], vector<16xf32>,
    tpu.vector_store_idx %arg11[%add3A_1879, %broadcast_in_dim3A_309], %gather3A_1897 : memref<512x16xf32, #tpu.memory_space<vmem>>[vector<16xi32>, vector<16xi32>], vector<16xf32>,
    %add3A_1898 = arith.constant 8 : i32
    %add3A_1899 = vector.broadcast %add3A_1898 : i32 to vector<16xi32>
    %add3A_1900 = arith.addi %mul3A_1884, %add3A_1899 : vector<16xi32>
    %gather3A_1901 = tpu.vector_load_idx %arg12[%add3A_1900] : memref<2618xf32, #tpu.memory_space<vmem>>[vector<16xi32>], vector<16xf32>,
    tpu.vector_store_idx %arg11[%add3A_1879, %broadcast_in_dim3A_311], %gather3A_1901 : memref<512x16xf32, #tpu.memory_space<vmem>>[vector<16xi32>, vector<16xi32>], vector<16xf32>,
    %add3A_1902 = arith.constant 9 : i32
    %add3A_1903 = vector.broadcast %add3A_1902 : i32 to vector<16xi32>
    %add3A_1904 = arith.addi %mul3A_1884, %add3A_1903 : vector<16xi32>
    %gather3A_1905 = tpu.vector_load_idx %arg12[%add3A_1904] : memref<2618xf32, #tpu.memory_space<vmem>>[vector<16xi32>], vector<16xf32>,
    tpu.vector_store_idx %arg11[%add3A_1879, %broadcast_in_dim3A_313], %gather3A_1905 : memref<512x16xf32, #tpu.memory_space<vmem>>[vector<16xi32>, vector<16xi32>], vector<16xf32>,
    %add3A_1906 = arith.constant 10 : i32
    %add3A_1907 = vector.broadcast %add3A_1906 : i32 to vector<16xi32>
    %add3A_1908 = arith.addi %mul3A_1884, %add3A_1907 : vector<16xi32>
    %gather3A_1909 = tpu.vector_load_idx %arg12[%add3A_1908] : memref<2618xf32, #tpu.memory_space<vmem>>[vector<16xi32>], vector<16xf32>,
    tpu.vector_store_idx %arg11[%add3A_1879, %broadcast_in_dim3A_315], %gather3A_1909 : memref<512x16xf32, #tpu.memory_space<vmem>>[vector<16xi32>, vector<16xi32>], vector<16xf32>,
    %add3A_1910 = arith.constant 11 : i32
    %add3A_1911 = vector.broadcast %add3A_1910 : i32 to vector<16xi32>
    %add3A_1912 = arith.addi %mul3A_1884, %add3A_1911 : vector<16xi32>
    %gather3A_1913 = tpu.vector_load_idx %arg12[%add3A_1912] : memref<2618xf32, #tpu.memory_space<vmem>>[vector<16xi32>], vector<16xf32>,
    tpu.vector_store_idx %arg11[%add3A_1879, %broadcast_in_dim3A_317], %gather3A_1913 : memref<512x16xf32, #tpu.memory_space<vmem>>[vector<16xi32>, vector<16xi32>], vector<16xf32>,
    %add3A_1914 = arith.constant 618 : i32
    %add3A_1915 = vector.broadcast %add3A_1914 : i32 to vector<16xi32>
    %add3A_1916 = arith.addi %mul3A_1889, %add3A_1915 : vector<16xi32>
    %gather3A_1917 = tpu.vector_load_idx %arg12[%add3A_1916] : memref<2618xf32, #tpu.memory_space<vmem>>[vector<16xi32>], vector<16xf32>,
    tpu.vector_store_idx %arg11[%add3A_1879, %broadcast_in_dim3A_319], %gather3A_1917 : memref<512x16xf32, #tpu.memory_space<vmem>>[vector<16xi32>, vector<16xi32>], vector<16xf32>,
    %add3A_1918 = arith.constant 619 : i32
    %add3A_1919 = vector.broadcast %add3A_1918 : i32 to vector<16xi32>
    %add3A_1920 = arith.addi %mul3A_1889, %add3A_1919 : vector<16xi32>
    %gather3A_1921 = tpu.vector_load_idx %arg12[%add3A_1920] : memref<2618xf32, #tpu.memory_space<vmem>>[vector<16xi32>], vector<16xf32>,
    tpu.vector_store_idx %arg11[%add3A_1879, %broadcast_in_dim3A_321], %gather3A_1921 : memref<512x16xf32, #tpu.memory_space<vmem>>[vector<16xi32>, vector<16xi32>], vector<16xf32>,
    %add3A_1922 = arith.constant 620 : i32
    %add3A_1923 = vector.broadcast %add3A_1922 : i32 to vector<16xi32>
    %add3A_1924 = arith.addi %mul3A_1889, %add3A_1923 : vector<16xi32>
    %gather3A_1925 = tpu.vector_load_idx %arg12[%add3A_1924] : memref<2618xf32, #tpu.memory_space<vmem>>[vector<16xi32>], vector<16xf32>,
    tpu.vector_store_idx %arg11[%add3A_1879, %broadcast_in_dim3A_323], %gather3A_1925 : memref<512x16xf32, #tpu.memory_space<vmem>>[vector<16xi32>, vector<16xi32>], vector<16xf32>,
    %add3A_1926 = arith.constant 621 : i32
    %add3A_1927 = vector.broadcast %add3A_1926 : i32 to vector<16xi32>
    %add3A_1928 = arith.addi %mul3A_1889, %add3A_1927 : vector<16xi32>
    %gather3A_1929 = tpu.vector_load_idx %arg12[%add3A_1928] : memref<2618xf32, #tpu.memory_space<vmem>>[vector<16xi32>], vector<16xf32>,
    tpu.vector_store_idx %arg11[%add3A_1879, %broadcast_in_dim3A_325], %gather3A_1929 : memref<512x16xf32, #tpu.memory_space<vmem>>[vector<16xi32>, vector<16xi32>], vector<16xf32>,
    %add3A_1930 = arith.constant 622 : i32
    %add3A_1931 = vector.broadcast %add3A_1930 : i32 to vector<16xi32>
    %add3A_1932 = arith.addi %mul3A_1889, %add3A_1931 : vector<16xi32>
    %gather3A_1933 = tpu.vector_load_idx %arg12[%add3A_1932] : memref<2618xf32, #tpu.memory_space<vmem>>[vector<16xi32>], vector<16xf32>,
    tpu.vector_store_idx %arg11[%add3A_1879, %broadcast_in_dim3A_327], %gather3A_1933 : memref<512x16xf32, #tpu.memory_space<vmem>>[vector<16xi32>, vector<16xi32>], vector<16xf32>,
    %add3A_1934 = arith.constant 623 : i32
    %add3A_1935 = vector.broadcast %add3A_1934 : i32 to vector<16xi32>
    %add3A_1936 = arith.addi %mul3A_1889, %add3A_1935 : vector<16xi32>
    %gather3A_1937 = tpu.vector_load_idx %arg12[%add3A_1936] : memref<2618xf32, #tpu.memory_space<vmem>>[vector<16xi32>], vector<16xf32>,
    tpu.vector_store_idx %arg11[%add3A_1879, %broadcast_in_dim3A_329], %gather3A_1937 : memref<512x16xf32, #tpu.memory_space<vmem>>[vector<16xi32>, vector<16xi32>], vector<16xf32>,
    %add3A_1938 = arith.constant 624 : i32
    %add3A_1939 = vector.broadcast %add3A_1938 : i32 to vector<16xi32>
    %add3A_1940 = arith.addi %mul3A_1889, %add3A_1939 : vector<16xi32>
    %gather3A_1941 = tpu.vector_load_idx %arg12[%add3A_1940] : memref<2618xf32, #tpu.memory_space<vmem>>[vector<16xi32>], vector<16xf32>,
    tpu.vector_store_idx %arg11[%add3A_1879, %broadcast_in_dim3A_331], %gather3A_1941 : memref<512x16xf32, #tpu.memory_space<vmem>>[vector<16xi32>, vector<16xi32>], vector<16xf32>,
    %add3A_1942 = arith.constant 625 : i32
    %add3A_1943 = vector.broadcast %add3A_1942 : i32 to vector<16xi32>
    %add3A_1944 = arith.addi %mul3A_1889, %add3A_1943 : vector<16xi32>
    %gather3A_1945 = tpu.vector_load_idx %arg12[%add3A_1944] : memref<2618xf32, #tpu.memory_space<vmem>>[vector<16xi32>], vector<16xf32>,
    tpu.vector_store_idx %arg11[%add3A_1879, %broadcast_in_dim3A_333], %gather3A_1945 : memref<512x16xf32, #tpu.memory_space<vmem>>[vector<16xi32>, vector<16xi32>], vector<16xf32>,
    %add3A_1946 = arith.constant 626 : i32
    %add3A_1947 = vector.broadcast %add3A_1946 : i32 to vector<16xi32>
    %add3A_1948 = arith.addi %mul3A_1889, %add3A_1947 : vector<16xi32>
    %gather3A_1949 = tpu.vector_load_idx %arg12[%add3A_1948] : memref<2618xf32, #tpu.memory_space<vmem>>[vector<16xi32>], vector<16xf32>,
    tpu.vector_store_idx %arg11[%add3A_1879, %broadcast_in_dim3A_335], %gather3A_1949 : memref<512x16xf32, #tpu.memory_space<vmem>>[vector<16xi32>, vector<16xi32>], vector<16xf32>,
    %add3A_1950 = arith.constant 627 : i32
    %add3A_1951 = vector.broadcast %add3A_1950 : i32 to vector<16xi32>
    %add3A_1952 = arith.addi %mul3A_1889, %add3A_1951 : vector<16xi32>
    %gather3A_1953 = tpu.vector_load_idx %arg12[%add3A_1952] : memref<2618xf32, #tpu.memory_space<vmem>>[vector<16xi32>], vector<16xf32>,
    tpu.vector_store_idx %arg11[%add3A_1879, %broadcast_in_dim3A_337], %gather3A_1953 : memref<512x16xf32, #tpu.memory_space<vmem>>[vector<16xi32>, vector<16xi32>], vector<16xf32>,
    %add3A_1954 = arith.constant 336 : i32
    %add3A_1955 = vector.broadcast %add3A_1954 : i32 to vector<16xi32>
    %add3A_1956 = arith.addi %iota3A, %add3A_1955 : vector<16xi32>
    %get3A_1957 = arith.constant 848 : index
    %get3A_1958 = tpu.vector_load %arg9[%get3A_1957] {strides = array<i32>} : memref<1536xi32, #tpu.memory_space<vmem>>, vector<16xi32>,
    %mul3A_1959 = arith.constant 6 : i32
    %mul3A_1960 = vector.broadcast %mul3A_1959 : i32 to vector<16xi32>
    %mul3A_1961 = arith.muli %get3A_1958, %mul3A_1960 : vector<16xi32>
    %get3A_1962 = arith.constant 1360 : index
    %get3A_1963 = tpu.vector_load %arg9[%get3A_1962] {strides = array<i32>} : memref<1536xi32, #tpu.memory_space<vmem>>, vector<16xi32>,
    %mul3A_1964 = arith.constant 10 : i32
    %mul3A_1965 = vector.broadcast %mul3A_1964 : i32 to vector<16xi32>
    %mul3A_1966 = arith.muli %get3A_1963, %mul3A_1965 : vector<16xi32>
    %add3A_1967 = arith.constant 6 : i32
    %add3A_1968 = vector.broadcast %add3A_1967 : i32 to vector<16xi32>
    %add3A_1969 = arith.addi %mul3A_1961, %add3A_1968 : vector<16xi32>
    %gather3A_1970 = tpu.vector_load_idx %arg12[%add3A_1969] : memref<2618xf32, #tpu.memory_space<vmem>>[vector<16xi32>], vector<16xf32>,
    tpu.vector_store_idx %arg11[%add3A_1956, %broadcast_in_dim3A_307], %gather3A_1970 : memref<512x16xf32, #tpu.memory_space<vmem>>[vector<16xi32>, vector<16xi32>], vector<16xf32>,
    %add3A_1971 = arith.constant 7 : i32
    %add3A_1972 = vector.broadcast %add3A_1971 : i32 to vector<16xi32>
    %add3A_1973 = arith.addi %mul3A_1961, %add3A_1972 : vector<16xi32>
    %gather3A_1974 = tpu.vector_load_idx %arg12[%add3A_1973] : memref<2618xf32, #tpu.memory_space<vmem>>[vector<16xi32>], vector<16xf32>,
    tpu.vector_store_idx %arg11[%add3A_1956, %broadcast_in_dim3A_309], %gather3A_1974 : memref<512x16xf32, #tpu.memory_space<vmem>>[vector<16xi32>, vector<16xi32>], vector<16xf32>,
    %add3A_1975 = arith.constant 8 : i32
    %add3A_1976 = vector.broadcast %add3A_1975 : i32 to vector<16xi32>
    %add3A_1977 = arith.addi %mul3A_1961, %add3A_1976 : vector<16xi32>
    %gather3A_1978 = tpu.vector_load_idx %arg12[%add3A_1977] : memref<2618xf32, #tpu.memory_space<vmem>>[vector<16xi32>], vector<16xf32>,
    tpu.vector_store_idx %arg11[%add3A_1956, %broadcast_in_dim3A_311], %gather3A_1978 : memref<512x16xf32, #tpu.memory_space<vmem>>[vector<16xi32>, vector<16xi32>], vector<16xf32>,
    %add3A_1979 = arith.constant 9 : i32
    %add3A_1980 = vector.broadcast %add3A_1979 : i32 to vector<16xi32>
    %add3A_1981 = arith.addi %mul3A_1961, %add3A_1980 : vector<16xi32>
    %gather3A_1982 = tpu.vector_load_idx %arg12[%add3A_1981] : memref<2618xf32, #tpu.memory_space<vmem>>[vector<16xi32>], vector<16xf32>,
    tpu.vector_store_idx %arg11[%add3A_1956, %broadcast_in_dim3A_313], %gather3A_1982 : memref<512x16xf32, #tpu.memory_space<vmem>>[vector<16xi32>, vector<16xi32>], vector<16xf32>,
    %add3A_1983 = arith.constant 10 : i32
    %add3A_1984 = vector.broadcast %add3A_1983 : i32 to vector<16xi32>
    %add3A_1985 = arith.addi %mul3A_1961, %add3A_1984 : vector<16xi32>
    %gather3A_1986 = tpu.vector_load_idx %arg12[%add3A_1985] : memref<2618xf32, #tpu.memory_space<vmem>>[vector<16xi32>], vector<16xf32>,
    tpu.vector_store_idx %arg11[%add3A_1956, %broadcast_in_dim3A_315], %gather3A_1986 : memref<512x16xf32, #tpu.memory_space<vmem>>[vector<16xi32>, vector<16xi32>], vector<16xf32>,
    %add3A_1987 = arith.constant 11 : i32
    %add3A_1988 = vector.broadcast %add3A_1987 : i32 to vector<16xi32>
    %add3A_1989 = arith.addi %mul3A_1961, %add3A_1988 : vector<16xi32>
    %gather3A_1990 = tpu.vector_load_idx %arg12[%add3A_1989] : memref<2618xf32, #tpu.memory_space<vmem>>[vector<16xi32>], vector<16xf32>,
    tpu.vector_store_idx %arg11[%add3A_1956, %broadcast_in_dim3A_317], %gather3A_1990 : memref<512x16xf32, #tpu.memory_space<vmem>>[vector<16xi32>, vector<16xi32>], vector<16xf32>,
    %add3A_1991 = arith.constant 618 : i32
    %add3A_1992 = vector.broadcast %add3A_1991 : i32 to vector<16xi32>
    %add3A_1993 = arith.addi %mul3A_1966, %add3A_1992 : vector<16xi32>
    %gather3A_1994 = tpu.vector_load_idx %arg12[%add3A_1993] : memref<2618xf32, #tpu.memory_space<vmem>>[vector<16xi32>], vector<16xf32>,
    tpu.vector_store_idx %arg11[%add3A_1956, %broadcast_in_dim3A_319], %gather3A_1994 : memref<512x16xf32, #tpu.memory_space<vmem>>[vector<16xi32>, vector<16xi32>], vector<16xf32>,
    %add3A_1995 = arith.constant 619 : i32
    %add3A_1996 = vector.broadcast %add3A_1995 : i32 to vector<16xi32>
    %add3A_1997 = arith.addi %mul3A_1966, %add3A_1996 : vector<16xi32>
    %gather3A_1998 = tpu.vector_load_idx %arg12[%add3A_1997] : memref<2618xf32, #tpu.memory_space<vmem>>[vector<16xi32>], vector<16xf32>,
    tpu.vector_store_idx %arg11[%add3A_1956, %broadcast_in_dim3A_321], %gather3A_1998 : memref<512x16xf32, #tpu.memory_space<vmem>>[vector<16xi32>, vector<16xi32>], vector<16xf32>,
    %add3A_1999 = arith.constant 620 : i32
    %add3A_2000 = vector.broadcast %add3A_1999 : i32 to vector<16xi32>
    %add3A_2001 = arith.addi %mul3A_1966, %add3A_2000 : vector<16xi32>
    %gather3A_2002 = tpu.vector_load_idx %arg12[%add3A_2001] : memref<2618xf32, #tpu.memory_space<vmem>>[vector<16xi32>], vector<16xf32>,
    tpu.vector_store_idx %arg11[%add3A_1956, %broadcast_in_dim3A_323], %gather3A_2002 : memref<512x16xf32, #tpu.memory_space<vmem>>[vector<16xi32>, vector<16xi32>], vector<16xf32>,
    %add3A_2003 = arith.constant 621 : i32
    %add3A_2004 = vector.broadcast %add3A_2003 : i32 to vector<16xi32>
    %add3A_2005 = arith.addi %mul3A_1966, %add3A_2004 : vector<16xi32>
    %gather3A_2006 = tpu.vector_load_idx %arg12[%add3A_2005] : memref<2618xf32, #tpu.memory_space<vmem>>[vector<16xi32>], vector<16xf32>,
    tpu.vector_store_idx %arg11[%add3A_1956, %broadcast_in_dim3A_325], %gather3A_2006 : memref<512x16xf32, #tpu.memory_space<vmem>>[vector<16xi32>, vector<16xi32>], vector<16xf32>,
    %add3A_2007 = arith.constant 622 : i32
    %add3A_2008 = vector.broadcast %add3A_2007 : i32 to vector<16xi32>
    %add3A_2009 = arith.addi %mul3A_1966, %add3A_2008 : vector<16xi32>
    %gather3A_2010 = tpu.vector_load_idx %arg12[%add3A_2009] : memref<2618xf32, #tpu.memory_space<vmem>>[vector<16xi32>], vector<16xf32>,
    tpu.vector_store_idx %arg11[%add3A_1956, %broadcast_in_dim3A_327], %gather3A_2010 : memref<512x16xf32, #tpu.memory_space<vmem>>[vector<16xi32>, vector<16xi32>], vector<16xf32>,
    %add3A_2011 = arith.constant 623 : i32
    %add3A_2012 = vector.broadcast %add3A_2011 : i32 to vector<16xi32>
    %add3A_2013 = arith.addi %mul3A_1966, %add3A_2012 : vector<16xi32>
    %gather3A_2014 = tpu.vector_load_idx %arg12[%add3A_2013] : memref<2618xf32, #tpu.memory_space<vmem>>[vector<16xi32>], vector<16xf32>,
    tpu.vector_store_idx %arg11[%add3A_1956, %broadcast_in_dim3A_329], %gather3A_2014 : memref<512x16xf32, #tpu.memory_space<vmem>>[vector<16xi32>, vector<16xi32>], vector<16xf32>,
    %add3A_2015 = arith.constant 624 : i32
    %add3A_2016 = vector.broadcast %add3A_2015 : i32 to vector<16xi32>
    %add3A_2017 = arith.addi %mul3A_1966, %add3A_2016 : vector<16xi32>
    %gather3A_2018 = tpu.vector_load_idx %arg12[%add3A_2017] : memref<2618xf32, #tpu.memory_space<vmem>>[vector<16xi32>], vector<16xf32>,
    tpu.vector_store_idx %arg11[%add3A_1956, %broadcast_in_dim3A_331], %gather3A_2018 : memref<512x16xf32, #tpu.memory_space<vmem>>[vector<16xi32>, vector<16xi32>], vector<16xf32>,
    %add3A_2019 = arith.constant 625 : i32
    %add3A_2020 = vector.broadcast %add3A_2019 : i32 to vector<16xi32>
    %add3A_2021 = arith.addi %mul3A_1966, %add3A_2020 : vector<16xi32>
    %gather3A_2022 = tpu.vector_load_idx %arg12[%add3A_2021] : memref<2618xf32, #tpu.memory_space<vmem>>[vector<16xi32>], vector<16xf32>,
    tpu.vector_store_idx %arg11[%add3A_1956, %broadcast_in_dim3A_333], %gather3A_2022 : memref<512x16xf32, #tpu.memory_space<vmem>>[vector<16xi32>, vector<16xi32>], vector<16xf32>,
    %add3A_2023 = arith.constant 626 : i32
    %add3A_2024 = vector.broadcast %add3A_2023 : i32 to vector<16xi32>
    %add3A_2025 = arith.addi %mul3A_1966, %add3A_2024 : vector<16xi32>
    %gather3A_2026 = tpu.vector_load_idx %arg12[%add3A_2025] : memref<2618xf32, #tpu.memory_space<vmem>>[vector<16xi32>], vector<16xf32>,
    tpu.vector_store_idx %arg11[%add3A_1956, %broadcast_in_dim3A_335], %gather3A_2026 : memref<512x16xf32, #tpu.memory_space<vmem>>[vector<16xi32>, vector<16xi32>], vector<16xf32>,
    %add3A_2027 = arith.constant 627 : i32
    %add3A_2028 = vector.broadcast %add3A_2027 : i32 to vector<16xi32>
    %add3A_2029 = arith.addi %mul3A_1966, %add3A_2028 : vector<16xi32>
    %gather3A_2030 = tpu.vector_load_idx %arg12[%add3A_2029] : memref<2618xf32, #tpu.memory_space<vmem>>[vector<16xi32>], vector<16xf32>,
    tpu.vector_store_idx %arg11[%add3A_1956, %broadcast_in_dim3A_337], %gather3A_2030 : memref<512x16xf32, #tpu.memory_space<vmem>>[vector<16xi32>, vector<16xi32>], vector<16xf32>,
    %add3A_2031 = arith.constant 352 : i32
    %add3A_2032 = vector.broadcast %add3A_2031 : i32 to vector<16xi32>
    %add3A_2033 = arith.addi %iota3A, %add3A_2032 : vector<16xi32>
    %get3A_2034 = arith.constant 864 : index
    %get3A_2035 = tpu.vector_load %arg9[%get3A_2034] {strides = array<i32>} : memref<1536xi32, #tpu.memory_space<vmem>>, vector<16xi32>,
    %mul3A_2036 = arith.constant 6 : i32
    %mul3A_2037 = vector.broadcast %mul3A_2036 : i32 to vector<16xi32>
    %mul3A_2038 = arith.muli %get3A_2035, %mul3A_2037 : vector<16xi32>
    %get3A_2039 = arith.constant 1376 : index
    %get3A_2040 = tpu.vector_load %arg9[%get3A_2039] {strides = array<i32>} : memref<1536xi32, #tpu.memory_space<vmem>>, vector<16xi32>,
    %mul3A_2041 = arith.constant 10 : i32
    %mul3A_2042 = vector.broadcast %mul3A_2041 : i32 to vector<16xi32>
    %mul3A_2043 = arith.muli %get3A_2040, %mul3A_2042 : vector<16xi32>
    %add3A_2044 = arith.constant 6 : i32
    %add3A_2045 = vector.broadcast %add3A_2044 : i32 to vector<16xi32>
    %add3A_2046 = arith.addi %mul3A_2038, %add3A_2045 : vector<16xi32>
    %gather3A_2047 = tpu.vector_load_idx %arg12[%add3A_2046] : memref<2618xf32, #tpu.memory_space<vmem>>[vector<16xi32>], vector<16xf32>,
    tpu.vector_store_idx %arg11[%add3A_2033, %broadcast_in_dim3A_307], %gather3A_2047 : memref<512x16xf32, #tpu.memory_space<vmem>>[vector<16xi32>, vector<16xi32>], vector<16xf32>,
    %add3A_2048 = arith.constant 7 : i32
    %add3A_2049 = vector.broadcast %add3A_2048 : i32 to vector<16xi32>
    %add3A_2050 = arith.addi %mul3A_2038, %add3A_2049 : vector<16xi32>
    %gather3A_2051 = tpu.vector_load_idx %arg12[%add3A_2050] : memref<2618xf32, #tpu.memory_space<vmem>>[vector<16xi32>], vector<16xf32>,
    tpu.vector_store_idx %arg11[%add3A_2033, %broadcast_in_dim3A_309], %gather3A_2051 : memref<512x16xf32, #tpu.memory_space<vmem>>[vector<16xi32>, vector<16xi32>], vector<16xf32>,
    %add3A_2052 = arith.constant 8 : i32
    %add3A_2053 = vector.broadcast %add3A_2052 : i32 to vector<16xi32>
    %add3A_2054 = arith.addi %mul3A_2038, %add3A_2053 : vector<16xi32>
    %gather3A_2055 = tpu.vector_load_idx %arg12[%add3A_2054] : memref<2618xf32, #tpu.memory_space<vmem>>[vector<16xi32>], vector<16xf32>,
    tpu.vector_store_idx %arg11[%add3A_2033, %broadcast_in_dim3A_311], %gather3A_2055 : memref<512x16xf32, #tpu.memory_space<vmem>>[vector<16xi32>, vector<16xi32>], vector<16xf32>,
    %add3A_2056 = arith.constant 9 : i32
    %add3A_2057 = vector.broadcast %add3A_2056 : i32 to vector<16xi32>
    %add3A_2058 = arith.addi %mul3A_2038, %add3A_2057 : vector<16xi32>
    %gather3A_2059 = tpu.vector_load_idx %arg12[%add3A_2058] : memref<2618xf32, #tpu.memory_space<vmem>>[vector<16xi32>], vector<16xf32>,
    tpu.vector_store_idx %arg11[%add3A_2033, %broadcast_in_dim3A_313], %gather3A_2059 : memref<512x16xf32, #tpu.memory_space<vmem>>[vector<16xi32>, vector<16xi32>], vector<16xf32>,
    %add3A_2060 = arith.constant 10 : i32
    %add3A_2061 = vector.broadcast %add3A_2060 : i32 to vector<16xi32>
    %add3A_2062 = arith.addi %mul3A_2038, %add3A_2061 : vector<16xi32>
    %gather3A_2063 = tpu.vector_load_idx %arg12[%add3A_2062] : memref<2618xf32, #tpu.memory_space<vmem>>[vector<16xi32>], vector<16xf32>,
    tpu.vector_store_idx %arg11[%add3A_2033, %broadcast_in_dim3A_315], %gather3A_2063 : memref<512x16xf32, #tpu.memory_space<vmem>>[vector<16xi32>, vector<16xi32>], vector<16xf32>,
    %add3A_2064 = arith.constant 11 : i32
    %add3A_2065 = vector.broadcast %add3A_2064 : i32 to vector<16xi32>
    %add3A_2066 = arith.addi %mul3A_2038, %add3A_2065 : vector<16xi32>
    %gather3A_2067 = tpu.vector_load_idx %arg12[%add3A_2066] : memref<2618xf32, #tpu.memory_space<vmem>>[vector<16xi32>], vector<16xf32>,
    tpu.vector_store_idx %arg11[%add3A_2033, %broadcast_in_dim3A_317], %gather3A_2067 : memref<512x16xf32, #tpu.memory_space<vmem>>[vector<16xi32>, vector<16xi32>], vector<16xf32>,
    %add3A_2068 = arith.constant 618 : i32
    %add3A_2069 = vector.broadcast %add3A_2068 : i32 to vector<16xi32>
    %add3A_2070 = arith.addi %mul3A_2043, %add3A_2069 : vector<16xi32>
    %gather3A_2071 = tpu.vector_load_idx %arg12[%add3A_2070] : memref<2618xf32, #tpu.memory_space<vmem>>[vector<16xi32>], vector<16xf32>,
    tpu.vector_store_idx %arg11[%add3A_2033, %broadcast_in_dim3A_319], %gather3A_2071 : memref<512x16xf32, #tpu.memory_space<vmem>>[vector<16xi32>, vector<16xi32>], vector<16xf32>,
    %add3A_2072 = arith.constant 619 : i32
    %add3A_2073 = vector.broadcast %add3A_2072 : i32 to vector<16xi32>
    %add3A_2074 = arith.addi %mul3A_2043, %add3A_2073 : vector<16xi32>
    %gather3A_2075 = tpu.vector_load_idx %arg12[%add3A_2074] : memref<2618xf32, #tpu.memory_space<vmem>>[vector<16xi32>], vector<16xf32>,
    tpu.vector_store_idx %arg11[%add3A_2033, %broadcast_in_dim3A_321], %gather3A_2075 : memref<512x16xf32, #tpu.memory_space<vmem>>[vector<16xi32>, vector<16xi32>], vector<16xf32>,
    %add3A_2076 = arith.constant 620 : i32
    %add3A_2077 = vector.broadcast %add3A_2076 : i32 to vector<16xi32>
    %add3A_2078 = arith.addi %mul3A_2043, %add3A_2077 : vector<16xi32>
    %gather3A_2079 = tpu.vector_load_idx %arg12[%add3A_2078] : memref<2618xf32, #tpu.memory_space<vmem>>[vector<16xi32>], vector<16xf32>,
    tpu.vector_store_idx %arg11[%add3A_2033, %broadcast_in_dim3A_323], %gather3A_2079 : memref<512x16xf32, #tpu.memory_space<vmem>>[vector<16xi32>, vector<16xi32>], vector<16xf32>,
    %add3A_2080 = arith.constant 621 : i32
    %add3A_2081 = vector.broadcast %add3A_2080 : i32 to vector<16xi32>
    %add3A_2082 = arith.addi %mul3A_2043, %add3A_2081 : vector<16xi32>
    %gather3A_2083 = tpu.vector_load_idx %arg12[%add3A_2082] : memref<2618xf32, #tpu.memory_space<vmem>>[vector<16xi32>], vector<16xf32>,
    tpu.vector_store_idx %arg11[%add3A_2033, %broadcast_in_dim3A_325], %gather3A_2083 : memref<512x16xf32, #tpu.memory_space<vmem>>[vector<16xi32>, vector<16xi32>], vector<16xf32>,
    %add3A_2084 = arith.constant 622 : i32
    %add3A_2085 = vector.broadcast %add3A_2084 : i32 to vector<16xi32>
    %add3A_2086 = arith.addi %mul3A_2043, %add3A_2085 : vector<16xi32>
    %gather3A_2087 = tpu.vector_load_idx %arg12[%add3A_2086] : memref<2618xf32, #tpu.memory_space<vmem>>[vector<16xi32>], vector<16xf32>,
    tpu.vector_store_idx %arg11[%add3A_2033, %broadcast_in_dim3A_327], %gather3A_2087 : memref<512x16xf32, #tpu.memory_space<vmem>>[vector<16xi32>, vector<16xi32>], vector<16xf32>,
    %add3A_2088 = arith.constant 623 : i32
    %add3A_2089 = vector.broadcast %add3A_2088 : i32 to vector<16xi32>
    %add3A_2090 = arith.addi %mul3A_2043, %add3A_2089 : vector<16xi32>
    %gather3A_2091 = tpu.vector_load_idx %arg12[%add3A_2090] : memref<2618xf32, #tpu.memory_space<vmem>>[vector<16xi32>], vector<16xf32>,
    tpu.vector_store_idx %arg11[%add3A_2033, %broadcast_in_dim3A_329], %gather3A_2091 : memref<512x16xf32, #tpu.memory_space<vmem>>[vector<16xi32>, vector<16xi32>], vector<16xf32>,
    %add3A_2092 = arith.constant 624 : i32
    %add3A_2093 = vector.broadcast %add3A_2092 : i32 to vector<16xi32>
    %add3A_2094 = arith.addi %mul3A_2043, %add3A_2093 : vector<16xi32>
    %gather3A_2095 = tpu.vector_load_idx %arg12[%add3A_2094] : memref<2618xf32, #tpu.memory_space<vmem>>[vector<16xi32>], vector<16xf32>,
    tpu.vector_store_idx %arg11[%add3A_2033, %broadcast_in_dim3A_331], %gather3A_2095 : memref<512x16xf32, #tpu.memory_space<vmem>>[vector<16xi32>, vector<16xi32>], vector<16xf32>,
    %add3A_2096 = arith.constant 625 : i32
    %add3A_2097 = vector.broadcast %add3A_2096 : i32 to vector<16xi32>
    %add3A_2098 = arith.addi %mul3A_2043, %add3A_2097 : vector<16xi32>
    %gather3A_2099 = tpu.vector_load_idx %arg12[%add3A_2098] : memref<2618xf32, #tpu.memory_space<vmem>>[vector<16xi32>], vector<16xf32>,
    tpu.vector_store_idx %arg11[%add3A_2033, %broadcast_in_dim3A_333], %gather3A_2099 : memref<512x16xf32, #tpu.memory_space<vmem>>[vector<16xi32>, vector<16xi32>], vector<16xf32>,
    %add3A_2100 = arith.constant 626 : i32
    %add3A_2101 = vector.broadcast %add3A_2100 : i32 to vector<16xi32>
    %add3A_2102 = arith.addi %mul3A_2043, %add3A_2101 : vector<16xi32>
    %gather3A_2103 = tpu.vector_load_idx %arg12[%add3A_2102] : memref<2618xf32, #tpu.memory_space<vmem>>[vector<16xi32>], vector<16xf32>,
    tpu.vector_store_idx %arg11[%add3A_2033, %broadcast_in_dim3A_335], %gather3A_2103 : memref<512x16xf32, #tpu.memory_space<vmem>>[vector<16xi32>, vector<16xi32>], vector<16xf32>,
    %add3A_2104 = arith.constant 627 : i32
    %add3A_2105 = vector.broadcast %add3A_2104 : i32 to vector<16xi32>
    %add3A_2106 = arith.addi %mul3A_2043, %add3A_2105 : vector<16xi32>
    %gather3A_2107 = tpu.vector_load_idx %arg12[%add3A_2106] : memref<2618xf32, #tpu.memory_space<vmem>>[vector<16xi32>], vector<16xf32>,
    tpu.vector_store_idx %arg11[%add3A_2033, %broadcast_in_dim3A_337], %gather3A_2107 : memref<512x16xf32, #tpu.memory_space<vmem>>[vector<16xi32>, vector<16xi32>], vector<16xf32>,
    %add3A_2108 = arith.constant 368 : i32
    %add3A_2109 = vector.broadcast %add3A_2108 : i32 to vector<16xi32>
    %add3A_2110 = arith.addi %iota3A, %add3A_2109 : vector<16xi32>
    %get3A_2111 = arith.constant 880 : index
    %get3A_2112 = tpu.vector_load %arg9[%get3A_2111] {strides = array<i32>} : memref<1536xi32, #tpu.memory_space<vmem>>, vector<16xi32>,
    %mul3A_2113 = arith.constant 6 : i32
    %mul3A_2114 = vector.broadcast %mul3A_2113 : i32 to vector<16xi32>
    %mul3A_2115 = arith.muli %get3A_2112, %mul3A_2114 : vector<16xi32>
    %get3A_2116 = arith.constant 1392 : index
    %get3A_2117 = tpu.vector_load %arg9[%get3A_2116] {strides = array<i32>} : memref<1536xi32, #tpu.memory_space<vmem>>, vector<16xi32>,
    %mul3A_2118 = arith.constant 10 : i32
    %mul3A_2119 = vector.broadcast %mul3A_2118 : i32 to vector<16xi32>
    %mul3A_2120 = arith.muli %get3A_2117, %mul3A_2119 : vector<16xi32>
    %add3A_2121 = arith.constant 6 : i32
    %add3A_2122 = vector.broadcast %add3A_2121 : i32 to vector<16xi32>
    %add3A_2123 = arith.addi %mul3A_2115, %add3A_2122 : vector<16xi32>
    %gather3A_2124 = tpu.vector_load_idx %arg12[%add3A_2123] : memref<2618xf32, #tpu.memory_space<vmem>>[vector<16xi32>], vector<16xf32>,
    tpu.vector_store_idx %arg11[%add3A_2110, %broadcast_in_dim3A_307], %gather3A_2124 : memref<512x16xf32, #tpu.memory_space<vmem>>[vector<16xi32>, vector<16xi32>], vector<16xf32>,
    %add3A_2125 = arith.constant 7 : i32
    %add3A_2126 = vector.broadcast %add3A_2125 : i32 to vector<16xi32>
    %add3A_2127 = arith.addi %mul3A_2115, %add3A_2126 : vector<16xi32>
    %gather3A_2128 = tpu.vector_load_idx %arg12[%add3A_2127] : memref<2618xf32, #tpu.memory_space<vmem>>[vector<16xi32>], vector<16xf32>,
    tpu.vector_store_idx %arg11[%add3A_2110, %broadcast_in_dim3A_309], %gather3A_2128 : memref<512x16xf32, #tpu.memory_space<vmem>>[vector<16xi32>, vector<16xi32>], vector<16xf32>,
    %add3A_2129 = arith.constant 8 : i32
    %add3A_2130 = vector.broadcast %add3A_2129 : i32 to vector<16xi32>
    %add3A_2131 = arith.addi %mul3A_2115, %add3A_2130 : vector<16xi32>
    %gather3A_2132 = tpu.vector_load_idx %arg12[%add3A_2131] : memref<2618xf32, #tpu.memory_space<vmem>>[vector<16xi32>], vector<16xf32>,
    tpu.vector_store_idx %arg11[%add3A_2110, %broadcast_in_dim3A_311], %gather3A_2132 : memref<512x16xf32, #tpu.memory_space<vmem>>[vector<16xi32>, vector<16xi32>], vector<16xf32>,
    %add3A_2133 = arith.constant 9 : i32
    %add3A_2134 = vector.broadcast %add3A_2133 : i32 to vector<16xi32>
    %add3A_2135 = arith.addi %mul3A_2115, %add3A_2134 : vector<16xi32>
    %gather3A_2136 = tpu.vector_load_idx %arg12[%add3A_2135] : memref<2618xf32, #tpu.memory_space<vmem>>[vector<16xi32>], vector<16xf32>,
    tpu.vector_store_idx %arg11[%add3A_2110, %broadcast_in_dim3A_313], %gather3A_2136 : memref<512x16xf32, #tpu.memory_space<vmem>>[vector<16xi32>, vector<16xi32>], vector<16xf32>,
    %add3A_2137 = arith.constant 10 : i32
    %add3A_2138 = vector.broadcast %add3A_2137 : i32 to vector<16xi32>
    %add3A_2139 = arith.addi %mul3A_2115, %add3A_2138 : vector<16xi32>
    %gather3A_2140 = tpu.vector_load_idx %arg12[%add3A_2139] : memref<2618xf32, #tpu.memory_space<vmem>>[vector<16xi32>], vector<16xf32>,
    tpu.vector_store_idx %arg11[%add3A_2110, %broadcast_in_dim3A_315], %gather3A_2140 : memref<512x16xf32, #tpu.memory_space<vmem>>[vector<16xi32>, vector<16xi32>], vector<16xf32>,
    %add3A_2141 = arith.constant 11 : i32
    %add3A_2142 = vector.broadcast %add3A_2141 : i32 to vector<16xi32>
    %add3A_2143 = arith.addi %mul3A_2115, %add3A_2142 : vector<16xi32>
    %gather3A_2144 = tpu.vector_load_idx %arg12[%add3A_2143] : memref<2618xf32, #tpu.memory_space<vmem>>[vector<16xi32>], vector<16xf32>,
    tpu.vector_store_idx %arg11[%add3A_2110, %broadcast_in_dim3A_317], %gather3A_2144 : memref<512x16xf32, #tpu.memory_space<vmem>>[vector<16xi32>, vector<16xi32>], vector<16xf32>,
    %add3A_2145 = arith.constant 618 : i32
    %add3A_2146 = vector.broadcast %add3A_2145 : i32 to vector<16xi32>
    %add3A_2147 = arith.addi %mul3A_2120, %add3A_2146 : vector<16xi32>
    %gather3A_2148 = tpu.vector_load_idx %arg12[%add3A_2147] : memref<2618xf32, #tpu.memory_space<vmem>>[vector<16xi32>], vector<16xf32>,
    tpu.vector_store_idx %arg11[%add3A_2110, %broadcast_in_dim3A_319], %gather3A_2148 : memref<512x16xf32, #tpu.memory_space<vmem>>[vector<16xi32>, vector<16xi32>], vector<16xf32>,
    %add3A_2149 = arith.constant 619 : i32
    %add3A_2150 = vector.broadcast %add3A_2149 : i32 to vector<16xi32>
    %add3A_2151 = arith.addi %mul3A_2120, %add3A_2150 : vector<16xi32>
    %gather3A_2152 = tpu.vector_load_idx %arg12[%add3A_2151] : memref<2618xf32, #tpu.memory_space<vmem>>[vector<16xi32>], vector<16xf32>,
    tpu.vector_store_idx %arg11[%add3A_2110, %broadcast_in_dim3A_321], %gather3A_2152 : memref<512x16xf32, #tpu.memory_space<vmem>>[vector<16xi32>, vector<16xi32>], vector<16xf32>,
    %add3A_2153 = arith.constant 620 : i32
    %add3A_2154 = vector.broadcast %add3A_2153 : i32 to vector<16xi32>
    %add3A_2155 = arith.addi %mul3A_2120, %add3A_2154 : vector<16xi32>
    %gather3A_2156 = tpu.vector_load_idx %arg12[%add3A_2155] : memref<2618xf32, #tpu.memory_space<vmem>>[vector<16xi32>], vector<16xf32>,
    tpu.vector_store_idx %arg11[%add3A_2110, %broadcast_in_dim3A_323], %gather3A_2156 : memref<512x16xf32, #tpu.memory_space<vmem>>[vector<16xi32>, vector<16xi32>], vector<16xf32>,
    %add3A_2157 = arith.constant 621 : i32
    %add3A_2158 = vector.broadcast %add3A_2157 : i32 to vector<16xi32>
    %add3A_2159 = arith.addi %mul3A_2120, %add3A_2158 : vector<16xi32>
    %gather3A_2160 = tpu.vector_load_idx %arg12[%add3A_2159] : memref<2618xf32, #tpu.memory_space<vmem>>[vector<16xi32>], vector<16xf32>,
    tpu.vector_store_idx %arg11[%add3A_2110, %broadcast_in_dim3A_325], %gather3A_2160 : memref<512x16xf32, #tpu.memory_space<vmem>>[vector<16xi32>, vector<16xi32>], vector<16xf32>,
    %add3A_2161 = arith.constant 622 : i32
    %add3A_2162 = vector.broadcast %add3A_2161 : i32 to vector<16xi32>
    %add3A_2163 = arith.addi %mul3A_2120, %add3A_2162 : vector<16xi32>
    %gather3A_2164 = tpu.vector_load_idx %arg12[%add3A_2163] : memref<2618xf32, #tpu.memory_space<vmem>>[vector<16xi32>], vector<16xf32>,
    tpu.vector_store_idx %arg11[%add3A_2110, %broadcast_in_dim3A_327], %gather3A_2164 : memref<512x16xf32, #tpu.memory_space<vmem>>[vector<16xi32>, vector<16xi32>], vector<16xf32>,
    %add3A_2165 = arith.constant 623 : i32
    %add3A_2166 = vector.broadcast %add3A_2165 : i32 to vector<16xi32>
    %add3A_2167 = arith.addi %mul3A_2120, %add3A_2166 : vector<16xi32>
    %gather3A_2168 = tpu.vector_load_idx %arg12[%add3A_2167] : memref<2618xf32, #tpu.memory_space<vmem>>[vector<16xi32>], vector<16xf32>,
    tpu.vector_store_idx %arg11[%add3A_2110, %broadcast_in_dim3A_329], %gather3A_2168 : memref<512x16xf32, #tpu.memory_space<vmem>>[vector<16xi32>, vector<16xi32>], vector<16xf32>,
    %add3A_2169 = arith.constant 624 : i32
    %add3A_2170 = vector.broadcast %add3A_2169 : i32 to vector<16xi32>
    %add3A_2171 = arith.addi %mul3A_2120, %add3A_2170 : vector<16xi32>
    %gather3A_2172 = tpu.vector_load_idx %arg12[%add3A_2171] : memref<2618xf32, #tpu.memory_space<vmem>>[vector<16xi32>], vector<16xf32>,
    tpu.vector_store_idx %arg11[%add3A_2110, %broadcast_in_dim3A_331], %gather3A_2172 : memref<512x16xf32, #tpu.memory_space<vmem>>[vector<16xi32>, vector<16xi32>], vector<16xf32>,
    %add3A_2173 = arith.constant 625 : i32
    %add3A_2174 = vector.broadcast %add3A_2173 : i32 to vector<16xi32>
    %add3A_2175 = arith.addi %mul3A_2120, %add3A_2174 : vector<16xi32>
    %gather3A_2176 = tpu.vector_load_idx %arg12[%add3A_2175] : memref<2618xf32, #tpu.memory_space<vmem>>[vector<16xi32>], vector<16xf32>,
    tpu.vector_store_idx %arg11[%add3A_2110, %broadcast_in_dim3A_333], %gather3A_2176 : memref<512x16xf32, #tpu.memory_space<vmem>>[vector<16xi32>, vector<16xi32>], vector<16xf32>,
    %add3A_2177 = arith.constant 626 : i32
    %add3A_2178 = vector.broadcast %add3A_2177 : i32 to vector<16xi32>
    %add3A_2179 = arith.addi %mul3A_2120, %add3A_2178 : vector<16xi32>
    %gather3A_2180 = tpu.vector_load_idx %arg12[%add3A_2179] : memref<2618xf32, #tpu.memory_space<vmem>>[vector<16xi32>], vector<16xf32>,
    tpu.vector_store_idx %arg11[%add3A_2110, %broadcast_in_dim3A_335], %gather3A_2180 : memref<512x16xf32, #tpu.memory_space<vmem>>[vector<16xi32>, vector<16xi32>], vector<16xf32>,
    %add3A_2181 = arith.constant 627 : i32
    %add3A_2182 = vector.broadcast %add3A_2181 : i32 to vector<16xi32>
    %add3A_2183 = arith.addi %mul3A_2120, %add3A_2182 : vector<16xi32>
    %gather3A_2184 = tpu.vector_load_idx %arg12[%add3A_2183] : memref<2618xf32, #tpu.memory_space<vmem>>[vector<16xi32>], vector<16xf32>,
    tpu.vector_store_idx %arg11[%add3A_2110, %broadcast_in_dim3A_337], %gather3A_2184 : memref<512x16xf32, #tpu.memory_space<vmem>>[vector<16xi32>, vector<16xi32>], vector<16xf32>,
    %add3A_2185 = arith.constant 384 : i32
    %add3A_2186 = vector.broadcast %add3A_2185 : i32 to vector<16xi32>
    %add3A_2187 = arith.addi %iota3A, %add3A_2186 : vector<16xi32>
    %get3A_2188 = arith.constant 896 : index
    %get3A_2189 = tpu.vector_load %arg9[%get3A_2188] {strides = array<i32>} : memref<1536xi32, #tpu.memory_space<vmem>>, vector<16xi32>,
    %mul3A_2190 = arith.constant 6 : i32
    %mul3A_2191 = vector.broadcast %mul3A_2190 : i32 to vector<16xi32>
    %mul3A_2192 = arith.muli %get3A_2189, %mul3A_2191 : vector<16xi32>
    %get3A_2193 = arith.constant 1408 : index
    %get3A_2194 = tpu.vector_load %arg9[%get3A_2193] {strides = array<i32>} : memref<1536xi32, #tpu.memory_space<vmem>>, vector<16xi32>,
    %mul3A_2195 = arith.constant 10 : i32
    %mul3A_2196 = vector.broadcast %mul3A_2195 : i32 to vector<16xi32>
    %mul3A_2197 = arith.muli %get3A_2194, %mul3A_2196 : vector<16xi32>
    %add3A_2198 = arith.constant 6 : i32
    %add3A_2199 = vector.broadcast %add3A_2198 : i32 to vector<16xi32>
    %add3A_2200 = arith.addi %mul3A_2192, %add3A_2199 : vector<16xi32>
    %gather3A_2201 = tpu.vector_load_idx %arg12[%add3A_2200] : memref<2618xf32, #tpu.memory_space<vmem>>[vector<16xi32>], vector<16xf32>,
    tpu.vector_store_idx %arg11[%add3A_2187, %broadcast_in_dim3A_307], %gather3A_2201 : memref<512x16xf32, #tpu.memory_space<vmem>>[vector<16xi32>, vector<16xi32>], vector<16xf32>,
    %add3A_2202 = arith.constant 7 : i32
    %add3A_2203 = vector.broadcast %add3A_2202 : i32 to vector<16xi32>
    %add3A_2204 = arith.addi %mul3A_2192, %add3A_2203 : vector<16xi32>
    %gather3A_2205 = tpu.vector_load_idx %arg12[%add3A_2204] : memref<2618xf32, #tpu.memory_space<vmem>>[vector<16xi32>], vector<16xf32>,
    tpu.vector_store_idx %arg11[%add3A_2187, %broadcast_in_dim3A_309], %gather3A_2205 : memref<512x16xf32, #tpu.memory_space<vmem>>[vector<16xi32>, vector<16xi32>], vector<16xf32>,
    %add3A_2206 = arith.constant 8 : i32
    %add3A_2207 = vector.broadcast %add3A_2206 : i32 to vector<16xi32>
    %add3A_2208 = arith.addi %mul3A_2192, %add3A_2207 : vector<16xi32>
    %gather3A_2209 = tpu.vector_load_idx %arg12[%add3A_2208] : memref<2618xf32, #tpu.memory_space<vmem>>[vector<16xi32>], vector<16xf32>,
    tpu.vector_store_idx %arg11[%add3A_2187, %broadcast_in_dim3A_311], %gather3A_2209 : memref<512x16xf32, #tpu.memory_space<vmem>>[vector<16xi32>, vector<16xi32>], vector<16xf32>,
    %add3A_2210 = arith.constant 9 : i32
    %add3A_2211 = vector.broadcast %add3A_2210 : i32 to vector<16xi32>
    %add3A_2212 = arith.addi %mul3A_2192, %add3A_2211 : vector<16xi32>
    %gather3A_2213 = tpu.vector_load_idx %arg12[%add3A_2212] : memref<2618xf32, #tpu.memory_space<vmem>>[vector<16xi32>], vector<16xf32>,
    tpu.vector_store_idx %arg11[%add3A_2187, %broadcast_in_dim3A_313], %gather3A_2213 : memref<512x16xf32, #tpu.memory_space<vmem>>[vector<16xi32>, vector<16xi32>], vector<16xf32>,
    %add3A_2214 = arith.constant 10 : i32
    %add3A_2215 = vector.broadcast %add3A_2214 : i32 to vector<16xi32>
    %add3A_2216 = arith.addi %mul3A_2192, %add3A_2215 : vector<16xi32>
    %gather3A_2217 = tpu.vector_load_idx %arg12[%add3A_2216] : memref<2618xf32, #tpu.memory_space<vmem>>[vector<16xi32>], vector<16xf32>,
    tpu.vector_store_idx %arg11[%add3A_2187, %broadcast_in_dim3A_315], %gather3A_2217 : memref<512x16xf32, #tpu.memory_space<vmem>>[vector<16xi32>, vector<16xi32>], vector<16xf32>,
    %add3A_2218 = arith.constant 11 : i32
    %add3A_2219 = vector.broadcast %add3A_2218 : i32 to vector<16xi32>
    %add3A_2220 = arith.addi %mul3A_2192, %add3A_2219 : vector<16xi32>
    %gather3A_2221 = tpu.vector_load_idx %arg12[%add3A_2220] : memref<2618xf32, #tpu.memory_space<vmem>>[vector<16xi32>], vector<16xf32>,
    tpu.vector_store_idx %arg11[%add3A_2187, %broadcast_in_dim3A_317], %gather3A_2221 : memref<512x16xf32, #tpu.memory_space<vmem>>[vector<16xi32>, vector<16xi32>], vector<16xf32>,
    %add3A_2222 = arith.constant 618 : i32
    %add3A_2223 = vector.broadcast %add3A_2222 : i32 to vector<16xi32>
    %add3A_2224 = arith.addi %mul3A_2197, %add3A_2223 : vector<16xi32>
    %gather3A_2225 = tpu.vector_load_idx %arg12[%add3A_2224] : memref<2618xf32, #tpu.memory_space<vmem>>[vector<16xi32>], vector<16xf32>,
    tpu.vector_store_idx %arg11[%add3A_2187, %broadcast_in_dim3A_319], %gather3A_2225 : memref<512x16xf32, #tpu.memory_space<vmem>>[vector<16xi32>, vector<16xi32>], vector<16xf32>,
    %add3A_2226 = arith.constant 619 : i32
    %add3A_2227 = vector.broadcast %add3A_2226 : i32 to vector<16xi32>
    %add3A_2228 = arith.addi %mul3A_2197, %add3A_2227 : vector<16xi32>
    %gather3A_2229 = tpu.vector_load_idx %arg12[%add3A_2228] : memref<2618xf32, #tpu.memory_space<vmem>>[vector<16xi32>], vector<16xf32>,
    tpu.vector_store_idx %arg11[%add3A_2187, %broadcast_in_dim3A_321], %gather3A_2229 : memref<512x16xf32, #tpu.memory_space<vmem>>[vector<16xi32>, vector<16xi32>], vector<16xf32>,
    %add3A_2230 = arith.constant 620 : i32
    %add3A_2231 = vector.broadcast %add3A_2230 : i32 to vector<16xi32>
    %add3A_2232 = arith.addi %mul3A_2197, %add3A_2231 : vector<16xi32>
    %gather3A_2233 = tpu.vector_load_idx %arg12[%add3A_2232] : memref<2618xf32, #tpu.memory_space<vmem>>[vector<16xi32>], vector<16xf32>,
    tpu.vector_store_idx %arg11[%add3A_2187, %broadcast_in_dim3A_323], %gather3A_2233 : memref<512x16xf32, #tpu.memory_space<vmem>>[vector<16xi32>, vector<16xi32>], vector<16xf32>,
    %add3A_2234 = arith.constant 621 : i32
    %add3A_2235 = vector.broadcast %add3A_2234 : i32 to vector<16xi32>
    %add3A_2236 = arith.addi %mul3A_2197, %add3A_2235 : vector<16xi32>
    %gather3A_2237 = tpu.vector_load_idx %arg12[%add3A_2236] : memref<2618xf32, #tpu.memory_space<vmem>>[vector<16xi32>], vector<16xf32>,
    tpu.vector_store_idx %arg11[%add3A_2187, %broadcast_in_dim3A_325], %gather3A_2237 : memref<512x16xf32, #tpu.memory_space<vmem>>[vector<16xi32>, vector<16xi32>], vector<16xf32>,
    %add3A_2238 = arith.constant 622 : i32
    %add3A_2239 = vector.broadcast %add3A_2238 : i32 to vector<16xi32>
    %add3A_2240 = arith.addi %mul3A_2197, %add3A_2239 : vector<16xi32>
    %gather3A_2241 = tpu.vector_load_idx %arg12[%add3A_2240] : memref<2618xf32, #tpu.memory_space<vmem>>[vector<16xi32>], vector<16xf32>,
    tpu.vector_store_idx %arg11[%add3A_2187, %broadcast_in_dim3A_327], %gather3A_2241 : memref<512x16xf32, #tpu.memory_space<vmem>>[vector<16xi32>, vector<16xi32>], vector<16xf32>,
    %add3A_2242 = arith.constant 623 : i32
    %add3A_2243 = vector.broadcast %add3A_2242 : i32 to vector<16xi32>
    %add3A_2244 = arith.addi %mul3A_2197, %add3A_2243 : vector<16xi32>
    %gather3A_2245 = tpu.vector_load_idx %arg12[%add3A_2244] : memref<2618xf32, #tpu.memory_space<vmem>>[vector<16xi32>], vector<16xf32>,
    tpu.vector_store_idx %arg11[%add3A_2187, %broadcast_in_dim3A_329], %gather3A_2245 : memref<512x16xf32, #tpu.memory_space<vmem>>[vector<16xi32>, vector<16xi32>], vector<16xf32>,
    %add3A_2246 = arith.constant 624 : i32
    %add3A_2247 = vector.broadcast %add3A_2246 : i32 to vector<16xi32>
    %add3A_2248 = arith.addi %mul3A_2197, %add3A_2247 : vector<16xi32>
    %gather3A_2249 = tpu.vector_load_idx %arg12[%add3A_2248] : memref<2618xf32, #tpu.memory_space<vmem>>[vector<16xi32>], vector<16xf32>,
    tpu.vector_store_idx %arg11[%add3A_2187, %broadcast_in_dim3A_331], %gather3A_2249 : memref<512x16xf32, #tpu.memory_space<vmem>>[vector<16xi32>, vector<16xi32>], vector<16xf32>,
    %add3A_2250 = arith.constant 625 : i32
    %add3A_2251 = vector.broadcast %add3A_2250 : i32 to vector<16xi32>
    %add3A_2252 = arith.addi %mul3A_2197, %add3A_2251 : vector<16xi32>
    %gather3A_2253 = tpu.vector_load_idx %arg12[%add3A_2252] : memref<2618xf32, #tpu.memory_space<vmem>>[vector<16xi32>], vector<16xf32>,
    tpu.vector_store_idx %arg11[%add3A_2187, %broadcast_in_dim3A_333], %gather3A_2253 : memref<512x16xf32, #tpu.memory_space<vmem>>[vector<16xi32>, vector<16xi32>], vector<16xf32>,
    %add3A_2254 = arith.constant 626 : i32
    %add3A_2255 = vector.broadcast %add3A_2254 : i32 to vector<16xi32>
    %add3A_2256 = arith.addi %mul3A_2197, %add3A_2255 : vector<16xi32>
    %gather3A_2257 = tpu.vector_load_idx %arg12[%add3A_2256] : memref<2618xf32, #tpu.memory_space<vmem>>[vector<16xi32>], vector<16xf32>,
    tpu.vector_store_idx %arg11[%add3A_2187, %broadcast_in_dim3A_335], %gather3A_2257 : memref<512x16xf32, #tpu.memory_space<vmem>>[vector<16xi32>, vector<16xi32>], vector<16xf32>,
    %add3A_2258 = arith.constant 627 : i32
    %add3A_2259 = vector.broadcast %add3A_2258 : i32 to vector<16xi32>
    %add3A_2260 = arith.addi %mul3A_2197, %add3A_2259 : vector<16xi32>
    %gather3A_2261 = tpu.vector_load_idx %arg12[%add3A_2260] : memref<2618xf32, #tpu.memory_space<vmem>>[vector<16xi32>], vector<16xf32>,
    tpu.vector_store_idx %arg11[%add3A_2187, %broadcast_in_dim3A_337], %gather3A_2261 : memref<512x16xf32, #tpu.memory_space<vmem>>[vector<16xi32>, vector<16xi32>], vector<16xf32>,
    %add3A_2262 = arith.constant 400 : i32
    %add3A_2263 = vector.broadcast %add3A_2262 : i32 to vector<16xi32>
    %add3A_2264 = arith.addi %iota3A, %add3A_2263 : vector<16xi32>
    %get3A_2265 = arith.constant 912 : index
    %get3A_2266 = tpu.vector_load %arg9[%get3A_2265] {strides = array<i32>} : memref<1536xi32, #tpu.memory_space<vmem>>, vector<16xi32>,
    %mul3A_2267 = arith.constant 6 : i32
    %mul3A_2268 = vector.broadcast %mul3A_2267 : i32 to vector<16xi32>
    %mul3A_2269 = arith.muli %get3A_2266, %mul3A_2268 : vector<16xi32>
    %get3A_2270 = arith.constant 1424 : index
    %get3A_2271 = tpu.vector_load %arg9[%get3A_2270] {strides = array<i32>} : memref<1536xi32, #tpu.memory_space<vmem>>, vector<16xi32>,
    %mul3A_2272 = arith.constant 10 : i32
    %mul3A_2273 = vector.broadcast %mul3A_2272 : i32 to vector<16xi32>
    %mul3A_2274 = arith.muli %get3A_2271, %mul3A_2273 : vector<16xi32>
    %add3A_2275 = arith.constant 6 : i32
    %add3A_2276 = vector.broadcast %add3A_2275 : i32 to vector<16xi32>
    %add3A_2277 = arith.addi %mul3A_2269, %add3A_2276 : vector<16xi32>
    %gather3A_2278 = tpu.vector_load_idx %arg12[%add3A_2277] : memref<2618xf32, #tpu.memory_space<vmem>>[vector<16xi32>], vector<16xf32>,
    tpu.vector_store_idx %arg11[%add3A_2264, %broadcast_in_dim3A_307], %gather3A_2278 : memref<512x16xf32, #tpu.memory_space<vmem>>[vector<16xi32>, vector<16xi32>], vector<16xf32>,
    %add3A_2279 = arith.constant 7 : i32
    %add3A_2280 = vector.broadcast %add3A_2279 : i32 to vector<16xi32>
    %add3A_2281 = arith.addi %mul3A_2269, %add3A_2280 : vector<16xi32>
    %gather3A_2282 = tpu.vector_load_idx %arg12[%add3A_2281] : memref<2618xf32, #tpu.memory_space<vmem>>[vector<16xi32>], vector<16xf32>,
    tpu.vector_store_idx %arg11[%add3A_2264, %broadcast_in_dim3A_309], %gather3A_2282 : memref<512x16xf32, #tpu.memory_space<vmem>>[vector<16xi32>, vector<16xi32>], vector<16xf32>,
    %add3A_2283 = arith.constant 8 : i32
    %add3A_2284 = vector.broadcast %add3A_2283 : i32 to vector<16xi32>
    %add3A_2285 = arith.addi %mul3A_2269, %add3A_2284 : vector<16xi32>
    %gather3A_2286 = tpu.vector_load_idx %arg12[%add3A_2285] : memref<2618xf32, #tpu.memory_space<vmem>>[vector<16xi32>], vector<16xf32>,
    tpu.vector_store_idx %arg11[%add3A_2264, %broadcast_in_dim3A_311], %gather3A_2286 : memref<512x16xf32, #tpu.memory_space<vmem>>[vector<16xi32>, vector<16xi32>], vector<16xf32>,
    %add3A_2287 = arith.constant 9 : i32
    %add3A_2288 = vector.broadcast %add3A_2287 : i32 to vector<16xi32>
    %add3A_2289 = arith.addi %mul3A_2269, %add3A_2288 : vector<16xi32>
    %gather3A_2290 = tpu.vector_load_idx %arg12[%add3A_2289] : memref<2618xf32, #tpu.memory_space<vmem>>[vector<16xi32>], vector<16xf32>,
    tpu.vector_store_idx %arg11[%add3A_2264, %broadcast_in_dim3A_313], %gather3A_2290 : memref<512x16xf32, #tpu.memory_space<vmem>>[vector<16xi32>, vector<16xi32>], vector<16xf32>,
    %add3A_2291 = arith.constant 10 : i32
    %add3A_2292 = vector.broadcast %add3A_2291 : i32 to vector<16xi32>
    %add3A_2293 = arith.addi %mul3A_2269, %add3A_2292 : vector<16xi32>
    %gather3A_2294 = tpu.vector_load_idx %arg12[%add3A_2293] : memref<2618xf32, #tpu.memory_space<vmem>>[vector<16xi32>], vector<16xf32>,
    tpu.vector_store_idx %arg11[%add3A_2264, %broadcast_in_dim3A_315], %gather3A_2294 : memref<512x16xf32, #tpu.memory_space<vmem>>[vector<16xi32>, vector<16xi32>], vector<16xf32>,
    %add3A_2295 = arith.constant 11 : i32
    %add3A_2296 = vector.broadcast %add3A_2295 : i32 to vector<16xi32>
    %add3A_2297 = arith.addi %mul3A_2269, %add3A_2296 : vector<16xi32>
    %gather3A_2298 = tpu.vector_load_idx %arg12[%add3A_2297] : memref<2618xf32, #tpu.memory_space<vmem>>[vector<16xi32>], vector<16xf32>,
    tpu.vector_store_idx %arg11[%add3A_2264, %broadcast_in_dim3A_317], %gather3A_2298 : memref<512x16xf32, #tpu.memory_space<vmem>>[vector<16xi32>, vector<16xi32>], vector<16xf32>,
    %add3A_2299 = arith.constant 618 : i32
    %add3A_2300 = vector.broadcast %add3A_2299 : i32 to vector<16xi32>
    %add3A_2301 = arith.addi %mul3A_2274, %add3A_2300 : vector<16xi32>
    %gather3A_2302 = tpu.vector_load_idx %arg12[%add3A_2301] : memref<2618xf32, #tpu.memory_space<vmem>>[vector<16xi32>], vector<16xf32>,
    tpu.vector_store_idx %arg11[%add3A_2264, %broadcast_in_dim3A_319], %gather3A_2302 : memref<512x16xf32, #tpu.memory_space<vmem>>[vector<16xi32>, vector<16xi32>], vector<16xf32>,
    %add3A_2303 = arith.constant 619 : i32
    %add3A_2304 = vector.broadcast %add3A_2303 : i32 to vector<16xi32>
    %add3A_2305 = arith.addi %mul3A_2274, %add3A_2304 : vector<16xi32>
    %gather3A_2306 = tpu.vector_load_idx %arg12[%add3A_2305] : memref<2618xf32, #tpu.memory_space<vmem>>[vector<16xi32>], vector<16xf32>,
    tpu.vector_store_idx %arg11[%add3A_2264, %broadcast_in_dim3A_321], %gather3A_2306 : memref<512x16xf32, #tpu.memory_space<vmem>>[vector<16xi32>, vector<16xi32>], vector<16xf32>,
    %add3A_2307 = arith.constant 620 : i32
    %add3A_2308 = vector.broadcast %add3A_2307 : i32 to vector<16xi32>
    %add3A_2309 = arith.addi %mul3A_2274, %add3A_2308 : vector<16xi32>
    %gather3A_2310 = tpu.vector_load_idx %arg12[%add3A_2309] : memref<2618xf32, #tpu.memory_space<vmem>>[vector<16xi32>], vector<16xf32>,
    tpu.vector_store_idx %arg11[%add3A_2264, %broadcast_in_dim3A_323], %gather3A_2310 : memref<512x16xf32, #tpu.memory_space<vmem>>[vector<16xi32>, vector<16xi32>], vector<16xf32>,
    %add3A_2311 = arith.constant 621 : i32
    %add3A_2312 = vector.broadcast %add3A_2311 : i32 to vector<16xi32>
    %add3A_2313 = arith.addi %mul3A_2274, %add3A_2312 : vector<16xi32>
    %gather3A_2314 = tpu.vector_load_idx %arg12[%add3A_2313] : memref<2618xf32, #tpu.memory_space<vmem>>[vector<16xi32>], vector<16xf32>,
    tpu.vector_store_idx %arg11[%add3A_2264, %broadcast_in_dim3A_325], %gather3A_2314 : memref<512x16xf32, #tpu.memory_space<vmem>>[vector<16xi32>, vector<16xi32>], vector<16xf32>,
    %add3A_2315 = arith.constant 622 : i32
    %add3A_2316 = vector.broadcast %add3A_2315 : i32 to vector<16xi32>
    %add3A_2317 = arith.addi %mul3A_2274, %add3A_2316 : vector<16xi32>
    %gather3A_2318 = tpu.vector_load_idx %arg12[%add3A_2317] : memref<2618xf32, #tpu.memory_space<vmem>>[vector<16xi32>], vector<16xf32>,
    tpu.vector_store_idx %arg11[%add3A_2264, %broadcast_in_dim3A_327], %gather3A_2318 : memref<512x16xf32, #tpu.memory_space<vmem>>[vector<16xi32>, vector<16xi32>], vector<16xf32>,
    %add3A_2319 = arith.constant 623 : i32
    %add3A_2320 = vector.broadcast %add3A_2319 : i32 to vector<16xi32>
    %add3A_2321 = arith.addi %mul3A_2274, %add3A_2320 : vector<16xi32>
    %gather3A_2322 = tpu.vector_load_idx %arg12[%add3A_2321] : memref<2618xf32, #tpu.memory_space<vmem>>[vector<16xi32>], vector<16xf32>,
    tpu.vector_store_idx %arg11[%add3A_2264, %broadcast_in_dim3A_329], %gather3A_2322 : memref<512x16xf32, #tpu.memory_space<vmem>>[vector<16xi32>, vector<16xi32>], vector<16xf32>,
    %add3A_2323 = arith.constant 624 : i32
    %add3A_2324 = vector.broadcast %add3A_2323 : i32 to vector<16xi32>
    %add3A_2325 = arith.addi %mul3A_2274, %add3A_2324 : vector<16xi32>
    %gather3A_2326 = tpu.vector_load_idx %arg12[%add3A_2325] : memref<2618xf32, #tpu.memory_space<vmem>>[vector<16xi32>], vector<16xf32>,
    tpu.vector_store_idx %arg11[%add3A_2264, %broadcast_in_dim3A_331], %gather3A_2326 : memref<512x16xf32, #tpu.memory_space<vmem>>[vector<16xi32>, vector<16xi32>], vector<16xf32>,
    %add3A_2327 = arith.constant 625 : i32
    %add3A_2328 = vector.broadcast %add3A_2327 : i32 to vector<16xi32>
    %add3A_2329 = arith.addi %mul3A_2274, %add3A_2328 : vector<16xi32>
    %gather3A_2330 = tpu.vector_load_idx %arg12[%add3A_2329] : memref<2618xf32, #tpu.memory_space<vmem>>[vector<16xi32>], vector<16xf32>,
    tpu.vector_store_idx %arg11[%add3A_2264, %broadcast_in_dim3A_333], %gather3A_2330 : memref<512x16xf32, #tpu.memory_space<vmem>>[vector<16xi32>, vector<16xi32>], vector<16xf32>,
    %add3A_2331 = arith.constant 626 : i32
    %add3A_2332 = vector.broadcast %add3A_2331 : i32 to vector<16xi32>
    %add3A_2333 = arith.addi %mul3A_2274, %add3A_2332 : vector<16xi32>
    %gather3A_2334 = tpu.vector_load_idx %arg12[%add3A_2333] : memref<2618xf32, #tpu.memory_space<vmem>>[vector<16xi32>], vector<16xf32>,
    tpu.vector_store_idx %arg11[%add3A_2264, %broadcast_in_dim3A_335], %gather3A_2334 : memref<512x16xf32, #tpu.memory_space<vmem>>[vector<16xi32>, vector<16xi32>], vector<16xf32>,
    %add3A_2335 = arith.constant 627 : i32
    %add3A_2336 = vector.broadcast %add3A_2335 : i32 to vector<16xi32>
    %add3A_2337 = arith.addi %mul3A_2274, %add3A_2336 : vector<16xi32>
    %gather3A_2338 = tpu.vector_load_idx %arg12[%add3A_2337] : memref<2618xf32, #tpu.memory_space<vmem>>[vector<16xi32>], vector<16xf32>,
    tpu.vector_store_idx %arg11[%add3A_2264, %broadcast_in_dim3A_337], %gather3A_2338 : memref<512x16xf32, #tpu.memory_space<vmem>>[vector<16xi32>, vector<16xi32>], vector<16xf32>,
    %add3A_2339 = arith.constant 416 : i32
    %add3A_2340 = vector.broadcast %add3A_2339 : i32 to vector<16xi32>
    %add3A_2341 = arith.addi %iota3A, %add3A_2340 : vector<16xi32>
    %get3A_2342 = arith.constant 928 : index
    %get3A_2343 = tpu.vector_load %arg9[%get3A_2342] {strides = array<i32>} : memref<1536xi32, #tpu.memory_space<vmem>>, vector<16xi32>,
    %mul3A_2344 = arith.constant 6 : i32
    %mul3A_2345 = vector.broadcast %mul3A_2344 : i32 to vector<16xi32>
    %mul3A_2346 = arith.muli %get3A_2343, %mul3A_2345 : vector<16xi32>
    %get3A_2347 = arith.constant 1440 : index
    %get3A_2348 = tpu.vector_load %arg9[%get3A_2347] {strides = array<i32>} : memref<1536xi32, #tpu.memory_space<vmem>>, vector<16xi32>,
    %mul3A_2349 = arith.constant 10 : i32
    %mul3A_2350 = vector.broadcast %mul3A_2349 : i32 to vector<16xi32>
    %mul3A_2351 = arith.muli %get3A_2348, %mul3A_2350 : vector<16xi32>
    %add3A_2352 = arith.constant 6 : i32
    %add3A_2353 = vector.broadcast %add3A_2352 : i32 to vector<16xi32>
    %add3A_2354 = arith.addi %mul3A_2346, %add3A_2353 : vector<16xi32>
    %gather3A_2355 = tpu.vector_load_idx %arg12[%add3A_2354] : memref<2618xf32, #tpu.memory_space<vmem>>[vector<16xi32>], vector<16xf32>,
    tpu.vector_store_idx %arg11[%add3A_2341, %broadcast_in_dim3A_307], %gather3A_2355 : memref<512x16xf32, #tpu.memory_space<vmem>>[vector<16xi32>, vector<16xi32>], vector<16xf32>,
    %add3A_2356 = arith.constant 7 : i32
    %add3A_2357 = vector.broadcast %add3A_2356 : i32 to vector<16xi32>
    %add3A_2358 = arith.addi %mul3A_2346, %add3A_2357 : vector<16xi32>
    %gather3A_2359 = tpu.vector_load_idx %arg12[%add3A_2358] : memref<2618xf32, #tpu.memory_space<vmem>>[vector<16xi32>], vector<16xf32>,
    tpu.vector_store_idx %arg11[%add3A_2341, %broadcast_in_dim3A_309], %gather3A_2359 : memref<512x16xf32, #tpu.memory_space<vmem>>[vector<16xi32>, vector<16xi32>], vector<16xf32>,
    %add3A_2360 = arith.constant 8 : i32
    %add3A_2361 = vector.broadcast %add3A_2360 : i32 to vector<16xi32>
    %add3A_2362 = arith.addi %mul3A_2346, %add3A_2361 : vector<16xi32>
    %gather3A_2363 = tpu.vector_load_idx %arg12[%add3A_2362] : memref<2618xf32, #tpu.memory_space<vmem>>[vector<16xi32>], vector<16xf32>,
    tpu.vector_store_idx %arg11[%add3A_2341, %broadcast_in_dim3A_311], %gather3A_2363 : memref<512x16xf32, #tpu.memory_space<vmem>>[vector<16xi32>, vector<16xi32>], vector<16xf32>,
    %add3A_2364 = arith.constant 9 : i32
    %add3A_2365 = vector.broadcast %add3A_2364 : i32 to vector<16xi32>
    %add3A_2366 = arith.addi %mul3A_2346, %add3A_2365 : vector<16xi32>
    %gather3A_2367 = tpu.vector_load_idx %arg12[%add3A_2366] : memref<2618xf32, #tpu.memory_space<vmem>>[vector<16xi32>], vector<16xf32>,
    tpu.vector_store_idx %arg11[%add3A_2341, %broadcast_in_dim3A_313], %gather3A_2367 : memref<512x16xf32, #tpu.memory_space<vmem>>[vector<16xi32>, vector<16xi32>], vector<16xf32>,
    %add3A_2368 = arith.constant 10 : i32
    %add3A_2369 = vector.broadcast %add3A_2368 : i32 to vector<16xi32>
    %add3A_2370 = arith.addi %mul3A_2346, %add3A_2369 : vector<16xi32>
    %gather3A_2371 = tpu.vector_load_idx %arg12[%add3A_2370] : memref<2618xf32, #tpu.memory_space<vmem>>[vector<16xi32>], vector<16xf32>,
    tpu.vector_store_idx %arg11[%add3A_2341, %broadcast_in_dim3A_315], %gather3A_2371 : memref<512x16xf32, #tpu.memory_space<vmem>>[vector<16xi32>, vector<16xi32>], vector<16xf32>,
    %add3A_2372 = arith.constant 11 : i32
    %add3A_2373 = vector.broadcast %add3A_2372 : i32 to vector<16xi32>
    %add3A_2374 = arith.addi %mul3A_2346, %add3A_2373 : vector<16xi32>
    %gather3A_2375 = tpu.vector_load_idx %arg12[%add3A_2374] : memref<2618xf32, #tpu.memory_space<vmem>>[vector<16xi32>], vector<16xf32>,
    tpu.vector_store_idx %arg11[%add3A_2341, %broadcast_in_dim3A_317], %gather3A_2375 : memref<512x16xf32, #tpu.memory_space<vmem>>[vector<16xi32>, vector<16xi32>], vector<16xf32>,
    %add3A_2376 = arith.constant 618 : i32
    %add3A_2377 = vector.broadcast %add3A_2376 : i32 to vector<16xi32>
    %add3A_2378 = arith.addi %mul3A_2351, %add3A_2377 : vector<16xi32>
    %gather3A_2379 = tpu.vector_load_idx %arg12[%add3A_2378] : memref<2618xf32, #tpu.memory_space<vmem>>[vector<16xi32>], vector<16xf32>,
    tpu.vector_store_idx %arg11[%add3A_2341, %broadcast_in_dim3A_319], %gather3A_2379 : memref<512x16xf32, #tpu.memory_space<vmem>>[vector<16xi32>, vector<16xi32>], vector<16xf32>,
    %add3A_2380 = arith.constant 619 : i32
    %add3A_2381 = vector.broadcast %add3A_2380 : i32 to vector<16xi32>
    %add3A_2382 = arith.addi %mul3A_2351, %add3A_2381 : vector<16xi32>
    %gather3A_2383 = tpu.vector_load_idx %arg12[%add3A_2382] : memref<2618xf32, #tpu.memory_space<vmem>>[vector<16xi32>], vector<16xf32>,
    tpu.vector_store_idx %arg11[%add3A_2341, %broadcast_in_dim3A_321], %gather3A_2383 : memref<512x16xf32, #tpu.memory_space<vmem>>[vector<16xi32>, vector<16xi32>], vector<16xf32>,
    %add3A_2384 = arith.constant 620 : i32
    %add3A_2385 = vector.broadcast %add3A_2384 : i32 to vector<16xi32>
    %add3A_2386 = arith.addi %mul3A_2351, %add3A_2385 : vector<16xi32>
    %gather3A_2387 = tpu.vector_load_idx %arg12[%add3A_2386] : memref<2618xf32, #tpu.memory_space<vmem>>[vector<16xi32>], vector<16xf32>,
    tpu.vector_store_idx %arg11[%add3A_2341, %broadcast_in_dim3A_323], %gather3A_2387 : memref<512x16xf32, #tpu.memory_space<vmem>>[vector<16xi32>, vector<16xi32>], vector<16xf32>,
    %add3A_2388 = arith.constant 621 : i32
    %add3A_2389 = vector.broadcast %add3A_2388 : i32 to vector<16xi32>
    %add3A_2390 = arith.addi %mul3A_2351, %add3A_2389 : vector<16xi32>
    %gather3A_2391 = tpu.vector_load_idx %arg12[%add3A_2390] : memref<2618xf32, #tpu.memory_space<vmem>>[vector<16xi32>], vector<16xf32>,
    tpu.vector_store_idx %arg11[%add3A_2341, %broadcast_in_dim3A_325], %gather3A_2391 : memref<512x16xf32, #tpu.memory_space<vmem>>[vector<16xi32>, vector<16xi32>], vector<16xf32>,
    %add3A_2392 = arith.constant 622 : i32
    %add3A_2393 = vector.broadcast %add3A_2392 : i32 to vector<16xi32>
    %add3A_2394 = arith.addi %mul3A_2351, %add3A_2393 : vector<16xi32>
    %gather3A_2395 = tpu.vector_load_idx %arg12[%add3A_2394] : memref<2618xf32, #tpu.memory_space<vmem>>[vector<16xi32>], vector<16xf32>,
    tpu.vector_store_idx %arg11[%add3A_2341, %broadcast_in_dim3A_327], %gather3A_2395 : memref<512x16xf32, #tpu.memory_space<vmem>>[vector<16xi32>, vector<16xi32>], vector<16xf32>,
    %add3A_2396 = arith.constant 623 : i32
    %add3A_2397 = vector.broadcast %add3A_2396 : i32 to vector<16xi32>
    %add3A_2398 = arith.addi %mul3A_2351, %add3A_2397 : vector<16xi32>
    %gather3A_2399 = tpu.vector_load_idx %arg12[%add3A_2398] : memref<2618xf32, #tpu.memory_space<vmem>>[vector<16xi32>], vector<16xf32>,
    tpu.vector_store_idx %arg11[%add3A_2341, %broadcast_in_dim3A_329], %gather3A_2399 : memref<512x16xf32, #tpu.memory_space<vmem>>[vector<16xi32>, vector<16xi32>], vector<16xf32>,
    %add3A_2400 = arith.constant 624 : i32
    %add3A_2401 = vector.broadcast %add3A_2400 : i32 to vector<16xi32>
    %add3A_2402 = arith.addi %mul3A_2351, %add3A_2401 : vector<16xi32>
    %gather3A_2403 = tpu.vector_load_idx %arg12[%add3A_2402] : memref<2618xf32, #tpu.memory_space<vmem>>[vector<16xi32>], vector<16xf32>,
    tpu.vector_store_idx %arg11[%add3A_2341, %broadcast_in_dim3A_331], %gather3A_2403 : memref<512x16xf32, #tpu.memory_space<vmem>>[vector<16xi32>, vector<16xi32>], vector<16xf32>,
    %add3A_2404 = arith.constant 625 : i32
    %add3A_2405 = vector.broadcast %add3A_2404 : i32 to vector<16xi32>
    %add3A_2406 = arith.addi %mul3A_2351, %add3A_2405 : vector<16xi32>
    %gather3A_2407 = tpu.vector_load_idx %arg12[%add3A_2406] : memref<2618xf32, #tpu.memory_space<vmem>>[vector<16xi32>], vector<16xf32>,
    tpu.vector_store_idx %arg11[%add3A_2341, %broadcast_in_dim3A_333], %gather3A_2407 : memref<512x16xf32, #tpu.memory_space<vmem>>[vector<16xi32>, vector<16xi32>], vector<16xf32>,
    %add3A_2408 = arith.constant 626 : i32
    %add3A_2409 = vector.broadcast %add3A_2408 : i32 to vector<16xi32>
    %add3A_2410 = arith.addi %mul3A_2351, %add3A_2409 : vector<16xi32>
    %gather3A_2411 = tpu.vector_load_idx %arg12[%add3A_2410] : memref<2618xf32, #tpu.memory_space<vmem>>[vector<16xi32>], vector<16xf32>,
    tpu.vector_store_idx %arg11[%add3A_2341, %broadcast_in_dim3A_335], %gather3A_2411 : memref<512x16xf32, #tpu.memory_space<vmem>>[vector<16xi32>, vector<16xi32>], vector<16xf32>,
    %add3A_2412 = arith.constant 627 : i32
    %add3A_2413 = vector.broadcast %add3A_2412 : i32 to vector<16xi32>
    %add3A_2414 = arith.addi %mul3A_2351, %add3A_2413 : vector<16xi32>
    %gather3A_2415 = tpu.vector_load_idx %arg12[%add3A_2414] : memref<2618xf32, #tpu.memory_space<vmem>>[vector<16xi32>], vector<16xf32>,
    tpu.vector_store_idx %arg11[%add3A_2341, %broadcast_in_dim3A_337], %gather3A_2415 : memref<512x16xf32, #tpu.memory_space<vmem>>[vector<16xi32>, vector<16xi32>], vector<16xf32>,
    %add3A_2416 = arith.constant 432 : i32
    %add3A_2417 = vector.broadcast %add3A_2416 : i32 to vector<16xi32>
    %add3A_2418 = arith.addi %iota3A, %add3A_2417 : vector<16xi32>
    %get3A_2419 = arith.constant 944 : index
    %get3A_2420 = tpu.vector_load %arg9[%get3A_2419] {strides = array<i32>} : memref<1536xi32, #tpu.memory_space<vmem>>, vector<16xi32>,
    %mul3A_2421 = arith.constant 6 : i32
    %mul3A_2422 = vector.broadcast %mul3A_2421 : i32 to vector<16xi32>
    %mul3A_2423 = arith.muli %get3A_2420, %mul3A_2422 : vector<16xi32>
    %get3A_2424 = arith.constant 1456 : index
    %get3A_2425 = tpu.vector_load %arg9[%get3A_2424] {strides = array<i32>} : memref<1536xi32, #tpu.memory_space<vmem>>, vector<16xi32>,
    %mul3A_2426 = arith.constant 10 : i32
    %mul3A_2427 = vector.broadcast %mul3A_2426 : i32 to vector<16xi32>
    %mul3A_2428 = arith.muli %get3A_2425, %mul3A_2427 : vector<16xi32>
    %add3A_2429 = arith.constant 6 : i32
    %add3A_2430 = vector.broadcast %add3A_2429 : i32 to vector<16xi32>
    %add3A_2431 = arith.addi %mul3A_2423, %add3A_2430 : vector<16xi32>
    %gather3A_2432 = tpu.vector_load_idx %arg12[%add3A_2431] : memref<2618xf32, #tpu.memory_space<vmem>>[vector<16xi32>], vector<16xf32>,
    tpu.vector_store_idx %arg11[%add3A_2418, %broadcast_in_dim3A_307], %gather3A_2432 : memref<512x16xf32, #tpu.memory_space<vmem>>[vector<16xi32>, vector<16xi32>], vector<16xf32>,
    %add3A_2433 = arith.constant 7 : i32
    %add3A_2434 = vector.broadcast %add3A_2433 : i32 to vector<16xi32>
    %add3A_2435 = arith.addi %mul3A_2423, %add3A_2434 : vector<16xi32>
    %gather3A_2436 = tpu.vector_load_idx %arg12[%add3A_2435] : memref<2618xf32, #tpu.memory_space<vmem>>[vector<16xi32>], vector<16xf32>,
    tpu.vector_store_idx %arg11[%add3A_2418, %broadcast_in_dim3A_309], %gather3A_2436 : memref<512x16xf32, #tpu.memory_space<vmem>>[vector<16xi32>, vector<16xi32>], vector<16xf32>,
    %add3A_2437 = arith.constant 8 : i32
    %add3A_2438 = vector.broadcast %add3A_2437 : i32 to vector<16xi32>
    %add3A_2439 = arith.addi %mul3A_2423, %add3A_2438 : vector<16xi32>
    %gather3A_2440 = tpu.vector_load_idx %arg12[%add3A_2439] : memref<2618xf32, #tpu.memory_space<vmem>>[vector<16xi32>], vector<16xf32>,
    tpu.vector_store_idx %arg11[%add3A_2418, %broadcast_in_dim3A_311], %gather3A_2440 : memref<512x16xf32, #tpu.memory_space<vmem>>[vector<16xi32>, vector<16xi32>], vector<16xf32>,
    %add3A_2441 = arith.constant 9 : i32
    %add3A_2442 = vector.broadcast %add3A_2441 : i32 to vector<16xi32>
    %add3A_2443 = arith.addi %mul3A_2423, %add3A_2442 : vector<16xi32>
    %gather3A_2444 = tpu.vector_load_idx %arg12[%add3A_2443] : memref<2618xf32, #tpu.memory_space<vmem>>[vector<16xi32>], vector<16xf32>,
    tpu.vector_store_idx %arg11[%add3A_2418, %broadcast_in_dim3A_313], %gather3A_2444 : memref<512x16xf32, #tpu.memory_space<vmem>>[vector<16xi32>, vector<16xi32>], vector<16xf32>,
    %add3A_2445 = arith.constant 10 : i32
    %add3A_2446 = vector.broadcast %add3A_2445 : i32 to vector<16xi32>
    %add3A_2447 = arith.addi %mul3A_2423, %add3A_2446 : vector<16xi32>
    %gather3A_2448 = tpu.vector_load_idx %arg12[%add3A_2447] : memref<2618xf32, #tpu.memory_space<vmem>>[vector<16xi32>], vector<16xf32>,
    tpu.vector_store_idx %arg11[%add3A_2418, %broadcast_in_dim3A_315], %gather3A_2448 : memref<512x16xf32, #tpu.memory_space<vmem>>[vector<16xi32>, vector<16xi32>], vector<16xf32>,
    %add3A_2449 = arith.constant 11 : i32
    %add3A_2450 = vector.broadcast %add3A_2449 : i32 to vector<16xi32>
    %add3A_2451 = arith.addi %mul3A_2423, %add3A_2450 : vector<16xi32>
    %gather3A_2452 = tpu.vector_load_idx %arg12[%add3A_2451] : memref<2618xf32, #tpu.memory_space<vmem>>[vector<16xi32>], vector<16xf32>,
    tpu.vector_store_idx %arg11[%add3A_2418, %broadcast_in_dim3A_317], %gather3A_2452 : memref<512x16xf32, #tpu.memory_space<vmem>>[vector<16xi32>, vector<16xi32>], vector<16xf32>,
    %add3A_2453 = arith.constant 618 : i32
    %add3A_2454 = vector.broadcast %add3A_2453 : i32 to vector<16xi32>
    %add3A_2455 = arith.addi %mul3A_2428, %add3A_2454 : vector<16xi32>
    %gather3A_2456 = tpu.vector_load_idx %arg12[%add3A_2455] : memref<2618xf32, #tpu.memory_space<vmem>>[vector<16xi32>], vector<16xf32>,
    tpu.vector_store_idx %arg11[%add3A_2418, %broadcast_in_dim3A_319], %gather3A_2456 : memref<512x16xf32, #tpu.memory_space<vmem>>[vector<16xi32>, vector<16xi32>], vector<16xf32>,
    %add3A_2457 = arith.constant 619 : i32
    %add3A_2458 = vector.broadcast %add3A_2457 : i32 to vector<16xi32>
    %add3A_2459 = arith.addi %mul3A_2428, %add3A_2458 : vector<16xi32>
    %gather3A_2460 = tpu.vector_load_idx %arg12[%add3A_2459] : memref<2618xf32, #tpu.memory_space<vmem>>[vector<16xi32>], vector<16xf32>,
    tpu.vector_store_idx %arg11[%add3A_2418, %broadcast_in_dim3A_321], %gather3A_2460 : memref<512x16xf32, #tpu.memory_space<vmem>>[vector<16xi32>, vector<16xi32>], vector<16xf32>,
    %add3A_2461 = arith.constant 620 : i32
    %add3A_2462 = vector.broadcast %add3A_2461 : i32 to vector<16xi32>
    %add3A_2463 = arith.addi %mul3A_2428, %add3A_2462 : vector<16xi32>
    %gather3A_2464 = tpu.vector_load_idx %arg12[%add3A_2463] : memref<2618xf32, #tpu.memory_space<vmem>>[vector<16xi32>], vector<16xf32>,
    tpu.vector_store_idx %arg11[%add3A_2418, %broadcast_in_dim3A_323], %gather3A_2464 : memref<512x16xf32, #tpu.memory_space<vmem>>[vector<16xi32>, vector<16xi32>], vector<16xf32>,
    %add3A_2465 = arith.constant 621 : i32
    %add3A_2466 = vector.broadcast %add3A_2465 : i32 to vector<16xi32>
    %add3A_2467 = arith.addi %mul3A_2428, %add3A_2466 : vector<16xi32>
    %gather3A_2468 = tpu.vector_load_idx %arg12[%add3A_2467] : memref<2618xf32, #tpu.memory_space<vmem>>[vector<16xi32>], vector<16xf32>,
    tpu.vector_store_idx %arg11[%add3A_2418, %broadcast_in_dim3A_325], %gather3A_2468 : memref<512x16xf32, #tpu.memory_space<vmem>>[vector<16xi32>, vector<16xi32>], vector<16xf32>,
    %add3A_2469 = arith.constant 622 : i32
    %add3A_2470 = vector.broadcast %add3A_2469 : i32 to vector<16xi32>
    %add3A_2471 = arith.addi %mul3A_2428, %add3A_2470 : vector<16xi32>
    %gather3A_2472 = tpu.vector_load_idx %arg12[%add3A_2471] : memref<2618xf32, #tpu.memory_space<vmem>>[vector<16xi32>], vector<16xf32>,
    tpu.vector_store_idx %arg11[%add3A_2418, %broadcast_in_dim3A_327], %gather3A_2472 : memref<512x16xf32, #tpu.memory_space<vmem>>[vector<16xi32>, vector<16xi32>], vector<16xf32>,
    %add3A_2473 = arith.constant 623 : i32
    %add3A_2474 = vector.broadcast %add3A_2473 : i32 to vector<16xi32>
    %add3A_2475 = arith.addi %mul3A_2428, %add3A_2474 : vector<16xi32>
    %gather3A_2476 = tpu.vector_load_idx %arg12[%add3A_2475] : memref<2618xf32, #tpu.memory_space<vmem>>[vector<16xi32>], vector<16xf32>,
    tpu.vector_store_idx %arg11[%add3A_2418, %broadcast_in_dim3A_329], %gather3A_2476 : memref<512x16xf32, #tpu.memory_space<vmem>>[vector<16xi32>, vector<16xi32>], vector<16xf32>,
    %add3A_2477 = arith.constant 624 : i32
    %add3A_2478 = vector.broadcast %add3A_2477 : i32 to vector<16xi32>
    %add3A_2479 = arith.addi %mul3A_2428, %add3A_2478 : vector<16xi32>
    %gather3A_2480 = tpu.vector_load_idx %arg12[%add3A_2479] : memref<2618xf32, #tpu.memory_space<vmem>>[vector<16xi32>], vector<16xf32>,
    tpu.vector_store_idx %arg11[%add3A_2418, %broadcast_in_dim3A_331], %gather3A_2480 : memref<512x16xf32, #tpu.memory_space<vmem>>[vector<16xi32>, vector<16xi32>], vector<16xf32>,
    %add3A_2481 = arith.constant 625 : i32
    %add3A_2482 = vector.broadcast %add3A_2481 : i32 to vector<16xi32>
    %add3A_2483 = arith.addi %mul3A_2428, %add3A_2482 : vector<16xi32>
    %gather3A_2484 = tpu.vector_load_idx %arg12[%add3A_2483] : memref<2618xf32, #tpu.memory_space<vmem>>[vector<16xi32>], vector<16xf32>,
    tpu.vector_store_idx %arg11[%add3A_2418, %broadcast_in_dim3A_333], %gather3A_2484 : memref<512x16xf32, #tpu.memory_space<vmem>>[vector<16xi32>, vector<16xi32>], vector<16xf32>,
    %add3A_2485 = arith.constant 626 : i32
    %add3A_2486 = vector.broadcast %add3A_2485 : i32 to vector<16xi32>
    %add3A_2487 = arith.addi %mul3A_2428, %add3A_2486 : vector<16xi32>
    %gather3A_2488 = tpu.vector_load_idx %arg12[%add3A_2487] : memref<2618xf32, #tpu.memory_space<vmem>>[vector<16xi32>], vector<16xf32>,
    tpu.vector_store_idx %arg11[%add3A_2418, %broadcast_in_dim3A_335], %gather3A_2488 : memref<512x16xf32, #tpu.memory_space<vmem>>[vector<16xi32>, vector<16xi32>], vector<16xf32>,
    %add3A_2489 = arith.constant 627 : i32
    %add3A_2490 = vector.broadcast %add3A_2489 : i32 to vector<16xi32>
    %add3A_2491 = arith.addi %mul3A_2428, %add3A_2490 : vector<16xi32>
    %gather3A_2492 = tpu.vector_load_idx %arg12[%add3A_2491] : memref<2618xf32, #tpu.memory_space<vmem>>[vector<16xi32>], vector<16xf32>,
    tpu.vector_store_idx %arg11[%add3A_2418, %broadcast_in_dim3A_337], %gather3A_2492 : memref<512x16xf32, #tpu.memory_space<vmem>>[vector<16xi32>, vector<16xi32>], vector<16xf32>,
    %add3A_2493 = arith.constant 448 : i32
    %add3A_2494 = vector.broadcast %add3A_2493 : i32 to vector<16xi32>
    %add3A_2495 = arith.addi %iota3A, %add3A_2494 : vector<16xi32>
    %get3A_2496 = arith.constant 960 : index
    %get3A_2497 = tpu.vector_load %arg9[%get3A_2496] {strides = array<i32>} : memref<1536xi32, #tpu.memory_space<vmem>>, vector<16xi32>,
    %mul3A_2498 = arith.constant 6 : i32
    %mul3A_2499 = vector.broadcast %mul3A_2498 : i32 to vector<16xi32>
    %mul3A_2500 = arith.muli %get3A_2497, %mul3A_2499 : vector<16xi32>
    %get3A_2501 = arith.constant 1472 : index
    %get3A_2502 = tpu.vector_load %arg9[%get3A_2501] {strides = array<i32>} : memref<1536xi32, #tpu.memory_space<vmem>>, vector<16xi32>,
    %mul3A_2503 = arith.constant 10 : i32
    %mul3A_2504 = vector.broadcast %mul3A_2503 : i32 to vector<16xi32>
    %mul3A_2505 = arith.muli %get3A_2502, %mul3A_2504 : vector<16xi32>
    %add3A_2506 = arith.constant 6 : i32
    %add3A_2507 = vector.broadcast %add3A_2506 : i32 to vector<16xi32>
    %add3A_2508 = arith.addi %mul3A_2500, %add3A_2507 : vector<16xi32>
    %gather3A_2509 = tpu.vector_load_idx %arg12[%add3A_2508] : memref<2618xf32, #tpu.memory_space<vmem>>[vector<16xi32>], vector<16xf32>,
    tpu.vector_store_idx %arg11[%add3A_2495, %broadcast_in_dim3A_307], %gather3A_2509 : memref<512x16xf32, #tpu.memory_space<vmem>>[vector<16xi32>, vector<16xi32>], vector<16xf32>,
    %add3A_2510 = arith.constant 7 : i32
    %add3A_2511 = vector.broadcast %add3A_2510 : i32 to vector<16xi32>
    %add3A_2512 = arith.addi %mul3A_2500, %add3A_2511 : vector<16xi32>
    %gather3A_2513 = tpu.vector_load_idx %arg12[%add3A_2512] : memref<2618xf32, #tpu.memory_space<vmem>>[vector<16xi32>], vector<16xf32>,
    tpu.vector_store_idx %arg11[%add3A_2495, %broadcast_in_dim3A_309], %gather3A_2513 : memref<512x16xf32, #tpu.memory_space<vmem>>[vector<16xi32>, vector<16xi32>], vector<16xf32>,
    %add3A_2514 = arith.constant 8 : i32
    %add3A_2515 = vector.broadcast %add3A_2514 : i32 to vector<16xi32>
    %add3A_2516 = arith.addi %mul3A_2500, %add3A_2515 : vector<16xi32>
    %gather3A_2517 = tpu.vector_load_idx %arg12[%add3A_2516] : memref<2618xf32, #tpu.memory_space<vmem>>[vector<16xi32>], vector<16xf32>,
    tpu.vector_store_idx %arg11[%add3A_2495, %broadcast_in_dim3A_311], %gather3A_2517 : memref<512x16xf32, #tpu.memory_space<vmem>>[vector<16xi32>, vector<16xi32>], vector<16xf32>,
    %add3A_2518 = arith.constant 9 : i32
    %add3A_2519 = vector.broadcast %add3A_2518 : i32 to vector<16xi32>
    %add3A_2520 = arith.addi %mul3A_2500, %add3A_2519 : vector<16xi32>
    %gather3A_2521 = tpu.vector_load_idx %arg12[%add3A_2520] : memref<2618xf32, #tpu.memory_space<vmem>>[vector<16xi32>], vector<16xf32>,
    tpu.vector_store_idx %arg11[%add3A_2495, %broadcast_in_dim3A_313], %gather3A_2521 : memref<512x16xf32, #tpu.memory_space<vmem>>[vector<16xi32>, vector<16xi32>], vector<16xf32>,
    %add3A_2522 = arith.constant 10 : i32
    %add3A_2523 = vector.broadcast %add3A_2522 : i32 to vector<16xi32>
    %add3A_2524 = arith.addi %mul3A_2500, %add3A_2523 : vector<16xi32>
    %gather3A_2525 = tpu.vector_load_idx %arg12[%add3A_2524] : memref<2618xf32, #tpu.memory_space<vmem>>[vector<16xi32>], vector<16xf32>,
    tpu.vector_store_idx %arg11[%add3A_2495, %broadcast_in_dim3A_315], %gather3A_2525 : memref<512x16xf32, #tpu.memory_space<vmem>>[vector<16xi32>, vector<16xi32>], vector<16xf32>,
    %add3A_2526 = arith.constant 11 : i32
    %add3A_2527 = vector.broadcast %add3A_2526 : i32 to vector<16xi32>
    %add3A_2528 = arith.addi %mul3A_2500, %add3A_2527 : vector<16xi32>
    %gather3A_2529 = tpu.vector_load_idx %arg12[%add3A_2528] : memref<2618xf32, #tpu.memory_space<vmem>>[vector<16xi32>], vector<16xf32>,
    tpu.vector_store_idx %arg11[%add3A_2495, %broadcast_in_dim3A_317], %gather3A_2529 : memref<512x16xf32, #tpu.memory_space<vmem>>[vector<16xi32>, vector<16xi32>], vector<16xf32>,
    %add3A_2530 = arith.constant 618 : i32
    %add3A_2531 = vector.broadcast %add3A_2530 : i32 to vector<16xi32>
    %add3A_2532 = arith.addi %mul3A_2505, %add3A_2531 : vector<16xi32>
    %gather3A_2533 = tpu.vector_load_idx %arg12[%add3A_2532] : memref<2618xf32, #tpu.memory_space<vmem>>[vector<16xi32>], vector<16xf32>,
    tpu.vector_store_idx %arg11[%add3A_2495, %broadcast_in_dim3A_319], %gather3A_2533 : memref<512x16xf32, #tpu.memory_space<vmem>>[vector<16xi32>, vector<16xi32>], vector<16xf32>,
    %add3A_2534 = arith.constant 619 : i32
    %add3A_2535 = vector.broadcast %add3A_2534 : i32 to vector<16xi32>
    %add3A_2536 = arith.addi %mul3A_2505, %add3A_2535 : vector<16xi32>
    %gather3A_2537 = tpu.vector_load_idx %arg12[%add3A_2536] : memref<2618xf32, #tpu.memory_space<vmem>>[vector<16xi32>], vector<16xf32>,
    tpu.vector_store_idx %arg11[%add3A_2495, %broadcast_in_dim3A_321], %gather3A_2537 : memref<512x16xf32, #tpu.memory_space<vmem>>[vector<16xi32>, vector<16xi32>], vector<16xf32>,
    %add3A_2538 = arith.constant 620 : i32
    %add3A_2539 = vector.broadcast %add3A_2538 : i32 to vector<16xi32>
    %add3A_2540 = arith.addi %mul3A_2505, %add3A_2539 : vector<16xi32>
    %gather3A_2541 = tpu.vector_load_idx %arg12[%add3A_2540] : memref<2618xf32, #tpu.memory_space<vmem>>[vector<16xi32>], vector<16xf32>,
    tpu.vector_store_idx %arg11[%add3A_2495, %broadcast_in_dim3A_323], %gather3A_2541 : memref<512x16xf32, #tpu.memory_space<vmem>>[vector<16xi32>, vector<16xi32>], vector<16xf32>,
    %add3A_2542 = arith.constant 621 : i32
    %add3A_2543 = vector.broadcast %add3A_2542 : i32 to vector<16xi32>
    %add3A_2544 = arith.addi %mul3A_2505, %add3A_2543 : vector<16xi32>
    %gather3A_2545 = tpu.vector_load_idx %arg12[%add3A_2544] : memref<2618xf32, #tpu.memory_space<vmem>>[vector<16xi32>], vector<16xf32>,
    tpu.vector_store_idx %arg11[%add3A_2495, %broadcast_in_dim3A_325], %gather3A_2545 : memref<512x16xf32, #tpu.memory_space<vmem>>[vector<16xi32>, vector<16xi32>], vector<16xf32>,
    %add3A_2546 = arith.constant 622 : i32
    %add3A_2547 = vector.broadcast %add3A_2546 : i32 to vector<16xi32>
    %add3A_2548 = arith.addi %mul3A_2505, %add3A_2547 : vector<16xi32>
    %gather3A_2549 = tpu.vector_load_idx %arg12[%add3A_2548] : memref<2618xf32, #tpu.memory_space<vmem>>[vector<16xi32>], vector<16xf32>,
    tpu.vector_store_idx %arg11[%add3A_2495, %broadcast_in_dim3A_327], %gather3A_2549 : memref<512x16xf32, #tpu.memory_space<vmem>>[vector<16xi32>, vector<16xi32>], vector<16xf32>,
    %add3A_2550 = arith.constant 623 : i32
    %add3A_2551 = vector.broadcast %add3A_2550 : i32 to vector<16xi32>
    %add3A_2552 = arith.addi %mul3A_2505, %add3A_2551 : vector<16xi32>
    %gather3A_2553 = tpu.vector_load_idx %arg12[%add3A_2552] : memref<2618xf32, #tpu.memory_space<vmem>>[vector<16xi32>], vector<16xf32>,
    tpu.vector_store_idx %arg11[%add3A_2495, %broadcast_in_dim3A_329], %gather3A_2553 : memref<512x16xf32, #tpu.memory_space<vmem>>[vector<16xi32>, vector<16xi32>], vector<16xf32>,
    %add3A_2554 = arith.constant 624 : i32
    %add3A_2555 = vector.broadcast %add3A_2554 : i32 to vector<16xi32>
    %add3A_2556 = arith.addi %mul3A_2505, %add3A_2555 : vector<16xi32>
    %gather3A_2557 = tpu.vector_load_idx %arg12[%add3A_2556] : memref<2618xf32, #tpu.memory_space<vmem>>[vector<16xi32>], vector<16xf32>,
    tpu.vector_store_idx %arg11[%add3A_2495, %broadcast_in_dim3A_331], %gather3A_2557 : memref<512x16xf32, #tpu.memory_space<vmem>>[vector<16xi32>, vector<16xi32>], vector<16xf32>,
    %add3A_2558 = arith.constant 625 : i32
    %add3A_2559 = vector.broadcast %add3A_2558 : i32 to vector<16xi32>
    %add3A_2560 = arith.addi %mul3A_2505, %add3A_2559 : vector<16xi32>
    %gather3A_2561 = tpu.vector_load_idx %arg12[%add3A_2560] : memref<2618xf32, #tpu.memory_space<vmem>>[vector<16xi32>], vector<16xf32>,
    tpu.vector_store_idx %arg11[%add3A_2495, %broadcast_in_dim3A_333], %gather3A_2561 : memref<512x16xf32, #tpu.memory_space<vmem>>[vector<16xi32>, vector<16xi32>], vector<16xf32>,
    %add3A_2562 = arith.constant 626 : i32
    %add3A_2563 = vector.broadcast %add3A_2562 : i32 to vector<16xi32>
    %add3A_2564 = arith.addi %mul3A_2505, %add3A_2563 : vector<16xi32>
    %gather3A_2565 = tpu.vector_load_idx %arg12[%add3A_2564] : memref<2618xf32, #tpu.memory_space<vmem>>[vector<16xi32>], vector<16xf32>,
    tpu.vector_store_idx %arg11[%add3A_2495, %broadcast_in_dim3A_335], %gather3A_2565 : memref<512x16xf32, #tpu.memory_space<vmem>>[vector<16xi32>, vector<16xi32>], vector<16xf32>,
    %add3A_2566 = arith.constant 627 : i32
    %add3A_2567 = vector.broadcast %add3A_2566 : i32 to vector<16xi32>
    %add3A_2568 = arith.addi %mul3A_2505, %add3A_2567 : vector<16xi32>
    %gather3A_2569 = tpu.vector_load_idx %arg12[%add3A_2568] : memref<2618xf32, #tpu.memory_space<vmem>>[vector<16xi32>], vector<16xf32>,
    tpu.vector_store_idx %arg11[%add3A_2495, %broadcast_in_dim3A_337], %gather3A_2569 : memref<512x16xf32, #tpu.memory_space<vmem>>[vector<16xi32>, vector<16xi32>], vector<16xf32>,
    %add3A_2570 = arith.constant 464 : i32
    %add3A_2571 = vector.broadcast %add3A_2570 : i32 to vector<16xi32>
    %add3A_2572 = arith.addi %iota3A, %add3A_2571 : vector<16xi32>
    %get3A_2573 = arith.constant 976 : index
    %get3A_2574 = tpu.vector_load %arg9[%get3A_2573] {strides = array<i32>} : memref<1536xi32, #tpu.memory_space<vmem>>, vector<16xi32>,
    %mul3A_2575 = arith.constant 6 : i32
    %mul3A_2576 = vector.broadcast %mul3A_2575 : i32 to vector<16xi32>
    %mul3A_2577 = arith.muli %get3A_2574, %mul3A_2576 : vector<16xi32>
    %get3A_2578 = arith.constant 1488 : index
    %get3A_2579 = tpu.vector_load %arg9[%get3A_2578] {strides = array<i32>} : memref<1536xi32, #tpu.memory_space<vmem>>, vector<16xi32>,
    %mul3A_2580 = arith.constant 10 : i32
    %mul3A_2581 = vector.broadcast %mul3A_2580 : i32 to vector<16xi32>
    %mul3A_2582 = arith.muli %get3A_2579, %mul3A_2581 : vector<16xi32>
    %add3A_2583 = arith.constant 6 : i32
    %add3A_2584 = vector.broadcast %add3A_2583 : i32 to vector<16xi32>
    %add3A_2585 = arith.addi %mul3A_2577, %add3A_2584 : vector<16xi32>
    %gather3A_2586 = tpu.vector_load_idx %arg12[%add3A_2585] : memref<2618xf32, #tpu.memory_space<vmem>>[vector<16xi32>], vector<16xf32>,
    tpu.vector_store_idx %arg11[%add3A_2572, %broadcast_in_dim3A_307], %gather3A_2586 : memref<512x16xf32, #tpu.memory_space<vmem>>[vector<16xi32>, vector<16xi32>], vector<16xf32>,
    %add3A_2587 = arith.constant 7 : i32
    %add3A_2588 = vector.broadcast %add3A_2587 : i32 to vector<16xi32>
    %add3A_2589 = arith.addi %mul3A_2577, %add3A_2588 : vector<16xi32>
    %gather3A_2590 = tpu.vector_load_idx %arg12[%add3A_2589] : memref<2618xf32, #tpu.memory_space<vmem>>[vector<16xi32>], vector<16xf32>,
    tpu.vector_store_idx %arg11[%add3A_2572, %broadcast_in_dim3A_309], %gather3A_2590 : memref<512x16xf32, #tpu.memory_space<vmem>>[vector<16xi32>, vector<16xi32>], vector<16xf32>,
    %add3A_2591 = arith.constant 8 : i32
    %add3A_2592 = vector.broadcast %add3A_2591 : i32 to vector<16xi32>
    %add3A_2593 = arith.addi %mul3A_2577, %add3A_2592 : vector<16xi32>
    %gather3A_2594 = tpu.vector_load_idx %arg12[%add3A_2593] : memref<2618xf32, #tpu.memory_space<vmem>>[vector<16xi32>], vector<16xf32>,
    tpu.vector_store_idx %arg11[%add3A_2572, %broadcast_in_dim3A_311], %gather3A_2594 : memref<512x16xf32, #tpu.memory_space<vmem>>[vector<16xi32>, vector<16xi32>], vector<16xf32>,
    %add3A_2595 = arith.constant 9 : i32
    %add3A_2596 = vector.broadcast %add3A_2595 : i32 to vector<16xi32>
    %add3A_2597 = arith.addi %mul3A_2577, %add3A_2596 : vector<16xi32>
    %gather3A_2598 = tpu.vector_load_idx %arg12[%add3A_2597] : memref<2618xf32, #tpu.memory_space<vmem>>[vector<16xi32>], vector<16xf32>,
    tpu.vector_store_idx %arg11[%add3A_2572, %broadcast_in_dim3A_313], %gather3A_2598 : memref<512x16xf32, #tpu.memory_space<vmem>>[vector<16xi32>, vector<16xi32>], vector<16xf32>,
    %add3A_2599 = arith.constant 10 : i32
    %add3A_2600 = vector.broadcast %add3A_2599 : i32 to vector<16xi32>
    %add3A_2601 = arith.addi %mul3A_2577, %add3A_2600 : vector<16xi32>
    %gather3A_2602 = tpu.vector_load_idx %arg12[%add3A_2601] : memref<2618xf32, #tpu.memory_space<vmem>>[vector<16xi32>], vector<16xf32>,
    tpu.vector_store_idx %arg11[%add3A_2572, %broadcast_in_dim3A_315], %gather3A_2602 : memref<512x16xf32, #tpu.memory_space<vmem>>[vector<16xi32>, vector<16xi32>], vector<16xf32>,
    %add3A_2603 = arith.constant 11 : i32
    %add3A_2604 = vector.broadcast %add3A_2603 : i32 to vector<16xi32>
    %add3A_2605 = arith.addi %mul3A_2577, %add3A_2604 : vector<16xi32>
    %gather3A_2606 = tpu.vector_load_idx %arg12[%add3A_2605] : memref<2618xf32, #tpu.memory_space<vmem>>[vector<16xi32>], vector<16xf32>,
    tpu.vector_store_idx %arg11[%add3A_2572, %broadcast_in_dim3A_317], %gather3A_2606 : memref<512x16xf32, #tpu.memory_space<vmem>>[vector<16xi32>, vector<16xi32>], vector<16xf32>,
    %add3A_2607 = arith.constant 618 : i32
    %add3A_2608 = vector.broadcast %add3A_2607 : i32 to vector<16xi32>
    %add3A_2609 = arith.addi %mul3A_2582, %add3A_2608 : vector<16xi32>
    %gather3A_2610 = tpu.vector_load_idx %arg12[%add3A_2609] : memref<2618xf32, #tpu.memory_space<vmem>>[vector<16xi32>], vector<16xf32>,
    tpu.vector_store_idx %arg11[%add3A_2572, %broadcast_in_dim3A_319], %gather3A_2610 : memref<512x16xf32, #tpu.memory_space<vmem>>[vector<16xi32>, vector<16xi32>], vector<16xf32>,
    %add3A_2611 = arith.constant 619 : i32
    %add3A_2612 = vector.broadcast %add3A_2611 : i32 to vector<16xi32>
    %add3A_2613 = arith.addi %mul3A_2582, %add3A_2612 : vector<16xi32>
    %gather3A_2614 = tpu.vector_load_idx %arg12[%add3A_2613] : memref<2618xf32, #tpu.memory_space<vmem>>[vector<16xi32>], vector<16xf32>,
    tpu.vector_store_idx %arg11[%add3A_2572, %broadcast_in_dim3A_321], %gather3A_2614 : memref<512x16xf32, #tpu.memory_space<vmem>>[vector<16xi32>, vector<16xi32>], vector<16xf32>,
    %add3A_2615 = arith.constant 620 : i32
    %add3A_2616 = vector.broadcast %add3A_2615 : i32 to vector<16xi32>
    %add3A_2617 = arith.addi %mul3A_2582, %add3A_2616 : vector<16xi32>
    %gather3A_2618 = tpu.vector_load_idx %arg12[%add3A_2617] : memref<2618xf32, #tpu.memory_space<vmem>>[vector<16xi32>], vector<16xf32>,
    tpu.vector_store_idx %arg11[%add3A_2572, %broadcast_in_dim3A_323], %gather3A_2618 : memref<512x16xf32, #tpu.memory_space<vmem>>[vector<16xi32>, vector<16xi32>], vector<16xf32>,
    %add3A_2619 = arith.constant 621 : i32
    %add3A_2620 = vector.broadcast %add3A_2619 : i32 to vector<16xi32>
    %add3A_2621 = arith.addi %mul3A_2582, %add3A_2620 : vector<16xi32>
    %gather3A_2622 = tpu.vector_load_idx %arg12[%add3A_2621] : memref<2618xf32, #tpu.memory_space<vmem>>[vector<16xi32>], vector<16xf32>,
    tpu.vector_store_idx %arg11[%add3A_2572, %broadcast_in_dim3A_325], %gather3A_2622 : memref<512x16xf32, #tpu.memory_space<vmem>>[vector<16xi32>, vector<16xi32>], vector<16xf32>,
    %add3A_2623 = arith.constant 622 : i32
    %add3A_2624 = vector.broadcast %add3A_2623 : i32 to vector<16xi32>
    %add3A_2625 = arith.addi %mul3A_2582, %add3A_2624 : vector<16xi32>
    %gather3A_2626 = tpu.vector_load_idx %arg12[%add3A_2625] : memref<2618xf32, #tpu.memory_space<vmem>>[vector<16xi32>], vector<16xf32>,
    tpu.vector_store_idx %arg11[%add3A_2572, %broadcast_in_dim3A_327], %gather3A_2626 : memref<512x16xf32, #tpu.memory_space<vmem>>[vector<16xi32>, vector<16xi32>], vector<16xf32>,
    %add3A_2627 = arith.constant 623 : i32
    %add3A_2628 = vector.broadcast %add3A_2627 : i32 to vector<16xi32>
    %add3A_2629 = arith.addi %mul3A_2582, %add3A_2628 : vector<16xi32>
    %gather3A_2630 = tpu.vector_load_idx %arg12[%add3A_2629] : memref<2618xf32, #tpu.memory_space<vmem>>[vector<16xi32>], vector<16xf32>,
    tpu.vector_store_idx %arg11[%add3A_2572, %broadcast_in_dim3A_329], %gather3A_2630 : memref<512x16xf32, #tpu.memory_space<vmem>>[vector<16xi32>, vector<16xi32>], vector<16xf32>,
    %add3A_2631 = arith.constant 624 : i32
    %add3A_2632 = vector.broadcast %add3A_2631 : i32 to vector<16xi32>
    %add3A_2633 = arith.addi %mul3A_2582, %add3A_2632 : vector<16xi32>
    %gather3A_2634 = tpu.vector_load_idx %arg12[%add3A_2633] : memref<2618xf32, #tpu.memory_space<vmem>>[vector<16xi32>], vector<16xf32>,
    tpu.vector_store_idx %arg11[%add3A_2572, %broadcast_in_dim3A_331], %gather3A_2634 : memref<512x16xf32, #tpu.memory_space<vmem>>[vector<16xi32>, vector<16xi32>], vector<16xf32>,
    %add3A_2635 = arith.constant 625 : i32
    %add3A_2636 = vector.broadcast %add3A_2635 : i32 to vector<16xi32>
    %add3A_2637 = arith.addi %mul3A_2582, %add3A_2636 : vector<16xi32>
    %gather3A_2638 = tpu.vector_load_idx %arg12[%add3A_2637] : memref<2618xf32, #tpu.memory_space<vmem>>[vector<16xi32>], vector<16xf32>,
    tpu.vector_store_idx %arg11[%add3A_2572, %broadcast_in_dim3A_333], %gather3A_2638 : memref<512x16xf32, #tpu.memory_space<vmem>>[vector<16xi32>, vector<16xi32>], vector<16xf32>,
    %add3A_2639 = arith.constant 626 : i32
    %add3A_2640 = vector.broadcast %add3A_2639 : i32 to vector<16xi32>
    %add3A_2641 = arith.addi %mul3A_2582, %add3A_2640 : vector<16xi32>
    %gather3A_2642 = tpu.vector_load_idx %arg12[%add3A_2641] : memref<2618xf32, #tpu.memory_space<vmem>>[vector<16xi32>], vector<16xf32>,
    tpu.vector_store_idx %arg11[%add3A_2572, %broadcast_in_dim3A_335], %gather3A_2642 : memref<512x16xf32, #tpu.memory_space<vmem>>[vector<16xi32>, vector<16xi32>], vector<16xf32>,
    %add3A_2643 = arith.constant 627 : i32
    %add3A_2644 = vector.broadcast %add3A_2643 : i32 to vector<16xi32>
    %add3A_2645 = arith.addi %mul3A_2582, %add3A_2644 : vector<16xi32>
    %gather3A_2646 = tpu.vector_load_idx %arg12[%add3A_2645] : memref<2618xf32, #tpu.memory_space<vmem>>[vector<16xi32>], vector<16xf32>,
    tpu.vector_store_idx %arg11[%add3A_2572, %broadcast_in_dim3A_337], %gather3A_2646 : memref<512x16xf32, #tpu.memory_space<vmem>>[vector<16xi32>, vector<16xi32>], vector<16xf32>,
    %add3A_2647 = arith.constant 480 : i32
    %add3A_2648 = vector.broadcast %add3A_2647 : i32 to vector<16xi32>
    %add3A_2649 = arith.addi %iota3A, %add3A_2648 : vector<16xi32>
    %get3A_2650 = arith.constant 992 : index
    %get3A_2651 = tpu.vector_load %arg9[%get3A_2650] {strides = array<i32>} : memref<1536xi32, #tpu.memory_space<vmem>>, vector<16xi32>,
    %mul3A_2652 = arith.constant 6 : i32
    %mul3A_2653 = vector.broadcast %mul3A_2652 : i32 to vector<16xi32>
    %mul3A_2654 = arith.muli %get3A_2651, %mul3A_2653 : vector<16xi32>
    %get3A_2655 = arith.constant 1504 : index
    %get3A_2656 = tpu.vector_load %arg9[%get3A_2655] {strides = array<i32>} : memref<1536xi32, #tpu.memory_space<vmem>>, vector<16xi32>,
    %mul3A_2657 = arith.constant 10 : i32
    %mul3A_2658 = vector.broadcast %mul3A_2657 : i32 to vector<16xi32>
    %mul3A_2659 = arith.muli %get3A_2656, %mul3A_2658 : vector<16xi32>
    %add3A_2660 = arith.constant 6 : i32
    %add3A_2661 = vector.broadcast %add3A_2660 : i32 to vector<16xi32>
    %add3A_2662 = arith.addi %mul3A_2654, %add3A_2661 : vector<16xi32>
    %gather3A_2663 = tpu.vector_load_idx %arg12[%add3A_2662] : memref<2618xf32, #tpu.memory_space<vmem>>[vector<16xi32>], vector<16xf32>,
    tpu.vector_store_idx %arg11[%add3A_2649, %broadcast_in_dim3A_307], %gather3A_2663 : memref<512x16xf32, #tpu.memory_space<vmem>>[vector<16xi32>, vector<16xi32>], vector<16xf32>,
    %add3A_2664 = arith.constant 7 : i32
    %add3A_2665 = vector.broadcast %add3A_2664 : i32 to vector<16xi32>
    %add3A_2666 = arith.addi %mul3A_2654, %add3A_2665 : vector<16xi32>
    %gather3A_2667 = tpu.vector_load_idx %arg12[%add3A_2666] : memref<2618xf32, #tpu.memory_space<vmem>>[vector<16xi32>], vector<16xf32>,
    tpu.vector_store_idx %arg11[%add3A_2649, %broadcast_in_dim3A_309], %gather3A_2667 : memref<512x16xf32, #tpu.memory_space<vmem>>[vector<16xi32>, vector<16xi32>], vector<16xf32>,
    %add3A_2668 = arith.constant 8 : i32
    %add3A_2669 = vector.broadcast %add3A_2668 : i32 to vector<16xi32>
    %add3A_2670 = arith.addi %mul3A_2654, %add3A_2669 : vector<16xi32>
    %gather3A_2671 = tpu.vector_load_idx %arg12[%add3A_2670] : memref<2618xf32, #tpu.memory_space<vmem>>[vector<16xi32>], vector<16xf32>,
    tpu.vector_store_idx %arg11[%add3A_2649, %broadcast_in_dim3A_311], %gather3A_2671 : memref<512x16xf32, #tpu.memory_space<vmem>>[vector<16xi32>, vector<16xi32>], vector<16xf32>,
    %add3A_2672 = arith.constant 9 : i32
    %add3A_2673 = vector.broadcast %add3A_2672 : i32 to vector<16xi32>
    %add3A_2674 = arith.addi %mul3A_2654, %add3A_2673 : vector<16xi32>
    %gather3A_2675 = tpu.vector_load_idx %arg12[%add3A_2674] : memref<2618xf32, #tpu.memory_space<vmem>>[vector<16xi32>], vector<16xf32>,
    tpu.vector_store_idx %arg11[%add3A_2649, %broadcast_in_dim3A_313], %gather3A_2675 : memref<512x16xf32, #tpu.memory_space<vmem>>[vector<16xi32>, vector<16xi32>], vector<16xf32>,
    %add3A_2676 = arith.constant 10 : i32
    %add3A_2677 = vector.broadcast %add3A_2676 : i32 to vector<16xi32>
    %add3A_2678 = arith.addi %mul3A_2654, %add3A_2677 : vector<16xi32>
    %gather3A_2679 = tpu.vector_load_idx %arg12[%add3A_2678] : memref<2618xf32, #tpu.memory_space<vmem>>[vector<16xi32>], vector<16xf32>,
    tpu.vector_store_idx %arg11[%add3A_2649, %broadcast_in_dim3A_315], %gather3A_2679 : memref<512x16xf32, #tpu.memory_space<vmem>>[vector<16xi32>, vector<16xi32>], vector<16xf32>,
    %add3A_2680 = arith.constant 11 : i32
    %add3A_2681 = vector.broadcast %add3A_2680 : i32 to vector<16xi32>
    %add3A_2682 = arith.addi %mul3A_2654, %add3A_2681 : vector<16xi32>
    %gather3A_2683 = tpu.vector_load_idx %arg12[%add3A_2682] : memref<2618xf32, #tpu.memory_space<vmem>>[vector<16xi32>], vector<16xf32>,
    tpu.vector_store_idx %arg11[%add3A_2649, %broadcast_in_dim3A_317], %gather3A_2683 : memref<512x16xf32, #tpu.memory_space<vmem>>[vector<16xi32>, vector<16xi32>], vector<16xf32>,
    %add3A_2684 = arith.constant 618 : i32
    %add3A_2685 = vector.broadcast %add3A_2684 : i32 to vector<16xi32>
    %add3A_2686 = arith.addi %mul3A_2659, %add3A_2685 : vector<16xi32>
    %gather3A_2687 = tpu.vector_load_idx %arg12[%add3A_2686] : memref<2618xf32, #tpu.memory_space<vmem>>[vector<16xi32>], vector<16xf32>,
    tpu.vector_store_idx %arg11[%add3A_2649, %broadcast_in_dim3A_319], %gather3A_2687 : memref<512x16xf32, #tpu.memory_space<vmem>>[vector<16xi32>, vector<16xi32>], vector<16xf32>,
    %add3A_2688 = arith.constant 619 : i32
    %add3A_2689 = vector.broadcast %add3A_2688 : i32 to vector<16xi32>
    %add3A_2690 = arith.addi %mul3A_2659, %add3A_2689 : vector<16xi32>
    %gather3A_2691 = tpu.vector_load_idx %arg12[%add3A_2690] : memref<2618xf32, #tpu.memory_space<vmem>>[vector<16xi32>], vector<16xf32>,
    tpu.vector_store_idx %arg11[%add3A_2649, %broadcast_in_dim3A_321], %gather3A_2691 : memref<512x16xf32, #tpu.memory_space<vmem>>[vector<16xi32>, vector<16xi32>], vector<16xf32>,
    %add3A_2692 = arith.constant 620 : i32
    %add3A_2693 = vector.broadcast %add3A_2692 : i32 to vector<16xi32>
    %add3A_2694 = arith.addi %mul3A_2659, %add3A_2693 : vector<16xi32>
    %gather3A_2695 = tpu.vector_load_idx %arg12[%add3A_2694] : memref<2618xf32, #tpu.memory_space<vmem>>[vector<16xi32>], vector<16xf32>,
    tpu.vector_store_idx %arg11[%add3A_2649, %broadcast_in_dim3A_323], %gather3A_2695 : memref<512x16xf32, #tpu.memory_space<vmem>>[vector<16xi32>, vector<16xi32>], vector<16xf32>,
    %add3A_2696 = arith.constant 621 : i32
    %add3A_2697 = vector.broadcast %add3A_2696 : i32 to vector<16xi32>
    %add3A_2698 = arith.addi %mul3A_2659, %add3A_2697 : vector<16xi32>
    %gather3A_2699 = tpu.vector_load_idx %arg12[%add3A_2698] : memref<2618xf32, #tpu.memory_space<vmem>>[vector<16xi32>], vector<16xf32>,
    tpu.vector_store_idx %arg11[%add3A_2649, %broadcast_in_dim3A_325], %gather3A_2699 : memref<512x16xf32, #tpu.memory_space<vmem>>[vector<16xi32>, vector<16xi32>], vector<16xf32>,
    %add3A_2700 = arith.constant 622 : i32
    %add3A_2701 = vector.broadcast %add3A_2700 : i32 to vector<16xi32>
    %add3A_2702 = arith.addi %mul3A_2659, %add3A_2701 : vector<16xi32>
    %gather3A_2703 = tpu.vector_load_idx %arg12[%add3A_2702] : memref<2618xf32, #tpu.memory_space<vmem>>[vector<16xi32>], vector<16xf32>,
    tpu.vector_store_idx %arg11[%add3A_2649, %broadcast_in_dim3A_327], %gather3A_2703 : memref<512x16xf32, #tpu.memory_space<vmem>>[vector<16xi32>, vector<16xi32>], vector<16xf32>,
    %add3A_2704 = arith.constant 623 : i32
    %add3A_2705 = vector.broadcast %add3A_2704 : i32 to vector<16xi32>
    %add3A_2706 = arith.addi %mul3A_2659, %add3A_2705 : vector<16xi32>
    %gather3A_2707 = tpu.vector_load_idx %arg12[%add3A_2706] : memref<2618xf32, #tpu.memory_space<vmem>>[vector<16xi32>], vector<16xf32>,
    tpu.vector_store_idx %arg11[%add3A_2649, %broadcast_in_dim3A_329], %gather3A_2707 : memref<512x16xf32, #tpu.memory_space<vmem>>[vector<16xi32>, vector<16xi32>], vector<16xf32>,
    %add3A_2708 = arith.constant 624 : i32
    %add3A_2709 = vector.broadcast %add3A_2708 : i32 to vector<16xi32>
    %add3A_2710 = arith.addi %mul3A_2659, %add3A_2709 : vector<16xi32>
    %gather3A_2711 = tpu.vector_load_idx %arg12[%add3A_2710] : memref<2618xf32, #tpu.memory_space<vmem>>[vector<16xi32>], vector<16xf32>,
    tpu.vector_store_idx %arg11[%add3A_2649, %broadcast_in_dim3A_331], %gather3A_2711 : memref<512x16xf32, #tpu.memory_space<vmem>>[vector<16xi32>, vector<16xi32>], vector<16xf32>,
    %add3A_2712 = arith.constant 625 : i32
    %add3A_2713 = vector.broadcast %add3A_2712 : i32 to vector<16xi32>
    %add3A_2714 = arith.addi %mul3A_2659, %add3A_2713 : vector<16xi32>
    %gather3A_2715 = tpu.vector_load_idx %arg12[%add3A_2714] : memref<2618xf32, #tpu.memory_space<vmem>>[vector<16xi32>], vector<16xf32>,
    tpu.vector_store_idx %arg11[%add3A_2649, %broadcast_in_dim3A_333], %gather3A_2715 : memref<512x16xf32, #tpu.memory_space<vmem>>[vector<16xi32>, vector<16xi32>], vector<16xf32>,
    %add3A_2716 = arith.constant 626 : i32
    %add3A_2717 = vector.broadcast %add3A_2716 : i32 to vector<16xi32>
    %add3A_2718 = arith.addi %mul3A_2659, %add3A_2717 : vector<16xi32>
    %gather3A_2719 = tpu.vector_load_idx %arg12[%add3A_2718] : memref<2618xf32, #tpu.memory_space<vmem>>[vector<16xi32>], vector<16xf32>,
    tpu.vector_store_idx %arg11[%add3A_2649, %broadcast_in_dim3A_335], %gather3A_2719 : memref<512x16xf32, #tpu.memory_space<vmem>>[vector<16xi32>, vector<16xi32>], vector<16xf32>,
    %add3A_2720 = arith.constant 627 : i32
    %add3A_2721 = vector.broadcast %add3A_2720 : i32 to vector<16xi32>
    %add3A_2722 = arith.addi %mul3A_2659, %add3A_2721 : vector<16xi32>
    %gather3A_2723 = tpu.vector_load_idx %arg12[%add3A_2722] : memref<2618xf32, #tpu.memory_space<vmem>>[vector<16xi32>], vector<16xf32>,
    tpu.vector_store_idx %arg11[%add3A_2649, %broadcast_in_dim3A_337], %gather3A_2723 : memref<512x16xf32, #tpu.memory_space<vmem>>[vector<16xi32>, vector<16xi32>], vector<16xf32>,
    %add3A_2724 = arith.constant 496 : i32
    %add3A_2725 = vector.broadcast %add3A_2724 : i32 to vector<16xi32>
    %add3A_2726 = arith.addi %iota3A, %add3A_2725 : vector<16xi32>
    %get3A_2727 = arith.constant 1008 : index
    %get3A_2728 = tpu.vector_load %arg9[%get3A_2727] {strides = array<i32>} : memref<1536xi32, #tpu.memory_space<vmem>>, vector<16xi32>,
    %mul3A_2729 = arith.constant 6 : i32
    %mul3A_2730 = vector.broadcast %mul3A_2729 : i32 to vector<16xi32>
    %mul3A_2731 = arith.muli %get3A_2728, %mul3A_2730 : vector<16xi32>
    %get3A_2732 = arith.constant 1520 : index
    %get3A_2733 = tpu.vector_load %arg9[%get3A_2732] {strides = array<i32>} : memref<1536xi32, #tpu.memory_space<vmem>>, vector<16xi32>,
    %mul3A_2734 = arith.constant 10 : i32
    %mul3A_2735 = vector.broadcast %mul3A_2734 : i32 to vector<16xi32>
    %mul3A_2736 = arith.muli %get3A_2733, %mul3A_2735 : vector<16xi32>
    %add3A_2737 = arith.constant 6 : i32
    %add3A_2738 = vector.broadcast %add3A_2737 : i32 to vector<16xi32>
    %add3A_2739 = arith.addi %mul3A_2731, %add3A_2738 : vector<16xi32>
    %gather3A_2740 = tpu.vector_load_idx %arg12[%add3A_2739] : memref<2618xf32, #tpu.memory_space<vmem>>[vector<16xi32>], vector<16xf32>,
    tpu.vector_store_idx %arg11[%add3A_2726, %broadcast_in_dim3A_307], %gather3A_2740 : memref<512x16xf32, #tpu.memory_space<vmem>>[vector<16xi32>, vector<16xi32>], vector<16xf32>,
    %add3A_2741 = arith.constant 7 : i32
    %add3A_2742 = vector.broadcast %add3A_2741 : i32 to vector<16xi32>
    %add3A_2743 = arith.addi %mul3A_2731, %add3A_2742 : vector<16xi32>
    %gather3A_2744 = tpu.vector_load_idx %arg12[%add3A_2743] : memref<2618xf32, #tpu.memory_space<vmem>>[vector<16xi32>], vector<16xf32>,
    tpu.vector_store_idx %arg11[%add3A_2726, %broadcast_in_dim3A_309], %gather3A_2744 : memref<512x16xf32, #tpu.memory_space<vmem>>[vector<16xi32>, vector<16xi32>], vector<16xf32>,
    %add3A_2745 = arith.constant 8 : i32
    %add3A_2746 = vector.broadcast %add3A_2745 : i32 to vector<16xi32>
    %add3A_2747 = arith.addi %mul3A_2731, %add3A_2746 : vector<16xi32>
    %gather3A_2748 = tpu.vector_load_idx %arg12[%add3A_2747] : memref<2618xf32, #tpu.memory_space<vmem>>[vector<16xi32>], vector<16xf32>,
    tpu.vector_store_idx %arg11[%add3A_2726, %broadcast_in_dim3A_311], %gather3A_2748 : memref<512x16xf32, #tpu.memory_space<vmem>>[vector<16xi32>, vector<16xi32>], vector<16xf32>,
    %add3A_2749 = arith.constant 9 : i32
    %add3A_2750 = vector.broadcast %add3A_2749 : i32 to vector<16xi32>
    %add3A_2751 = arith.addi %mul3A_2731, %add3A_2750 : vector<16xi32>
    %gather3A_2752 = tpu.vector_load_idx %arg12[%add3A_2751] : memref<2618xf32, #tpu.memory_space<vmem>>[vector<16xi32>], vector<16xf32>,
    tpu.vector_store_idx %arg11[%add3A_2726, %broadcast_in_dim3A_313], %gather3A_2752 : memref<512x16xf32, #tpu.memory_space<vmem>>[vector<16xi32>, vector<16xi32>], vector<16xf32>,
    %add3A_2753 = arith.constant 10 : i32
    %add3A_2754 = vector.broadcast %add3A_2753 : i32 to vector<16xi32>
    %add3A_2755 = arith.addi %mul3A_2731, %add3A_2754 : vector<16xi32>
    %gather3A_2756 = tpu.vector_load_idx %arg12[%add3A_2755] : memref<2618xf32, #tpu.memory_space<vmem>>[vector<16xi32>], vector<16xf32>,
    tpu.vector_store_idx %arg11[%add3A_2726, %broadcast_in_dim3A_315], %gather3A_2756 : memref<512x16xf32, #tpu.memory_space<vmem>>[vector<16xi32>, vector<16xi32>], vector<16xf32>,
    %add3A_2757 = arith.constant 11 : i32
    %add3A_2758 = vector.broadcast %add3A_2757 : i32 to vector<16xi32>
    %add3A_2759 = arith.addi %mul3A_2731, %add3A_2758 : vector<16xi32>
    %gather3A_2760 = tpu.vector_load_idx %arg12[%add3A_2759] : memref<2618xf32, #tpu.memory_space<vmem>>[vector<16xi32>], vector<16xf32>,
    tpu.vector_store_idx %arg11[%add3A_2726, %broadcast_in_dim3A_317], %gather3A_2760 : memref<512x16xf32, #tpu.memory_space<vmem>>[vector<16xi32>, vector<16xi32>], vector<16xf32>,
    %add3A_2761 = arith.constant 618 : i32
    %add3A_2762 = vector.broadcast %add3A_2761 : i32 to vector<16xi32>
    %add3A_2763 = arith.addi %mul3A_2736, %add3A_2762 : vector<16xi32>
    %gather3A_2764 = tpu.vector_load_idx %arg12[%add3A_2763] : memref<2618xf32, #tpu.memory_space<vmem>>[vector<16xi32>], vector<16xf32>,
    tpu.vector_store_idx %arg11[%add3A_2726, %broadcast_in_dim3A_319], %gather3A_2764 : memref<512x16xf32, #tpu.memory_space<vmem>>[vector<16xi32>, vector<16xi32>], vector<16xf32>,
    %add3A_2765 = arith.constant 619 : i32
    %add3A_2766 = vector.broadcast %add3A_2765 : i32 to vector<16xi32>
    %add3A_2767 = arith.addi %mul3A_2736, %add3A_2766 : vector<16xi32>
    %gather3A_2768 = tpu.vector_load_idx %arg12[%add3A_2767] : memref<2618xf32, #tpu.memory_space<vmem>>[vector<16xi32>], vector<16xf32>,
    tpu.vector_store_idx %arg11[%add3A_2726, %broadcast_in_dim3A_321], %gather3A_2768 : memref<512x16xf32, #tpu.memory_space<vmem>>[vector<16xi32>, vector<16xi32>], vector<16xf32>,
    %add3A_2769 = arith.constant 620 : i32
    %add3A_2770 = vector.broadcast %add3A_2769 : i32 to vector<16xi32>
    %add3A_2771 = arith.addi %mul3A_2736, %add3A_2770 : vector<16xi32>
    %gather3A_2772 = tpu.vector_load_idx %arg12[%add3A_2771] : memref<2618xf32, #tpu.memory_space<vmem>>[vector<16xi32>], vector<16xf32>,
    tpu.vector_store_idx %arg11[%add3A_2726, %broadcast_in_dim3A_323], %gather3A_2772 : memref<512x16xf32, #tpu.memory_space<vmem>>[vector<16xi32>, vector<16xi32>], vector<16xf32>,
    %add3A_2773 = arith.constant 621 : i32
    %add3A_2774 = vector.broadcast %add3A_2773 : i32 to vector<16xi32>
    %add3A_2775 = arith.addi %mul3A_2736, %add3A_2774 : vector<16xi32>
    %gather3A_2776 = tpu.vector_load_idx %arg12[%add3A_2775] : memref<2618xf32, #tpu.memory_space<vmem>>[vector<16xi32>], vector<16xf32>,
    tpu.vector_store_idx %arg11[%add3A_2726, %broadcast_in_dim3A_325], %gather3A_2776 : memref<512x16xf32, #tpu.memory_space<vmem>>[vector<16xi32>, vector<16xi32>], vector<16xf32>,
    %add3A_2777 = arith.constant 622 : i32
    %add3A_2778 = vector.broadcast %add3A_2777 : i32 to vector<16xi32>
    %add3A_2779 = arith.addi %mul3A_2736, %add3A_2778 : vector<16xi32>
    %gather3A_2780 = tpu.vector_load_idx %arg12[%add3A_2779] : memref<2618xf32, #tpu.memory_space<vmem>>[vector<16xi32>], vector<16xf32>,
    tpu.vector_store_idx %arg11[%add3A_2726, %broadcast_in_dim3A_327], %gather3A_2780 : memref<512x16xf32, #tpu.memory_space<vmem>>[vector<16xi32>, vector<16xi32>], vector<16xf32>,
    %add3A_2781 = arith.constant 623 : i32
    %add3A_2782 = vector.broadcast %add3A_2781 : i32 to vector<16xi32>
    %add3A_2783 = arith.addi %mul3A_2736, %add3A_2782 : vector<16xi32>
    %gather3A_2784 = tpu.vector_load_idx %arg12[%add3A_2783] : memref<2618xf32, #tpu.memory_space<vmem>>[vector<16xi32>], vector<16xf32>,
    tpu.vector_store_idx %arg11[%add3A_2726, %broadcast_in_dim3A_329], %gather3A_2784 : memref<512x16xf32, #tpu.memory_space<vmem>>[vector<16xi32>, vector<16xi32>], vector<16xf32>,
    %add3A_2785 = arith.constant 624 : i32
    %add3A_2786 = vector.broadcast %add3A_2785 : i32 to vector<16xi32>
    %add3A_2787 = arith.addi %mul3A_2736, %add3A_2786 : vector<16xi32>
    %gather3A_2788 = tpu.vector_load_idx %arg12[%add3A_2787] : memref<2618xf32, #tpu.memory_space<vmem>>[vector<16xi32>], vector<16xf32>,
    tpu.vector_store_idx %arg11[%add3A_2726, %broadcast_in_dim3A_331], %gather3A_2788 : memref<512x16xf32, #tpu.memory_space<vmem>>[vector<16xi32>, vector<16xi32>], vector<16xf32>,
    %add3A_2789 = arith.constant 625 : i32
    %add3A_2790 = vector.broadcast %add3A_2789 : i32 to vector<16xi32>
    %add3A_2791 = arith.addi %mul3A_2736, %add3A_2790 : vector<16xi32>
    %gather3A_2792 = tpu.vector_load_idx %arg12[%add3A_2791] : memref<2618xf32, #tpu.memory_space<vmem>>[vector<16xi32>], vector<16xf32>,
    tpu.vector_store_idx %arg11[%add3A_2726, %broadcast_in_dim3A_333], %gather3A_2792 : memref<512x16xf32, #tpu.memory_space<vmem>>[vector<16xi32>, vector<16xi32>], vector<16xf32>,
    %add3A_2793 = arith.constant 626 : i32
    %add3A_2794 = vector.broadcast %add3A_2793 : i32 to vector<16xi32>
    %add3A_2795 = arith.addi %mul3A_2736, %add3A_2794 : vector<16xi32>
    %gather3A_2796 = tpu.vector_load_idx %arg12[%add3A_2795] : memref<2618xf32, #tpu.memory_space<vmem>>[vector<16xi32>], vector<16xf32>,
    tpu.vector_store_idx %arg11[%add3A_2726, %broadcast_in_dim3A_335], %gather3A_2796 : memref<512x16xf32, #tpu.memory_space<vmem>>[vector<16xi32>, vector<16xi32>], vector<16xf32>,
    %add3A_2797 = arith.constant 627 : i32
    %add3A_2798 = vector.broadcast %add3A_2797 : i32 to vector<16xi32>
    %add3A_2799 = arith.addi %mul3A_2736, %add3A_2798 : vector<16xi32>
    %gather3A_2800 = tpu.vector_load_idx %arg12[%add3A_2799] : memref<2618xf32, #tpu.memory_space<vmem>>[vector<16xi32>], vector<16xf32>,
    tpu.vector_store_idx %arg11[%add3A_2726, %broadcast_in_dim3A_337], %gather3A_2800 : memref<512x16xf32, #tpu.memory_space<vmem>>[vector<16xi32>, vector<16xi32>], vector<16xf32>,
    %mul3A_2801 = arith.constant 512 : i32
    %mul3A_2802 = arith.muli %add3A, %mul3A_2801 : i32
    %dma_start3A_2803 = arith.constant 32 : i32
    %dma_start3A_2804 = tpu.memref_slice %arg8[%mul3A_2802, %dma_start3A_2803] : memref<16384x128xf32, #tpu.memory_space<hbm>> -> memref<512x16xf32, #tpu.memory_space<hbm>>
    %dma_start3A_2805 = arith.constant 32 : i32
    %dma_start3A_2806 = tpu.memref_slice %arg8[%mul3A_2802, %dma_start3A_2805] : memref<16384x128xf32, #tpu.memory_space<hbm>> -> memref<512x16xf32, #tpu.memory_space<hbm>>
    tpu.enqueue_dma source(%arg11 : memref<512x16xf32, #tpu.memory_space<vmem>>) target(%dma_start3A_2806 : memref<512x16xf32, #tpu.memory_space<hbm>>) target_semaphore(%arg15 : memref<!tpu.dma_semaphore, #tpu.memory_space<semaphore_mem>>)
    %dma_wait3A_2807 = arith.constant 0 : i32
    %dma_wait3A_2808 = arith.constant 0 : i32
    %dma_wait3A_2809 = tpu.memref_slice %arg10[%dma_wait3A_2807, %dma_wait3A_2808] : memref<512x32xf32, #tpu.memory_space<vmem>> -> memref<128x32xf32, #tpu.memory_space<vmem>>
    %dma_wait3A_2810 = arith.constant 0 : i32
    %dma_wait3A_2811 = tpu.memref_slice %arg9[%dma_wait3A_2810] : memref<1536xi32, #tpu.memory_space<vmem>> -> memref<128xi32, #tpu.memory_space<vmem>>
    %dma_wait3A_2812 = arith.constant 0 : i32
    %dma_wait3A_2813 = arith.constant 0 : i32
    %dma_wait3A_2814 = tpu.memref_slice %arg5[%dma_wait3A_2812, %dma_wait3A_2813] : memref<1001x32xf32, #tpu.memory_space<hbm>> -> memref<1001x32xf32, #tpu.memory_space<hbm>>
    tpu.wait_indirect_dma semaphore(%arg14 : memref<!tpu.dma_semaphore, #tpu.memory_space<semaphore_mem>>) src(%dma_wait3A_2814 : memref<1001x32xf32, #tpu.memory_space<hbm>>) dst(%dma_wait3A_2809 : memref<128x32xf32, #tpu.memory_space<vmem>>)
    %dma_wait3A_2815 = arith.constant 128 : i32
    %dma_wait3A_2816 = arith.constant 0 : i32
    %dma_wait3A_2817 = tpu.memref_slice %arg10[%dma_wait3A_2815, %dma_wait3A_2816] : memref<512x32xf32, #tpu.memory_space<vmem>> -> memref<128x32xf32, #tpu.memory_space<vmem>>
    %dma_wait3A_2818 = arith.constant 128 : i32
    %dma_wait3A_2819 = tpu.memref_slice %arg9[%dma_wait3A_2818] : memref<1536xi32, #tpu.memory_space<vmem>> -> memref<128xi32, #tpu.memory_space<vmem>>
    %dma_wait3A_2820 = arith.constant 0 : i32
    %dma_wait3A_2821 = arith.constant 0 : i32
    %dma_wait3A_2822 = tpu.memref_slice %arg5[%dma_wait3A_2820, %dma_wait3A_2821] : memref<1001x32xf32, #tpu.memory_space<hbm>> -> memref<1001x32xf32, #tpu.memory_space<hbm>>
    tpu.wait_indirect_dma semaphore(%arg14 : memref<!tpu.dma_semaphore, #tpu.memory_space<semaphore_mem>>) src(%dma_wait3A_2822 : memref<1001x32xf32, #tpu.memory_space<hbm>>) dst(%dma_wait3A_2817 : memref<128x32xf32, #tpu.memory_space<vmem>>)
    %dma_wait3A_2823 = arith.constant 256 : i32
    %dma_wait3A_2824 = arith.constant 0 : i32
    %dma_wait3A_2825 = tpu.memref_slice %arg10[%dma_wait3A_2823, %dma_wait3A_2824] : memref<512x32xf32, #tpu.memory_space<vmem>> -> memref<128x32xf32, #tpu.memory_space<vmem>>
    %dma_wait3A_2826 = arith.constant 256 : i32
    %dma_wait3A_2827 = tpu.memref_slice %arg9[%dma_wait3A_2826] : memref<1536xi32, #tpu.memory_space<vmem>> -> memref<128xi32, #tpu.memory_space<vmem>>
    %dma_wait3A_2828 = arith.constant 0 : i32
    %dma_wait3A_2829 = arith.constant 0 : i32
    %dma_wait3A_2830 = tpu.memref_slice %arg5[%dma_wait3A_2828, %dma_wait3A_2829] : memref<1001x32xf32, #tpu.memory_space<hbm>> -> memref<1001x32xf32, #tpu.memory_space<hbm>>
    tpu.wait_indirect_dma semaphore(%arg14 : memref<!tpu.dma_semaphore, #tpu.memory_space<semaphore_mem>>) src(%dma_wait3A_2830 : memref<1001x32xf32, #tpu.memory_space<hbm>>) dst(%dma_wait3A_2825 : memref<128x32xf32, #tpu.memory_space<vmem>>)
    %dma_wait3A_2831 = arith.constant 384 : i32
    %dma_wait3A_2832 = arith.constant 0 : i32
    %dma_wait3A_2833 = tpu.memref_slice %arg10[%dma_wait3A_2831, %dma_wait3A_2832] : memref<512x32xf32, #tpu.memory_space<vmem>> -> memref<128x32xf32, #tpu.memory_space<vmem>>
    %dma_wait3A_2834 = arith.constant 384 : i32
    %dma_wait3A_2835 = tpu.memref_slice %arg9[%dma_wait3A_2834] : memref<1536xi32, #tpu.memory_space<vmem>> -> memref<128xi32, #tpu.memory_space<vmem>>
    %dma_wait3A_2836 = arith.constant 0 : i32
    %dma_wait3A_2837 = arith.constant 0 : i32
    %dma_wait3A_2838 = tpu.memref_slice %arg5[%dma_wait3A_2836, %dma_wait3A_2837] : memref<1001x32xf32, #tpu.memory_space<hbm>> -> memref<1001x32xf32, #tpu.memory_space<hbm>>
    tpu.wait_indirect_dma semaphore(%arg14 : memref<!tpu.dma_semaphore, #tpu.memory_space<semaphore_mem>>) src(%dma_wait3A_2838 : memref<1001x32xf32, #tpu.memory_space<hbm>>) dst(%dma_wait3A_2833 : memref<128x32xf32, #tpu.memory_space<vmem>>)
    %dma_start3A_2839 = arith.constant 0 : i32
    %dma_start3A_2840 = tpu.memref_slice %arg8[%mul3A_2802, %dma_start3A_2839] : memref<16384x128xf32, #tpu.memory_space<hbm>> -> memref<512x32xf32, #tpu.memory_space<hbm>>
    %dma_start3A_2841 = arith.constant 0 : i32
    %dma_start3A_2842 = tpu.memref_slice %arg8[%mul3A_2802, %dma_start3A_2841] : memref<16384x128xf32, #tpu.memory_space<hbm>> -> memref<512x32xf32, #tpu.memory_space<hbm>>
    tpu.enqueue_dma source(%arg10 : memref<512x32xf32, #tpu.memory_space<vmem>>) target(%dma_start3A_2842 : memref<512x32xf32, #tpu.memory_space<hbm>>) target_semaphore(%arg15 : memref<!tpu.dma_semaphore, #tpu.memory_space<semaphore_mem>>)
    %dma_wait3A_2843 = arith.constant 32 : i32
    %dma_wait3A_2844 = tpu.memref_slice %arg8[%mul3A_2802, %dma_wait3A_2843] : memref<16384x128xf32, #tpu.memory_space<hbm>> -> memref<512x16xf32, #tpu.memory_space<hbm>>
    %dma_wait3A_2845 = arith.constant 32 : i32
    %dma_wait3A_2846 = tpu.memref_slice %arg8[%mul3A_2802, %dma_wait3A_2845] : memref<16384x128xf32, #tpu.memory_space<hbm>> -> memref<512x16xf32, #tpu.memory_space<hbm>>
    tpu.wait_dma2 semaphore(%arg15 : memref<!tpu.dma_semaphore, #tpu.memory_space<semaphore_mem>>) src(%arg11 : memref<512x16xf32, #tpu.memory_space<vmem>>) dst(%dma_wait3A_2846 : memref<512x16xf32, #tpu.memory_space<hbm>>)
    %dma_wait3A_2847 = arith.constant 0 : i32
    %dma_wait3A_2848 = tpu.memref_slice %arg8[%mul3A_2802, %dma_wait3A_2847] : memref<16384x128xf32, #tpu.memory_space<hbm>> -> memref<512x32xf32, #tpu.memory_space<hbm>>
    %dma_wait3A_2849 = arith.constant 0 : i32
    %dma_wait3A_2850 = tpu.memref_slice %arg8[%mul3A_2802, %dma_wait3A_2849] : memref<16384x128xf32, #tpu.memory_space<hbm>> -> memref<512x32xf32, #tpu.memory_space<hbm>>
    tpu.wait_dma2 semaphore(%arg15 : memref<!tpu.dma_semaphore, #tpu.memory_space<semaphore_mem>>) src(%arg10 : memref<512x32xf32, #tpu.memory_space<vmem>>) dst(%dma_wait3A_2850 : memref<512x32xf32, #tpu.memory_space<hbm>>)
    return
  }
}

</mosaic_0001>

<sc_bundles>
// kernel: kernel.3.cloned.1.call-start
scs
__scs_entry_jumppad:
0x0: {  	(pc) =	sbr.rel $0x88, $3  }
0x1: {  	(tag) =	ssettag $0x0;
	lr =	simm.s32 $0x1  }
0x2: {  	[smem:$0x3F9B] =	sst lr;
	_ =	strace $0xD0000000  }
0x3: {  	_ = 	snop  }
0x4: {  	_ = 	snop  }
0x5: {  	_ = 	snop  }
0x6: {  	_ = 	snop  }
0x7: {  	_ = 	snop  }
__scs_overlays_trampoline_lowered:
0x8: {  	[smem:$0x3FAA] =	sst s0  }
0x9: {  	[smem:$0x3FAB] =	sst s1  }
0xa: {  	[smem:$0x3FAC] =	sst s2  }
0xb: {  	[smem:$0x3FAD] =	sst s3  }
0xc: {  	[smem:$0x3FAE] =	sst s4  }
0xd: {  	[smem:$0x3FAF] =	sst s5  }
0xe: {  	[smem:$0x3FB0] =	sst s6  }
0xf: {  	[smem:$0x3FB1] =	sst s7  }
0x10: {  	[smem:$0x3FB2] =	sst s8  }
0x11: {  	[smem:$0x3FB3] =	sst s9;
	s0 =	simm.s32 @!p0 $0x0  }
0x12: {  	s1 =	sld [smem:$0x3F99];
	s0 =	simm.s32 @p0 $0x1  }
0x13: {  	[smem:$0x3FB4] =	sst s0;
	s0 =	simm.s32 @!p1 $0x0  }
0x14: {  	s2 =	sld [smem:$0x3F98];
	s0 =	simm.s32 @p1 $0x1  }
0x15: {  	[smem:$0x3FB5] =	sst s0;
	s0 =	simm.s32 @!p2 $0x0  }
0x16: {  	s3 =	sld [smem:$0x3FDB];
	s0 =	simm.s32 @p2 $0x1  }
0x17: {  	s4 =	simm.s32 $0x1BF5;
	[smem:$0x3FB7] =	sst s0  }
0x18: {  	s0 =	sld [smem:$0x3F9A];
	_ =	swait.ge [sflag:s4], $0x0  }
0x19: {  	s7 =	sld [smem:$0x3F9B]  }
0x1a: {  	s8 =	sadd.s32 $0xFFFFE003, lr  }
0x1b: {  	s9 =	sadd.s32 $0xFFFFFEF7, lr;
	s5 =	simm.s32 $0xFFFFFFFF;
	p2 =	slt.u32 s8, $0xFFFFF086  }
0x1c: {  	p1 =	slt.u32 s9, $0xF7A;
	s5 =	simm.s32 @!p2 $0x0  }
0x1d: {  	s5 =	simm.s32 @p1 $0x1;
	p0 =	seq.s32 s7, s2  }
0x1e: {  	s7 =	smul.u32 @!p0 $0xF7A, s2;
	p2 =	seq.s32 @!p0 s5, $0x0  }
0x1f: {  	s9 =	smul.u32 $0xF7A, s1;
	s8 =	simm.s32 @!p0 $0x1BF5;
	p2 =	por !p2, p0  }
0x20: {  	[sflag:s8] =	ssyncset.s32 @!p0 $0xFFFFF086;
	s6 =	sadd.s32 @!p0 s3, s7;
	s7 =	simm.s32 @!p0 $0x108  }
0x21: {  	s3 =	sadd.s32 s3, s9;
	s6 =	sadd.s32 @!p0 $0x88, s6;
	s7 =	simm.s32 @p2 $0x1082  }
0x22: {  	[simem:s7], [sflag:s8] =	dma.local @!p0 [hbm:s6], $0xF7A  }
0x23: {  	s9 =	sor.u32 $0xD0000000, s2;
	s6 =	simm.s32 $0x108;
	_ =	swait.ge @!p0 [sflag:s8], $0x0  }
0x24: {  	s3 =	sadd.s32 $0x88, s3;
	s6 =	simm.s32 @!p1 $0x1082;
	[sflag:s4] =	ssyncset.s32 $0xFFFFF086  }
0x25: {  	[simem:s6], [sflag:s4] =	dma.local [hbm:s3], $0xF7A  }
0x26: {  	[smem:$0x3F9B] =	sst s1;
	(tag) =	ssettag s2;
	_ =	strace s9  }
0x27: {  	s1 =	sld [smem:$0x3FAB]  }
0x28: {  	s2 =	sld [smem:$0x3FAC]  }
0x29: {  	s4 =	sld [smem:$0x3FAE]  }
0x2a: {  	p0 =	seq.s32 s5, $0x0;
	s5 =	sld [smem:$0x3FAF]  }
0x2b: {  	s6 =	sld [smem:$0x3FB0]  }
0x2c: {  	s7 =	sld [smem:$0x3FB1]  }
0x2d: {  	s3 =	simm.s32 $0x108;
	s8 =	sld [smem:$0x3FB2]  }
0x2e: {  	s3 =	simm.s32 @!p0 $0x1082;
	s9 =	sld [smem:$0x3FB3]  }
0x2f: {  	lr =	sadd.s32 s0, s3;
	s0 =	sld [smem:$0x3FAA]  }
0x30: {  	s3 =	sld [smem:$0x3FAD]  }
0x31: {  	[smem:$0x3FB6] =	sst s10  }
0x32: {  	s10 =	sld [smem:$0x3FB4];
	_ =	sdelay $0x3  }
0x33: {  	p0 =	seq.s32 s10, $0x1;
	s10 =	sld [smem:$0x3FB6];
	_ =	sdelay $0x3  }
0x34: {  	[smem:$0x3FB6] =	sst s10  }
0x35: {  	s10 =	sld [smem:$0x3FB5];
	_ =	sdelay $0x3  }
0x36: {  	p1 =	seq.s32 s10, $0x1;
	s10 =	sld [smem:$0x3FB6];
	_ =	sdelay $0x3  }
0x37: {  	[smem:$0x3FB6] =	sst s10  }
0x38: {  	s10 =	sld [smem:$0x3FB7]  }
0x39: {  	_ = 	snop;
	(pc) =	sbr.ind lr, $3  }
0x3a: {  	_ = 	snop  }
0x3b: {  	_ = 	snop  }
0x3c: {  	p2 =	seq.s32 s10, $0x1;
	s10 =	sld [smem:$0x3FB6]  }
0x3d: {  	_ =	shalt  }
0x3e: {  	_ =	shalt  }
0x3f: {  	_ =	shalt  }
0x40: {  	_ =	shalt  }
0x41: {  	_ =	shalt  }
0x42: {  	_ =	shalt  }
0x43: {  	_ =	shalt  }
0x44: {  	_ =	shalt  }
0x45: {  	_ =	shalt  }
0x46: {  	_ =	shalt  }
0x47: {  	_ =	shalt  }
0x48: {  	_ =	shalt  }
0x49: {  	_ =	shalt  }
0x4a: {  	_ =	shalt  }
0x4b: {  	_ =	shalt  }
0x4c: {  	_ =	shalt  }
0x4d: {  	_ =	shalt  }
0x4e: {  	_ =	shalt  }
0x4f: {  	_ =	shalt  }
0x50: {  	_ =	shalt  }
0x51: {  	_ =	shalt  }
0x52: {  	_ =	shalt  }
0x53: {  	_ =	shalt  }
0x54: {  	_ =	shalt  }
0x55: {  	_ =	shalt  }
0x56: {  	_ =	shalt  }
0x57: {  	_ =	shalt  }
0x58: {  	_ =	shalt  }
0x59: {  	_ =	shalt  }
0x5a: {  	_ =	shalt  }
0x5b: {  	_ =	shalt  }
0x5c: {  	_ =	shalt  }
0x5d: {  	_ =	shalt  }
0x5e: {  	_ =	shalt  }
0x5f: {  	_ =	shalt  }
0x60: {  	_ =	shalt  }
0x61: {  	_ =	shalt  }
0x62: {  	_ =	shalt  }
0x63: {  	_ =	shalt  }
0x64: {  	_ =	shalt  }
0x65: {  	_ =	shalt  }
0x66: {  	_ =	shalt  }
0x67: {  	_ =	shalt  }
0x68: {  	_ =	shalt  }
0x69: {  	_ =	shalt  }
0x6a: {  	_ =	shalt  }
0x6b: {  	_ =	shalt  }
0x6c: {  	_ =	shalt  }
0x6d: {  	_ =	shalt  }
0x6e: {  	_ =	shalt  }
0x6f: {  	_ =	shalt  }
0x70: {  	_ =	shalt  }
0x71: {  	_ =	shalt  }
0x72: {  	_ =	shalt  }
0x73: {  	_ =	shalt  }
0x74: {  	_ =	shalt  }
0x75: {  	_ =	shalt  }
0x76: {  	_ =	shalt  }
0x77: {  	_ =	shalt  }
0x78: {  	_ =	shalt  }
0x79: {  	_ =	shalt  }
0x7a: {  	_ =	shalt  }
0x7b: {  	_ =	shalt  }
0x7c: {  	_ =	shalt  }
0x7d: {  	_ =	shalt  }
0x7e: {  	_ =	shalt  }
0x7f: {  	_ =	shalt  }
0x80: {  	_ =	shalt  }
0x81: {  	_ =	shalt  }
0x82: {  	_ =	shalt  }
0x83: {  	_ =	shalt  }
0x84: {  	_ =	shalt  }
0x85: {  	_ =	shalt  }
0x86: {  	_ =	shalt  }
0x87: {  	_ =	shalt  }
.Lfunc_end0:
.L_simem_size_0:
called_computation_lowered:
.L_overlay_start_0:
0x88: {  	s2 =	sld [smem:$0x3FD9]  }
0x89: {  	s3 =	sld [smem:$0x3FFE];
	_ =	sdelay $0x1  }
0x8a: {  	s1 =	srdreg.scid  }
0x8b: {  	s0 =	sand.u32 $0x1, s1  }
0x8c: {  	s17 =	sshll.u32 s0, $0xA;
	s2 =	sadd.s32 s3, s2  }
0x8d: {  	s2 =	sadd.s32 s2, s17  }
0x8e: {  	[smem:$0x3FC2] =	sst s2  }
0x8f: {  	_ = 	snop  }
0x90: {  	s2 =	sld [smem:$0x3FC9]  }
0x91: {  	s18 =	sld [smem:$0x3FC8]  }
0x92: {  	s4 =	sld [smem:$0x3FC7]  }
0x93: {  	s5 =	sld [smem:$0x3FD0];
	(tm) =	ssettm $0x1  }
0x94: {  	s6 =	sld [smem:$0x3FFB];
	_ =	sdelay $0x3  }
0x95: {  	_ =	strace s6  }
0x96: {  	s6 =	sld [smem:$0x3FFC];
	_ =	sdelay $0x3  }
0x97: {  	_ =	strace s6  }
0x98: {  	s6 =	sld [smem:$0x3FFD];
	_ =	sdelay $0x3  }
0x99: {  	_ =	strace s6  }
0x9a: {  	_ =	strace $0x8FFFFFFF  }
0x9b: {  	s19 =	sld [smem:$0x3FDB];
	_ =	sdelay $0x1  }
0x9c: {  	s7 =	simm.s32 $_scs_section_size  }
0x9d: {  	s8 =	simm.s32 $_size__tile_overlayer_lowered;
	s9 =	simm.s32 $_tile_overlayer_lowered  }
0x9e: {  	s22 =	simm.s32 $0x1BFF;
	s21 =	sshll.u32 s9, $0x1;
	s6 =	sadd.s32 s7, s19  }
0x9f: {  	s10 =	simm.s32 $0x0;
	s20 =	sshll.u32 s8, $0x1;
	s8 =	sadd.s32 s21, s6  }
0xa0: {  	[timem:s10], [sflag:s22] =	dma.local [hbm:s8], s20  }
0xa1: {  	_ =	swait.ge [sflag:s22], s20  }
0xa2: {  	s7 =	ssub.s32 $0x0, s20;
	[sflag:s22] =	ssyncset.done $0x0  }
0xa3: {  	[sflag:s22] =	ssyncadd.s32 s7;
	_ =	sdelay $0x1  }
0xa4: {  	s23 =	simm.s32 $0x1B8B  }
0xa5: {  	_ =	swait.ge [sflag:s23], $0x1  }
0xa6: {  	[sflag:s23] =	ssyncset.done $0x0  }
0xa7: {  	s25 =	simm.s32 $0x1B8E;
	s24 =	sld [smem:$0x3FFE];
	[sflag:s23] =	ssyncadd.s32 $0xFFFFFFFF  }
0xa8: {  	s26 =	simm.s32 $execute0_lowered;
	[smem:$0x3FD2] =	sst s25  }
0xa9: {  	s8 =	sshll.u32 s26, $0x1;
	_ =	strace $0x80000046;
	[dreg:$0x1] =	wrdreg $0xFFFFFFFF  }
0xaa: {  	s28 =	simm.s32 $_size_execute0_lowered;
	s6 =	sadd.s32 s6, s8;
	[dreg:$0x0] =	wrdreg $0x0  }
0xab: {  	s8 =	sshll.u32 s28, $0x1;
	[dreg:$0x2] =	wrdreg s6  }
0xac: {  	[dreg:$0x3] =	wrdreg s8  }
0xad: {  	[dreg:$0x4] =	wrdreg $0xC0  }
0xae: {  	_ =	task [dreg:s10], $0x5FFFF  }
0xaf: {  	[dreg:$0x1] =	wrdreg $0xFFFFFFFF  }
0xb0: {  	[dreg:$0x0] =	wrdreg $0x60  }
0xb1: {  	[dreg:$0x2] =	wrdreg s2  }
0xb2: {  	[dreg:$0x3] =	wrdreg s18  }
0xb3: {  	[dreg:$0x4] =	wrdreg s4  }
0xb4: {  	[dreg:$0x5] =	wrdreg s5  }
0xb5: {  	[dreg:$0x6] =	wrdreg s24  }
0xb6: {  	[dreg:$0x7] =	wrdreg $0x9  }
0xb7: {  	_ =	task.clear_ibuf [dreg:s10], $0x8FFFF;
	_ =	strace $0x90000046  }
0xb8: {  	s29 =	simm.s32 $0x9;
	_ =	strace $0x80000048  }
0xb9: {  	_ =	swait.ge [sflag:s29], $0x1  }
0xba: {  	[sflag:s29] =	ssyncadd.s32 $0xFFFFFFFF  }
0xbb: {  	_ =	strace $0x90000048  }
0xbc: {  	_ =	sfence  }
0xbd: {  	s30 =	sld [smem:$0x0];
	_ =	sdelay $0x2  }
0xbe: {  	s31 =	sshll.u32 s1, $0xD;
	s1 =	sshrl.u32 s1, $0x2  }
0xbf: {  	s3 =	sand.u32 $0x4000, s31;
	s1 =	sadd.s32 s1, s30  }
0xc0: {  	s0 =	sor.u32 s3, s0;
	s1 =	sshll.u32 s1, $0x11  }
0xc1: {  	s0 =	sor.u32 s1, s0  }
0xc2: {  	s0 =	sadd.s32 $0x8F2B, s0  }
0xc3: {  	[sflag:s0] =	ssyncadd.remote.s32 $0x1  }
0xc4: {  	_ =	sfence.sel $0xFFFF  }
0xc5: {  	[dreg:$0x0] =	wrdreg $0xFFFFFFFF;
	(pc) =	sbr.abs _section_cstart, $3  }
0xc6: {  	[dreg:$0x1] =	wrdreg $0xFFFFFFFF  }
0xc7: {  	_ =	task.clear_ibuf [dreg:s10], $0x2FFFF;
	_ =	strace $0x9FFFFFFF  }
0xc8: {  	(tm) =	ssettm $0x7FFFFFFF  }
0xc9: {  	_ =	shalt  }
tec
execute0_lowered:
.L_overlay_start_1:
0x0: {  	(tag) =	ssettag $0x1  }
0x1: {  	v0 =	vlaneseq.u32  }
0x2: {  	v0 =	vmul.u32 $0x10, v0;
	_ =	sdelay $0x1  }
0x3: {  	v1 =	vor.u32 $0x1, v0;
	v7 =	vor.u32 $0x7, v0;
	v8 =	vor.u32 $0x8, v0  }
0x4: {  	v9 =	vor.u32 $0x9, v0;
	v10 =	vor.u32 $0xA, v0;
	v11 =	vor.u32 $0xB, v0  }
0x5: {  	s6 =	rddreg [dreg:$0x0];
	v12 =	vor.u32 $0xC, v0;
	v13 =	vor.u32 $0xD, v0;
	v14 =	vor.u32 $0xE, v0  }
0x6: {  	s7 =	rddreg [dreg:$0x1];
	v15 =	vor.u32 $0xF, v0;
	v16 =	vor.u32 $0x100, v0;
	v17 =	vor.u32 $0x101, v0  }
0x7: {  	s8 =	rddreg [dreg:$0x2];
	v18 =	vor.u32 $0x102, v0;
	v19 =	vor.u32 $0x103, v0;
	v20 =	vor.u32 $0x104, v0  }
0x8: {  	s0 =	rddreg [dreg:$0x3];
	v21 =	vor.u32 $0x105, v0;
	v22 =	vor.u32 $0x106, v0;
	v23 =	vor.u32 $0x107, v0  }
0x9: {  	s9 =	rddreg [dreg:$0x4];
	v24 =	vor.u32 $0x108, v0;
	v25 =	vor.u32 $0x109, v0;
	v26 =	vor.u32 $0x10A, v0  }
0xa: {  	s1 =	rddreg [dreg:$0x5];
	s4 =	srdreg.scid;
	v27 =	vor.u32 $0x10B, v0;
	v28 =	vor.u32 $0x10C, v0;
	v29 =	vor.u32 $0x10D, v0  }
0xb: {  	s3 =	simm.s32 $0x0;
	s2 =	stileid.u32;
	s14 =	simm.s32 $0x6600;
	v30 =	vor.u32 $0x10E, v0;
	v31 =	vor.u32 $0x10F, v0;
	v33 =	vor.u32 $0x201, v0  }
0xc: {  	s15 =	simm.s32 $0x6860;
	s16 =	simm.s32 $0x1;
	s17 =	simm.s32 $0x80;
	v34 =	vor.u32 $0x202, v0;
	v35 =	vor.u32 $0x203, v0;
	v36 =	vor.u32 $0x204, v0  }
0xd: {  	s18 =	simm.s32 $0x600;
	s19 =	simm.s32 $0x1600;
	s20 =	simm.s32 $0x100;
	v37 =	vor.u32 $0x205, v0;
	v38 =	vor.u32 $0x206, v0;
	v39 =	vor.u32 $0x207, v0  }
0xe: {  	s21 =	simm.s32 $0x2600;
	s22 =	simm.s32 $0x180;
	s23 =	simm.s32 $0x3600;
	v40 =	vor.u32 $0x208, v0;
	v41 =	vor.u32 $0x209, v0;
	v42 =	vor.u32 $0x20A, v0  }
0xf: {  	s24 =	simm.s32 $0x4600;
	s25 =	simm.s32 $0x10;
	s26 =	simm.s32 $0x2;
	v43 =	vor.u32 $0x20B, v0;
	v44 =	vor.u32 $0x20C, v0;
	v45 =	vor.u32 $0x20D, v0  }
0x10: {  	s28 =	simm.s32 $0x20;
	s29 =	simm.s32 $0x3;
	s10 =	sand.u32 $0x1, s4;
	v46 =	vor.u32 $0x20E, v0;
	v47 =	vor.u32 $0x20F, v0;
	v48 =	vor.u32 $0x300, v0  }
0x11: {  	[smem:$0x7FF] =	sst s3;
	s5 =	sshll.u32 s2, $0xA;
	s11 =	sshll.u32 s10, $0x9;
	v49 =	vor.u32 $0x301, v0;
	v50 =	vor.u32 $0x302, v0;
	[tilespmem:$0x1FFA0] =	vst v1;
	v1 =	vor.u32 $0x2, v0  }
0x12: {  	s4 =	sadd.s32 $0x400, s9;
	s10 =	ssub.s32 $0x2, s10;
	s11 =	sor.u32 s11, s5;
	v51 =	vor.u32 $0x303, v0;
	v52 =	vor.u32 $0x304, v0;
	[tilespmem:$0x1FFB0] =	vst v1;
	v1 =	vor.u32 $0x3, v0  }
0x13: {  	s5 =	sadd.s32 $0x600, s9;
	s31 =	sshrl.u32 s10, $0x1;
	v53 =	vor.u32 $0x305, v0;
	v54 =	vor.u32 $0x306, v0;
	s12 =	sshll.u32 s11, $0x4;
	[tilespmem:$0x1FFC0] =	vst v1;
	v1 =	vor.u32 $0x4, v0  }
0x14: {  	v55 =	vor.u32 $0x307, v0;
	v56 =	vor.u32 $0x308, v0;
	s11 =	sshrl.u32 s11, $0x3;
	s13 =	ssub.s32 s10, s31;
	s12 =	sadd.s32 s12, s9;
	[tilespmem:$0x1FFD0] =	vst v1;
	v1 =	vor.u32 $0x5, v0  }
0x15: {  	v57 =	vor.u32 $0x309, v0;
	v58 =	vor.u32 $0x30A, v0;
	s6 =	sadd.s32 s6, s11;
	s7 =	sadd.s32 s7, s11;
	s8 =	sadd.s32 s8, s11;
	[tilespmem:$0x1FFE0] =	vst v1;
	v1 =	vor.u32 $0x6, v0  }
0x16: {  	v59 =	vor.u32 $0x30B, v0;
	v60 =	vor.u32 $0x30C, v0;
	v61 =	vor.u32 $0x30D, v0;
	s11 =	smax.u32 s13, $0x1;
	s13 =	simm.s32 $0x400;
	s9 =	sadd.s32 $0x804, s12;
	[tilespmem:$0x1FFF0] =	vst v1  }
0x17: {  	v32 =	vor.u32 $0x200, v0;
	v62 =	vor.u32 $0x30E, v0;
	v63 =	vor.u32 $0x30F, v0;
	s10 =	sadd.s32 $0x800, s12;
	s12 =	simm.s32 $0x200;
	_ =	strace $0x80000047  }
.LBB2_1:
0x18: {  	[tilespmem:s3], [sflag:$0x1] =	stream.linear.gather [hbm4b:s6+s3], $0x200, $0x38;
	[tilespmem:$0x7040] =	vst v63  }
0x19: {  	_ = 	snop  }
0x1a: {  	[tilespmem:s12], [sflag:$0x1] =	stream.linear.gather [hbm4b:s7+s3], $0x200, $0x38;
	[tilespmem:$0x7040] =	vst v63  }
0x1b: {  	_ = 	snop  }
0x1c: {  	[tilespmem:s13], [sflag:$0x1] =	stream.linear.gather [hbm4b:s8+s3], $0x200, $0x38;
	[tilespmem:$0x7040] =	vst v63  }
0x1d: {  	_ = 	snop  }
0x1e: {  	[tilespmem:s14], [sflag:$0x1] =	stream.linear.gather [hbm4b:s4+s3], $0x25E, $0x38;
	[tilespmem:$0x7040] =	vst v63  }
0x1f: {  	_ = 	snop  }
0x20: {  	[tilespmem:s15], [sflag:$0x1] =	stream.linear.gather [hbm4b:s5+s3], $0x7DA, $0x38;
	[tilespmem:$0x7040] =	vst v63  }
0x21: {  	_ =	swait.ge [sflag:s16], $0x200  }
0x22: {  	[sflag:s16] =	ssyncset.done $0x0  }
0x23: {  	[sflag:s16] =	ssyncadd.s32 $0xFFFFFE00  }
0x24: {  	_ =	swait.ge [sflag:s16], $0x200  }
0x25: {  	[sflag:s16] =	ssyncset.done $0x0  }
0x26: {  	[sflag:s16] =	ssyncadd.s32 $0xFFFFFE00  }
0x27: {  	_ =	swait.ge [sflag:s16], $0x200  }
0x28: {  	[sflag:s16] =	ssyncset.done $0x0  }
0x29: {  	[sflag:s16] =	ssyncadd.s32 $0xFFFFFE00  }
0x2a: {  	_ =	swait.ge [sflag:s16], $0x25E  }
0x2b: {  	[sflag:s16] =	ssyncset.done $0x0  }
0x2c: {  	[sflag:s16] =	ssyncadd.s32 $0xFFFFFDA2  }
0x2d: {  	_ =	swait.ge [sflag:s16], $0x7DA  }
0x2e: {  	[sflag:s16] =	ssyncset.done $0x0  }
0x2f: {  	[sflag:s16] =	ssyncadd.s32 $0xFFFFF826  }
0x30: {  	v1 =	vld [tilespmem:$0x0]  }
0x31: {  	v2 =	vld [tilespmem:$0x10]  }
0x32: {  	v3 =	vld [tilespmem:$0x20]  }
0x33: {  	v4 =	vld [tilespmem:$0x30]  }
0x34: {  	v5 =	vld [tilespmem:$0x40]  }
0x35: {  	v6 =	vld [tilespmem:$0x50];
	v1 =	vadd.s32 $0x1, v1  }
0x36: {  	[tilespmem:$0x0] =	vst v1;
	v1 =	vadd.s32 $0x1, v2;
	v2 =	vld [tilespmem:$0x60]  }
0x37: {  	[tilespmem:$0x10] =	vst v1;
	v1 =	vadd.s32 $0x1, v3;
	v3 =	vld [tilespmem:$0x70]  }
0x38: {  	[tilespmem:$0x20] =	vst v1;
	v1 =	vadd.s32 $0x1, v4;
	v4 =	vld [tilespmem:$0x80]  }
0x39: {  	[tilespmem:$0x30] =	vst v1;
	v1 =	vadd.s32 $0x1, v5;
	v5 =	vld [tilespmem:$0x90]  }
0x3a: {  	[tilespmem:$0x40] =	vst v1;
	v1 =	vadd.s32 $0x1, v6;
	v6 =	vld [tilespmem:$0xA0]  }
0x3b: {  	[tilespmem:$0x50] =	vst v1;
	v1 =	vadd.s32 $0x1, v2;
	v2 =	vld [tilespmem:$0xB0]  }
0x3c: {  	[tilespmem:$0x60] =	vst v1;
	v1 =	vadd.s32 $0x1, v3;
	v3 =	vld [tilespmem:$0xC0]  }
0x3d: {  	[tilespmem:$0x70] =	vst v1;
	v1 =	vadd.s32 $0x1, v4;
	v4 =	vld [tilespmem:$0xD0]  }
0x3e: {  	[tilespmem:$0x80] =	vst v1;
	v1 =	vadd.s32 $0x1, v5;
	v5 =	vld [tilespmem:$0xE0]  }
0x3f: {  	[tilespmem:$0x90] =	vst v1;
	v1 =	vadd.s32 $0x1, v6;
	v6 =	vld [tilespmem:$0xF0]  }
0x40: {  	[tilespmem:$0xA0] =	vst v1;
	v1 =	vadd.s32 $0x1, v2;
	v2 =	vld [tilespmem:$0x100]  }
0x41: {  	[tilespmem:$0xB0] =	vst v1;
	v1 =	vadd.s32 $0x1, v3;
	v3 =	vld [tilespmem:$0x110]  }
0x42: {  	[tilespmem:$0xC0] =	vst v1;
	v1 =	vadd.s32 $0x1, v4;
	v4 =	vld [tilespmem:$0x120]  }
0x43: {  	[tilespmem:$0xD0] =	vst v1;
	v1 =	vadd.s32 $0x1, v5;
	v5 =	vld [tilespmem:$0x130]  }
0x44: {  	[tilespmem:$0xE0] =	vst v1;
	v1 =	vadd.s32 $0x1, v6;
	v6 =	vld [tilespmem:$0x140]  }
0x45: {  	[tilespmem:$0xF0] =	vst v1;
	v1 =	vadd.s32 $0x1, v2;
	v2 =	vld [tilespmem:$0x150]  }
0x46: {  	[tilespmem:$0x100] =	vst v1;
	v1 =	vadd.s32 $0x1, v3;
	v3 =	vld [tilespmem:$0x160]  }
0x47: {  	[tilespmem:$0x110] =	vst v1;
	v1 =	vadd.s32 $0x1, v4;
	v4 =	vld [tilespmem:$0x170]  }
0x48: {  	[tilespmem:$0x120] =	vst v1;
	v1 =	vadd.s32 $0x1, v5;
	v5 =	vld [tilespmem:$0x180]  }
0x49: {  	[tilespmem:$0x130] =	vst v1;
	v1 =	vadd.s32 $0x1, v6;
	v6 =	vld [tilespmem:$0x190]  }
0x4a: {  	[tilespmem:$0x140] =	vst v1;
	v1 =	vadd.s32 $0x1, v2;
	v2 =	vld [tilespmem:$0x1A0]  }
0x4b: {  	[tilespmem:$0x150] =	vst v1;
	v1 =	vadd.s32 $0x1, v3;
	v3 =	vld [tilespmem:$0x1B0]  }
0x4c: {  	[tilespmem:$0x160] =	vst v1;
	v1 =	vadd.s32 $0x1, v4;
	v4 =	vld [tilespmem:$0x1C0]  }
0x4d: {  	[tilespmem:$0x170] =	vst v1;
	v1 =	vadd.s32 $0x1, v5;
	v5 =	vld [tilespmem:$0x1D0]  }
0x4e: {  	[tilespmem:$0x180] =	vst v1;
	v1 =	vadd.s32 $0x1, v6;
	v6 =	vld [tilespmem:$0x1E0]  }
0x4f: {  	[tilespmem:$0x190] =	vst v1;
	v1 =	vadd.s32 $0x1, v2;
	v2 =	vld [tilespmem:$0x1F0]  }
0x50: {  	[tilespmem:$0x1A0] =	vst v1;
	v1 =	vadd.s32 $0x1, v3  }
0x51: {  	[tilespmem:$0x1B0] =	vst v1;
	v1 =	vadd.s32 $0x1, v4  }
0x52: {  	[tilespmem:$0x1C0] =	vst v1;
	v1 =	vadd.s32 $0x1, v5  }
0x53: {  	[tilespmem:$0x1D0] =	vst v1;
	v1 =	vadd.s32 $0x1, v6  }
0x54: {  	[tilespmem:$0x1E0] =	vst v1;
	v1 =	vadd.s32 $0x1, v2  }
0x55: {  	[tilespmem:$0x1F0] =	vst v1  }
0x56: {  	[tilespmem:s18], [sflag:$0x2] =	stream.indirect.gather [hbm4b:s0+s17], $0x20, s3, s17, $0xb8;
	[tilespmem:$0x7040] =	vst v63  }
0x57: {  	_ = 	snop  }
0x58: {  	[tilespmem:s19], [sflag:$0x2] =	stream.indirect.gather [hbm4b:s0+s17], $0x20, s17, s17, $0xb8;
	[tilespmem:$0x7040] =	vst v63  }
0x59: {  	_ = 	snop  }
0x5a: {  	[tilespmem:s21], [sflag:$0x2] =	stream.indirect.gather [hbm4b:s0+s17], $0x20, s20, s17, $0xb8;
	[tilespmem:$0x7040] =	vst v63  }
0x5b: {  	_ = 	snop  }
0x5c: {  	[tilespmem:s23], [sflag:$0x2] =	stream.indirect.gather [hbm4b:s0+s17], $0x20, s22, s17, $0xb8;
	[tilespmem:$0x7040] =	vst v63  }
0x5d: {  	v1 =	vld [tilespmem:$0x200];
	_ =	sdelay $0x4  }
0x5e: {  	v1 =	vmul.u32 $0x6, v1;
	_ =	sdelay $0x1  }
0x5f: {  	v2 =	vadd.s32 $0x6, v1;
	_ =	sdelay $0x4  }
0x60: {  	v2 =	vld.idx.msk [tilespmem:v2+s14+$0x0], $0xffff  }
0x61: {  	v3 =	vadd.s32 $0x7, v1;
	_ =	sdelay $0x1  }
0x62: {  	v5 =	vld [tilespmem:$0x1FFA0];
	_ =	sdelay $0x1  }
0x63: {  	v4 =	vld [tilespmem:$0x400];
	[tilespmem:v0+s24+$0x0] =	vst.idx.msk $0xffff, v2  }
0x64: {  	v2 =	vld.idx.msk [tilespmem:v3+s14+$0x0], $0xffff;
	_ =	sdelay $0x2  }
0x65: {  	v3 =	vadd.s32 $0x8, v1;
	_ =	sdelay $0x1  }
0x66: {  	[tilespmem:v5+s24+$0x0] =	vst.idx.msk $0xffff, v2;
	v5 =	vld [tilespmem:$0x1FFB0];
	_ =	sdelay $0x2  }
0x67: {  	v2 =	vld.idx.msk [tilespmem:v3+s14+$0x0], $0xffff;
	_ =	sdelay $0x2  }
0x68: {  	v3 =	vadd.s32 $0x9, v1;
	_ =	sdelay $0x1  }
0x69: {  	[tilespmem:v5+s24+$0x0] =	vst.idx.msk $0xffff, v2;
	v5 =	vld [tilespmem:$0x1FFC0];
	_ =	sdelay $0x2  }
0x6a: {  	v2 =	vld.idx.msk [tilespmem:v3+s14+$0x0], $0xffff  }
0x6b: {  	v3 =	vadd.s32 $0xA, v1;
	_ =	sdelay $0x3  }
0x6c: {  	[tilespmem:v5+s24+$0x0] =	vst.idx.msk $0xffff, v2  }
0x6d: {  	v2 =	vld.idx.msk [tilespmem:v3+s14+$0x0], $0xffff  }
0x6e: {  	v3 =	vmul.u32 $0xA, v4;
	v4 =	vld [tilespmem:$0x1FFD0];
	_ =	sdelay $0x5  }
0x6f: {  	v1 =	vadd.s32 $0xB, v1;
	_ =	sdelay $0x1  }
0x70: {  	[tilespmem:v4+s24+$0x0] =	vst.idx.msk $0xffff, v2;
	v4 =	vld [tilespmem:$0x1FFE0];
	_ =	sdelay $0x2  }
0x71: {  	v1 =	vld.idx.msk [tilespmem:v1+s14+$0x0], $0xffff;
	_ =	sdelay $0x2  }
0x72: {  	v2 =	vadd.s32 $0x26A, v3;
	_ =	sdelay $0x1  }
0x73: {  	[tilespmem:v4+s24+$0x0] =	vst.idx.msk $0xffff, v1;
	v4 =	vld [tilespmem:$0x1FFF0];
	_ =	sdelay $0x2  }
0x74: {  	v1 =	vld.idx.msk [tilespmem:v2+s14+$0x0], $0xffff  }
0x75: {  	v2 =	vadd.s32 $0x26B, v3;
	_ =	sdelay $0x3  }
0x76: {  	[tilespmem:v4+s24+$0x0] =	vst.idx.msk $0xffff, v1  }
0x77: {  	v1 =	vld.idx.msk [tilespmem:v2+s14+$0x0], $0xffff  }
0x78: {  	v2 =	vadd.s32 $0x26C, v3;
	_ =	sdelay $0x3  }
0x79: {  	[tilespmem:v7+s24+$0x0] =	vst.idx.msk $0xffff, v1  }
0x7a: {  	v1 =	vld.idx.msk [tilespmem:v2+s14+$0x0], $0xffff  }
0x7b: {  	v2 =	vadd.s32 $0x26D, v3;
	_ =	sdelay $0x3  }
0x7c: {  	[tilespmem:v8+s24+$0x0] =	vst.idx.msk $0xffff, v1  }
0x7d: {  	v1 =	vld.idx.msk [tilespmem:v2+s14+$0x0], $0xffff  }
0x7e: {  	v2 =	vadd.s32 $0x26E, v3;
	_ =	sdelay $0x3  }
0x7f: {  	[tilespmem:v9+s24+$0x0] =	vst.idx.msk $0xffff, v1  }
0x80: {  	v1 =	vld.idx.msk [tilespmem:v2+s14+$0x0], $0xffff  }
0x81: {  	v2 =	vadd.s32 $0x26F, v3;
	_ =	sdelay $0x3  }
0x82: {  	[tilespmem:v10+s24+$0x0] =	vst.idx.msk $0xffff, v1  }
0x83: {  	v1 =	vld.idx.msk [tilespmem:v2+s14+$0x0], $0xffff  }
0x84: {  	v2 =	vadd.s32 $0x270, v3;
	_ =	sdelay $0x3  }
0x85: {  	[tilespmem:v11+s24+$0x0] =	vst.idx.msk $0xffff, v1  }
0x86: {  	v1 =	vld.idx.msk [tilespmem:v2+s14+$0x0], $0xffff  }
0x87: {  	v2 =	vadd.s32 $0x271, v3;
	_ =	sdelay $0x3  }
0x88: {  	[tilespmem:v12+s24+$0x0] =	vst.idx.msk $0xffff, v1  }
0x89: {  	v1 =	vld.idx.msk [tilespmem:v2+s14+$0x0], $0xffff  }
0x8a: {  	v2 =	vadd.s32 $0x272, v3;
	_ =	sdelay $0x3  }
0x8b: {  	[tilespmem:v13+s24+$0x0] =	vst.idx.msk $0xffff, v1  }
0x8c: {  	v1 =	vld.idx.msk [tilespmem:v2+s14+$0x0], $0xffff  }
0x8d: {  	v2 =	vadd.s32 $0x273, v3;
	_ =	sdelay $0x3  }
0x8e: {  	[tilespmem:v14+s24+$0x0] =	vst.idx.msk $0xffff, v1  }
0x8f: {  	v1 =	vld.idx.msk [tilespmem:v2+s14+$0x0], $0xffff;
	_ =	sdelay $0x4  }
0x90: {  	[tilespmem:v15+s24+$0x0] =	vst.idx.msk $0xffff, v1  }
0x91: {  	v1 =	vld [tilespmem:$0x210];
	_ =	sdelay $0x4  }
0x92: {  	v1 =	vmul.u32 $0x6, v1;
	_ =	sdelay $0x1  }
0x93: {  	v2 =	vadd.s32 $0x6, v1;
	_ =	sdelay $0x4  }
0x94: {  	v2 =	vld.idx.msk [tilespmem:v2+s14+$0x0], $0xffff  }
0x95: {  	v3 =	vadd.s32 $0x7, v1;
	_ =	sdelay $0x3  }
0x96: {  	v4 =	vld [tilespmem:$0x410];
	[tilespmem:v16+s24+$0x0] =	vst.idx.msk $0xffff, v2  }
0x97: {  	v2 =	vld.idx.msk [tilespmem:v3+s14+$0x0], $0xffff  }
0x98: {  	v3 =	vadd.s32 $0x8, v1;
	_ =	sdelay $0x3  }
0x99: {  	[tilespmem:v17+s24+$0x0] =	vst.idx.msk $0xffff, v2  }
0x9a: {  	v2 =	vld.idx.msk [tilespmem:v3+s14+$0x0], $0xffff  }
0x9b: {  	v3 =	vadd.s32 $0x9, v1;
	_ =	sdelay $0x3  }
0x9c: {  	[tilespmem:v18+s24+$0x0] =	vst.idx.msk $0xffff, v2  }
0x9d: {  	v2 =	vld.idx.msk [tilespmem:v3+s14+$0x0], $0xffff  }
0x9e: {  	v3 =	vadd.s32 $0xA, v1;
	_ =	sdelay $0x3  }
0x9f: {  	[tilespmem:v19+s24+$0x0] =	vst.idx.msk $0xffff, v2  }
0xa0: {  	v2 =	vld.idx.msk [tilespmem:v3+s14+$0x0], $0xffff  }
0xa1: {  	v1 =	vadd.s32 $0xB, v1;
	_ =	sdelay $0x3  }
0xa2: {  	v3 =	vmul.u32 $0xA, v4;
	[tilespmem:v20+s24+$0x0] =	vst.idx.msk $0xffff, v2  }
0xa3: {  	v1 =	vld.idx.msk [tilespmem:v1+s14+$0x0], $0xffff  }
0xa4: {  	v2 =	vadd.s32 $0x26A, v3;
	_ =	sdelay $0x3  }
0xa5: {  	[tilespmem:v21+s24+$0x0] =	vst.idx.msk $0xffff, v1  }
0xa6: {  	v1 =	vld.idx.msk [tilespmem:v2+s14+$0x0], $0xffff  }
0xa7: {  	v2 =	vadd.s32 $0x26B, v3;
	_ =	sdelay $0x3  }
0xa8: {  	[tilespmem:v22+s24+$0x0] =	vst.idx.msk $0xffff, v1  }
0xa9: {  	v1 =	vld.idx.msk [tilespmem:v2+s14+$0x0], $0xffff  }
0xaa: {  	v2 =	vadd.s32 $0x26C, v3;
	_ =	sdelay $0x3  }
0xab: {  	[tilespmem:v23+s24+$0x0] =	vst.idx.msk $0xffff, v1  }
0xac: {  	v1 =	vld.idx.msk [tilespmem:v2+s14+$0x0], $0xffff  }
0xad: {  	v2 =	vadd.s32 $0x26D, v3;
	_ =	sdelay $0x3  }
0xae: {  	[tilespmem:v24+s24+$0x0] =	vst.idx.msk $0xffff, v1  }
0xaf: {  	v1 =	vld.idx.msk [tilespmem:v2+s14+$0x0], $0xffff  }
0xb0: {  	v2 =	vadd.s32 $0x26E, v3;
	_ =	sdelay $0x3  }
0xb1: {  	[tilespmem:v25+s24+$0x0] =	vst.idx.msk $0xffff, v1  }
0xb2: {  	v1 =	vld.idx.msk [tilespmem:v2+s14+$0x0], $0xffff  }
0xb3: {  	v2 =	vadd.s32 $0x26F, v3;
	_ =	sdelay $0x3  }
0xb4: {  	[tilespmem:v26+s24+$0x0] =	vst.idx.msk $0xffff, v1  }
0xb5: {  	v1 =	vld.idx.msk [tilespmem:v2+s14+$0x0], $0xffff  }
0xb6: {  	v2 =	vadd.s32 $0x270, v3;
	_ =	sdelay $0x3  }
0xb7: {  	[tilespmem:v27+s24+$0x0] =	vst.idx.msk $0xffff, v1  }
0xb8: {  	v1 =	vld.idx.msk [tilespmem:v2+s14+$0x0], $0xffff  }
0xb9: {  	v2 =	vadd.s32 $0x271, v3;
	_ =	sdelay $0x3  }
0xba: {  	[tilespmem:v28+s24+$0x0] =	vst.idx.msk $0xffff, v1  }
0xbb: {  	v1 =	vld.idx.msk [tilespmem:v2+s14+$0x0], $0xffff  }
0xbc: {  	v2 =	vadd.s32 $0x272, v3;
	_ =	sdelay $0x3  }
0xbd: {  	[tilespmem:v29+s24+$0x0] =	vst.idx.msk $0xffff, v1  }
0xbe: {  	v1 =	vld.idx.msk [tilespmem:v2+s14+$0x0], $0xffff  }
0xbf: {  	v2 =	vadd.s32 $0x273, v3;
	_ =	sdelay $0x3  }
0xc0: {  	[tilespmem:v30+s24+$0x0] =	vst.idx.msk $0xffff, v1  }
0xc1: {  	v1 =	vld.idx.msk [tilespmem:v2+s14+$0x0], $0xffff;
	_ =	sdelay $0x4  }
0xc2: {  	[tilespmem:v31+s24+$0x0] =	vst.idx.msk $0xffff, v1  }
0xc3: {  	v1 =	vld [tilespmem:$0x220];
	_ =	sdelay $0x4  }
0xc4: {  	v1 =	vmul.u32 $0x6, v1;
	_ =	sdelay $0x1  }
0xc5: {  	v2 =	vadd.s32 $0x6, v1;
	_ =	sdelay $0x4  }
0xc6: {  	v2 =	vld.idx.msk [tilespmem:v2+s14+$0x0], $0xffff  }
0xc7: {  	v3 =	vadd.s32 $0x7, v1;
	_ =	sdelay $0x3  }
0xc8: {  	v4 =	vld [tilespmem:$0x420];
	[tilespmem:v32+s24+$0x0] =	vst.idx.msk $0xffff, v2  }
0xc9: {  	v2 =	vld.idx.msk [tilespmem:v3+s14+$0x0], $0xffff  }
0xca: {  	v3 =	vadd.s32 $0x8, v1;
	_ =	sdelay $0x3  }
0xcb: {  	[tilespmem:v33+s24+$0x0] =	vst.idx.msk $0xffff, v2  }
0xcc: {  	v2 =	vld.idx.msk [tilespmem:v3+s14+$0x0], $0xffff  }
0xcd: {  	v3 =	vadd.s32 $0x9, v1;
	_ =	sdelay $0x3  }
0xce: {  	[tilespmem:v34+s24+$0x0] =	vst.idx.msk $0xffff, v2  }
0xcf: {  	v2 =	vld.idx.msk [tilespmem:v3+s14+$0x0], $0xffff  }
0xd0: {  	v3 =	vadd.s32 $0xA, v1;
	_ =	sdelay $0x3  }
0xd1: {  	[tilespmem:v35+s24+$0x0] =	vst.idx.msk $0xffff, v2  }
0xd2: {  	v2 =	vld.idx.msk [tilespmem:v3+s14+$0x0], $0xffff  }
0xd3: {  	v1 =	vadd.s32 $0xB, v1;
	_ =	sdelay $0x3  }
0xd4: {  	v3 =	vmul.u32 $0xA, v4;
	[tilespmem:v36+s24+$0x0] =	vst.idx.msk $0xffff, v2  }
0xd5: {  	v1 =	vld.idx.msk [tilespmem:v1+s14+$0x0], $0xffff  }
0xd6: {  	v2 =	vadd.s32 $0x26A, v3;
	_ =	sdelay $0x3  }
0xd7: {  	[tilespmem:v37+s24+$0x0] =	vst.idx.msk $0xffff, v1  }
0xd8: {  	v1 =	vld.idx.msk [tilespmem:v2+s14+$0x0], $0xffff  }
0xd9: {  	v2 =	vadd.s32 $0x26B, v3;
	_ =	sdelay $0x3  }
0xda: {  	[tilespmem:v38+s24+$0x0] =	vst.idx.msk $0xffff, v1  }
0xdb: {  	v1 =	vld.idx.msk [tilespmem:v2+s14+$0x0], $0xffff  }
0xdc: {  	v2 =	vadd.s32 $0x26C, v3;
	_ =	sdelay $0x3  }
0xdd: {  	[tilespmem:v39+s24+$0x0] =	vst.idx.msk $0xffff, v1  }
0xde: {  	v1 =	vld.idx.msk [tilespmem:v2+s14+$0x0], $0xffff  }
0xdf: {  	v2 =	vadd.s32 $0x26D, v3;
	_ =	sdelay $0x3  }
0xe0: {  	[tilespmem:v40+s24+$0x0] =	vst.idx.msk $0xffff, v1  }
0xe1: {  	v1 =	vld.idx.msk [tilespmem:v2+s14+$0x0], $0xffff  }
0xe2: {  	v2 =	vadd.s32 $0x26E, v3;
	_ =	sdelay $0x3  }
0xe3: {  	[tilespmem:v41+s24+$0x0] =	vst.idx.msk $0xffff, v1  }
0xe4: {  	v1 =	vld.idx.msk [tilespmem:v2+s14+$0x0], $0xffff  }
0xe5: {  	v2 =	vadd.s32 $0x26F, v3;
	_ =	sdelay $0x3  }
0xe6: {  	[tilespmem:v42+s24+$0x0] =	vst.idx.msk $0xffff, v1  }
0xe7: {  	v1 =	vld.idx.msk [tilespmem:v2+s14+$0x0], $0xffff  }
0xe8: {  	v2 =	vadd.s32 $0x270, v3;
	_ =	sdelay $0x3  }
0xe9: {  	[tilespmem:v43+s24+$0x0] =	vst.idx.msk $0xffff, v1  }
0xea: {  	v1 =	vld.idx.msk [tilespmem:v2+s14+$0x0], $0xffff  }
0xeb: {  	v2 =	vadd.s32 $0x271, v3;
	_ =	sdelay $0x3  }
0xec: {  	[tilespmem:v44+s24+$0x0] =	vst.idx.msk $0xffff, v1  }
0xed: {  	v1 =	vld.idx.msk [tilespmem:v2+s14+$0x0], $0xffff  }
0xee: {  	v2 =	vadd.s32 $0x272, v3;
	_ =	sdelay $0x3  }
0xef: {  	[tilespmem:v45+s24+$0x0] =	vst.idx.msk $0xffff, v1  }
0xf0: {  	v1 =	vld.idx.msk [tilespmem:v2+s14+$0x0], $0xffff  }
0xf1: {  	v2 =	vadd.s32 $0x273, v3;
	_ =	sdelay $0x3  }
0xf2: {  	[tilespmem:v46+s24+$0x0] =	vst.idx.msk $0xffff, v1  }
0xf3: {  	v1 =	vld.idx.msk [tilespmem:v2+s14+$0x0], $0xffff;
	_ =	sdelay $0x4  }
0xf4: {  	[tilespmem:v47+s24+$0x0] =	vst.idx.msk $0xffff, v1  }
0xf5: {  	v1 =	vld [tilespmem:$0x230];
	_ =	sdelay $0x4  }
0xf6: {  	v1 =	vmul.u32 $0x6, v1;
	_ =	sdelay $0x1  }
0xf7: {  	v2 =	vadd.s32 $0x6, v1;
	_ =	sdelay $0x4  }
0xf8: {  	v2 =	vld.idx.msk [tilespmem:v2+s14+$0x0], $0xffff  }
0xf9: {  	v3 =	vadd.s32 $0x7, v1;
	_ =	sdelay $0x3  }
0xfa: {  	v4 =	vld [tilespmem:$0x430];
	[tilespmem:v48+s24+$0x0] =	vst.idx.msk $0xffff, v2  }
0xfb: {  	v2 =	vld.idx.msk [tilespmem:v3+s14+$0x0], $0xffff  }
0xfc: {  	v3 =	vadd.s32 $0x8, v1;
	_ =	sdelay $0x3  }
0xfd: {  	[tilespmem:v49+s24+$0x0] =	vst.idx.msk $0xffff, v2  }
0xfe: {  	v2 =	vld.idx.msk [tilespmem:v3+s14+$0x0], $0xffff  }
0xff: {  	v3 =	vadd.s32 $0x9, v1;
	_ =	sdelay $0x3  }
0x100: {  	[tilespmem:v50+s24+$0x0] =	vst.idx.msk $0xffff, v2  }
0x101: {  	v2 =	vld.idx.msk [tilespmem:v3+s14+$0x0], $0xffff  }
0x102: {  	v3 =	vadd.s32 $0xA, v1;
	_ =	sdelay $0x3  }
0x103: {  	[tilespmem:v51+s24+$0x0] =	vst.idx.msk $0xffff, v2  }
0x104: {  	v2 =	vld.idx.msk [tilespmem:v3+s14+$0x0], $0xffff  }
0x105: {  	v1 =	vadd.s32 $0xB, v1;
	_ =	sdelay $0x3  }
0x106: {  	v3 =	vmul.u32 $0xA, v4;
	[tilespmem:v52+s24+$0x0] =	vst.idx.msk $0xffff, v2  }
0x107: {  	v1 =	vld.idx.msk [tilespmem:v1+s14+$0x0], $0xffff  }
0x108: {  	v2 =	vadd.s32 $0x26A, v3;
	_ =	sdelay $0x3  }
0x109: {  	[tilespmem:v53+s24+$0x0] =	vst.idx.msk $0xffff, v1  }
0x10a: {  	v1 =	vld.idx.msk [tilespmem:v2+s14+$0x0], $0xffff  }
0x10b: {  	v2 =	vadd.s32 $0x26B, v3;
	_ =	sdelay $0x3  }
0x10c: {  	[tilespmem:v54+s24+$0x0] =	vst.idx.msk $0xffff, v1  }
0x10d: {  	v1 =	vld.idx.msk [tilespmem:v2+s14+$0x0], $0xffff  }
0x10e: {  	v2 =	vadd.s32 $0x26C, v3;
	_ =	sdelay $0x3  }
0x10f: {  	[tilespmem:v55+s24+$0x0] =	vst.idx.msk $0xffff, v1  }
0x110: {  	v1 =	vld.idx.msk [tilespmem:v2+s14+$0x0], $0xffff  }
0x111: {  	v2 =	vadd.s32 $0x26D, v3;
	_ =	sdelay $0x3  }
0x112: {  	[tilespmem:v56+s24+$0x0] =	vst.idx.msk $0xffff, v1  }
0x113: {  	v1 =	vld.idx.msk [tilespmem:v2+s14+$0x0], $0xffff  }
0x114: {  	v2 =	vadd.s32 $0x26E, v3;
	_ =	sdelay $0x3  }
0x115: {  	[tilespmem:v57+s24+$0x0] =	vst.idx.msk $0xffff, v1  }
0x116: {  	v1 =	vld.idx.msk [tilespmem:v2+s14+$0x0], $0xffff  }
0x117: {  	v2 =	vadd.s32 $0x26F, v3;
	_ =	sdelay $0x3  }
0x118: {  	[tilespmem:v58+s24+$0x0] =	vst.idx.msk $0xffff, v1  }
0x119: {  	v1 =	vld.idx.msk [tilespmem:v2+s14+$0x0], $0xffff  }
0x11a: {  	v2 =	vadd.s32 $0x270, v3;
	_ =	sdelay $0x3  }
0x11b: {  	[tilespmem:v59+s24+$0x0] =	vst.idx.msk $0xffff, v1  }
0x11c: {  	v1 =	vld.idx.msk [tilespmem:v2+s14+$0x0], $0xffff  }
0x11d: {  	v2 =	vadd.s32 $0x271, v3;
	_ =	sdelay $0x3  }
0x11e: {  	[tilespmem:v60+s24+$0x0] =	vst.idx.msk $0xffff, v1  }
0x11f: {  	v1 =	vld.idx.msk [tilespmem:v2+s14+$0x0], $0xffff  }
0x120: {  	v2 =	vadd.s32 $0x272, v3;
	_ =	sdelay $0x3  }
0x121: {  	[tilespmem:v61+s24+$0x0] =	vst.idx.msk $0xffff, v1  }
0x122: {  	v1 =	vld.idx.msk [tilespmem:v2+s14+$0x0], $0xffff  }
0x123: {  	v2 =	vadd.s32 $0x273, v3;
	_ =	sdelay $0x3  }
0x124: {  	[tilespmem:v62+s24+$0x0] =	vst.idx.msk $0xffff, v1  }
0x125: {  	v1 =	vld.idx.msk [tilespmem:v2+s14+$0x0], $0xffff;
	_ =	sdelay $0x4  }
0x126: {  	[tilespmem:v63+s24+$0x0] =	vst.idx.msk $0xffff, v1  }
0x127: {  	v1 =	vld [tilespmem:$0x240];
	_ =	sdelay $0x4  }
0x128: {  	v1 =	vmul.u32 $0x6, v1;
	_ =	sdelay $0x1  }
0x129: {  	v2 =	vadd.s32 $0x6, v1;
	_ =	sdelay $0x4  }
0x12a: {  	v3 =	vor.u32 $0x400, v0;
	v2 =	vld.idx.msk [tilespmem:v2+s14+$0x0], $0xffff  }
0x12b: {  	v4 =	vadd.s32 $0x7, v1;
	_ =	sdelay $0x3  }
0x12c: {  	v5 =	vld [tilespmem:$0x440];
	[tilespmem:v3+s24+$0x0] =	vst.idx.msk $0xffff, v2  }
0x12d: {  	v3 =	vor.u32 $0x401, v0;
	v2 =	vld.idx.msk [tilespmem:v4+s14+$0x0], $0xffff  }
0x12e: {  	v4 =	vadd.s32 $0x8, v1;
	_ =	sdelay $0x3  }
0x12f: {  	[tilespmem:v3+s24+$0x0] =	vst.idx.msk $0xffff, v2  }
0x130: {  	v3 =	vor.u32 $0x402, v0;
	v2 =	vld.idx.msk [tilespmem:v4+s14+$0x0], $0xffff  }
0x131: {  	v4 =	vadd.s32 $0x9, v1;
	_ =	sdelay $0x3  }
0x132: {  	[tilespmem:v3+s24+$0x0] =	vst.idx.msk $0xffff, v2  }
0x133: {  	v3 =	vor.u32 $0x403, v0;
	v2 =	vld.idx.msk [tilespmem:v4+s14+$0x0], $0xffff  }
0x134: {  	v4 =	vadd.s32 $0xA, v1;
	_ =	sdelay $0x3  }
0x135: {  	[tilespmem:v3+s24+$0x0] =	vst.idx.msk $0xffff, v2  }
0x136: {  	v3 =	vor.u32 $0x404, v0;
	v2 =	vld.idx.msk [tilespmem:v4+s14+$0x0], $0xffff  }
0x137: {  	v1 =	vadd.s32 $0xB, v1;
	_ =	sdelay $0x3  }
0x138: {  	v4 =	vmul.u32 $0xA, v5;
	[tilespmem:v3+s24+$0x0] =	vst.idx.msk $0xffff, v2  }
0x139: {  	v2 =	vor.u32 $0x405, v0;
	v1 =	vld.idx.msk [tilespmem:v1+s14+$0x0], $0xffff  }
0x13a: {  	v3 =	vadd.s32 $0x26A, v4;
	_ =	sdelay $0x3  }
0x13b: {  	[tilespmem:v2+s24+$0x0] =	vst.idx.msk $0xffff, v1  }
0x13c: {  	v2 =	vor.u32 $0x406, v0;
	v1 =	vld.idx.msk [tilespmem:v3+s14+$0x0], $0xffff  }
0x13d: {  	v3 =	vadd.s32 $0x26B, v4;
	_ =	sdelay $0x3  }
0x13e: {  	[tilespmem:v2+s24+$0x0] =	vst.idx.msk $0xffff, v1  }
0x13f: {  	v2 =	vor.u32 $0x407, v0;
	v1 =	vld.idx.msk [tilespmem:v3+s14+$0x0], $0xffff  }
0x140: {  	v3 =	vadd.s32 $0x26C, v4;
	_ =	sdelay $0x3  }
0x141: {  	[tilespmem:v2+s24+$0x0] =	vst.idx.msk $0xffff, v1  }
0x142: {  	v2 =	vor.u32 $0x408, v0;
	v1 =	vld.idx.msk [tilespmem:v3+s14+$0x0], $0xffff  }
0x143: {  	v3 =	vadd.s32 $0x26D, v4;
	_ =	sdelay $0x3  }
0x144: {  	[tilespmem:v2+s24+$0x0] =	vst.idx.msk $0xffff, v1  }
0x145: {  	v2 =	vor.u32 $0x409, v0;
	v1 =	vld.idx.msk [tilespmem:v3+s14+$0x0], $0xffff  }
0x146: {  	v3 =	vadd.s32 $0x26E, v4;
	_ =	sdelay $0x3  }
0x147: {  	[tilespmem:v2+s24+$0x0] =	vst.idx.msk $0xffff, v1  }
0x148: {  	v2 =	vor.u32 $0x40A, v0;
	v1 =	vld.idx.msk [tilespmem:v3+s14+$0x0], $0xffff  }
0x149: {  	v3 =	vadd.s32 $0x26F, v4;
	_ =	sdelay $0x3  }
0x14a: {  	[tilespmem:v2+s24+$0x0] =	vst.idx.msk $0xffff, v1  }
0x14b: {  	v2 =	vor.u32 $0x40B, v0;
	v1 =	vld.idx.msk [tilespmem:v3+s14+$0x0], $0xffff  }
0x14c: {  	v3 =	vadd.s32 $0x270, v4;
	_ =	sdelay $0x3  }
0x14d: {  	[tilespmem:v2+s24+$0x0] =	vst.idx.msk $0xffff, v1  }
0x14e: {  	v2 =	vor.u32 $0x40C, v0;
	v1 =	vld.idx.msk [tilespmem:v3+s14+$0x0], $0xffff  }
0x14f: {  	v3 =	vadd.s32 $0x271, v4;
	_ =	sdelay $0x3  }
0x150: {  	[tilespmem:v2+s24+$0x0] =	vst.idx.msk $0xffff, v1  }
0x151: {  	v2 =	vor.u32 $0x40D, v0;
	v1 =	vld.idx.msk [tilespmem:v3+s14+$0x0], $0xffff  }
0x152: {  	v3 =	vadd.s32 $0x272, v4;
	_ =	sdelay $0x3  }
0x153: {  	[tilespmem:v2+s24+$0x0] =	vst.idx.msk $0xffff, v1  }
0x154: {  	v2 =	vor.u32 $0x40E, v0;
	v1 =	vld.idx.msk [tilespmem:v3+s14+$0x0], $0xffff  }
0x155: {  	v3 =	vadd.s32 $0x273, v4;
	_ =	sdelay $0x3  }
0x156: {  	[tilespmem:v2+s24+$0x0] =	vst.idx.msk $0xffff, v1  }
0x157: {  	v2 =	vor.u32 $0x40F, v0;
	v1 =	vld.idx.msk [tilespmem:v3+s14+$0x0], $0xffff;
	_ =	sdelay $0x4  }
0x158: {  	[tilespmem:v2+s24+$0x0] =	vst.idx.msk $0xffff, v1  }
0x159: {  	v1 =	vld [tilespmem:$0x250];
	_ =	sdelay $0x4  }
0x15a: {  	v1 =	vmul.u32 $0x6, v1;
	_ =	sdelay $0x1  }
0x15b: {  	v2 =	vadd.s32 $0x6, v1;
	_ =	sdelay $0x4  }
0x15c: {  	v3 =	vor.u32 $0x500, v0;
	v2 =	vld.idx.msk [tilespmem:v2+s14+$0x0], $0xffff  }
0x15d: {  	v4 =	vadd.s32 $0x7, v1;
	_ =	sdelay $0x3  }
0x15e: {  	v5 =	vld [tilespmem:$0x450];
	[tilespmem:v3+s24+$0x0] =	vst.idx.msk $0xffff, v2  }
0x15f: {  	v3 =	vor.u32 $0x501, v0;
	v2 =	vld.idx.msk [tilespmem:v4+s14+$0x0], $0xffff  }
0x160: {  	v4 =	vadd.s32 $0x8, v1;
	_ =	sdelay $0x3  }
0x161: {  	[tilespmem:v3+s24+$0x0] =	vst.idx.msk $0xffff, v2  }
0x162: {  	v3 =	vor.u32 $0x502, v0;
	v2 =	vld.idx.msk [tilespmem:v4+s14+$0x0], $0xffff  }
0x163: {  	v4 =	vadd.s32 $0x9, v1;
	_ =	sdelay $0x3  }
0x164: {  	[tilespmem:v3+s24+$0x0] =	vst.idx.msk $0xffff, v2  }
0x165: {  	v3 =	vor.u32 $0x503, v0;
	v2 =	vld.idx.msk [tilespmem:v4+s14+$0x0], $0xffff  }
0x166: {  	v4 =	vadd.s32 $0xA, v1;
	_ =	sdelay $0x3  }
0x167: {  	[tilespmem:v3+s24+$0x0] =	vst.idx.msk $0xffff, v2  }
0x168: {  	v3 =	vor.u32 $0x504, v0;
	v2 =	vld.idx.msk [tilespmem:v4+s14+$0x0], $0xffff  }
0x169: {  	v1 =	vadd.s32 $0xB, v1;
	_ =	sdelay $0x3  }
0x16a: {  	v4 =	vmul.u32 $0xA, v5;
	[tilespmem:v3+s24+$0x0] =	vst.idx.msk $0xffff, v2  }
0x16b: {  	v2 =	vor.u32 $0x505, v0;
	v1 =	vld.idx.msk [tilespmem:v1+s14+$0x0], $0xffff  }
0x16c: {  	v3 =	vadd.s32 $0x26A, v4;
	_ =	sdelay $0x3  }
0x16d: {  	[tilespmem:v2+s24+$0x0] =	vst.idx.msk $0xffff, v1  }
0x16e: {  	v2 =	vor.u32 $0x506, v0;
	v1 =	vld.idx.msk [tilespmem:v3+s14+$0x0], $0xffff  }
0x16f: {  	v3 =	vadd.s32 $0x26B, v4;
	_ =	sdelay $0x3  }
0x170: {  	[tilespmem:v2+s24+$0x0] =	vst.idx.msk $0xffff, v1  }
0x171: {  	v2 =	vor.u32 $0x507, v0;
	v1 =	vld.idx.msk [tilespmem:v3+s14+$0x0], $0xffff  }
0x172: {  	v3 =	vadd.s32 $0x26C, v4;
	_ =	sdelay $0x3  }
0x173: {  	[tilespmem:v2+s24+$0x0] =	vst.idx.msk $0xffff, v1  }
0x174: {  	v2 =	vor.u32 $0x508, v0;
	v1 =	vld.idx.msk [tilespmem:v3+s14+$0x0], $0xffff  }
0x175: {  	v3 =	vadd.s32 $0x26D, v4;
	_ =	sdelay $0x3  }
0x176: {  	[tilespmem:v2+s24+$0x0] =	vst.idx.msk $0xffff, v1  }
0x177: {  	v2 =	vor.u32 $0x509, v0;
	v1 =	vld.idx.msk [tilespmem:v3+s14+$0x0], $0xffff  }
0x178: {  	v3 =	vadd.s32 $0x26E, v4;
	_ =	sdelay $0x3  }
0x179: {  	[tilespmem:v2+s24+$0x0] =	vst.idx.msk $0xffff, v1  }
0x17a: {  	v2 =	vor.u32 $0x50A, v0;
	v1 =	vld.idx.msk [tilespmem:v3+s14+$0x0], $0xffff  }
0x17b: {  	v3 =	vadd.s32 $0x26F, v4;
	_ =	sdelay $0x3  }
0x17c: {  	[tilespmem:v2+s24+$0x0] =	vst.idx.msk $0xffff, v1  }
0x17d: {  	v2 =	vor.u32 $0x50B, v0;
	v1 =	vld.idx.msk [tilespmem:v3+s14+$0x0], $0xffff  }
0x17e: {  	v3 =	vadd.s32 $0x270, v4;
	_ =	sdelay $0x3  }
0x17f: {  	[tilespmem:v2+s24+$0x0] =	vst.idx.msk $0xffff, v1  }
0x180: {  	v2 =	vor.u32 $0x50C, v0;
	v1 =	vld.idx.msk [tilespmem:v3+s14+$0x0], $0xffff  }
0x181: {  	v3 =	vadd.s32 $0x271, v4;
	_ =	sdelay $0x3  }
0x182: {  	[tilespmem:v2+s24+$0x0] =	vst.idx.msk $0xffff, v1  }
0x183: {  	v2 =	vor.u32 $0x50D, v0;
	v1 =	vld.idx.msk [tilespmem:v3+s14+$0x0], $0xffff  }
0x184: {  	v3 =	vadd.s32 $0x272, v4;
	_ =	sdelay $0x3  }
0x185: {  	[tilespmem:v2+s24+$0x0] =	vst.idx.msk $0xffff, v1  }
0x186: {  	v2 =	vor.u32 $0x50E, v0;
	v1 =	vld.idx.msk [tilespmem:v3+s14+$0x0], $0xffff  }
0x187: {  	v3 =	vadd.s32 $0x273, v4;
	_ =	sdelay $0x3  }
0x188: {  	[tilespmem:v2+s24+$0x0] =	vst.idx.msk $0xffff, v1  }
0x189: {  	v2 =	vor.u32 $0x50F, v0;
	v1 =	vld.idx.msk [tilespmem:v3+s14+$0x0], $0xffff;
	_ =	sdelay $0x4  }
0x18a: {  	[tilespmem:v2+s24+$0x0] =	vst.idx.msk $0xffff, v1  }
0x18b: {  	v1 =	vld [tilespmem:$0x260];
	_ =	sdelay $0x4  }
0x18c: {  	v1 =	vmul.u32 $0x6, v1;
	_ =	sdelay $0x1  }
0x18d: {  	v2 =	vadd.s32 $0x6, v1;
	_ =	sdelay $0x4  }
0x18e: {  	v3 =	vor.u32 $0x600, v0;
	v2 =	vld.idx.msk [tilespmem:v2+s14+$0x0], $0xffff  }
0x18f: {  	v4 =	vadd.s32 $0x7, v1;
	_ =	sdelay $0x3  }
0x190: {  	v5 =	vld [tilespmem:$0x460];
	[tilespmem:v3+s24+$0x0] =	vst.idx.msk $0xffff, v2  }
0x191: {  	v3 =	vor.u32 $0x601, v0;
	v2 =	vld.idx.msk [tilespmem:v4+s14+$0x0], $0xffff  }
0x192: {  	v4 =	vadd.s32 $0x8, v1;
	_ =	sdelay $0x3  }
0x193: {  	[tilespmem:v3+s24+$0x0] =	vst.idx.msk $0xffff, v2  }
0x194: {  	v3 =	vor.u32 $0x602, v0;
	v2 =	vld.idx.msk [tilespmem:v4+s14+$0x0], $0xffff  }
0x195: {  	v4 =	vadd.s32 $0x9, v1;
	_ =	sdelay $0x3  }
0x196: {  	[tilespmem:v3+s24+$0x0] =	vst.idx.msk $0xffff, v2  }
0x197: {  	v3 =	vor.u32 $0x603, v0;
	v2 =	vld.idx.msk [tilespmem:v4+s14+$0x0], $0xffff  }
0x198: {  	v4 =	vadd.s32 $0xA, v1;
	_ =	sdelay $0x3  }
0x199: {  	[tilespmem:v3+s24+$0x0] =	vst.idx.msk $0xffff, v2  }
0x19a: {  	v3 =	vor.u32 $0x604, v0;
	v2 =	vld.idx.msk [tilespmem:v4+s14+$0x0], $0xffff  }
0x19b: {  	v1 =	vadd.s32 $0xB, v1;
	_ =	sdelay $0x3  }
0x19c: {  	v4 =	vmul.u32 $0xA, v5;
	[tilespmem:v3+s24+$0x0] =	vst.idx.msk $0xffff, v2  }
0x19d: {  	v2 =	vor.u32 $0x605, v0;
	v1 =	vld.idx.msk [tilespmem:v1+s14+$0x0], $0xffff  }
0x19e: {  	v3 =	vadd.s32 $0x26A, v4;
	_ =	sdelay $0x3  }
0x19f: {  	[tilespmem:v2+s24+$0x0] =	vst.idx.msk $0xffff, v1  }
0x1a0: {  	v2 =	vor.u32 $0x606, v0;
	v1 =	vld.idx.msk [tilespmem:v3+s14+$0x0], $0xffff  }
0x1a1: {  	v3 =	vadd.s32 $0x26B, v4;
	_ =	sdelay $0x3  }
0x1a2: {  	[tilespmem:v2+s24+$0x0] =	vst.idx.msk $0xffff, v1  }
0x1a3: {  	v2 =	vor.u32 $0x607, v0;
	v1 =	vld.idx.msk [tilespmem:v3+s14+$0x0], $0xffff  }
0x1a4: {  	v3 =	vadd.s32 $0x26C, v4;
	_ =	sdelay $0x3  }
0x1a5: {  	[tilespmem:v2+s24+$0x0] =	vst.idx.msk $0xffff, v1  }
0x1a6: {  	v2 =	vor.u32 $0x608, v0;
	v1 =	vld.idx.msk [tilespmem:v3+s14+$0x0], $0xffff  }
0x1a7: {  	v3 =	vadd.s32 $0x26D, v4;
	_ =	sdelay $0x3  }
0x1a8: {  	[tilespmem:v2+s24+$0x0] =	vst.idx.msk $0xffff, v1  }
0x1a9: {  	v2 =	vor.u32 $0x609, v0;
	v1 =	vld.idx.msk [tilespmem:v3+s14+$0x0], $0xffff  }
0x1aa: {  	v3 =	vadd.s32 $0x26E, v4;
	_ =	sdelay $0x3  }
0x1ab: {  	[tilespmem:v2+s24+$0x0] =	vst.idx.msk $0xffff, v1  }
0x1ac: {  	v2 =	vor.u32 $0x60A, v0;
	v1 =	vld.idx.msk [tilespmem:v3+s14+$0x0], $0xffff  }
0x1ad: {  	v3 =	vadd.s32 $0x26F, v4;
	_ =	sdelay $0x3  }
0x1ae: {  	[tilespmem:v2+s24+$0x0] =	vst.idx.msk $0xffff, v1  }
0x1af: {  	v2 =	vor.u32 $0x60B, v0;
	v1 =	vld.idx.msk [tilespmem:v3+s14+$0x0], $0xffff  }
0x1b0: {  	v3 =	vadd.s32 $0x270, v4;
	_ =	sdelay $0x3  }
0x1b1: {  	[tilespmem:v2+s24+$0x0] =	vst.idx.msk $0xffff, v1  }
0x1b2: {  	v2 =	vor.u32 $0x60C, v0;
	v1 =	vld.idx.msk [tilespmem:v3+s14+$0x0], $0xffff  }
0x1b3: {  	v3 =	vadd.s32 $0x271, v4;
	_ =	sdelay $0x3  }
0x1b4: {  	[tilespmem:v2+s24+$0x0] =	vst.idx.msk $0xffff, v1  }
0x1b5: {  	v2 =	vor.u32 $0x60D, v0;
	v1 =	vld.idx.msk [tilespmem:v3+s14+$0x0], $0xffff  }
0x1b6: {  	v3 =	vadd.s32 $0x272, v4;
	_ =	sdelay $0x3  }
0x1b7: {  	[tilespmem:v2+s24+$0x0] =	vst.idx.msk $0xffff, v1  }
0x1b8: {  	v2 =	vor.u32 $0x60E, v0;
	v1 =	vld.idx.msk [tilespmem:v3+s14+$0x0], $0xffff  }
0x1b9: {  	v3 =	vadd.s32 $0x273, v4;
	_ =	sdelay $0x3  }
0x1ba: {  	[tilespmem:v2+s24+$0x0] =	vst.idx.msk $0xffff, v1  }
0x1bb: {  	v2 =	vor.u32 $0x60F, v0;
	v1 =	vld.idx.msk [tilespmem:v3+s14+$0x0], $0xffff;
	_ =	sdelay $0x4  }
0x1bc: {  	[tilespmem:v2+s24+$0x0] =	vst.idx.msk $0xffff, v1  }
0x1bd: {  	v1 =	vld [tilespmem:$0x270];
	_ =	sdelay $0x4  }
0x1be: {  	v1 =	vmul.u32 $0x6, v1;
	_ =	sdelay $0x1  }
0x1bf: {  	v2 =	vadd.s32 $0x6, v1;
	_ =	sdelay $0x4  }
0x1c0: {  	v3 =	vor.u32 $0x700, v0;
	v2 =	vld.idx.msk [tilespmem:v2+s14+$0x0], $0xffff  }
0x1c1: {  	v4 =	vadd.s32 $0x7, v1;
	_ =	sdelay $0x3  }
0x1c2: {  	v5 =	vld [tilespmem:$0x470];
	[tilespmem:v3+s24+$0x0] =	vst.idx.msk $0xffff, v2  }
0x1c3: {  	v3 =	vor.u32 $0x701, v0;
	v2 =	vld.idx.msk [tilespmem:v4+s14+$0x0], $0xffff  }
0x1c4: {  	v4 =	vadd.s32 $0x8, v1;
	_ =	sdelay $0x3  }
0x1c5: {  	[tilespmem:v3+s24+$0x0] =	vst.idx.msk $0xffff, v2  }
0x1c6: {  	v3 =	vor.u32 $0x702, v0;
	v2 =	vld.idx.msk [tilespmem:v4+s14+$0x0], $0xffff  }
0x1c7: {  	v4 =	vadd.s32 $0x9, v1;
	_ =	sdelay $0x3  }
0x1c8: {  	[tilespmem:v3+s24+$0x0] =	vst.idx.msk $0xffff, v2  }
0x1c9: {  	v3 =	vor.u32 $0x703, v0;
	v2 =	vld.idx.msk [tilespmem:v4+s14+$0x0], $0xffff  }
0x1ca: {  	v4 =	vadd.s32 $0xA, v1;
	_ =	sdelay $0x3  }
0x1cb: {  	[tilespmem:v3+s24+$0x0] =	vst.idx.msk $0xffff, v2  }
0x1cc: {  	v3 =	vor.u32 $0x704, v0;
	v2 =	vld.idx.msk [tilespmem:v4+s14+$0x0], $0xffff  }
0x1cd: {  	v1 =	vadd.s32 $0xB, v1;
	_ =	sdelay $0x3  }
0x1ce: {  	v4 =	vmul.u32 $0xA, v5;
	[tilespmem:v3+s24+$0x0] =	vst.idx.msk $0xffff, v2  }
0x1cf: {  	v2 =	vor.u32 $0x705, v0;
	v1 =	vld.idx.msk [tilespmem:v1+s14+$0x0], $0xffff  }
0x1d0: {  	v3 =	vadd.s32 $0x26A, v4;
	_ =	sdelay $0x3  }
0x1d1: {  	[tilespmem:v2+s24+$0x0] =	vst.idx.msk $0xffff, v1  }
0x1d2: {  	v2 =	vor.u32 $0x706, v0;
	v1 =	vld.idx.msk [tilespmem:v3+s14+$0x0], $0xffff  }
0x1d3: {  	v3 =	vadd.s32 $0x26B, v4;
	_ =	sdelay $0x3  }
0x1d4: {  	[tilespmem:v2+s24+$0x0] =	vst.idx.msk $0xffff, v1  }
0x1d5: {  	v2 =	vor.u32 $0x707, v0;
	v1 =	vld.idx.msk [tilespmem:v3+s14+$0x0], $0xffff  }
0x1d6: {  	v3 =	vadd.s32 $0x26C, v4;
	_ =	sdelay $0x3  }
0x1d7: {  	[tilespmem:v2+s24+$0x0] =	vst.idx.msk $0xffff, v1  }
0x1d8: {  	v2 =	vor.u32 $0x708, v0;
	v1 =	vld.idx.msk [tilespmem:v3+s14+$0x0], $0xffff  }
0x1d9: {  	v3 =	vadd.s32 $0x26D, v4;
	_ =	sdelay $0x3  }
0x1da: {  	[tilespmem:v2+s24+$0x0] =	vst.idx.msk $0xffff, v1  }
0x1db: {  	v2 =	vor.u32 $0x709, v0;
	v1 =	vld.idx.msk [tilespmem:v3+s14+$0x0], $0xffff  }
0x1dc: {  	v3 =	vadd.s32 $0x26E, v4;
	_ =	sdelay $0x3  }
0x1dd: {  	[tilespmem:v2+s24+$0x0] =	vst.idx.msk $0xffff, v1  }
0x1de: {  	v2 =	vor.u32 $0x70A, v0;
	v1 =	vld.idx.msk [tilespmem:v3+s14+$0x0], $0xffff  }
0x1df: {  	v3 =	vadd.s32 $0x26F, v4;
	_ =	sdelay $0x3  }
0x1e0: {  	[tilespmem:v2+s24+$0x0] =	vst.idx.msk $0xffff, v1  }
0x1e1: {  	v2 =	vor.u32 $0x70B, v0;
	v1 =	vld.idx.msk [tilespmem:v3+s14+$0x0], $0xffff  }
0x1e2: {  	v3 =	vadd.s32 $0x270, v4;
	_ =	sdelay $0x3  }
0x1e3: {  	[tilespmem:v2+s24+$0x0] =	vst.idx.msk $0xffff, v1  }
0x1e4: {  	v2 =	vor.u32 $0x70C, v0;
	v1 =	vld.idx.msk [tilespmem:v3+s14+$0x0], $0xffff  }
0x1e5: {  	v3 =	vadd.s32 $0x271, v4;
	_ =	sdelay $0x3  }
0x1e6: {  	[tilespmem:v2+s24+$0x0] =	vst.idx.msk $0xffff, v1  }
0x1e7: {  	v2 =	vor.u32 $0x70D, v0;
	v1 =	vld.idx.msk [tilespmem:v3+s14+$0x0], $0xffff  }
0x1e8: {  	v3 =	vadd.s32 $0x272, v4;
	_ =	sdelay $0x3  }
0x1e9: {  	[tilespmem:v2+s24+$0x0] =	vst.idx.msk $0xffff, v1  }
0x1ea: {  	v2 =	vor.u32 $0x70E, v0;
	v1 =	vld.idx.msk [tilespmem:v3+s14+$0x0], $0xffff  }
0x1eb: {  	v3 =	vadd.s32 $0x273, v4;
	_ =	sdelay $0x3  }
0x1ec: {  	[tilespmem:v2+s24+$0x0] =	vst.idx.msk $0xffff, v1  }
0x1ed: {  	v2 =	vor.u32 $0x70F, v0;
	v1 =	vld.idx.msk [tilespmem:v3+s14+$0x0], $0xffff;
	_ =	sdelay $0x4  }
0x1ee: {  	[tilespmem:v2+s24+$0x0] =	vst.idx.msk $0xffff, v1  }
0x1ef: {  	v1 =	vld [tilespmem:$0x280];
	_ =	sdelay $0x4  }
0x1f0: {  	v1 =	vmul.u32 $0x6, v1;
	_ =	sdelay $0x1  }
0x1f1: {  	v2 =	vadd.s32 $0x6, v1;
	_ =	sdelay $0x4  }
0x1f2: {  	v3 =	vor.u32 $0x800, v0;
	v2 =	vld.idx.msk [tilespmem:v2+s14+$0x0], $0xffff  }
0x1f3: {  	v4 =	vadd.s32 $0x7, v1;
	_ =	sdelay $0x3  }
0x1f4: {  	v5 =	vld [tilespmem:$0x480];
	[tilespmem:v3+s24+$0x0] =	vst.idx.msk $0xffff, v2  }
0x1f5: {  	v3 =	vor.u32 $0x801, v0;
	v2 =	vld.idx.msk [tilespmem:v4+s14+$0x0], $0xffff  }
0x1f6: {  	v4 =	vadd.s32 $0x8, v1;
	_ =	sdelay $0x3  }
0x1f7: {  	[tilespmem:v3+s24+$0x0] =	vst.idx.msk $0xffff, v2  }
0x1f8: {  	v3 =	vor.u32 $0x802, v0;
	v2 =	vld.idx.msk [tilespmem:v4+s14+$0x0], $0xffff  }
0x1f9: {  	v4 =	vadd.s32 $0x9, v1;
	_ =	sdelay $0x3  }
0x1fa: {  	[tilespmem:v3+s24+$0x0] =	vst.idx.msk $0xffff, v2  }
0x1fb: {  	v3 =	vor.u32 $0x803, v0;
	v2 =	vld.idx.msk [tilespmem:v4+s14+$0x0], $0xffff  }
0x1fc: {  	v4 =	vadd.s32 $0xA, v1;
	_ =	sdelay $0x3  }
0x1fd: {  	[tilespmem:v3+s24+$0x0] =	vst.idx.msk $0xffff, v2  }
0x1fe: {  	v3 =	vor.u32 $0x804, v0;
	v2 =	vld.idx.msk [tilespmem:v4+s14+$0x0], $0xffff  }
0x1ff: {  	v1 =	vadd.s32 $0xB, v1;
	_ =	sdelay $0x3  }
0x200: {  	v4 =	vmul.u32 $0xA, v5;
	[tilespmem:v3+s24+$0x0] =	vst.idx.msk $0xffff, v2  }
0x201: {  	v2 =	vor.u32 $0x805, v0;
	v1 =	vld.idx.msk [tilespmem:v1+s14+$0x0], $0xffff  }
0x202: {  	v3 =	vadd.s32 $0x26A, v4;
	_ =	sdelay $0x3  }
0x203: {  	[tilespmem:v2+s24+$0x0] =	vst.idx.msk $0xffff, v1  }
0x204: {  	v2 =	vor.u32 $0x806, v0;
	v1 =	vld.idx.msk [tilespmem:v3+s14+$0x0], $0xffff  }
0x205: {  	v3 =	vadd.s32 $0x26B, v4;
	_ =	sdelay $0x3  }
0x206: {  	[tilespmem:v2+s24+$0x0] =	vst.idx.msk $0xffff, v1  }
0x207: {  	v2 =	vor.u32 $0x807, v0;
	v1 =	vld.idx.msk [tilespmem:v3+s14+$0x0], $0xffff  }
0x208: {  	v3 =	vadd.s32 $0x26C, v4;
	_ =	sdelay $0x3  }
0x209: {  	[tilespmem:v2+s24+$0x0] =	vst.idx.msk $0xffff, v1  }
0x20a: {  	v2 =	vor.u32 $0x808, v0;
	v1 =	vld.idx.msk [tilespmem:v3+s14+$0x0], $0xffff  }
0x20b: {  	v3 =	vadd.s32 $0x26D, v4;
	_ =	sdelay $0x3  }
0x20c: {  	[tilespmem:v2+s24+$0x0] =	vst.idx.msk $0xffff, v1  }
0x20d: {  	v2 =	vor.u32 $0x809, v0;
	v1 =	vld.idx.msk [tilespmem:v3+s14+$0x0], $0xffff  }
0x20e: {  	v3 =	vadd.s32 $0x26E, v4;
	_ =	sdelay $0x3  }
0x20f: {  	[tilespmem:v2+s24+$0x0] =	vst.idx.msk $0xffff, v1  }
0x210: {  	v2 =	vor.u32 $0x80A, v0;
	v1 =	vld.idx.msk [tilespmem:v3+s14+$0x0], $0xffff  }
0x211: {  	v3 =	vadd.s32 $0x26F, v4;
	_ =	sdelay $0x3  }
0x212: {  	[tilespmem:v2+s24+$0x0] =	vst.idx.msk $0xffff, v1  }
0x213: {  	v2 =	vor.u32 $0x80B, v0;
	v1 =	vld.idx.msk [tilespmem:v3+s14+$0x0], $0xffff  }
0x214: {  	v3 =	vadd.s32 $0x270, v4;
	_ =	sdelay $0x3  }
0x215: {  	[tilespmem:v2+s24+$0x0] =	vst.idx.msk $0xffff, v1  }
0x216: {  	v2 =	vor.u32 $0x80C, v0;
	v1 =	vld.idx.msk [tilespmem:v3+s14+$0x0], $0xffff  }
0x217: {  	v3 =	vadd.s32 $0x271, v4;
	_ =	sdelay $0x3  }
0x218: {  	[tilespmem:v2+s24+$0x0] =	vst.idx.msk $0xffff, v1  }
0x219: {  	v2 =	vor.u32 $0x80D, v0;
	v1 =	vld.idx.msk [tilespmem:v3+s14+$0x0], $0xffff  }
0x21a: {  	v3 =	vadd.s32 $0x272, v4;
	_ =	sdelay $0x3  }
0x21b: {  	[tilespmem:v2+s24+$0x0] =	vst.idx.msk $0xffff, v1  }
0x21c: {  	v2 =	vor.u32 $0x80E, v0;
	v1 =	vld.idx.msk [tilespmem:v3+s14+$0x0], $0xffff  }
0x21d: {  	v3 =	vadd.s32 $0x273, v4;
	_ =	sdelay $0x3  }
0x21e: {  	[tilespmem:v2+s24+$0x0] =	vst.idx.msk $0xffff, v1  }
0x21f: {  	v2 =	vor.u32 $0x80F, v0;
	v1 =	vld.idx.msk [tilespmem:v3+s14+$0x0], $0xffff;
	_ =	sdelay $0x4  }
0x220: {  	[tilespmem:v2+s24+$0x0] =	vst.idx.msk $0xffff, v1  }
0x221: {  	v1 =	vld [tilespmem:$0x290];
	_ =	sdelay $0x4  }
0x222: {  	v1 =	vmul.u32 $0x6, v1;
	_ =	sdelay $0x1  }
0x223: {  	v2 =	vadd.s32 $0x6, v1;
	_ =	sdelay $0x4  }
0x224: {  	v3 =	vor.u32 $0x900, v0;
	v2 =	vld.idx.msk [tilespmem:v2+s14+$0x0], $0xffff  }
0x225: {  	v4 =	vadd.s32 $0x7, v1;
	_ =	sdelay $0x3  }
0x226: {  	v5 =	vld [tilespmem:$0x490];
	[tilespmem:v3+s24+$0x0] =	vst.idx.msk $0xffff, v2  }
0x227: {  	v3 =	vor.u32 $0x901, v0;
	v2 =	vld.idx.msk [tilespmem:v4+s14+$0x0], $0xffff  }
0x228: {  	v4 =	vadd.s32 $0x8, v1;
	_ =	sdelay $0x3  }
0x229: {  	[tilespmem:v3+s24+$0x0] =	vst.idx.msk $0xffff, v2  }
0x22a: {  	v3 =	vor.u32 $0x902, v0;
	v2 =	vld.idx.msk [tilespmem:v4+s14+$0x0], $0xffff  }
0x22b: {  	v4 =	vadd.s32 $0x9, v1;
	_ =	sdelay $0x3  }
0x22c: {  	[tilespmem:v3+s24+$0x0] =	vst.idx.msk $0xffff, v2  }
0x22d: {  	v3 =	vor.u32 $0x903, v0;
	v2 =	vld.idx.msk [tilespmem:v4+s14+$0x0], $0xffff  }
0x22e: {  	v4 =	vadd.s32 $0xA, v1;
	_ =	sdelay $0x3  }
0x22f: {  	[tilespmem:v3+s24+$0x0] =	vst.idx.msk $0xffff, v2  }
0x230: {  	v3 =	vor.u32 $0x904, v0;
	v2 =	vld.idx.msk [tilespmem:v4+s14+$0x0], $0xffff  }
0x231: {  	v1 =	vadd.s32 $0xB, v1;
	_ =	sdelay $0x3  }
0x232: {  	v4 =	vmul.u32 $0xA, v5;
	[tilespmem:v3+s24+$0x0] =	vst.idx.msk $0xffff, v2  }
0x233: {  	v2 =	vor.u32 $0x905, v0;
	v1 =	vld.idx.msk [tilespmem:v1+s14+$0x0], $0xffff  }
0x234: {  	v3 =	vadd.s32 $0x26A, v4;
	_ =	sdelay $0x3  }
0x235: {  	[tilespmem:v2+s24+$0x0] =	vst.idx.msk $0xffff, v1  }
0x236: {  	v2 =	vor.u32 $0x906, v0;
	v1 =	vld.idx.msk [tilespmem:v3+s14+$0x0], $0xffff  }
0x237: {  	v3 =	vadd.s32 $0x26B, v4;
	_ =	sdelay $0x3  }
0x238: {  	[tilespmem:v2+s24+$0x0] =	vst.idx.msk $0xffff, v1  }
0x239: {  	v2 =	vor.u32 $0x907, v0;
	v1 =	vld.idx.msk [tilespmem:v3+s14+$0x0], $0xffff  }
0x23a: {  	v3 =	vadd.s32 $0x26C, v4;
	_ =	sdelay $0x3  }
0x23b: {  	[tilespmem:v2+s24+$0x0] =	vst.idx.msk $0xffff, v1  }
0x23c: {  	v2 =	vor.u32 $0x908, v0;
	v1 =	vld.idx.msk [tilespmem:v3+s14+$0x0], $0xffff  }
0x23d: {  	v3 =	vadd.s32 $0x26D, v4;
	_ =	sdelay $0x3  }
0x23e: {  	[tilespmem:v2+s24+$0x0] =	vst.idx.msk $0xffff, v1  }
0x23f: {  	v2 =	vor.u32 $0x909, v0;
	v1 =	vld.idx.msk [tilespmem:v3+s14+$0x0], $0xffff  }
0x240: {  	v3 =	vadd.s32 $0x26E, v4;
	_ =	sdelay $0x3  }
0x241: {  	[tilespmem:v2+s24+$0x0] =	vst.idx.msk $0xffff, v1  }
0x242: {  	v2 =	vor.u32 $0x90A, v0;
	v1 =	vld.idx.msk [tilespmem:v3+s14+$0x0], $0xffff  }
0x243: {  	v3 =	vadd.s32 $0x26F, v4;
	_ =	sdelay $0x3  }
0x244: {  	[tilespmem:v2+s24+$0x0] =	vst.idx.msk $0xffff, v1  }
0x245: {  	v2 =	vor.u32 $0x90B, v0;
	v1 =	vld.idx.msk [tilespmem:v3+s14+$0x0], $0xffff  }
0x246: {  	v3 =	vadd.s32 $0x270, v4;
	_ =	sdelay $0x3  }
0x247: {  	[tilespmem:v2+s24+$0x0] =	vst.idx.msk $0xffff, v1  }
0x248: {  	v2 =	vor.u32 $0x90C, v0;
	v1 =	vld.idx.msk [tilespmem:v3+s14+$0x0], $0xffff  }
0x249: {  	v3 =	vadd.s32 $0x271, v4;
	_ =	sdelay $0x3  }
0x24a: {  	[tilespmem:v2+s24+$0x0] =	vst.idx.msk $0xffff, v1  }
0x24b: {  	v2 =	vor.u32 $0x90D, v0;
	v1 =	vld.idx.msk [tilespmem:v3+s14+$0x0], $0xffff  }
0x24c: {  	v3 =	vadd.s32 $0x272, v4;
	_ =	sdelay $0x3  }
0x24d: {  	[tilespmem:v2+s24+$0x0] =	vst.idx.msk $0xffff, v1  }
0x24e: {  	v2 =	vor.u32 $0x90E, v0;
	v1 =	vld.idx.msk [tilespmem:v3+s14+$0x0], $0xffff  }
0x24f: {  	v3 =	vadd.s32 $0x273, v4;
	_ =	sdelay $0x3  }
0x250: {  	[tilespmem:v2+s24+$0x0] =	vst.idx.msk $0xffff, v1  }
0x251: {  	v2 =	vor.u32 $0x90F, v0;
	v1 =	vld.idx.msk [tilespmem:v3+s14+$0x0], $0xffff;
	_ =	sdelay $0x4  }
0x252: {  	[tilespmem:v2+s24+$0x0] =	vst.idx.msk $0xffff, v1  }
0x253: {  	v1 =	vld [tilespmem:$0x2A0];
	_ =	sdelay $0x4  }
0x254: {  	v1 =	vmul.u32 $0x6, v1;
	_ =	sdelay $0x1  }
0x255: {  	v2 =	vadd.s32 $0x6, v1;
	_ =	sdelay $0x4  }
0x256: {  	v3 =	vor.u32 $0xA00, v0;
	v2 =	vld.idx.msk [tilespmem:v2+s14+$0x0], $0xffff  }
0x257: {  	v4 =	vadd.s32 $0x7, v1;
	_ =	sdelay $0x3  }
0x258: {  	v5 =	vld [tilespmem:$0x4A0];
	[tilespmem:v3+s24+$0x0] =	vst.idx.msk $0xffff, v2  }
0x259: {  	v3 =	vor.u32 $0xA01, v0;
	v2 =	vld.idx.msk [tilespmem:v4+s14+$0x0], $0xffff  }
0x25a: {  	v4 =	vadd.s32 $0x8, v1;
	_ =	sdelay $0x3  }
0x25b: {  	[tilespmem:v3+s24+$0x0] =	vst.idx.msk $0xffff, v2  }
0x25c: {  	v3 =	vor.u32 $0xA02, v0;
	v2 =	vld.idx.msk [tilespmem:v4+s14+$0x0], $0xffff  }
0x25d: {  	v4 =	vadd.s32 $0x9, v1;
	_ =	sdelay $0x3  }
0x25e: {  	[tilespmem:v3+s24+$0x0] =	vst.idx.msk $0xffff, v2  }
0x25f: {  	v3 =	vor.u32 $0xA03, v0;
	v2 =	vld.idx.msk [tilespmem:v4+s14+$0x0], $0xffff  }
0x260: {  	v4 =	vadd.s32 $0xA, v1;
	_ =	sdelay $0x3  }
0x261: {  	[tilespmem:v3+s24+$0x0] =	vst.idx.msk $0xffff, v2  }
0x262: {  	v3 =	vor.u32 $0xA04, v0;
	v2 =	vld.idx.msk [tilespmem:v4+s14+$0x0], $0xffff  }
0x263: {  	v1 =	vadd.s32 $0xB, v1;
	_ =	sdelay $0x3  }
0x264: {  	v4 =	vmul.u32 $0xA, v5;
	[tilespmem:v3+s24+$0x0] =	vst.idx.msk $0xffff, v2  }
0x265: {  	v2 =	vor.u32 $0xA05, v0;
	v1 =	vld.idx.msk [tilespmem:v1+s14+$0x0], $0xffff  }
0x266: {  	v3 =	vadd.s32 $0x26A, v4;
	_ =	sdelay $0x3  }
0x267: {  	[tilespmem:v2+s24+$0x0] =	vst.idx.msk $0xffff, v1  }
0x268: {  	v2 =	vor.u32 $0xA06, v0;
	v1 =	vld.idx.msk [tilespmem:v3+s14+$0x0], $0xffff  }
0x269: {  	v3 =	vadd.s32 $0x26B, v4;
	_ =	sdelay $0x3  }
0x26a: {  	[tilespmem:v2+s24+$0x0] =	vst.idx.msk $0xffff, v1  }
0x26b: {  	v2 =	vor.u32 $0xA07, v0;
	v1 =	vld.idx.msk [tilespmem:v3+s14+$0x0], $0xffff  }
0x26c: {  	v3 =	vadd.s32 $0x26C, v4;
	_ =	sdelay $0x3  }
0x26d: {  	[tilespmem:v2+s24+$0x0] =	vst.idx.msk $0xffff, v1  }
0x26e: {  	v2 =	vor.u32 $0xA08, v0;
	v1 =	vld.idx.msk [tilespmem:v3+s14+$0x0], $0xffff  }
0x26f: {  	v3 =	vadd.s32 $0x26D, v4;
	_ =	sdelay $0x3  }
0x270: {  	[tilespmem:v2+s24+$0x0] =	vst.idx.msk $0xffff, v1  }
0x271: {  	v2 =	vor.u32 $0xA09, v0;
	v1 =	vld.idx.msk [tilespmem:v3+s14+$0x0], $0xffff  }
0x272: {  	v3 =	vadd.s32 $0x26E, v4;
	_ =	sdelay $0x3  }
0x273: {  	[tilespmem:v2+s24+$0x0] =	vst.idx.msk $0xffff, v1  }
0x274: {  	v2 =	vor.u32 $0xA0A, v0;
	v1 =	vld.idx.msk [tilespmem:v3+s14+$0x0], $0xffff  }
0x275: {  	v3 =	vadd.s32 $0x26F, v4;
	_ =	sdelay $0x3  }
0x276: {  	[tilespmem:v2+s24+$0x0] =	vst.idx.msk $0xffff, v1  }
0x277: {  	v2 =	vor.u32 $0xA0B, v0;
	v1 =	vld.idx.msk [tilespmem:v3+s14+$0x0], $0xffff  }
0x278: {  	v3 =	vadd.s32 $0x270, v4;
	_ =	sdelay $0x3  }
0x279: {  	[tilespmem:v2+s24+$0x0] =	vst.idx.msk $0xffff, v1  }
0x27a: {  	v2 =	vor.u32 $0xA0C, v0;
	v1 =	vld.idx.msk [tilespmem:v3+s14+$0x0], $0xffff  }
0x27b: {  	v3 =	vadd.s32 $0x271, v4;
	_ =	sdelay $0x3  }
0x27c: {  	[tilespmem:v2+s24+$0x0] =	vst.idx.msk $0xffff, v1  }
0x27d: {  	v2 =	vor.u32 $0xA0D, v0;
	v1 =	vld.idx.msk [tilespmem:v3+s14+$0x0], $0xffff  }
0x27e: {  	v3 =	vadd.s32 $0x272, v4;
	_ =	sdelay $0x3  }
0x27f: {  	[tilespmem:v2+s24+$0x0] =	vst.idx.msk $0xffff, v1  }
0x280: {  	v2 =	vor.u32 $0xA0E, v0;
	v1 =	vld.idx.msk [tilespmem:v3+s14+$0x0], $0xffff  }
0x281: {  	v3 =	vadd.s32 $0x273, v4;
	_ =	sdelay $0x3  }
0x282: {  	[tilespmem:v2+s24+$0x0] =	vst.idx.msk $0xffff, v1  }
0x283: {  	v2 =	vor.u32 $0xA0F, v0;
	v1 =	vld.idx.msk [tilespmem:v3+s14+$0x0], $0xffff;
	_ =	sdelay $0x4  }
0x284: {  	[tilespmem:v2+s24+$0x0] =	vst.idx.msk $0xffff, v1  }
0x285: {  	v1 =	vld [tilespmem:$0x2B0];
	_ =	sdelay $0x4  }
0x286: {  	v1 =	vmul.u32 $0x6, v1;
	_ =	sdelay $0x1  }
0x287: {  	v2 =	vadd.s32 $0x6, v1;
	_ =	sdelay $0x4  }
0x288: {  	v3 =	vor.u32 $0xB00, v0;
	v2 =	vld.idx.msk [tilespmem:v2+s14+$0x0], $0xffff  }
0x289: {  	v4 =	vadd.s32 $0x7, v1;
	_ =	sdelay $0x3  }
0x28a: {  	v5 =	vld [tilespmem:$0x4B0];
	[tilespmem:v3+s24+$0x0] =	vst.idx.msk $0xffff, v2  }
0x28b: {  	v3 =	vor.u32 $0xB01, v0;
	v2 =	vld.idx.msk [tilespmem:v4+s14+$0x0], $0xffff  }
0x28c: {  	v4 =	vadd.s32 $0x8, v1;
	_ =	sdelay $0x3  }
0x28d: {  	[tilespmem:v3+s24+$0x0] =	vst.idx.msk $0xffff, v2  }
0x28e: {  	v3 =	vor.u32 $0xB02, v0;
	v2 =	vld.idx.msk [tilespmem:v4+s14+$0x0], $0xffff  }
0x28f: {  	v4 =	vadd.s32 $0x9, v1;
	_ =	sdelay $0x3  }
0x290: {  	[tilespmem:v3+s24+$0x0] =	vst.idx.msk $0xffff, v2  }
0x291: {  	v3 =	vor.u32 $0xB03, v0;
	v2 =	vld.idx.msk [tilespmem:v4+s14+$0x0], $0xffff  }
0x292: {  	v4 =	vadd.s32 $0xA, v1;
	_ =	sdelay $0x3  }
0x293: {  	[tilespmem:v3+s24+$0x0] =	vst.idx.msk $0xffff, v2  }
0x294: {  	v3 =	vor.u32 $0xB04, v0;
	v2 =	vld.idx.msk [tilespmem:v4+s14+$0x0], $0xffff  }
0x295: {  	v1 =	vadd.s32 $0xB, v1;
	_ =	sdelay $0x3  }
0x296: {  	v4 =	vmul.u32 $0xA, v5;
	[tilespmem:v3+s24+$0x0] =	vst.idx.msk $0xffff, v2  }
0x297: {  	v2 =	vor.u32 $0xB05, v0;
	v1 =	vld.idx.msk [tilespmem:v1+s14+$0x0], $0xffff  }
0x298: {  	v3 =	vadd.s32 $0x26A, v4;
	_ =	sdelay $0x3  }
0x299: {  	[tilespmem:v2+s24+$0x0] =	vst.idx.msk $0xffff, v1  }
0x29a: {  	v2 =	vor.u32 $0xB06, v0;
	v1 =	vld.idx.msk [tilespmem:v3+s14+$0x0], $0xffff  }
0x29b: {  	v3 =	vadd.s32 $0x26B, v4;
	_ =	sdelay $0x3  }
0x29c: {  	[tilespmem:v2+s24+$0x0] =	vst.idx.msk $0xffff, v1  }
0x29d: {  	v2 =	vor.u32 $0xB07, v0;
	v1 =	vld.idx.msk [tilespmem:v3+s14+$0x0], $0xffff  }
0x29e: {  	v3 =	vadd.s32 $0x26C, v4;
	_ =	sdelay $0x3  }
0x29f: {  	[tilespmem:v2+s24+$0x0] =	vst.idx.msk $0xffff, v1  }
0x2a0: {  	v2 =	vor.u32 $0xB08, v0;
	v1 =	vld.idx.msk [tilespmem:v3+s14+$0x0], $0xffff  }
0x2a1: {  	v3 =	vadd.s32 $0x26D, v4;
	_ =	sdelay $0x3  }
0x2a2: {  	[tilespmem:v2+s24+$0x0] =	vst.idx.msk $0xffff, v1  }
0x2a3: {  	v2 =	vor.u32 $0xB09, v0;
	v1 =	vld.idx.msk [tilespmem:v3+s14+$0x0], $0xffff  }
0x2a4: {  	v3 =	vadd.s32 $0x26E, v4;
	_ =	sdelay $0x3  }
0x2a5: {  	[tilespmem:v2+s24+$0x0] =	vst.idx.msk $0xffff, v1  }
0x2a6: {  	v2 =	vor.u32 $0xB0A, v0;
	v1 =	vld.idx.msk [tilespmem:v3+s14+$0x0], $0xffff  }
0x2a7: {  	v3 =	vadd.s32 $0x26F, v4;
	_ =	sdelay $0x3  }
0x2a8: {  	[tilespmem:v2+s24+$0x0] =	vst.idx.msk $0xffff, v1  }
0x2a9: {  	v2 =	vor.u32 $0xB0B, v0;
	v1 =	vld.idx.msk [tilespmem:v3+s14+$0x0], $0xffff  }
0x2aa: {  	v3 =	vadd.s32 $0x270, v4;
	_ =	sdelay $0x3  }
0x2ab: {  	[tilespmem:v2+s24+$0x0] =	vst.idx.msk $0xffff, v1  }
0x2ac: {  	v2 =	vor.u32 $0xB0C, v0;
	v1 =	vld.idx.msk [tilespmem:v3+s14+$0x0], $0xffff  }
0x2ad: {  	v3 =	vadd.s32 $0x271, v4;
	_ =	sdelay $0x3  }
0x2ae: {  	[tilespmem:v2+s24+$0x0] =	vst.idx.msk $0xffff, v1  }
0x2af: {  	v2 =	vor.u32 $0xB0D, v0;
	v1 =	vld.idx.msk [tilespmem:v3+s14+$0x0], $0xffff  }
0x2b0: {  	v3 =	vadd.s32 $0x272, v4;
	_ =	sdelay $0x3  }
0x2b1: {  	[tilespmem:v2+s24+$0x0] =	vst.idx.msk $0xffff, v1  }
0x2b2: {  	v2 =	vor.u32 $0xB0E, v0;
	v1 =	vld.idx.msk [tilespmem:v3+s14+$0x0], $0xffff  }
0x2b3: {  	v3 =	vadd.s32 $0x273, v4;
	_ =	sdelay $0x3  }
0x2b4: {  	[tilespmem:v2+s24+$0x0] =	vst.idx.msk $0xffff, v1  }
0x2b5: {  	v2 =	vor.u32 $0xB0F, v0;
	v1 =	vld.idx.msk [tilespmem:v3+s14+$0x0], $0xffff;
	_ =	sdelay $0x4  }
0x2b6: {  	[tilespmem:v2+s24+$0x0] =	vst.idx.msk $0xffff, v1  }
0x2b7: {  	v1 =	vld [tilespmem:$0x2C0];
	_ =	sdelay $0x4  }
0x2b8: {  	v1 =	vmul.u32 $0x6, v1;
	_ =	sdelay $0x1  }
0x2b9: {  	v2 =	vadd.s32 $0x6, v1;
	_ =	sdelay $0x4  }
0x2ba: {  	v3 =	vor.u32 $0xC00, v0;
	v2 =	vld.idx.msk [tilespmem:v2+s14+$0x0], $0xffff  }
0x2bb: {  	v4 =	vadd.s32 $0x7, v1;
	_ =	sdelay $0x3  }
0x2bc: {  	v5 =	vld [tilespmem:$0x4C0];
	[tilespmem:v3+s24+$0x0] =	vst.idx.msk $0xffff, v2  }
0x2bd: {  	v3 =	vor.u32 $0xC01, v0;
	v2 =	vld.idx.msk [tilespmem:v4+s14+$0x0], $0xffff  }
0x2be: {  	v4 =	vadd.s32 $0x8, v1;
	_ =	sdelay $0x3  }
0x2bf: {  	[tilespmem:v3+s24+$0x0] =	vst.idx.msk $0xffff, v2  }
0x2c0: {  	v3 =	vor.u32 $0xC02, v0;
	v2 =	vld.idx.msk [tilespmem:v4+s14+$0x0], $0xffff  }
0x2c1: {  	v4 =	vadd.s32 $0x9, v1;
	_ =	sdelay $0x3  }
0x2c2: {  	[tilespmem:v3+s24+$0x0] =	vst.idx.msk $0xffff, v2  }
0x2c3: {  	v3 =	vor.u32 $0xC03, v0;
	v2 =	vld.idx.msk [tilespmem:v4+s14+$0x0], $0xffff  }
0x2c4: {  	v4 =	vadd.s32 $0xA, v1;
	_ =	sdelay $0x3  }
0x2c5: {  	[tilespmem:v3+s24+$0x0] =	vst.idx.msk $0xffff, v2  }
0x2c6: {  	v3 =	vor.u32 $0xC04, v0;
	v2 =	vld.idx.msk [tilespmem:v4+s14+$0x0], $0xffff  }
0x2c7: {  	v1 =	vadd.s32 $0xB, v1;
	_ =	sdelay $0x3  }
0x2c8: {  	v4 =	vmul.u32 $0xA, v5;
	[tilespmem:v3+s24+$0x0] =	vst.idx.msk $0xffff, v2  }
0x2c9: {  	v2 =	vor.u32 $0xC05, v0;
	v1 =	vld.idx.msk [tilespmem:v1+s14+$0x0], $0xffff  }
0x2ca: {  	v3 =	vadd.s32 $0x26A, v4;
	_ =	sdelay $0x3  }
0x2cb: {  	[tilespmem:v2+s24+$0x0] =	vst.idx.msk $0xffff, v1  }
0x2cc: {  	v2 =	vor.u32 $0xC06, v0;
	v1 =	vld.idx.msk [tilespmem:v3+s14+$0x0], $0xffff  }
0x2cd: {  	v3 =	vadd.s32 $0x26B, v4;
	_ =	sdelay $0x3  }
0x2ce: {  	[tilespmem:v2+s24+$0x0] =	vst.idx.msk $0xffff, v1  }
0x2cf: {  	v2 =	vor.u32 $0xC07, v0;
	v1 =	vld.idx.msk [tilespmem:v3+s14+$0x0], $0xffff  }
0x2d0: {  	v3 =	vadd.s32 $0x26C, v4;
	_ =	sdelay $0x3  }
0x2d1: {  	[tilespmem:v2+s24+$0x0] =	vst.idx.msk $0xffff, v1  }
0x2d2: {  	v2 =	vor.u32 $0xC08, v0;
	v1 =	vld.idx.msk [tilespmem:v3+s14+$0x0], $0xffff  }
0x2d3: {  	v3 =	vadd.s32 $0x26D, v4;
	_ =	sdelay $0x3  }
0x2d4: {  	[tilespmem:v2+s24+$0x0] =	vst.idx.msk $0xffff, v1  }
0x2d5: {  	v2 =	vor.u32 $0xC09, v0;
	v1 =	vld.idx.msk [tilespmem:v3+s14+$0x0], $0xffff  }
0x2d6: {  	v3 =	vadd.s32 $0x26E, v4;
	_ =	sdelay $0x3  }
0x2d7: {  	[tilespmem:v2+s24+$0x0] =	vst.idx.msk $0xffff, v1  }
0x2d8: {  	v2 =	vor.u32 $0xC0A, v0;
	v1 =	vld.idx.msk [tilespmem:v3+s14+$0x0], $0xffff  }
0x2d9: {  	v3 =	vadd.s32 $0x26F, v4;
	_ =	sdelay $0x3  }
0x2da: {  	[tilespmem:v2+s24+$0x0] =	vst.idx.msk $0xffff, v1  }
0x2db: {  	v2 =	vor.u32 $0xC0B, v0;
	v1 =	vld.idx.msk [tilespmem:v3+s14+$0x0], $0xffff  }
0x2dc: {  	v3 =	vadd.s32 $0x270, v4;
	_ =	sdelay $0x3  }
0x2dd: {  	[tilespmem:v2+s24+$0x0] =	vst.idx.msk $0xffff, v1  }
0x2de: {  	v2 =	vor.u32 $0xC0C, v0;
	v1 =	vld.idx.msk [tilespmem:v3+s14+$0x0], $0xffff  }
0x2df: {  	v3 =	vadd.s32 $0x271, v4;
	_ =	sdelay $0x3  }
0x2e0: {  	[tilespmem:v2+s24+$0x0] =	vst.idx.msk $0xffff, v1  }
0x2e1: {  	v2 =	vor.u32 $0xC0D, v0;
	v1 =	vld.idx.msk [tilespmem:v3+s14+$0x0], $0xffff  }
0x2e2: {  	v3 =	vadd.s32 $0x272, v4;
	_ =	sdelay $0x3  }
0x2e3: {  	[tilespmem:v2+s24+$0x0] =	vst.idx.msk $0xffff, v1  }
0x2e4: {  	v2 =	vor.u32 $0xC0E, v0;
	v1 =	vld.idx.msk [tilespmem:v3+s14+$0x0], $0xffff  }
0x2e5: {  	v3 =	vadd.s32 $0x273, v4;
	_ =	sdelay $0x3  }
0x2e6: {  	[tilespmem:v2+s24+$0x0] =	vst.idx.msk $0xffff, v1  }
0x2e7: {  	v2 =	vor.u32 $0xC0F, v0;
	v1 =	vld.idx.msk [tilespmem:v3+s14+$0x0], $0xffff;
	_ =	sdelay $0x4  }
0x2e8: {  	[tilespmem:v2+s24+$0x0] =	vst.idx.msk $0xffff, v1  }
0x2e9: {  	v1 =	vld [tilespmem:$0x2D0];
	_ =	sdelay $0x4  }
0x2ea: {  	v1 =	vmul.u32 $0x6, v1;
	_ =	sdelay $0x1  }
0x2eb: {  	v2 =	vadd.s32 $0x6, v1;
	_ =	sdelay $0x4  }
0x2ec: {  	v3 =	vor.u32 $0xD00, v0;
	v2 =	vld.idx.msk [tilespmem:v2+s14+$0x0], $0xffff  }
0x2ed: {  	v4 =	vadd.s32 $0x7, v1;
	_ =	sdelay $0x3  }
0x2ee: {  	v5 =	vld [tilespmem:$0x4D0];
	[tilespmem:v3+s24+$0x0] =	vst.idx.msk $0xffff, v2  }
0x2ef: {  	v3 =	vor.u32 $0xD01, v0;
	v2 =	vld.idx.msk [tilespmem:v4+s14+$0x0], $0xffff  }
0x2f0: {  	v4 =	vadd.s32 $0x8, v1;
	_ =	sdelay $0x3  }
0x2f1: {  	[tilespmem:v3+s24+$0x0] =	vst.idx.msk $0xffff, v2  }
0x2f2: {  	v3 =	vor.u32 $0xD02, v0;
	v2 =	vld.idx.msk [tilespmem:v4+s14+$0x0], $0xffff  }
0x2f3: {  	v4 =	vadd.s32 $0x9, v1;
	_ =	sdelay $0x3  }
0x2f4: {  	[tilespmem:v3+s24+$0x0] =	vst.idx.msk $0xffff, v2  }
0x2f5: {  	v3 =	vor.u32 $0xD03, v0;
	v2 =	vld.idx.msk [tilespmem:v4+s14+$0x0], $0xffff  }
0x2f6: {  	v4 =	vadd.s32 $0xA, v1;
	_ =	sdelay $0x3  }
0x2f7: {  	[tilespmem:v3+s24+$0x0] =	vst.idx.msk $0xffff, v2  }
0x2f8: {  	v3 =	vor.u32 $0xD04, v0;
	v2 =	vld.idx.msk [tilespmem:v4+s14+$0x0], $0xffff  }
0x2f9: {  	v1 =	vadd.s32 $0xB, v1;
	_ =	sdelay $0x3  }
0x2fa: {  	v4 =	vmul.u32 $0xA, v5;
	[tilespmem:v3+s24+$0x0] =	vst.idx.msk $0xffff, v2  }
0x2fb: {  	v2 =	vor.u32 $0xD05, v0;
	v1 =	vld.idx.msk [tilespmem:v1+s14+$0x0], $0xffff  }
0x2fc: {  	v3 =	vadd.s32 $0x26A, v4;
	_ =	sdelay $0x3  }
0x2fd: {  	[tilespmem:v2+s24+$0x0] =	vst.idx.msk $0xffff, v1  }
0x2fe: {  	v2 =	vor.u32 $0xD06, v0;
	v1 =	vld.idx.msk [tilespmem:v3+s14+$0x0], $0xffff  }
0x2ff: {  	v3 =	vadd.s32 $0x26B, v4;
	_ =	sdelay $0x3  }
0x300: {  	[tilespmem:v2+s24+$0x0] =	vst.idx.msk $0xffff, v1  }
0x301: {  	v2 =	vor.u32 $0xD07, v0;
	v1 =	vld.idx.msk [tilespmem:v3+s14+$0x0], $0xffff  }
0x302: {  	v3 =	vadd.s32 $0x26C, v4;
	_ =	sdelay $0x3  }
0x303: {  	[tilespmem:v2+s24+$0x0] =	vst.idx.msk $0xffff, v1  }
0x304: {  	v2 =	vor.u32 $0xD08, v0;
	v1 =	vld.idx.msk [tilespmem:v3+s14+$0x0], $0xffff  }
0x305: {  	v3 =	vadd.s32 $0x26D, v4;
	_ =	sdelay $0x3  }
0x306: {  	[tilespmem:v2+s24+$0x0] =	vst.idx.msk $0xffff, v1  }
0x307: {  	v2 =	vor.u32 $0xD09, v0;
	v1 =	vld.idx.msk [tilespmem:v3+s14+$0x0], $0xffff  }
0x308: {  	v3 =	vadd.s32 $0x26E, v4;
	_ =	sdelay $0x3  }
0x309: {  	[tilespmem:v2+s24+$0x0] =	vst.idx.msk $0xffff, v1  }
0x30a: {  	v2 =	vor.u32 $0xD0A, v0;
	v1 =	vld.idx.msk [tilespmem:v3+s14+$0x0], $0xffff  }
0x30b: {  	v3 =	vadd.s32 $0x26F, v4;
	_ =	sdelay $0x3  }
0x30c: {  	[tilespmem:v2+s24+$0x0] =	vst.idx.msk $0xffff, v1  }
0x30d: {  	v2 =	vor.u32 $0xD0B, v0;
	v1 =	vld.idx.msk [tilespmem:v3+s14+$0x0], $0xffff  }
0x30e: {  	v3 =	vadd.s32 $0x270, v4;
	_ =	sdelay $0x3  }
0x30f: {  	[tilespmem:v2+s24+$0x0] =	vst.idx.msk $0xffff, v1  }
0x310: {  	v2 =	vor.u32 $0xD0C, v0;
	v1 =	vld.idx.msk [tilespmem:v3+s14+$0x0], $0xffff  }
0x311: {  	v3 =	vadd.s32 $0x271, v4;
	_ =	sdelay $0x3  }
0x312: {  	[tilespmem:v2+s24+$0x0] =	vst.idx.msk $0xffff, v1  }
0x313: {  	v2 =	vor.u32 $0xD0D, v0;
	v1 =	vld.idx.msk [tilespmem:v3+s14+$0x0], $0xffff  }
0x314: {  	v3 =	vadd.s32 $0x272, v4;
	_ =	sdelay $0x3  }
0x315: {  	[tilespmem:v2+s24+$0x0] =	vst.idx.msk $0xffff, v1  }
0x316: {  	v2 =	vor.u32 $0xD0E, v0;
	v1 =	vld.idx.msk [tilespmem:v3+s14+$0x0], $0xffff  }
0x317: {  	v3 =	vadd.s32 $0x273, v4;
	_ =	sdelay $0x3  }
0x318: {  	[tilespmem:v2+s24+$0x0] =	vst.idx.msk $0xffff, v1  }
0x319: {  	v2 =	vor.u32 $0xD0F, v0;
	v1 =	vld.idx.msk [tilespmem:v3+s14+$0x0], $0xffff;
	_ =	sdelay $0x4  }
0x31a: {  	[tilespmem:v2+s24+$0x0] =	vst.idx.msk $0xffff, v1  }
0x31b: {  	v1 =	vld [tilespmem:$0x2E0];
	_ =	sdelay $0x4  }
0x31c: {  	v1 =	vmul.u32 $0x6, v1;
	_ =	sdelay $0x1  }
0x31d: {  	v2 =	vadd.s32 $0x6, v1;
	_ =	sdelay $0x4  }
0x31e: {  	v3 =	vor.u32 $0xE00, v0;
	v2 =	vld.idx.msk [tilespmem:v2+s14+$0x0], $0xffff  }
0x31f: {  	v4 =	vadd.s32 $0x7, v1;
	_ =	sdelay $0x3  }
0x320: {  	v5 =	vld [tilespmem:$0x4E0];
	[tilespmem:v3+s24+$0x0] =	vst.idx.msk $0xffff, v2  }
0x321: {  	v3 =	vor.u32 $0xE01, v0;
	v2 =	vld.idx.msk [tilespmem:v4+s14+$0x0], $0xffff  }
0x322: {  	v4 =	vadd.s32 $0x8, v1;
	_ =	sdelay $0x3  }
0x323: {  	[tilespmem:v3+s24+$0x0] =	vst.idx.msk $0xffff, v2  }
0x324: {  	v3 =	vor.u32 $0xE02, v0;
	v2 =	vld.idx.msk [tilespmem:v4+s14+$0x0], $0xffff  }
0x325: {  	v4 =	vadd.s32 $0x9, v1;
	_ =	sdelay $0x3  }
0x326: {  	[tilespmem:v3+s24+$0x0] =	vst.idx.msk $0xffff, v2  }
0x327: {  	v3 =	vor.u32 $0xE03, v0;
	v2 =	vld.idx.msk [tilespmem:v4+s14+$0x0], $0xffff  }
0x328: {  	v4 =	vadd.s32 $0xA, v1;
	_ =	sdelay $0x3  }
0x329: {  	[tilespmem:v3+s24+$0x0] =	vst.idx.msk $0xffff, v2  }
0x32a: {  	v3 =	vor.u32 $0xE04, v0;
	v2 =	vld.idx.msk [tilespmem:v4+s14+$0x0], $0xffff  }
0x32b: {  	v1 =	vadd.s32 $0xB, v1;
	_ =	sdelay $0x3  }
0x32c: {  	v4 =	vmul.u32 $0xA, v5;
	[tilespmem:v3+s24+$0x0] =	vst.idx.msk $0xffff, v2  }
0x32d: {  	v2 =	vor.u32 $0xE05, v0;
	v1 =	vld.idx.msk [tilespmem:v1+s14+$0x0], $0xffff  }
0x32e: {  	v3 =	vadd.s32 $0x26A, v4;
	_ =	sdelay $0x3  }
0x32f: {  	[tilespmem:v2+s24+$0x0] =	vst.idx.msk $0xffff, v1  }
0x330: {  	v2 =	vor.u32 $0xE06, v0;
	v1 =	vld.idx.msk [tilespmem:v3+s14+$0x0], $0xffff  }
0x331: {  	v3 =	vadd.s32 $0x26B, v4;
	_ =	sdelay $0x3  }
0x332: {  	[tilespmem:v2+s24+$0x0] =	vst.idx.msk $0xffff, v1  }
0x333: {  	v2 =	vor.u32 $0xE07, v0;
	v1 =	vld.idx.msk [tilespmem:v3+s14+$0x0], $0xffff  }
0x334: {  	v3 =	vadd.s32 $0x26C, v4;
	_ =	sdelay $0x3  }
0x335: {  	[tilespmem:v2+s24+$0x0] =	vst.idx.msk $0xffff, v1  }
0x336: {  	v2 =	vor.u32 $0xE08, v0;
	v1 =	vld.idx.msk [tilespmem:v3+s14+$0x0], $0xffff  }
0x337: {  	v3 =	vadd.s32 $0x26D, v4;
	_ =	sdelay $0x3  }
0x338: {  	[tilespmem:v2+s24+$0x0] =	vst.idx.msk $0xffff, v1  }
0x339: {  	v2 =	vor.u32 $0xE09, v0;
	v1 =	vld.idx.msk [tilespmem:v3+s14+$0x0], $0xffff  }
0x33a: {  	v3 =	vadd.s32 $0x26E, v4;
	_ =	sdelay $0x3  }
0x33b: {  	[tilespmem:v2+s24+$0x0] =	vst.idx.msk $0xffff, v1  }
0x33c: {  	v2 =	vor.u32 $0xE0A, v0;
	v1 =	vld.idx.msk [tilespmem:v3+s14+$0x0], $0xffff  }
0x33d: {  	v3 =	vadd.s32 $0x26F, v4;
	_ =	sdelay $0x3  }
0x33e: {  	[tilespmem:v2+s24+$0x0] =	vst.idx.msk $0xffff, v1  }
0x33f: {  	v2 =	vor.u32 $0xE0B, v0;
	v1 =	vld.idx.msk [tilespmem:v3+s14+$0x0], $0xffff  }
0x340: {  	v3 =	vadd.s32 $0x270, v4;
	_ =	sdelay $0x3  }
0x341: {  	[tilespmem:v2+s24+$0x0] =	vst.idx.msk $0xffff, v1  }
0x342: {  	v2 =	vor.u32 $0xE0C, v0;
	v1 =	vld.idx.msk [tilespmem:v3+s14+$0x0], $0xffff  }
0x343: {  	v3 =	vadd.s32 $0x271, v4;
	_ =	sdelay $0x3  }
0x344: {  	[tilespmem:v2+s24+$0x0] =	vst.idx.msk $0xffff, v1  }
0x345: {  	v2 =	vor.u32 $0xE0D, v0;
	v1 =	vld.idx.msk [tilespmem:v3+s14+$0x0], $0xffff  }
0x346: {  	v3 =	vadd.s32 $0x272, v4;
	_ =	sdelay $0x3  }
0x347: {  	[tilespmem:v2+s24+$0x0] =	vst.idx.msk $0xffff, v1  }
0x348: {  	v2 =	vor.u32 $0xE0E, v0;
	v1 =	vld.idx.msk [tilespmem:v3+s14+$0x0], $0xffff  }
0x349: {  	v3 =	vadd.s32 $0x273, v4;
	_ =	sdelay $0x3  }
0x34a: {  	[tilespmem:v2+s24+$0x0] =	vst.idx.msk $0xffff, v1  }
0x34b: {  	v2 =	vor.u32 $0xE0F, v0;
	v1 =	vld.idx.msk [tilespmem:v3+s14+$0x0], $0xffff;
	_ =	sdelay $0x4  }
0x34c: {  	[tilespmem:v2+s24+$0x0] =	vst.idx.msk $0xffff, v1  }
0x34d: {  	v1 =	vld [tilespmem:$0x2F0];
	_ =	sdelay $0x4  }
0x34e: {  	v1 =	vmul.u32 $0x6, v1;
	_ =	sdelay $0x1  }
0x34f: {  	v2 =	vadd.s32 $0x6, v1;
	_ =	sdelay $0x4  }
0x350: {  	v3 =	vor.u32 $0xF00, v0;
	v2 =	vld.idx.msk [tilespmem:v2+s14+$0x0], $0xffff  }
0x351: {  	v4 =	vadd.s32 $0x7, v1;
	_ =	sdelay $0x3  }
0x352: {  	v5 =	vld [tilespmem:$0x4F0];
	[tilespmem:v3+s24+$0x0] =	vst.idx.msk $0xffff, v2  }
0x353: {  	v3 =	vor.u32 $0xF01, v0;
	v2 =	vld.idx.msk [tilespmem:v4+s14+$0x0], $0xffff  }
0x354: {  	v4 =	vadd.s32 $0x8, v1;
	_ =	sdelay $0x3  }
0x355: {  	[tilespmem:v3+s24+$0x0] =	vst.idx.msk $0xffff, v2  }
0x356: {  	v3 =	vor.u32 $0xF02, v0;
	v2 =	vld.idx.msk [tilespmem:v4+s14+$0x0], $0xffff  }
0x357: {  	v4 =	vadd.s32 $0x9, v1;
	_ =	sdelay $0x3  }
0x358: {  	[tilespmem:v3+s24+$0x0] =	vst.idx.msk $0xffff, v2  }
0x359: {  	v3 =	vor.u32 $0xF03, v0;
	v2 =	vld.idx.msk [tilespmem:v4+s14+$0x0], $0xffff  }
0x35a: {  	v4 =	vadd.s32 $0xA, v1;
	_ =	sdelay $0x3  }
0x35b: {  	[tilespmem:v3+s24+$0x0] =	vst.idx.msk $0xffff, v2  }
0x35c: {  	v3 =	vor.u32 $0xF04, v0;
	v2 =	vld.idx.msk [tilespmem:v4+s14+$0x0], $0xffff  }
0x35d: {  	v1 =	vadd.s32 $0xB, v1;
	_ =	sdelay $0x3  }
0x35e: {  	v4 =	vmul.u32 $0xA, v5;
	[tilespmem:v3+s24+$0x0] =	vst.idx.msk $0xffff, v2  }
0x35f: {  	v2 =	vor.u32 $0xF05, v0;
	v1 =	vld.idx.msk [tilespmem:v1+s14+$0x0], $0xffff  }
0x360: {  	v3 =	vadd.s32 $0x26A, v4;
	_ =	sdelay $0x3  }
0x361: {  	[tilespmem:v2+s24+$0x0] =	vst.idx.msk $0xffff, v1  }
0x362: {  	v2 =	vor.u32 $0xF06, v0;
	v1 =	vld.idx.msk [tilespmem:v3+s14+$0x0], $0xffff  }
0x363: {  	v3 =	vadd.s32 $0x26B, v4;
	_ =	sdelay $0x3  }
0x364: {  	[tilespmem:v2+s24+$0x0] =	vst.idx.msk $0xffff, v1  }
0x365: {  	v2 =	vor.u32 $0xF07, v0;
	v1 =	vld.idx.msk [tilespmem:v3+s14+$0x0], $0xffff  }
0x366: {  	v3 =	vadd.s32 $0x26C, v4;
	_ =	sdelay $0x3  }
0x367: {  	[tilespmem:v2+s24+$0x0] =	vst.idx.msk $0xffff, v1  }
0x368: {  	v2 =	vor.u32 $0xF08, v0;
	v1 =	vld.idx.msk [tilespmem:v3+s14+$0x0], $0xffff  }
0x369: {  	v3 =	vadd.s32 $0x26D, v4;
	_ =	sdelay $0x3  }
0x36a: {  	[tilespmem:v2+s24+$0x0] =	vst.idx.msk $0xffff, v1  }
0x36b: {  	v2 =	vor.u32 $0xF09, v0;
	v1 =	vld.idx.msk [tilespmem:v3+s14+$0x0], $0xffff  }
0x36c: {  	v3 =	vadd.s32 $0x26E, v4;
	_ =	sdelay $0x3  }
0x36d: {  	[tilespmem:v2+s24+$0x0] =	vst.idx.msk $0xffff, v1  }
0x36e: {  	v2 =	vor.u32 $0xF0A, v0;
	v1 =	vld.idx.msk [tilespmem:v3+s14+$0x0], $0xffff  }
0x36f: {  	v3 =	vadd.s32 $0x26F, v4;
	_ =	sdelay $0x3  }
0x370: {  	[tilespmem:v2+s24+$0x0] =	vst.idx.msk $0xffff, v1  }
0x371: {  	v2 =	vor.u32 $0xF0B, v0;
	v1 =	vld.idx.msk [tilespmem:v3+s14+$0x0], $0xffff  }
0x372: {  	v3 =	vadd.s32 $0x270, v4;
	_ =	sdelay $0x3  }
0x373: {  	[tilespmem:v2+s24+$0x0] =	vst.idx.msk $0xffff, v1  }
0x374: {  	v2 =	vor.u32 $0xF0C, v0;
	v1 =	vld.idx.msk [tilespmem:v3+s14+$0x0], $0xffff  }
0x375: {  	v3 =	vadd.s32 $0x271, v4;
	_ =	sdelay $0x3  }
0x376: {  	[tilespmem:v2+s24+$0x0] =	vst.idx.msk $0xffff, v1  }
0x377: {  	v2 =	vor.u32 $0xF0D, v0;
	v1 =	vld.idx.msk [tilespmem:v3+s14+$0x0], $0xffff  }
0x378: {  	v3 =	vadd.s32 $0x272, v4;
	_ =	sdelay $0x3  }
0x379: {  	[tilespmem:v2+s24+$0x0] =	vst.idx.msk $0xffff, v1  }
0x37a: {  	v2 =	vor.u32 $0xF0E, v0;
	v1 =	vld.idx.msk [tilespmem:v3+s14+$0x0], $0xffff  }
0x37b: {  	v3 =	vadd.s32 $0x273, v4;
	_ =	sdelay $0x3  }
0x37c: {  	[tilespmem:v2+s24+$0x0] =	vst.idx.msk $0xffff, v1  }
0x37d: {  	v2 =	vor.u32 $0xF0F, v0;
	v1 =	vld.idx.msk [tilespmem:v3+s14+$0x0], $0xffff;
	_ =	sdelay $0x4  }
0x37e: {  	[tilespmem:v2+s24+$0x0] =	vst.idx.msk $0xffff, v1  }
0x37f: {  	v1 =	vld [tilespmem:$0x300];
	_ =	sdelay $0x4  }
0x380: {  	v1 =	vmul.u32 $0x6, v1;
	_ =	sdelay $0x1  }
0x381: {  	v2 =	vadd.s32 $0x6, v1;
	_ =	sdelay $0x4  }
0x382: {  	v3 =	vor.u32 $0x1000, v0;
	v2 =	vld.idx.msk [tilespmem:v2+s14+$0x0], $0xffff  }
0x383: {  	v4 =	vadd.s32 $0x7, v1;
	_ =	sdelay $0x3  }
0x384: {  	v5 =	vld [tilespmem:$0x500];
	[tilespmem:v3+s24+$0x0] =	vst.idx.msk $0xffff, v2  }
0x385: {  	v3 =	vor.u32 $0x1001, v0;
	v2 =	vld.idx.msk [tilespmem:v4+s14+$0x0], $0xffff  }
0x386: {  	v4 =	vadd.s32 $0x8, v1;
	_ =	sdelay $0x3  }
0x387: {  	[tilespmem:v3+s24+$0x0] =	vst.idx.msk $0xffff, v2  }
0x388: {  	v3 =	vor.u32 $0x1002, v0;
	v2 =	vld.idx.msk [tilespmem:v4+s14+$0x0], $0xffff  }
0x389: {  	v4 =	vadd.s32 $0x9, v1;
	_ =	sdelay $0x3  }
0x38a: {  	[tilespmem:v3+s24+$0x0] =	vst.idx.msk $0xffff, v2  }
0x38b: {  	v3 =	vor.u32 $0x1003, v0;
	v2 =	vld.idx.msk [tilespmem:v4+s14+$0x0], $0xffff  }
0x38c: {  	v4 =	vadd.s32 $0xA, v1;
	_ =	sdelay $0x3  }
0x38d: {  	[tilespmem:v3+s24+$0x0] =	vst.idx.msk $0xffff, v2  }
0x38e: {  	v3 =	vor.u32 $0x1004, v0;
	v2 =	vld.idx.msk [tilespmem:v4+s14+$0x0], $0xffff  }
0x38f: {  	v1 =	vadd.s32 $0xB, v1;
	_ =	sdelay $0x3  }
0x390: {  	v4 =	vmul.u32 $0xA, v5;
	[tilespmem:v3+s24+$0x0] =	vst.idx.msk $0xffff, v2  }
0x391: {  	v2 =	vor.u32 $0x1005, v0;
	v1 =	vld.idx.msk [tilespmem:v1+s14+$0x0], $0xffff  }
0x392: {  	v3 =	vadd.s32 $0x26A, v4;
	_ =	sdelay $0x3  }
0x393: {  	[tilespmem:v2+s24+$0x0] =	vst.idx.msk $0xffff, v1  }
0x394: {  	v2 =	vor.u32 $0x1006, v0;
	v1 =	vld.idx.msk [tilespmem:v3+s14+$0x0], $0xffff  }
0x395: {  	v3 =	vadd.s32 $0x26B, v4;
	_ =	sdelay $0x3  }
0x396: {  	[tilespmem:v2+s24+$0x0] =	vst.idx.msk $0xffff, v1  }
0x397: {  	v2 =	vor.u32 $0x1007, v0;
	v1 =	vld.idx.msk [tilespmem:v3+s14+$0x0], $0xffff  }
0x398: {  	v3 =	vadd.s32 $0x26C, v4;
	_ =	sdelay $0x3  }
0x399: {  	[tilespmem:v2+s24+$0x0] =	vst.idx.msk $0xffff, v1  }
0x39a: {  	v2 =	vor.u32 $0x1008, v0;
	v1 =	vld.idx.msk [tilespmem:v3+s14+$0x0], $0xffff  }
0x39b: {  	v3 =	vadd.s32 $0x26D, v4;
	_ =	sdelay $0x3  }
0x39c: {  	[tilespmem:v2+s24+$0x0] =	vst.idx.msk $0xffff, v1  }
0x39d: {  	v2 =	vor.u32 $0x1009, v0;
	v1 =	vld.idx.msk [tilespmem:v3+s14+$0x0], $0xffff  }
0x39e: {  	v3 =	vadd.s32 $0x26E, v4;
	_ =	sdelay $0x3  }
0x39f: {  	[tilespmem:v2+s24+$0x0] =	vst.idx.msk $0xffff, v1  }
0x3a0: {  	v2 =	vor.u32 $0x100A, v0;
	v1 =	vld.idx.msk [tilespmem:v3+s14+$0x0], $0xffff  }
0x3a1: {  	v3 =	vadd.s32 $0x26F, v4;
	_ =	sdelay $0x3  }
0x3a2: {  	[tilespmem:v2+s24+$0x0] =	vst.idx.msk $0xffff, v1  }
0x3a3: {  	v2 =	vor.u32 $0x100B, v0;
	v1 =	vld.idx.msk [tilespmem:v3+s14+$0x0], $0xffff  }
0x3a4: {  	v3 =	vadd.s32 $0x270, v4;
	_ =	sdelay $0x3  }
0x3a5: {  	[tilespmem:v2+s24+$0x0] =	vst.idx.msk $0xffff, v1  }
0x3a6: {  	v2 =	vor.u32 $0x100C, v0;
	v1 =	vld.idx.msk [tilespmem:v3+s14+$0x0], $0xffff  }
0x3a7: {  	v3 =	vadd.s32 $0x271, v4;
	_ =	sdelay $0x3  }
0x3a8: {  	[tilespmem:v2+s24+$0x0] =	vst.idx.msk $0xffff, v1  }
0x3a9: {  	v2 =	vor.u32 $0x100D, v0;
	v1 =	vld.idx.msk [tilespmem:v3+s14+$0x0], $0xffff  }
0x3aa: {  	v3 =	vadd.s32 $0x272, v4;
	_ =	sdelay $0x3  }
0x3ab: {  	[tilespmem:v2+s24+$0x0] =	vst.idx.msk $0xffff, v1  }
0x3ac: {  	v2 =	vor.u32 $0x100E, v0;
	v1 =	vld.idx.msk [tilespmem:v3+s14+$0x0], $0xffff  }
0x3ad: {  	v3 =	vadd.s32 $0x273, v4;
	_ =	sdelay $0x3  }
0x3ae: {  	[tilespmem:v2+s24+$0x0] =	vst.idx.msk $0xffff, v1  }
0x3af: {  	v2 =	vor.u32 $0x100F, v0;
	v1 =	vld.idx.msk [tilespmem:v3+s14+$0x0], $0xffff;
	_ =	sdelay $0x4  }
0x3b0: {  	[tilespmem:v2+s24+$0x0] =	vst.idx.msk $0xffff, v1  }
0x3b1: {  	v1 =	vld [tilespmem:$0x310];
	_ =	sdelay $0x4  }
0x3b2: {  	v1 =	vmul.u32 $0x6, v1;
	_ =	sdelay $0x1  }
0x3b3: {  	v2 =	vadd.s32 $0x6, v1;
	_ =	sdelay $0x4  }
0x3b4: {  	v3 =	vor.u32 $0x1100, v0;
	v2 =	vld.idx.msk [tilespmem:v2+s14+$0x0], $0xffff  }
0x3b5: {  	v4 =	vadd.s32 $0x7, v1;
	_ =	sdelay $0x3  }
0x3b6: {  	v5 =	vld [tilespmem:$0x510];
	[tilespmem:v3+s24+$0x0] =	vst.idx.msk $0xffff, v2  }
0x3b7: {  	v3 =	vor.u32 $0x1101, v0;
	v2 =	vld.idx.msk [tilespmem:v4+s14+$0x0], $0xffff  }
0x3b8: {  	v4 =	vadd.s32 $0x8, v1;
	_ =	sdelay $0x3  }
0x3b9: {  	[tilespmem:v3+s24+$0x0] =	vst.idx.msk $0xffff, v2  }
0x3ba: {  	v3 =	vor.u32 $0x1102, v0;
	v2 =	vld.idx.msk [tilespmem:v4+s14+$0x0], $0xffff  }
0x3bb: {  	v4 =	vadd.s32 $0x9, v1;
	_ =	sdelay $0x3  }
0x3bc: {  	[tilespmem:v3+s24+$0x0] =	vst.idx.msk $0xffff, v2  }
0x3bd: {  	v3 =	vor.u32 $0x1103, v0;
	v2 =	vld.idx.msk [tilespmem:v4+s14+$0x0], $0xffff  }
0x3be: {  	v4 =	vadd.s32 $0xA, v1;
	_ =	sdelay $0x3  }
0x3bf: {  	[tilespmem:v3+s24+$0x0] =	vst.idx.msk $0xffff, v2  }
0x3c0: {  	v3 =	vor.u32 $0x1104, v0;
	v2 =	vld.idx.msk [tilespmem:v4+s14+$0x0], $0xffff  }
0x3c1: {  	v1 =	vadd.s32 $0xB, v1;
	_ =	sdelay $0x3  }
0x3c2: {  	v4 =	vmul.u32 $0xA, v5;
	[tilespmem:v3+s24+$0x0] =	vst.idx.msk $0xffff, v2  }
0x3c3: {  	v2 =	vor.u32 $0x1105, v0;
	v1 =	vld.idx.msk [tilespmem:v1+s14+$0x0], $0xffff  }
0x3c4: {  	v3 =	vadd.s32 $0x26A, v4;
	_ =	sdelay $0x3  }
0x3c5: {  	[tilespmem:v2+s24+$0x0] =	vst.idx.msk $0xffff, v1  }
0x3c6: {  	v2 =	vor.u32 $0x1106, v0;
	v1 =	vld.idx.msk [tilespmem:v3+s14+$0x0], $0xffff  }
0x3c7: {  	v3 =	vadd.s32 $0x26B, v4;
	_ =	sdelay $0x3  }
0x3c8: {  	[tilespmem:v2+s24+$0x0] =	vst.idx.msk $0xffff, v1  }
0x3c9: {  	v2 =	vor.u32 $0x1107, v0;
	v1 =	vld.idx.msk [tilespmem:v3+s14+$0x0], $0xffff  }
0x3ca: {  	v3 =	vadd.s32 $0x26C, v4;
	_ =	sdelay $0x3  }
0x3cb: {  	[tilespmem:v2+s24+$0x0] =	vst.idx.msk $0xffff, v1  }
0x3cc: {  	v2 =	vor.u32 $0x1108, v0;
	v1 =	vld.idx.msk [tilespmem:v3+s14+$0x0], $0xffff  }
0x3cd: {  	v3 =	vadd.s32 $0x26D, v4;
	_ =	sdelay $0x3  }
0x3ce: {  	[tilespmem:v2+s24+$0x0] =	vst.idx.msk $0xffff, v1  }
0x3cf: {  	v2 =	vor.u32 $0x1109, v0;
	v1 =	vld.idx.msk [tilespmem:v3+s14+$0x0], $0xffff  }
0x3d0: {  	v3 =	vadd.s32 $0x26E, v4;
	_ =	sdelay $0x3  }
0x3d1: {  	[tilespmem:v2+s24+$0x0] =	vst.idx.msk $0xffff, v1  }
0x3d2: {  	v2 =	vor.u32 $0x110A, v0;
	v1 =	vld.idx.msk [tilespmem:v3+s14+$0x0], $0xffff  }
0x3d3: {  	v3 =	vadd.s32 $0x26F, v4;
	_ =	sdelay $0x3  }
0x3d4: {  	[tilespmem:v2+s24+$0x0] =	vst.idx.msk $0xffff, v1  }
0x3d5: {  	v2 =	vor.u32 $0x110B, v0;
	v1 =	vld.idx.msk [tilespmem:v3+s14+$0x0], $0xffff  }
0x3d6: {  	v3 =	vadd.s32 $0x270, v4;
	_ =	sdelay $0x3  }
0x3d7: {  	[tilespmem:v2+s24+$0x0] =	vst.idx.msk $0xffff, v1  }
0x3d8: {  	v2 =	vor.u32 $0x110C, v0;
	v1 =	vld.idx.msk [tilespmem:v3+s14+$0x0], $0xffff  }
0x3d9: {  	v3 =	vadd.s32 $0x271, v4;
	_ =	sdelay $0x3  }
0x3da: {  	[tilespmem:v2+s24+$0x0] =	vst.idx.msk $0xffff, v1  }
0x3db: {  	v2 =	vor.u32 $0x110D, v0;
	v1 =	vld.idx.msk [tilespmem:v3+s14+$0x0], $0xffff  }
0x3dc: {  	v3 =	vadd.s32 $0x272, v4;
	_ =	sdelay $0x3  }
0x3dd: {  	[tilespmem:v2+s24+$0x0] =	vst.idx.msk $0xffff, v1  }
0x3de: {  	v2 =	vor.u32 $0x110E, v0;
	v1 =	vld.idx.msk [tilespmem:v3+s14+$0x0], $0xffff  }
0x3df: {  	v3 =	vadd.s32 $0x273, v4;
	_ =	sdelay $0x3  }
0x3e0: {  	[tilespmem:v2+s24+$0x0] =	vst.idx.msk $0xffff, v1  }
0x3e1: {  	v2 =	vor.u32 $0x110F, v0;
	v1 =	vld.idx.msk [tilespmem:v3+s14+$0x0], $0xffff;
	_ =	sdelay $0x4  }
0x3e2: {  	[tilespmem:v2+s24+$0x0] =	vst.idx.msk $0xffff, v1  }
0x3e3: {  	v1 =	vld [tilespmem:$0x320];
	_ =	sdelay $0x4  }
0x3e4: {  	v1 =	vmul.u32 $0x6, v1;
	_ =	sdelay $0x1  }
0x3e5: {  	v2 =	vadd.s32 $0x6, v1;
	_ =	sdelay $0x4  }
0x3e6: {  	v3 =	vor.u32 $0x1200, v0;
	v2 =	vld.idx.msk [tilespmem:v2+s14+$0x0], $0xffff  }
0x3e7: {  	v4 =	vadd.s32 $0x7, v1;
	_ =	sdelay $0x3  }
0x3e8: {  	v5 =	vld [tilespmem:$0x520];
	[tilespmem:v3+s24+$0x0] =	vst.idx.msk $0xffff, v2  }
0x3e9: {  	v3 =	vor.u32 $0x1201, v0;
	v2 =	vld.idx.msk [tilespmem:v4+s14+$0x0], $0xffff  }
0x3ea: {  	v4 =	vadd.s32 $0x8, v1;
	_ =	sdelay $0x3  }
0x3eb: {  	[tilespmem:v3+s24+$0x0] =	vst.idx.msk $0xffff, v2  }
0x3ec: {  	v3 =	vor.u32 $0x1202, v0;
	v2 =	vld.idx.msk [tilespmem:v4+s14+$0x0], $0xffff  }
0x3ed: {  	v4 =	vadd.s32 $0x9, v1;
	_ =	sdelay $0x3  }
0x3ee: {  	[tilespmem:v3+s24+$0x0] =	vst.idx.msk $0xffff, v2  }
0x3ef: {  	v3 =	vor.u32 $0x1203, v0;
	v2 =	vld.idx.msk [tilespmem:v4+s14+$0x0], $0xffff  }
0x3f0: {  	v4 =	vadd.s32 $0xA, v1;
	_ =	sdelay $0x3  }
0x3f1: {  	[tilespmem:v3+s24+$0x0] =	vst.idx.msk $0xffff, v2  }
0x3f2: {  	v3 =	vor.u32 $0x1204, v0;
	v2 =	vld.idx.msk [tilespmem:v4+s14+$0x0], $0xffff  }
0x3f3: {  	v1 =	vadd.s32 $0xB, v1;
	_ =	sdelay $0x3  }
0x3f4: {  	v4 =	vmul.u32 $0xA, v5;
	[tilespmem:v3+s24+$0x0] =	vst.idx.msk $0xffff, v2  }
0x3f5: {  	v2 =	vor.u32 $0x1205, v0;
	v1 =	vld.idx.msk [tilespmem:v1+s14+$0x0], $0xffff  }
0x3f6: {  	v3 =	vadd.s32 $0x26A, v4;
	_ =	sdelay $0x3  }
0x3f7: {  	[tilespmem:v2+s24+$0x0] =	vst.idx.msk $0xffff, v1  }
0x3f8: {  	v2 =	vor.u32 $0x1206, v0;
	v1 =	vld.idx.msk [tilespmem:v3+s14+$0x0], $0xffff  }
0x3f9: {  	v3 =	vadd.s32 $0x26B, v4;
	_ =	sdelay $0x3  }
0x3fa: {  	[tilespmem:v2+s24+$0x0] =	vst.idx.msk $0xffff, v1  }
0x3fb: {  	v2 =	vor.u32 $0x1207, v0;
	v1 =	vld.idx.msk [tilespmem:v3+s14+$0x0], $0xffff  }
0x3fc: {  	v3 =	vadd.s32 $0x26C, v4;
	_ =	sdelay $0x3  }
0x3fd: {  	[tilespmem:v2+s24+$0x0] =	vst.idx.msk $0xffff, v1  }
0x3fe: {  	v2 =	vor.u32 $0x1208, v0;
	v1 =	vld.idx.msk [tilespmem:v3+s14+$0x0], $0xffff  }
0x3ff: {  	v3 =	vadd.s32 $0x26D, v4;
	_ =	sdelay $0x3  }
0x400: {  	[tilespmem:v2+s24+$0x0] =	vst.idx.msk $0xffff, v1  }
0x401: {  	v2 =	vor.u32 $0x1209, v0;
	v1 =	vld.idx.msk [tilespmem:v3+s14+$0x0], $0xffff  }
0x402: {  	v3 =	vadd.s32 $0x26E, v4;
	_ =	sdelay $0x3  }
0x403: {  	[tilespmem:v2+s24+$0x0] =	vst.idx.msk $0xffff, v1  }
0x404: {  	v2 =	vor.u32 $0x120A, v0;
	v1 =	vld.idx.msk [tilespmem:v3+s14+$0x0], $0xffff  }
0x405: {  	v3 =	vadd.s32 $0x26F, v4;
	_ =	sdelay $0x3  }
0x406: {  	[tilespmem:v2+s24+$0x0] =	vst.idx.msk $0xffff, v1  }
0x407: {  	v2 =	vor.u32 $0x120B, v0;
	v1 =	vld.idx.msk [tilespmem:v3+s14+$0x0], $0xffff  }
0x408: {  	v3 =	vadd.s32 $0x270, v4;
	_ =	sdelay $0x3  }
0x409: {  	[tilespmem:v2+s24+$0x0] =	vst.idx.msk $0xffff, v1  }
0x40a: {  	v2 =	vor.u32 $0x120C, v0;
	v1 =	vld.idx.msk [tilespmem:v3+s14+$0x0], $0xffff  }
0x40b: {  	v3 =	vadd.s32 $0x271, v4;
	_ =	sdelay $0x3  }
0x40c: {  	[tilespmem:v2+s24+$0x0] =	vst.idx.msk $0xffff, v1  }
0x40d: {  	v2 =	vor.u32 $0x120D, v0;
	v1 =	vld.idx.msk [tilespmem:v3+s14+$0x0], $0xffff  }
0x40e: {  	v3 =	vadd.s32 $0x272, v4;
	_ =	sdelay $0x3  }
0x40f: {  	[tilespmem:v2+s24+$0x0] =	vst.idx.msk $0xffff, v1  }
0x410: {  	v2 =	vor.u32 $0x120E, v0;
	v1 =	vld.idx.msk [tilespmem:v3+s14+$0x0], $0xffff  }
0x411: {  	v3 =	vadd.s32 $0x273, v4;
	_ =	sdelay $0x3  }
0x412: {  	[tilespmem:v2+s24+$0x0] =	vst.idx.msk $0xffff, v1  }
0x413: {  	v2 =	vor.u32 $0x120F, v0;
	v1 =	vld.idx.msk [tilespmem:v3+s14+$0x0], $0xffff;
	_ =	sdelay $0x4  }
0x414: {  	[tilespmem:v2+s24+$0x0] =	vst.idx.msk $0xffff, v1  }
0x415: {  	v1 =	vld [tilespmem:$0x330];
	_ =	sdelay $0x4  }
0x416: {  	v1 =	vmul.u32 $0x6, v1;
	_ =	sdelay $0x1  }
0x417: {  	v2 =	vadd.s32 $0x6, v1;
	_ =	sdelay $0x4  }
0x418: {  	v3 =	vor.u32 $0x1300, v0;
	v2 =	vld.idx.msk [tilespmem:v2+s14+$0x0], $0xffff  }
0x419: {  	v4 =	vadd.s32 $0x7, v1;
	_ =	sdelay $0x3  }
0x41a: {  	v5 =	vld [tilespmem:$0x530];
	[tilespmem:v3+s24+$0x0] =	vst.idx.msk $0xffff, v2  }
0x41b: {  	v3 =	vor.u32 $0x1301, v0;
	v2 =	vld.idx.msk [tilespmem:v4+s14+$0x0], $0xffff  }
0x41c: {  	v4 =	vadd.s32 $0x8, v1;
	_ =	sdelay $0x3  }
0x41d: {  	[tilespmem:v3+s24+$0x0] =	vst.idx.msk $0xffff, v2  }
0x41e: {  	v3 =	vor.u32 $0x1302, v0;
	v2 =	vld.idx.msk [tilespmem:v4+s14+$0x0], $0xffff  }
0x41f: {  	v4 =	vadd.s32 $0x9, v1;
	_ =	sdelay $0x3  }
0x420: {  	[tilespmem:v3+s24+$0x0] =	vst.idx.msk $0xffff, v2  }
0x421: {  	v3 =	vor.u32 $0x1303, v0;
	v2 =	vld.idx.msk [tilespmem:v4+s14+$0x0], $0xffff  }
0x422: {  	v4 =	vadd.s32 $0xA, v1;
	_ =	sdelay $0x3  }
0x423: {  	[tilespmem:v3+s24+$0x0] =	vst.idx.msk $0xffff, v2  }
0x424: {  	v3 =	vor.u32 $0x1304, v0;
	v2 =	vld.idx.msk [tilespmem:v4+s14+$0x0], $0xffff  }
0x425: {  	v1 =	vadd.s32 $0xB, v1;
	_ =	sdelay $0x3  }
0x426: {  	v4 =	vmul.u32 $0xA, v5;
	[tilespmem:v3+s24+$0x0] =	vst.idx.msk $0xffff, v2  }
0x427: {  	v2 =	vor.u32 $0x1305, v0;
	v1 =	vld.idx.msk [tilespmem:v1+s14+$0x0], $0xffff  }
0x428: {  	v3 =	vadd.s32 $0x26A, v4;
	_ =	sdelay $0x3  }
0x429: {  	[tilespmem:v2+s24+$0x0] =	vst.idx.msk $0xffff, v1  }
0x42a: {  	v2 =	vor.u32 $0x1306, v0;
	v1 =	vld.idx.msk [tilespmem:v3+s14+$0x0], $0xffff  }
0x42b: {  	v3 =	vadd.s32 $0x26B, v4;
	_ =	sdelay $0x3  }
0x42c: {  	[tilespmem:v2+s24+$0x0] =	vst.idx.msk $0xffff, v1  }
0x42d: {  	v2 =	vor.u32 $0x1307, v0;
	v1 =	vld.idx.msk [tilespmem:v3+s14+$0x0], $0xffff  }
0x42e: {  	v3 =	vadd.s32 $0x26C, v4;
	_ =	sdelay $0x3  }
0x42f: {  	[tilespmem:v2+s24+$0x0] =	vst.idx.msk $0xffff, v1  }
0x430: {  	v2 =	vor.u32 $0x1308, v0;
	v1 =	vld.idx.msk [tilespmem:v3+s14+$0x0], $0xffff  }
0x431: {  	v3 =	vadd.s32 $0x26D, v4;
	_ =	sdelay $0x3  }
0x432: {  	[tilespmem:v2+s24+$0x0] =	vst.idx.msk $0xffff, v1  }
0x433: {  	v2 =	vor.u32 $0x1309, v0;
	v1 =	vld.idx.msk [tilespmem:v3+s14+$0x0], $0xffff  }
0x434: {  	v3 =	vadd.s32 $0x26E, v4;
	_ =	sdelay $0x3  }
0x435: {  	[tilespmem:v2+s24+$0x0] =	vst.idx.msk $0xffff, v1  }
0x436: {  	v2 =	vor.u32 $0x130A, v0;
	v1 =	vld.idx.msk [tilespmem:v3+s14+$0x0], $0xffff  }
0x437: {  	v3 =	vadd.s32 $0x26F, v4;
	_ =	sdelay $0x3  }
0x438: {  	[tilespmem:v2+s24+$0x0] =	vst.idx.msk $0xffff, v1  }
0x439: {  	v2 =	vor.u32 $0x130B, v0;
	v1 =	vld.idx.msk [tilespmem:v3+s14+$0x0], $0xffff  }
0x43a: {  	v3 =	vadd.s32 $0x270, v4;
	_ =	sdelay $0x3  }
0x43b: {  	[tilespmem:v2+s24+$0x0] =	vst.idx.msk $0xffff, v1  }
0x43c: {  	v2 =	vor.u32 $0x130C, v0;
	v1 =	vld.idx.msk [tilespmem:v3+s14+$0x0], $0xffff  }
0x43d: {  	v3 =	vadd.s32 $0x271, v4;
	_ =	sdelay $0x3  }
0x43e: {  	[tilespmem:v2+s24+$0x0] =	vst.idx.msk $0xffff, v1  }
0x43f: {  	v2 =	vor.u32 $0x130D, v0;
	v1 =	vld.idx.msk [tilespmem:v3+s14+$0x0], $0xffff  }
0x440: {  	v3 =	vadd.s32 $0x272, v4;
	_ =	sdelay $0x3  }
0x441: {  	[tilespmem:v2+s24+$0x0] =	vst.idx.msk $0xffff, v1  }
0x442: {  	v2 =	vor.u32 $0x130E, v0;
	v1 =	vld.idx.msk [tilespmem:v3+s14+$0x0], $0xffff  }
0x443: {  	v3 =	vadd.s32 $0x273, v4;
	_ =	sdelay $0x3  }
0x444: {  	[tilespmem:v2+s24+$0x0] =	vst.idx.msk $0xffff, v1  }
0x445: {  	v2 =	vor.u32 $0x130F, v0;
	v1 =	vld.idx.msk [tilespmem:v3+s14+$0x0], $0xffff;
	_ =	sdelay $0x4  }
0x446: {  	[tilespmem:v2+s24+$0x0] =	vst.idx.msk $0xffff, v1  }
0x447: {  	v1 =	vld [tilespmem:$0x340];
	_ =	sdelay $0x4  }
0x448: {  	v1 =	vmul.u32 $0x6, v1;
	_ =	sdelay $0x1  }
0x449: {  	v2 =	vadd.s32 $0x6, v1;
	_ =	sdelay $0x4  }
0x44a: {  	v3 =	vor.u32 $0x1400, v0;
	v2 =	vld.idx.msk [tilespmem:v2+s14+$0x0], $0xffff  }
0x44b: {  	v4 =	vadd.s32 $0x7, v1;
	_ =	sdelay $0x3  }
0x44c: {  	v5 =	vld [tilespmem:$0x540];
	[tilespmem:v3+s24+$0x0] =	vst.idx.msk $0xffff, v2  }
0x44d: {  	v3 =	vor.u32 $0x1401, v0;
	v2 =	vld.idx.msk [tilespmem:v4+s14+$0x0], $0xffff  }
0x44e: {  	v4 =	vadd.s32 $0x8, v1;
	_ =	sdelay $0x3  }
0x44f: {  	[tilespmem:v3+s24+$0x0] =	vst.idx.msk $0xffff, v2  }
0x450: {  	v3 =	vor.u32 $0x1402, v0;
	v2 =	vld.idx.msk [tilespmem:v4+s14+$0x0], $0xffff  }
0x451: {  	v4 =	vadd.s32 $0x9, v1;
	_ =	sdelay $0x3  }
0x452: {  	[tilespmem:v3+s24+$0x0] =	vst.idx.msk $0xffff, v2  }
0x453: {  	v3 =	vor.u32 $0x1403, v0;
	v2 =	vld.idx.msk [tilespmem:v4+s14+$0x0], $0xffff  }
0x454: {  	v4 =	vadd.s32 $0xA, v1;
	_ =	sdelay $0x3  }
0x455: {  	[tilespmem:v3+s24+$0x0] =	vst.idx.msk $0xffff, v2  }
0x456: {  	v3 =	vor.u32 $0x1404, v0;
	v2 =	vld.idx.msk [tilespmem:v4+s14+$0x0], $0xffff  }
0x457: {  	v1 =	vadd.s32 $0xB, v1;
	_ =	sdelay $0x3  }
0x458: {  	v4 =	vmul.u32 $0xA, v5;
	[tilespmem:v3+s24+$0x0] =	vst.idx.msk $0xffff, v2  }
0x459: {  	v2 =	vor.u32 $0x1405, v0;
	v1 =	vld.idx.msk [tilespmem:v1+s14+$0x0], $0xffff  }
0x45a: {  	v3 =	vadd.s32 $0x26A, v4;
	_ =	sdelay $0x3  }
0x45b: {  	[tilespmem:v2+s24+$0x0] =	vst.idx.msk $0xffff, v1  }
0x45c: {  	v2 =	vor.u32 $0x1406, v0;
	v1 =	vld.idx.msk [tilespmem:v3+s14+$0x0], $0xffff  }
0x45d: {  	v3 =	vadd.s32 $0x26B, v4;
	_ =	sdelay $0x3  }
0x45e: {  	[tilespmem:v2+s24+$0x0] =	vst.idx.msk $0xffff, v1  }
0x45f: {  	v2 =	vor.u32 $0x1407, v0;
	v1 =	vld.idx.msk [tilespmem:v3+s14+$0x0], $0xffff  }
0x460: {  	v3 =	vadd.s32 $0x26C, v4;
	_ =	sdelay $0x3  }
0x461: {  	[tilespmem:v2+s24+$0x0] =	vst.idx.msk $0xffff, v1  }
0x462: {  	v2 =	vor.u32 $0x1408, v0;
	v1 =	vld.idx.msk [tilespmem:v3+s14+$0x0], $0xffff  }
0x463: {  	v3 =	vadd.s32 $0x26D, v4;
	_ =	sdelay $0x3  }
0x464: {  	[tilespmem:v2+s24+$0x0] =	vst.idx.msk $0xffff, v1  }
0x465: {  	v2 =	vor.u32 $0x1409, v0;
	v1 =	vld.idx.msk [tilespmem:v3+s14+$0x0], $0xffff  }
0x466: {  	v3 =	vadd.s32 $0x26E, v4;
	_ =	sdelay $0x3  }
0x467: {  	[tilespmem:v2+s24+$0x0] =	vst.idx.msk $0xffff, v1  }
0x468: {  	v2 =	vor.u32 $0x140A, v0;
	v1 =	vld.idx.msk [tilespmem:v3+s14+$0x0], $0xffff  }
0x469: {  	v3 =	vadd.s32 $0x26F, v4;
	_ =	sdelay $0x3  }
0x46a: {  	[tilespmem:v2+s24+$0x0] =	vst.idx.msk $0xffff, v1  }
0x46b: {  	v2 =	vor.u32 $0x140B, v0;
	v1 =	vld.idx.msk [tilespmem:v3+s14+$0x0], $0xffff  }
0x46c: {  	v3 =	vadd.s32 $0x270, v4;
	_ =	sdelay $0x3  }
0x46d: {  	[tilespmem:v2+s24+$0x0] =	vst.idx.msk $0xffff, v1  }
0x46e: {  	v2 =	vor.u32 $0x140C, v0;
	v1 =	vld.idx.msk [tilespmem:v3+s14+$0x0], $0xffff  }
0x46f: {  	v3 =	vadd.s32 $0x271, v4;
	_ =	sdelay $0x3  }
0x470: {  	[tilespmem:v2+s24+$0x0] =	vst.idx.msk $0xffff, v1  }
0x471: {  	v2 =	vor.u32 $0x140D, v0;
	v1 =	vld.idx.msk [tilespmem:v3+s14+$0x0], $0xffff  }
0x472: {  	v3 =	vadd.s32 $0x272, v4;
	_ =	sdelay $0x3  }
0x473: {  	[tilespmem:v2+s24+$0x0] =	vst.idx.msk $0xffff, v1  }
0x474: {  	v2 =	vor.u32 $0x140E, v0;
	v1 =	vld.idx.msk [tilespmem:v3+s14+$0x0], $0xffff  }
0x475: {  	v3 =	vadd.s32 $0x273, v4;
	_ =	sdelay $0x3  }
0x476: {  	[tilespmem:v2+s24+$0x0] =	vst.idx.msk $0xffff, v1  }
0x477: {  	v2 =	vor.u32 $0x140F, v0;
	v1 =	vld.idx.msk [tilespmem:v3+s14+$0x0], $0xffff;
	_ =	sdelay $0x4  }
0x478: {  	[tilespmem:v2+s24+$0x0] =	vst.idx.msk $0xffff, v1  }
0x479: {  	v1 =	vld [tilespmem:$0x350];
	_ =	sdelay $0x4  }
0x47a: {  	v1 =	vmul.u32 $0x6, v1;
	_ =	sdelay $0x1  }
0x47b: {  	v2 =	vadd.s32 $0x6, v1;
	_ =	sdelay $0x4  }
0x47c: {  	v3 =	vor.u32 $0x1500, v0;
	v2 =	vld.idx.msk [tilespmem:v2+s14+$0x0], $0xffff  }
0x47d: {  	v4 =	vadd.s32 $0x7, v1;
	_ =	sdelay $0x3  }
0x47e: {  	v5 =	vld [tilespmem:$0x550];
	[tilespmem:v3+s24+$0x0] =	vst.idx.msk $0xffff, v2  }
0x47f: {  	v3 =	vor.u32 $0x1501, v0;
	v2 =	vld.idx.msk [tilespmem:v4+s14+$0x0], $0xffff  }
0x480: {  	v4 =	vadd.s32 $0x8, v1;
	_ =	sdelay $0x3  }
0x481: {  	[tilespmem:v3+s24+$0x0] =	vst.idx.msk $0xffff, v2  }
0x482: {  	v3 =	vor.u32 $0x1502, v0;
	v2 =	vld.idx.msk [tilespmem:v4+s14+$0x0], $0xffff  }
0x483: {  	v4 =	vadd.s32 $0x9, v1;
	_ =	sdelay $0x3  }
0x484: {  	[tilespmem:v3+s24+$0x0] =	vst.idx.msk $0xffff, v2  }
0x485: {  	v3 =	vor.u32 $0x1503, v0;
	v2 =	vld.idx.msk [tilespmem:v4+s14+$0x0], $0xffff  }
0x486: {  	v4 =	vadd.s32 $0xA, v1;
	_ =	sdelay $0x3  }
0x487: {  	[tilespmem:v3+s24+$0x0] =	vst.idx.msk $0xffff, v2  }
0x488: {  	v3 =	vor.u32 $0x1504, v0;
	v2 =	vld.idx.msk [tilespmem:v4+s14+$0x0], $0xffff  }
0x489: {  	v1 =	vadd.s32 $0xB, v1;
	_ =	sdelay $0x3  }
0x48a: {  	v4 =	vmul.u32 $0xA, v5;
	[tilespmem:v3+s24+$0x0] =	vst.idx.msk $0xffff, v2  }
0x48b: {  	v2 =	vor.u32 $0x1505, v0;
	v1 =	vld.idx.msk [tilespmem:v1+s14+$0x0], $0xffff  }
0x48c: {  	v3 =	vadd.s32 $0x26A, v4;
	_ =	sdelay $0x3  }
0x48d: {  	[tilespmem:v2+s24+$0x0] =	vst.idx.msk $0xffff, v1  }
0x48e: {  	v2 =	vor.u32 $0x1506, v0;
	v1 =	vld.idx.msk [tilespmem:v3+s14+$0x0], $0xffff  }
0x48f: {  	v3 =	vadd.s32 $0x26B, v4;
	_ =	sdelay $0x3  }
0x490: {  	[tilespmem:v2+s24+$0x0] =	vst.idx.msk $0xffff, v1  }
0x491: {  	v2 =	vor.u32 $0x1507, v0;
	v1 =	vld.idx.msk [tilespmem:v3+s14+$0x0], $0xffff  }
0x492: {  	v3 =	vadd.s32 $0x26C, v4;
	_ =	sdelay $0x3  }
0x493: {  	[tilespmem:v2+s24+$0x0] =	vst.idx.msk $0xffff, v1  }
0x494: {  	v2 =	vor.u32 $0x1508, v0;
	v1 =	vld.idx.msk [tilespmem:v3+s14+$0x0], $0xffff  }
0x495: {  	v3 =	vadd.s32 $0x26D, v4;
	_ =	sdelay $0x3  }
0x496: {  	[tilespmem:v2+s24+$0x0] =	vst.idx.msk $0xffff, v1  }
0x497: {  	v2 =	vor.u32 $0x1509, v0;
	v1 =	vld.idx.msk [tilespmem:v3+s14+$0x0], $0xffff  }
0x498: {  	v3 =	vadd.s32 $0x26E, v4;
	_ =	sdelay $0x3  }
0x499: {  	[tilespmem:v2+s24+$0x0] =	vst.idx.msk $0xffff, v1  }
0x49a: {  	v2 =	vor.u32 $0x150A, v0;
	v1 =	vld.idx.msk [tilespmem:v3+s14+$0x0], $0xffff  }
0x49b: {  	v3 =	vadd.s32 $0x26F, v4;
	_ =	sdelay $0x3  }
0x49c: {  	[tilespmem:v2+s24+$0x0] =	vst.idx.msk $0xffff, v1  }
0x49d: {  	v2 =	vor.u32 $0x150B, v0;
	v1 =	vld.idx.msk [tilespmem:v3+s14+$0x0], $0xffff  }
0x49e: {  	v3 =	vadd.s32 $0x270, v4;
	_ =	sdelay $0x3  }
0x49f: {  	[tilespmem:v2+s24+$0x0] =	vst.idx.msk $0xffff, v1  }
0x4a0: {  	v2 =	vor.u32 $0x150C, v0;
	v1 =	vld.idx.msk [tilespmem:v3+s14+$0x0], $0xffff  }
0x4a1: {  	v3 =	vadd.s32 $0x271, v4;
	_ =	sdelay $0x3  }
0x4a2: {  	[tilespmem:v2+s24+$0x0] =	vst.idx.msk $0xffff, v1  }
0x4a3: {  	v2 =	vor.u32 $0x150D, v0;
	v1 =	vld.idx.msk [tilespmem:v3+s14+$0x0], $0xffff  }
0x4a4: {  	v3 =	vadd.s32 $0x272, v4;
	_ =	sdelay $0x3  }
0x4a5: {  	[tilespmem:v2+s24+$0x0] =	vst.idx.msk $0xffff, v1  }
0x4a6: {  	v2 =	vor.u32 $0x150E, v0;
	v1 =	vld.idx.msk [tilespmem:v3+s14+$0x0], $0xffff  }
0x4a7: {  	v3 =	vadd.s32 $0x273, v4;
	_ =	sdelay $0x3  }
0x4a8: {  	[tilespmem:v2+s24+$0x0] =	vst.idx.msk $0xffff, v1  }
0x4a9: {  	v2 =	vor.u32 $0x150F, v0;
	v1 =	vld.idx.msk [tilespmem:v3+s14+$0x0], $0xffff;
	_ =	sdelay $0x4  }
0x4aa: {  	[tilespmem:v2+s24+$0x0] =	vst.idx.msk $0xffff, v1  }
0x4ab: {  	v1 =	vld [tilespmem:$0x360];
	_ =	sdelay $0x4  }
0x4ac: {  	v1 =	vmul.u32 $0x6, v1;
	_ =	sdelay $0x1  }
0x4ad: {  	v2 =	vadd.s32 $0x6, v1;
	_ =	sdelay $0x4  }
0x4ae: {  	v3 =	vor.u32 $0x1600, v0;
	v2 =	vld.idx.msk [tilespmem:v2+s14+$0x0], $0xffff  }
0x4af: {  	v4 =	vadd.s32 $0x7, v1;
	_ =	sdelay $0x3  }
0x4b0: {  	v5 =	vld [tilespmem:$0x560];
	[tilespmem:v3+s24+$0x0] =	vst.idx.msk $0xffff, v2  }
0x4b1: {  	v3 =	vor.u32 $0x1601, v0;
	v2 =	vld.idx.msk [tilespmem:v4+s14+$0x0], $0xffff  }
0x4b2: {  	v4 =	vadd.s32 $0x8, v1;
	_ =	sdelay $0x3  }
0x4b3: {  	[tilespmem:v3+s24+$0x0] =	vst.idx.msk $0xffff, v2  }
0x4b4: {  	v3 =	vor.u32 $0x1602, v0;
	v2 =	vld.idx.msk [tilespmem:v4+s14+$0x0], $0xffff  }
0x4b5: {  	v4 =	vadd.s32 $0x9, v1;
	_ =	sdelay $0x3  }
0x4b6: {  	[tilespmem:v3+s24+$0x0] =	vst.idx.msk $0xffff, v2  }
0x4b7: {  	v3 =	vor.u32 $0x1603, v0;
	v2 =	vld.idx.msk [tilespmem:v4+s14+$0x0], $0xffff  }
0x4b8: {  	v4 =	vadd.s32 $0xA, v1;
	_ =	sdelay $0x3  }
0x4b9: {  	[tilespmem:v3+s24+$0x0] =	vst.idx.msk $0xffff, v2  }
0x4ba: {  	v3 =	vor.u32 $0x1604, v0;
	v2 =	vld.idx.msk [tilespmem:v4+s14+$0x0], $0xffff  }
0x4bb: {  	v1 =	vadd.s32 $0xB, v1;
	_ =	sdelay $0x3  }
0x4bc: {  	v4 =	vmul.u32 $0xA, v5;
	[tilespmem:v3+s24+$0x0] =	vst.idx.msk $0xffff, v2  }
0x4bd: {  	v2 =	vor.u32 $0x1605, v0;
	v1 =	vld.idx.msk [tilespmem:v1+s14+$0x0], $0xffff  }
0x4be: {  	v3 =	vadd.s32 $0x26A, v4;
	_ =	sdelay $0x3  }
0x4bf: {  	[tilespmem:v2+s24+$0x0] =	vst.idx.msk $0xffff, v1  }
0x4c0: {  	v2 =	vor.u32 $0x1606, v0;
	v1 =	vld.idx.msk [tilespmem:v3+s14+$0x0], $0xffff  }
0x4c1: {  	v3 =	vadd.s32 $0x26B, v4;
	_ =	sdelay $0x3  }
0x4c2: {  	[tilespmem:v2+s24+$0x0] =	vst.idx.msk $0xffff, v1  }
0x4c3: {  	v2 =	vor.u32 $0x1607, v0;
	v1 =	vld.idx.msk [tilespmem:v3+s14+$0x0], $0xffff  }
0x4c4: {  	v3 =	vadd.s32 $0x26C, v4;
	_ =	sdelay $0x3  }
0x4c5: {  	[tilespmem:v2+s24+$0x0] =	vst.idx.msk $0xffff, v1  }
0x4c6: {  	v2 =	vor.u32 $0x1608, v0;
	v1 =	vld.idx.msk [tilespmem:v3+s14+$0x0], $0xffff  }
0x4c7: {  	v3 =	vadd.s32 $0x26D, v4;
	_ =	sdelay $0x3  }
0x4c8: {  	[tilespmem:v2+s24+$0x0] =	vst.idx.msk $0xffff, v1  }
0x4c9: {  	v2 =	vor.u32 $0x1609, v0;
	v1 =	vld.idx.msk [tilespmem:v3+s14+$0x0], $0xffff  }
0x4ca: {  	v3 =	vadd.s32 $0x26E, v4;
	_ =	sdelay $0x3  }
0x4cb: {  	[tilespmem:v2+s24+$0x0] =	vst.idx.msk $0xffff, v1  }
0x4cc: {  	v2 =	vor.u32 $0x160A, v0;
	v1 =	vld.idx.msk [tilespmem:v3+s14+$0x0], $0xffff  }
0x4cd: {  	v3 =	vadd.s32 $0x26F, v4;
	_ =	sdelay $0x3  }
0x4ce: {  	[tilespmem:v2+s24+$0x0] =	vst.idx.msk $0xffff, v1  }
0x4cf: {  	v2 =	vor.u32 $0x160B, v0;
	v1 =	vld.idx.msk [tilespmem:v3+s14+$0x0], $0xffff  }
0x4d0: {  	v3 =	vadd.s32 $0x270, v4;
	_ =	sdelay $0x3  }
0x4d1: {  	[tilespmem:v2+s24+$0x0] =	vst.idx.msk $0xffff, v1  }
0x4d2: {  	v2 =	vor.u32 $0x160C, v0;
	v1 =	vld.idx.msk [tilespmem:v3+s14+$0x0], $0xffff  }
0x4d3: {  	v3 =	vadd.s32 $0x271, v4;
	_ =	sdelay $0x3  }
0x4d4: {  	[tilespmem:v2+s24+$0x0] =	vst.idx.msk $0xffff, v1  }
0x4d5: {  	v2 =	vor.u32 $0x160D, v0;
	v1 =	vld.idx.msk [tilespmem:v3+s14+$0x0], $0xffff  }
0x4d6: {  	v3 =	vadd.s32 $0x272, v4;
	_ =	sdelay $0x3  }
0x4d7: {  	[tilespmem:v2+s24+$0x0] =	vst.idx.msk $0xffff, v1  }
0x4d8: {  	v2 =	vor.u32 $0x160E, v0;
	v1 =	vld.idx.msk [tilespmem:v3+s14+$0x0], $0xffff  }
0x4d9: {  	v3 =	vadd.s32 $0x273, v4;
	_ =	sdelay $0x3  }
0x4da: {  	[tilespmem:v2+s24+$0x0] =	vst.idx.msk $0xffff, v1  }
0x4db: {  	v2 =	vor.u32 $0x160F, v0;
	v1 =	vld.idx.msk [tilespmem:v3+s14+$0x0], $0xffff;
	_ =	sdelay $0x4  }
0x4dc: {  	[tilespmem:v2+s24+$0x0] =	vst.idx.msk $0xffff, v1  }
0x4dd: {  	v1 =	vld [tilespmem:$0x370];
	_ =	sdelay $0x4  }
0x4de: {  	v1 =	vmul.u32 $0x6, v1;
	_ =	sdelay $0x1  }
0x4df: {  	v2 =	vadd.s32 $0x6, v1;
	_ =	sdelay $0x4  }
0x4e0: {  	v3 =	vor.u32 $0x1700, v0;
	v2 =	vld.idx.msk [tilespmem:v2+s14+$0x0], $0xffff  }
0x4e1: {  	v4 =	vadd.s32 $0x7, v1;
	_ =	sdelay $0x3  }
0x4e2: {  	v5 =	vld [tilespmem:$0x570];
	[tilespmem:v3+s24+$0x0] =	vst.idx.msk $0xffff, v2  }
0x4e3: {  	v3 =	vor.u32 $0x1701, v0;
	v2 =	vld.idx.msk [tilespmem:v4+s14+$0x0], $0xffff  }
0x4e4: {  	v4 =	vadd.s32 $0x8, v1;
	_ =	sdelay $0x3  }
0x4e5: {  	[tilespmem:v3+s24+$0x0] =	vst.idx.msk $0xffff, v2  }
0x4e6: {  	v3 =	vor.u32 $0x1702, v0;
	v2 =	vld.idx.msk [tilespmem:v4+s14+$0x0], $0xffff  }
0x4e7: {  	v4 =	vadd.s32 $0x9, v1;
	_ =	sdelay $0x3  }
0x4e8: {  	[tilespmem:v3+s24+$0x0] =	vst.idx.msk $0xffff, v2  }
0x4e9: {  	v3 =	vor.u32 $0x1703, v0;
	v2 =	vld.idx.msk [tilespmem:v4+s14+$0x0], $0xffff  }
0x4ea: {  	v4 =	vadd.s32 $0xA, v1;
	_ =	sdelay $0x3  }
0x4eb: {  	[tilespmem:v3+s24+$0x0] =	vst.idx.msk $0xffff, v2  }
0x4ec: {  	v3 =	vor.u32 $0x1704, v0;
	v2 =	vld.idx.msk [tilespmem:v4+s14+$0x0], $0xffff  }
0x4ed: {  	v1 =	vadd.s32 $0xB, v1;
	_ =	sdelay $0x3  }
0x4ee: {  	v4 =	vmul.u32 $0xA, v5;
	[tilespmem:v3+s24+$0x0] =	vst.idx.msk $0xffff, v2  }
0x4ef: {  	v2 =	vor.u32 $0x1705, v0;
	v1 =	vld.idx.msk [tilespmem:v1+s14+$0x0], $0xffff  }
0x4f0: {  	v3 =	vadd.s32 $0x26A, v4;
	_ =	sdelay $0x3  }
0x4f1: {  	[tilespmem:v2+s24+$0x0] =	vst.idx.msk $0xffff, v1  }
0x4f2: {  	v2 =	vor.u32 $0x1706, v0;
	v1 =	vld.idx.msk [tilespmem:v3+s14+$0x0], $0xffff  }
0x4f3: {  	v3 =	vadd.s32 $0x26B, v4;
	_ =	sdelay $0x3  }
0x4f4: {  	[tilespmem:v2+s24+$0x0] =	vst.idx.msk $0xffff, v1  }
0x4f5: {  	v2 =	vor.u32 $0x1707, v0;
	v1 =	vld.idx.msk [tilespmem:v3+s14+$0x0], $0xffff  }
0x4f6: {  	v3 =	vadd.s32 $0x26C, v4;
	_ =	sdelay $0x3  }
0x4f7: {  	[tilespmem:v2+s24+$0x0] =	vst.idx.msk $0xffff, v1  }
0x4f8: {  	v2 =	vor.u32 $0x1708, v0;
	v1 =	vld.idx.msk [tilespmem:v3+s14+$0x0], $0xffff  }
0x4f9: {  	v3 =	vadd.s32 $0x26D, v4;
	_ =	sdelay $0x3  }
0x4fa: {  	[tilespmem:v2+s24+$0x0] =	vst.idx.msk $0xffff, v1  }
0x4fb: {  	v2 =	vor.u32 $0x1709, v0;
	v1 =	vld.idx.msk [tilespmem:v3+s14+$0x0], $0xffff  }
0x4fc: {  	v3 =	vadd.s32 $0x26E, v4;
	_ =	sdelay $0x3  }
0x4fd: {  	[tilespmem:v2+s24+$0x0] =	vst.idx.msk $0xffff, v1  }
0x4fe: {  	v2 =	vor.u32 $0x170A, v0;
	v1 =	vld.idx.msk [tilespmem:v3+s14+$0x0], $0xffff  }
0x4ff: {  	v3 =	vadd.s32 $0x26F, v4;
	_ =	sdelay $0x3  }
0x500: {  	[tilespmem:v2+s24+$0x0] =	vst.idx.msk $0xffff, v1  }
0x501: {  	v2 =	vor.u32 $0x170B, v0;
	v1 =	vld.idx.msk [tilespmem:v3+s14+$0x0], $0xffff  }
0x502: {  	v3 =	vadd.s32 $0x270, v4;
	_ =	sdelay $0x3  }
0x503: {  	[tilespmem:v2+s24+$0x0] =	vst.idx.msk $0xffff, v1  }
0x504: {  	v2 =	vor.u32 $0x170C, v0;
	v1 =	vld.idx.msk [tilespmem:v3+s14+$0x0], $0xffff  }
0x505: {  	v3 =	vadd.s32 $0x271, v4;
	_ =	sdelay $0x3  }
0x506: {  	[tilespmem:v2+s24+$0x0] =	vst.idx.msk $0xffff, v1  }
0x507: {  	v2 =	vor.u32 $0x170D, v0;
	v1 =	vld.idx.msk [tilespmem:v3+s14+$0x0], $0xffff  }
0x508: {  	v3 =	vadd.s32 $0x272, v4;
	_ =	sdelay $0x3  }
0x509: {  	[tilespmem:v2+s24+$0x0] =	vst.idx.msk $0xffff, v1  }
0x50a: {  	v2 =	vor.u32 $0x170E, v0;
	v1 =	vld.idx.msk [tilespmem:v3+s14+$0x0], $0xffff  }
0x50b: {  	v3 =	vadd.s32 $0x273, v4;
	_ =	sdelay $0x3  }
0x50c: {  	[tilespmem:v2+s24+$0x0] =	vst.idx.msk $0xffff, v1  }
0x50d: {  	v2 =	vor.u32 $0x170F, v0;
	v1 =	vld.idx.msk [tilespmem:v3+s14+$0x0], $0xffff;
	_ =	sdelay $0x4  }
0x50e: {  	[tilespmem:v2+s24+$0x0] =	vst.idx.msk $0xffff, v1  }
0x50f: {  	v1 =	vld [tilespmem:$0x380];
	_ =	sdelay $0x4  }
0x510: {  	v1 =	vmul.u32 $0x6, v1;
	_ =	sdelay $0x1  }
0x511: {  	v2 =	vadd.s32 $0x6, v1;
	_ =	sdelay $0x4  }
0x512: {  	v3 =	vor.u32 $0x1800, v0;
	v2 =	vld.idx.msk [tilespmem:v2+s14+$0x0], $0xffff  }
0x513: {  	v4 =	vadd.s32 $0x7, v1;
	_ =	sdelay $0x3  }
0x514: {  	v5 =	vld [tilespmem:$0x580];
	[tilespmem:v3+s24+$0x0] =	vst.idx.msk $0xffff, v2  }
0x515: {  	v3 =	vor.u32 $0x1801, v0;
	v2 =	vld.idx.msk [tilespmem:v4+s14+$0x0], $0xffff  }
0x516: {  	v4 =	vadd.s32 $0x8, v1;
	_ =	sdelay $0x3  }
0x517: {  	[tilespmem:v3+s24+$0x0] =	vst.idx.msk $0xffff, v2  }
0x518: {  	v3 =	vor.u32 $0x1802, v0;
	v2 =	vld.idx.msk [tilespmem:v4+s14+$0x0], $0xffff  }
0x519: {  	v4 =	vadd.s32 $0x9, v1;
	_ =	sdelay $0x3  }
0x51a: {  	[tilespmem:v3+s24+$0x0] =	vst.idx.msk $0xffff, v2  }
0x51b: {  	v3 =	vor.u32 $0x1803, v0;
	v2 =	vld.idx.msk [tilespmem:v4+s14+$0x0], $0xffff  }
0x51c: {  	v4 =	vadd.s32 $0xA, v1;
	_ =	sdelay $0x3  }
0x51d: {  	[tilespmem:v3+s24+$0x0] =	vst.idx.msk $0xffff, v2  }
0x51e: {  	v3 =	vor.u32 $0x1804, v0;
	v2 =	vld.idx.msk [tilespmem:v4+s14+$0x0], $0xffff  }
0x51f: {  	v1 =	vadd.s32 $0xB, v1;
	_ =	sdelay $0x3  }
0x520: {  	v4 =	vmul.u32 $0xA, v5;
	[tilespmem:v3+s24+$0x0] =	vst.idx.msk $0xffff, v2  }
0x521: {  	v2 =	vor.u32 $0x1805, v0;
	v1 =	vld.idx.msk [tilespmem:v1+s14+$0x0], $0xffff  }
0x522: {  	v3 =	vadd.s32 $0x26A, v4;
	_ =	sdelay $0x3  }
0x523: {  	[tilespmem:v2+s24+$0x0] =	vst.idx.msk $0xffff, v1  }
0x524: {  	v2 =	vor.u32 $0x1806, v0;
	v1 =	vld.idx.msk [tilespmem:v3+s14+$0x0], $0xffff  }
0x525: {  	v3 =	vadd.s32 $0x26B, v4;
	_ =	sdelay $0x3  }
0x526: {  	[tilespmem:v2+s24+$0x0] =	vst.idx.msk $0xffff, v1  }
0x527: {  	v2 =	vor.u32 $0x1807, v0;
	v1 =	vld.idx.msk [tilespmem:v3+s14+$0x0], $0xffff  }
0x528: {  	v3 =	vadd.s32 $0x26C, v4;
	_ =	sdelay $0x3  }
0x529: {  	[tilespmem:v2+s24+$0x0] =	vst.idx.msk $0xffff, v1  }
0x52a: {  	v2 =	vor.u32 $0x1808, v0;
	v1 =	vld.idx.msk [tilespmem:v3+s14+$0x0], $0xffff  }
0x52b: {  	v3 =	vadd.s32 $0x26D, v4;
	_ =	sdelay $0x3  }
0x52c: {  	[tilespmem:v2+s24+$0x0] =	vst.idx.msk $0xffff, v1  }
0x52d: {  	v2 =	vor.u32 $0x1809, v0;
	v1 =	vld.idx.msk [tilespmem:v3+s14+$0x0], $0xffff  }
0x52e: {  	v3 =	vadd.s32 $0x26E, v4;
	_ =	sdelay $0x3  }
0x52f: {  	[tilespmem:v2+s24+$0x0] =	vst.idx.msk $0xffff, v1  }
0x530: {  	v2 =	vor.u32 $0x180A, v0;
	v1 =	vld.idx.msk [tilespmem:v3+s14+$0x0], $0xffff  }
0x531: {  	v3 =	vadd.s32 $0x26F, v4;
	_ =	sdelay $0x3  }
0x532: {  	[tilespmem:v2+s24+$0x0] =	vst.idx.msk $0xffff, v1  }
0x533: {  	v2 =	vor.u32 $0x180B, v0;
	v1 =	vld.idx.msk [tilespmem:v3+s14+$0x0], $0xffff  }
0x534: {  	v3 =	vadd.s32 $0x270, v4;
	_ =	sdelay $0x3  }
0x535: {  	[tilespmem:v2+s24+$0x0] =	vst.idx.msk $0xffff, v1  }
0x536: {  	v2 =	vor.u32 $0x180C, v0;
	v1 =	vld.idx.msk [tilespmem:v3+s14+$0x0], $0xffff  }
0x537: {  	v3 =	vadd.s32 $0x271, v4;
	_ =	sdelay $0x3  }
0x538: {  	[tilespmem:v2+s24+$0x0] =	vst.idx.msk $0xffff, v1  }
0x539: {  	v2 =	vor.u32 $0x180D, v0;
	v1 =	vld.idx.msk [tilespmem:v3+s14+$0x0], $0xffff  }
0x53a: {  	v3 =	vadd.s32 $0x272, v4;
	_ =	sdelay $0x3  }
0x53b: {  	[tilespmem:v2+s24+$0x0] =	vst.idx.msk $0xffff, v1  }
0x53c: {  	v2 =	vor.u32 $0x180E, v0;
	v1 =	vld.idx.msk [tilespmem:v3+s14+$0x0], $0xffff  }
0x53d: {  	v3 =	vadd.s32 $0x273, v4;
	_ =	sdelay $0x3  }
0x53e: {  	[tilespmem:v2+s24+$0x0] =	vst.idx.msk $0xffff, v1  }
0x53f: {  	v2 =	vor.u32 $0x180F, v0;
	v1 =	vld.idx.msk [tilespmem:v3+s14+$0x0], $0xffff;
	_ =	sdelay $0x4  }
0x540: {  	[tilespmem:v2+s24+$0x0] =	vst.idx.msk $0xffff, v1  }
0x541: {  	v1 =	vld [tilespmem:$0x390];
	_ =	sdelay $0x4  }
0x542: {  	v1 =	vmul.u32 $0x6, v1;
	_ =	sdelay $0x1  }
0x543: {  	v2 =	vadd.s32 $0x6, v1;
	_ =	sdelay $0x4  }
0x544: {  	v3 =	vor.u32 $0x1900, v0;
	v2 =	vld.idx.msk [tilespmem:v2+s14+$0x0], $0xffff  }
0x545: {  	v4 =	vadd.s32 $0x7, v1;
	_ =	sdelay $0x3  }
0x546: {  	v5 =	vld [tilespmem:$0x590];
	[tilespmem:v3+s24+$0x0] =	vst.idx.msk $0xffff, v2  }
0x547: {  	v3 =	vor.u32 $0x1901, v0;
	v2 =	vld.idx.msk [tilespmem:v4+s14+$0x0], $0xffff  }
0x548: {  	v4 =	vadd.s32 $0x8, v1;
	_ =	sdelay $0x3  }
0x549: {  	[tilespmem:v3+s24+$0x0] =	vst.idx.msk $0xffff, v2  }
0x54a: {  	v3 =	vor.u32 $0x1902, v0;
	v2 =	vld.idx.msk [tilespmem:v4+s14+$0x0], $0xffff  }
0x54b: {  	v4 =	vadd.s32 $0x9, v1;
	_ =	sdelay $0x3  }
0x54c: {  	[tilespmem:v3+s24+$0x0] =	vst.idx.msk $0xffff, v2  }
0x54d: {  	v3 =	vor.u32 $0x1903, v0;
	v2 =	vld.idx.msk [tilespmem:v4+s14+$0x0], $0xffff  }
0x54e: {  	v4 =	vadd.s32 $0xA, v1;
	_ =	sdelay $0x3  }
0x54f: {  	[tilespmem:v3+s24+$0x0] =	vst.idx.msk $0xffff, v2  }
0x550: {  	v3 =	vor.u32 $0x1904, v0;
	v2 =	vld.idx.msk [tilespmem:v4+s14+$0x0], $0xffff  }
0x551: {  	v1 =	vadd.s32 $0xB, v1;
	_ =	sdelay $0x3  }
0x552: {  	v4 =	vmul.u32 $0xA, v5;
	[tilespmem:v3+s24+$0x0] =	vst.idx.msk $0xffff, v2  }
0x553: {  	v2 =	vor.u32 $0x1905, v0;
	v1 =	vld.idx.msk [tilespmem:v1+s14+$0x0], $0xffff  }
0x554: {  	v3 =	vadd.s32 $0x26A, v4;
	_ =	sdelay $0x3  }
0x555: {  	[tilespmem:v2+s24+$0x0] =	vst.idx.msk $0xffff, v1  }
0x556: {  	v2 =	vor.u32 $0x1906, v0;
	v1 =	vld.idx.msk [tilespmem:v3+s14+$0x0], $0xffff  }
0x557: {  	v3 =	vadd.s32 $0x26B, v4;
	_ =	sdelay $0x3  }
0x558: {  	[tilespmem:v2+s24+$0x0] =	vst.idx.msk $0xffff, v1  }
0x559: {  	v2 =	vor.u32 $0x1907, v0;
	v1 =	vld.idx.msk [tilespmem:v3+s14+$0x0], $0xffff  }
0x55a: {  	v3 =	vadd.s32 $0x26C, v4;
	_ =	sdelay $0x3  }
0x55b: {  	[tilespmem:v2+s24+$0x0] =	vst.idx.msk $0xffff, v1  }
0x55c: {  	v2 =	vor.u32 $0x1908, v0;
	v1 =	vld.idx.msk [tilespmem:v3+s14+$0x0], $0xffff  }
0x55d: {  	v3 =	vadd.s32 $0x26D, v4;
	_ =	sdelay $0x3  }
0x55e: {  	[tilespmem:v2+s24+$0x0] =	vst.idx.msk $0xffff, v1  }
0x55f: {  	v2 =	vor.u32 $0x1909, v0;
	v1 =	vld.idx.msk [tilespmem:v3+s14+$0x0], $0xffff  }
0x560: {  	v3 =	vadd.s32 $0x26E, v4;
	_ =	sdelay $0x3  }
0x561: {  	[tilespmem:v2+s24+$0x0] =	vst.idx.msk $0xffff, v1  }
0x562: {  	v2 =	vor.u32 $0x190A, v0;
	v1 =	vld.idx.msk [tilespmem:v3+s14+$0x0], $0xffff  }
0x563: {  	v3 =	vadd.s32 $0x26F, v4;
	_ =	sdelay $0x3  }
0x564: {  	[tilespmem:v2+s24+$0x0] =	vst.idx.msk $0xffff, v1  }
0x565: {  	v2 =	vor.u32 $0x190B, v0;
	v1 =	vld.idx.msk [tilespmem:v3+s14+$0x0], $0xffff  }
0x566: {  	v3 =	vadd.s32 $0x270, v4;
	_ =	sdelay $0x3  }
0x567: {  	[tilespmem:v2+s24+$0x0] =	vst.idx.msk $0xffff, v1  }
0x568: {  	v2 =	vor.u32 $0x190C, v0;
	v1 =	vld.idx.msk [tilespmem:v3+s14+$0x0], $0xffff  }
0x569: {  	v3 =	vadd.s32 $0x271, v4;
	_ =	sdelay $0x3  }
0x56a: {  	[tilespmem:v2+s24+$0x0] =	vst.idx.msk $0xffff, v1  }
0x56b: {  	v2 =	vor.u32 $0x190D, v0;
	v1 =	vld.idx.msk [tilespmem:v3+s14+$0x0], $0xffff  }
0x56c: {  	v3 =	vadd.s32 $0x272, v4;
	_ =	sdelay $0x3  }
0x56d: {  	[tilespmem:v2+s24+$0x0] =	vst.idx.msk $0xffff, v1  }
0x56e: {  	v2 =	vor.u32 $0x190E, v0;
	v1 =	vld.idx.msk [tilespmem:v3+s14+$0x0], $0xffff  }
0x56f: {  	v3 =	vadd.s32 $0x273, v4;
	_ =	sdelay $0x3  }
0x570: {  	[tilespmem:v2+s24+$0x0] =	vst.idx.msk $0xffff, v1  }
0x571: {  	v2 =	vor.u32 $0x190F, v0;
	v1 =	vld.idx.msk [tilespmem:v3+s14+$0x0], $0xffff;
	_ =	sdelay $0x4  }
0x572: {  	[tilespmem:v2+s24+$0x0] =	vst.idx.msk $0xffff, v1  }
0x573: {  	v1 =	vld [tilespmem:$0x3A0];
	_ =	sdelay $0x4  }
0x574: {  	v1 =	vmul.u32 $0x6, v1;
	_ =	sdelay $0x1  }
0x575: {  	v2 =	vadd.s32 $0x6, v1;
	_ =	sdelay $0x4  }
0x576: {  	v3 =	vor.u32 $0x1A00, v0;
	v2 =	vld.idx.msk [tilespmem:v2+s14+$0x0], $0xffff  }
0x577: {  	v4 =	vadd.s32 $0x7, v1;
	_ =	sdelay $0x3  }
0x578: {  	v5 =	vld [tilespmem:$0x5A0];
	[tilespmem:v3+s24+$0x0] =	vst.idx.msk $0xffff, v2  }
0x579: {  	v3 =	vor.u32 $0x1A01, v0;
	v2 =	vld.idx.msk [tilespmem:v4+s14+$0x0], $0xffff  }
0x57a: {  	v4 =	vadd.s32 $0x8, v1;
	_ =	sdelay $0x3  }
0x57b: {  	[tilespmem:v3+s24+$0x0] =	vst.idx.msk $0xffff, v2  }
0x57c: {  	v3 =	vor.u32 $0x1A02, v0;
	v2 =	vld.idx.msk [tilespmem:v4+s14+$0x0], $0xffff  }
0x57d: {  	v4 =	vadd.s32 $0x9, v1;
	_ =	sdelay $0x3  }
0x57e: {  	[tilespmem:v3+s24+$0x0] =	vst.idx.msk $0xffff, v2  }
0x57f: {  	v3 =	vor.u32 $0x1A03, v0;
	v2 =	vld.idx.msk [tilespmem:v4+s14+$0x0], $0xffff  }
0x580: {  	v4 =	vadd.s32 $0xA, v1;
	_ =	sdelay $0x3  }
0x581: {  	[tilespmem:v3+s24+$0x0] =	vst.idx.msk $0xffff, v2  }
0x582: {  	v3 =	vor.u32 $0x1A04, v0;
	v2 =	vld.idx.msk [tilespmem:v4+s14+$0x0], $0xffff  }
0x583: {  	v1 =	vadd.s32 $0xB, v1;
	_ =	sdelay $0x3  }
0x584: {  	v4 =	vmul.u32 $0xA, v5;
	[tilespmem:v3+s24+$0x0] =	vst.idx.msk $0xffff, v2  }
0x585: {  	v2 =	vor.u32 $0x1A05, v0;
	v1 =	vld.idx.msk [tilespmem:v1+s14+$0x0], $0xffff  }
0x586: {  	v3 =	vadd.s32 $0x26A, v4;
	_ =	sdelay $0x3  }
0x587: {  	[tilespmem:v2+s24+$0x0] =	vst.idx.msk $0xffff, v1  }
0x588: {  	v2 =	vor.u32 $0x1A06, v0;
	v1 =	vld.idx.msk [tilespmem:v3+s14+$0x0], $0xffff  }
0x589: {  	v3 =	vadd.s32 $0x26B, v4;
	_ =	sdelay $0x3  }
0x58a: {  	[tilespmem:v2+s24+$0x0] =	vst.idx.msk $0xffff, v1  }
0x58b: {  	v2 =	vor.u32 $0x1A07, v0;
	v1 =	vld.idx.msk [tilespmem:v3+s14+$0x0], $0xffff  }
0x58c: {  	v3 =	vadd.s32 $0x26C, v4;
	_ =	sdelay $0x3  }
0x58d: {  	[tilespmem:v2+s24+$0x0] =	vst.idx.msk $0xffff, v1  }
0x58e: {  	v2 =	vor.u32 $0x1A08, v0;
	v1 =	vld.idx.msk [tilespmem:v3+s14+$0x0], $0xffff  }
0x58f: {  	v3 =	vadd.s32 $0x26D, v4;
	_ =	sdelay $0x3  }
0x590: {  	[tilespmem:v2+s24+$0x0] =	vst.idx.msk $0xffff, v1  }
0x591: {  	v2 =	vor.u32 $0x1A09, v0;
	v1 =	vld.idx.msk [tilespmem:v3+s14+$0x0], $0xffff  }
0x592: {  	v3 =	vadd.s32 $0x26E, v4;
	_ =	sdelay $0x3  }
0x593: {  	[tilespmem:v2+s24+$0x0] =	vst.idx.msk $0xffff, v1  }
0x594: {  	v2 =	vor.u32 $0x1A0A, v0;
	v1 =	vld.idx.msk [tilespmem:v3+s14+$0x0], $0xffff  }
0x595: {  	v3 =	vadd.s32 $0x26F, v4;
	_ =	sdelay $0x3  }
0x596: {  	[tilespmem:v2+s24+$0x0] =	vst.idx.msk $0xffff, v1  }
0x597: {  	v2 =	vor.u32 $0x1A0B, v0;
	v1 =	vld.idx.msk [tilespmem:v3+s14+$0x0], $0xffff  }
0x598: {  	v3 =	vadd.s32 $0x270, v4;
	_ =	sdelay $0x3  }
0x599: {  	[tilespmem:v2+s24+$0x0] =	vst.idx.msk $0xffff, v1  }
0x59a: {  	v2 =	vor.u32 $0x1A0C, v0;
	v1 =	vld.idx.msk [tilespmem:v3+s14+$0x0], $0xffff  }
0x59b: {  	v3 =	vadd.s32 $0x271, v4;
	_ =	sdelay $0x3  }
0x59c: {  	[tilespmem:v2+s24+$0x0] =	vst.idx.msk $0xffff, v1  }
0x59d: {  	v2 =	vor.u32 $0x1A0D, v0;
	v1 =	vld.idx.msk [tilespmem:v3+s14+$0x0], $0xffff  }
0x59e: {  	v3 =	vadd.s32 $0x272, v4;
	_ =	sdelay $0x3  }
0x59f: {  	[tilespmem:v2+s24+$0x0] =	vst.idx.msk $0xffff, v1  }
0x5a0: {  	v2 =	vor.u32 $0x1A0E, v0;
	v1 =	vld.idx.msk [tilespmem:v3+s14+$0x0], $0xffff  }
0x5a1: {  	v3 =	vadd.s32 $0x273, v4;
	_ =	sdelay $0x3  }
0x5a2: {  	[tilespmem:v2+s24+$0x0] =	vst.idx.msk $0xffff, v1  }
0x5a3: {  	v2 =	vor.u32 $0x1A0F, v0;
	v1 =	vld.idx.msk [tilespmem:v3+s14+$0x0], $0xffff;
	_ =	sdelay $0x4  }
0x5a4: {  	[tilespmem:v2+s24+$0x0] =	vst.idx.msk $0xffff, v1  }
0x5a5: {  	v1 =	vld [tilespmem:$0x3B0];
	_ =	sdelay $0x4  }
0x5a6: {  	v1 =	vmul.u32 $0x6, v1;
	_ =	sdelay $0x1  }
0x5a7: {  	v2 =	vadd.s32 $0x6, v1;
	_ =	sdelay $0x4  }
0x5a8: {  	v3 =	vor.u32 $0x1B00, v0;
	v2 =	vld.idx.msk [tilespmem:v2+s14+$0x0], $0xffff  }
0x5a9: {  	v4 =	vadd.s32 $0x7, v1;
	_ =	sdelay $0x3  }
0x5aa: {  	v5 =	vld [tilespmem:$0x5B0];
	[tilespmem:v3+s24+$0x0] =	vst.idx.msk $0xffff, v2  }
0x5ab: {  	v3 =	vor.u32 $0x1B01, v0;
	v2 =	vld.idx.msk [tilespmem:v4+s14+$0x0], $0xffff  }
0x5ac: {  	v4 =	vadd.s32 $0x8, v1;
	_ =	sdelay $0x3  }
0x5ad: {  	[tilespmem:v3+s24+$0x0] =	vst.idx.msk $0xffff, v2  }
0x5ae: {  	v3 =	vor.u32 $0x1B02, v0;
	v2 =	vld.idx.msk [tilespmem:v4+s14+$0x0], $0xffff  }
0x5af: {  	v4 =	vadd.s32 $0x9, v1;
	_ =	sdelay $0x3  }
0x5b0: {  	[tilespmem:v3+s24+$0x0] =	vst.idx.msk $0xffff, v2  }
0x5b1: {  	v3 =	vor.u32 $0x1B03, v0;
	v2 =	vld.idx.msk [tilespmem:v4+s14+$0x0], $0xffff  }
0x5b2: {  	v4 =	vadd.s32 $0xA, v1;
	_ =	sdelay $0x3  }
0x5b3: {  	[tilespmem:v3+s24+$0x0] =	vst.idx.msk $0xffff, v2  }
0x5b4: {  	v3 =	vor.u32 $0x1B04, v0;
	v2 =	vld.idx.msk [tilespmem:v4+s14+$0x0], $0xffff  }
0x5b5: {  	v1 =	vadd.s32 $0xB, v1;
	_ =	sdelay $0x3  }
0x5b6: {  	v4 =	vmul.u32 $0xA, v5;
	[tilespmem:v3+s24+$0x0] =	vst.idx.msk $0xffff, v2  }
0x5b7: {  	v2 =	vor.u32 $0x1B05, v0;
	v1 =	vld.idx.msk [tilespmem:v1+s14+$0x0], $0xffff  }
0x5b8: {  	v3 =	vadd.s32 $0x26A, v4;
	_ =	sdelay $0x3  }
0x5b9: {  	[tilespmem:v2+s24+$0x0] =	vst.idx.msk $0xffff, v1  }
0x5ba: {  	v2 =	vor.u32 $0x1B06, v0;
	v1 =	vld.idx.msk [tilespmem:v3+s14+$0x0], $0xffff  }
0x5bb: {  	v3 =	vadd.s32 $0x26B, v4;
	_ =	sdelay $0x3  }
0x5bc: {  	[tilespmem:v2+s24+$0x0] =	vst.idx.msk $0xffff, v1  }
0x5bd: {  	v2 =	vor.u32 $0x1B07, v0;
	v1 =	vld.idx.msk [tilespmem:v3+s14+$0x0], $0xffff  }
0x5be: {  	v3 =	vadd.s32 $0x26C, v4;
	_ =	sdelay $0x3  }
0x5bf: {  	[tilespmem:v2+s24+$0x0] =	vst.idx.msk $0xffff, v1  }
0x5c0: {  	v2 =	vor.u32 $0x1B08, v0;
	v1 =	vld.idx.msk [tilespmem:v3+s14+$0x0], $0xffff  }
0x5c1: {  	v3 =	vadd.s32 $0x26D, v4;
	_ =	sdelay $0x3  }
0x5c2: {  	[tilespmem:v2+s24+$0x0] =	vst.idx.msk $0xffff, v1  }
0x5c3: {  	v2 =	vor.u32 $0x1B09, v0;
	v1 =	vld.idx.msk [tilespmem:v3+s14+$0x0], $0xffff  }
0x5c4: {  	v3 =	vadd.s32 $0x26E, v4;
	_ =	sdelay $0x3  }
0x5c5: {  	[tilespmem:v2+s24+$0x0] =	vst.idx.msk $0xffff, v1  }
0x5c6: {  	v2 =	vor.u32 $0x1B0A, v0;
	v1 =	vld.idx.msk [tilespmem:v3+s14+$0x0], $0xffff  }
0x5c7: {  	v3 =	vadd.s32 $0x26F, v4;
	_ =	sdelay $0x3  }
0x5c8: {  	[tilespmem:v2+s24+$0x0] =	vst.idx.msk $0xffff, v1  }
0x5c9: {  	v2 =	vor.u32 $0x1B0B, v0;
	v1 =	vld.idx.msk [tilespmem:v3+s14+$0x0], $0xffff  }
0x5ca: {  	v3 =	vadd.s32 $0x270, v4;
	_ =	sdelay $0x3  }
0x5cb: {  	[tilespmem:v2+s24+$0x0] =	vst.idx.msk $0xffff, v1  }
0x5cc: {  	v2 =	vor.u32 $0x1B0C, v0;
	v1 =	vld.idx.msk [tilespmem:v3+s14+$0x0], $0xffff  }
0x5cd: {  	v3 =	vadd.s32 $0x271, v4;
	_ =	sdelay $0x3  }
0x5ce: {  	[tilespmem:v2+s24+$0x0] =	vst.idx.msk $0xffff, v1  }
0x5cf: {  	v2 =	vor.u32 $0x1B0D, v0;
	v1 =	vld.idx.msk [tilespmem:v3+s14+$0x0], $0xffff  }
0x5d0: {  	v3 =	vadd.s32 $0x272, v4;
	_ =	sdelay $0x3  }
0x5d1: {  	[tilespmem:v2+s24+$0x0] =	vst.idx.msk $0xffff, v1  }
0x5d2: {  	v2 =	vor.u32 $0x1B0E, v0;
	v1 =	vld.idx.msk [tilespmem:v3+s14+$0x0], $0xffff  }
0x5d3: {  	v3 =	vadd.s32 $0x273, v4;
	_ =	sdelay $0x3  }
0x5d4: {  	[tilespmem:v2+s24+$0x0] =	vst.idx.msk $0xffff, v1  }
0x5d5: {  	v2 =	vor.u32 $0x1B0F, v0;
	v1 =	vld.idx.msk [tilespmem:v3+s14+$0x0], $0xffff;
	_ =	sdelay $0x4  }
0x5d6: {  	[tilespmem:v2+s24+$0x0] =	vst.idx.msk $0xffff, v1  }
0x5d7: {  	v1 =	vld [tilespmem:$0x3C0];
	_ =	sdelay $0x4  }
0x5d8: {  	v1 =	vmul.u32 $0x6, v1;
	_ =	sdelay $0x1  }
0x5d9: {  	v2 =	vadd.s32 $0x6, v1;
	_ =	sdelay $0x4  }
0x5da: {  	v3 =	vor.u32 $0x1C00, v0;
	v2 =	vld.idx.msk [tilespmem:v2+s14+$0x0], $0xffff  }
0x5db: {  	v4 =	vadd.s32 $0x7, v1;
	_ =	sdelay $0x3  }
0x5dc: {  	v5 =	vld [tilespmem:$0x5C0];
	[tilespmem:v3+s24+$0x0] =	vst.idx.msk $0xffff, v2  }
0x5dd: {  	v3 =	vor.u32 $0x1C01, v0;
	v2 =	vld.idx.msk [tilespmem:v4+s14+$0x0], $0xffff  }
0x5de: {  	v4 =	vadd.s32 $0x8, v1;
	_ =	sdelay $0x3  }
0x5df: {  	[tilespmem:v3+s24+$0x0] =	vst.idx.msk $0xffff, v2  }
0x5e0: {  	v3 =	vor.u32 $0x1C02, v0;
	v2 =	vld.idx.msk [tilespmem:v4+s14+$0x0], $0xffff  }
0x5e1: {  	v4 =	vadd.s32 $0x9, v1;
	_ =	sdelay $0x3  }
0x5e2: {  	[tilespmem:v3+s24+$0x0] =	vst.idx.msk $0xffff, v2  }
0x5e3: {  	v3 =	vor.u32 $0x1C03, v0;
	v2 =	vld.idx.msk [tilespmem:v4+s14+$0x0], $0xffff  }
0x5e4: {  	v4 =	vadd.s32 $0xA, v1;
	_ =	sdelay $0x3  }
0x5e5: {  	[tilespmem:v3+s24+$0x0] =	vst.idx.msk $0xffff, v2  }
0x5e6: {  	v3 =	vor.u32 $0x1C04, v0;
	v2 =	vld.idx.msk [tilespmem:v4+s14+$0x0], $0xffff  }
0x5e7: {  	v1 =	vadd.s32 $0xB, v1;
	_ =	sdelay $0x3  }
0x5e8: {  	v4 =	vmul.u32 $0xA, v5;
	[tilespmem:v3+s24+$0x0] =	vst.idx.msk $0xffff, v2  }
0x5e9: {  	v2 =	vor.u32 $0x1C05, v0;
	v1 =	vld.idx.msk [tilespmem:v1+s14+$0x0], $0xffff  }
0x5ea: {  	v3 =	vadd.s32 $0x26A, v4;
	_ =	sdelay $0x3  }
0x5eb: {  	[tilespmem:v2+s24+$0x0] =	vst.idx.msk $0xffff, v1  }
0x5ec: {  	v2 =	vor.u32 $0x1C06, v0;
	v1 =	vld.idx.msk [tilespmem:v3+s14+$0x0], $0xffff  }
0x5ed: {  	v3 =	vadd.s32 $0x26B, v4;
	_ =	sdelay $0x3  }
0x5ee: {  	[tilespmem:v2+s24+$0x0] =	vst.idx.msk $0xffff, v1  }
0x5ef: {  	v2 =	vor.u32 $0x1C07, v0;
	v1 =	vld.idx.msk [tilespmem:v3+s14+$0x0], $0xffff  }
0x5f0: {  	v3 =	vadd.s32 $0x26C, v4;
	_ =	sdelay $0x3  }
0x5f1: {  	[tilespmem:v2+s24+$0x0] =	vst.idx.msk $0xffff, v1  }
0x5f2: {  	v2 =	vor.u32 $0x1C08, v0;
	v1 =	vld.idx.msk [tilespmem:v3+s14+$0x0], $0xffff  }
0x5f3: {  	v3 =	vadd.s32 $0x26D, v4;
	_ =	sdelay $0x3  }
0x5f4: {  	[tilespmem:v2+s24+$0x0] =	vst.idx.msk $0xffff, v1  }
0x5f5: {  	v2 =	vor.u32 $0x1C09, v0;
	v1 =	vld.idx.msk [tilespmem:v3+s14+$0x0], $0xffff  }
0x5f6: {  	v3 =	vadd.s32 $0x26E, v4;
	_ =	sdelay $0x3  }
0x5f7: {  	[tilespmem:v2+s24+$0x0] =	vst.idx.msk $0xffff, v1  }
0x5f8: {  	v2 =	vor.u32 $0x1C0A, v0;
	v1 =	vld.idx.msk [tilespmem:v3+s14+$0x0], $0xffff  }
0x5f9: {  	v3 =	vadd.s32 $0x26F, v4;
	_ =	sdelay $0x3  }
0x5fa: {  	[tilespmem:v2+s24+$0x0] =	vst.idx.msk $0xffff, v1  }
0x5fb: {  	v2 =	vor.u32 $0x1C0B, v0;
	v1 =	vld.idx.msk [tilespmem:v3+s14+$0x0], $0xffff  }
0x5fc: {  	v3 =	vadd.s32 $0x270, v4;
	_ =	sdelay $0x3  }
0x5fd: {  	[tilespmem:v2+s24+$0x0] =	vst.idx.msk $0xffff, v1  }
0x5fe: {  	v2 =	vor.u32 $0x1C0C, v0;
	v1 =	vld.idx.msk [tilespmem:v3+s14+$0x0], $0xffff  }
0x5ff: {  	v3 =	vadd.s32 $0x271, v4;
	_ =	sdelay $0x3  }
0x600: {  	[tilespmem:v2+s24+$0x0] =	vst.idx.msk $0xffff, v1  }
0x601: {  	v2 =	vor.u32 $0x1C0D, v0;
	v1 =	vld.idx.msk [tilespmem:v3+s14+$0x0], $0xffff  }
0x602: {  	v3 =	vadd.s32 $0x272, v4;
	_ =	sdelay $0x3  }
0x603: {  	[tilespmem:v2+s24+$0x0] =	vst.idx.msk $0xffff, v1  }
0x604: {  	v2 =	vor.u32 $0x1C0E, v0;
	v1 =	vld.idx.msk [tilespmem:v3+s14+$0x0], $0xffff  }
0x605: {  	v3 =	vadd.s32 $0x273, v4;
	_ =	sdelay $0x3  }
0x606: {  	[tilespmem:v2+s24+$0x0] =	vst.idx.msk $0xffff, v1  }
0x607: {  	v2 =	vor.u32 $0x1C0F, v0;
	v1 =	vld.idx.msk [tilespmem:v3+s14+$0x0], $0xffff;
	_ =	sdelay $0x4  }
0x608: {  	[tilespmem:v2+s24+$0x0] =	vst.idx.msk $0xffff, v1  }
0x609: {  	v1 =	vld [tilespmem:$0x3D0];
	_ =	sdelay $0x4  }
0x60a: {  	v1 =	vmul.u32 $0x6, v1;
	_ =	sdelay $0x1  }
0x60b: {  	v2 =	vadd.s32 $0x6, v1;
	_ =	sdelay $0x4  }
0x60c: {  	v3 =	vor.u32 $0x1D00, v0;
	v2 =	vld.idx.msk [tilespmem:v2+s14+$0x0], $0xffff  }
0x60d: {  	v4 =	vadd.s32 $0x7, v1;
	_ =	sdelay $0x3  }
0x60e: {  	v5 =	vld [tilespmem:$0x5D0];
	[tilespmem:v3+s24+$0x0] =	vst.idx.msk $0xffff, v2  }
0x60f: {  	v3 =	vor.u32 $0x1D01, v0;
	v2 =	vld.idx.msk [tilespmem:v4+s14+$0x0], $0xffff  }
0x610: {  	v4 =	vadd.s32 $0x8, v1;
	_ =	sdelay $0x3  }
0x611: {  	[tilespmem:v3+s24+$0x0] =	vst.idx.msk $0xffff, v2  }
0x612: {  	v3 =	vor.u32 $0x1D02, v0;
	v2 =	vld.idx.msk [tilespmem:v4+s14+$0x0], $0xffff  }
0x613: {  	v4 =	vadd.s32 $0x9, v1;
	_ =	sdelay $0x3  }
0x614: {  	[tilespmem:v3+s24+$0x0] =	vst.idx.msk $0xffff, v2  }
0x615: {  	v3 =	vor.u32 $0x1D03, v0;
	v2 =	vld.idx.msk [tilespmem:v4+s14+$0x0], $0xffff  }
0x616: {  	v4 =	vadd.s32 $0xA, v1;
	_ =	sdelay $0x3  }
0x617: {  	[tilespmem:v3+s24+$0x0] =	vst.idx.msk $0xffff, v2  }
0x618: {  	v3 =	vor.u32 $0x1D04, v0;
	v2 =	vld.idx.msk [tilespmem:v4+s14+$0x0], $0xffff  }
0x619: {  	v1 =	vadd.s32 $0xB, v1;
	_ =	sdelay $0x3  }
0x61a: {  	v4 =	vmul.u32 $0xA, v5;
	[tilespmem:v3+s24+$0x0] =	vst.idx.msk $0xffff, v2  }
0x61b: {  	v2 =	vor.u32 $0x1D05, v0;
	v1 =	vld.idx.msk [tilespmem:v1+s14+$0x0], $0xffff  }
0x61c: {  	v3 =	vadd.s32 $0x26A, v4;
	_ =	sdelay $0x3  }
0x61d: {  	[tilespmem:v2+s24+$0x0] =	vst.idx.msk $0xffff, v1  }
0x61e: {  	v2 =	vor.u32 $0x1D06, v0;
	v1 =	vld.idx.msk [tilespmem:v3+s14+$0x0], $0xffff  }
0x61f: {  	v3 =	vadd.s32 $0x26B, v4;
	_ =	sdelay $0x3  }
0x620: {  	[tilespmem:v2+s24+$0x0] =	vst.idx.msk $0xffff, v1  }
0x621: {  	v2 =	vor.u32 $0x1D07, v0;
	v1 =	vld.idx.msk [tilespmem:v3+s14+$0x0], $0xffff  }
0x622: {  	v3 =	vadd.s32 $0x26C, v4;
	_ =	sdelay $0x3  }
0x623: {  	[tilespmem:v2+s24+$0x0] =	vst.idx.msk $0xffff, v1  }
0x624: {  	v2 =	vor.u32 $0x1D08, v0;
	v1 =	vld.idx.msk [tilespmem:v3+s14+$0x0], $0xffff  }
0x625: {  	v3 =	vadd.s32 $0x26D, v4;
	_ =	sdelay $0x3  }
0x626: {  	[tilespmem:v2+s24+$0x0] =	vst.idx.msk $0xffff, v1  }
0x627: {  	v2 =	vor.u32 $0x1D09, v0;
	v1 =	vld.idx.msk [tilespmem:v3+s14+$0x0], $0xffff  }
0x628: {  	v3 =	vadd.s32 $0x26E, v4;
	_ =	sdelay $0x3  }
0x629: {  	[tilespmem:v2+s24+$0x0] =	vst.idx.msk $0xffff, v1  }
0x62a: {  	v2 =	vor.u32 $0x1D0A, v0;
	v1 =	vld.idx.msk [tilespmem:v3+s14+$0x0], $0xffff  }
0x62b: {  	v3 =	vadd.s32 $0x26F, v4;
	_ =	sdelay $0x3  }
0x62c: {  	[tilespmem:v2+s24+$0x0] =	vst.idx.msk $0xffff, v1  }
0x62d: {  	v2 =	vor.u32 $0x1D0B, v0;
	v1 =	vld.idx.msk [tilespmem:v3+s14+$0x0], $0xffff  }
0x62e: {  	v3 =	vadd.s32 $0x270, v4;
	_ =	sdelay $0x3  }
0x62f: {  	[tilespmem:v2+s24+$0x0] =	vst.idx.msk $0xffff, v1  }
0x630: {  	v2 =	vor.u32 $0x1D0C, v0;
	v1 =	vld.idx.msk [tilespmem:v3+s14+$0x0], $0xffff  }
0x631: {  	v3 =	vadd.s32 $0x271, v4;
	_ =	sdelay $0x3  }
0x632: {  	[tilespmem:v2+s24+$0x0] =	vst.idx.msk $0xffff, v1  }
0x633: {  	v2 =	vor.u32 $0x1D0D, v0;
	v1 =	vld.idx.msk [tilespmem:v3+s14+$0x0], $0xffff  }
0x634: {  	v3 =	vadd.s32 $0x272, v4;
	_ =	sdelay $0x3  }
0x635: {  	[tilespmem:v2+s24+$0x0] =	vst.idx.msk $0xffff, v1  }
0x636: {  	v2 =	vor.u32 $0x1D0E, v0;
	v1 =	vld.idx.msk [tilespmem:v3+s14+$0x0], $0xffff  }
0x637: {  	v3 =	vadd.s32 $0x273, v4;
	_ =	sdelay $0x3  }
0x638: {  	[tilespmem:v2+s24+$0x0] =	vst.idx.msk $0xffff, v1  }
0x639: {  	v2 =	vor.u32 $0x1D0F, v0;
	v1 =	vld.idx.msk [tilespmem:v3+s14+$0x0], $0xffff;
	_ =	sdelay $0x4  }
0x63a: {  	[tilespmem:v2+s24+$0x0] =	vst.idx.msk $0xffff, v1  }
0x63b: {  	v1 =	vld [tilespmem:$0x3E0];
	_ =	sdelay $0x4  }
0x63c: {  	v1 =	vmul.u32 $0x6, v1;
	_ =	sdelay $0x1  }
0x63d: {  	v2 =	vadd.s32 $0x6, v1;
	_ =	sdelay $0x4  }
0x63e: {  	v3 =	vor.u32 $0x1E00, v0;
	v2 =	vld.idx.msk [tilespmem:v2+s14+$0x0], $0xffff  }
0x63f: {  	v4 =	vadd.s32 $0x7, v1;
	_ =	sdelay $0x3  }
0x640: {  	v5 =	vld [tilespmem:$0x5E0];
	[tilespmem:v3+s24+$0x0] =	vst.idx.msk $0xffff, v2  }
0x641: {  	v3 =	vor.u32 $0x1E01, v0;
	v2 =	vld.idx.msk [tilespmem:v4+s14+$0x0], $0xffff  }
0x642: {  	v4 =	vadd.s32 $0x8, v1;
	_ =	sdelay $0x3  }
0x643: {  	[tilespmem:v3+s24+$0x0] =	vst.idx.msk $0xffff, v2  }
0x644: {  	v3 =	vor.u32 $0x1E02, v0;
	v2 =	vld.idx.msk [tilespmem:v4+s14+$0x0], $0xffff  }
0x645: {  	v4 =	vadd.s32 $0x9, v1;
	_ =	sdelay $0x3  }
0x646: {  	[tilespmem:v3+s24+$0x0] =	vst.idx.msk $0xffff, v2  }
0x647: {  	v3 =	vor.u32 $0x1E03, v0;
	v2 =	vld.idx.msk [tilespmem:v4+s14+$0x0], $0xffff  }
0x648: {  	v4 =	vadd.s32 $0xA, v1;
	_ =	sdelay $0x3  }
0x649: {  	[tilespmem:v3+s24+$0x0] =	vst.idx.msk $0xffff, v2  }
0x64a: {  	v3 =	vor.u32 $0x1E04, v0;
	v2 =	vld.idx.msk [tilespmem:v4+s14+$0x0], $0xffff  }
0x64b: {  	v1 =	vadd.s32 $0xB, v1;
	_ =	sdelay $0x3  }
0x64c: {  	v4 =	vmul.u32 $0xA, v5;
	[tilespmem:v3+s24+$0x0] =	vst.idx.msk $0xffff, v2  }
0x64d: {  	v2 =	vor.u32 $0x1E05, v0;
	v1 =	vld.idx.msk [tilespmem:v1+s14+$0x0], $0xffff  }
0x64e: {  	v3 =	vadd.s32 $0x26A, v4;
	_ =	sdelay $0x3  }
0x64f: {  	[tilespmem:v2+s24+$0x0] =	vst.idx.msk $0xffff, v1  }
0x650: {  	v2 =	vor.u32 $0x1E06, v0;
	v1 =	vld.idx.msk [tilespmem:v3+s14+$0x0], $0xffff  }
0x651: {  	v3 =	vadd.s32 $0x26B, v4;
	_ =	sdelay $0x3  }
0x652: {  	[tilespmem:v2+s24+$0x0] =	vst.idx.msk $0xffff, v1  }
0x653: {  	v2 =	vor.u32 $0x1E07, v0;
	v1 =	vld.idx.msk [tilespmem:v3+s14+$0x0], $0xffff  }
0x654: {  	v3 =	vadd.s32 $0x26C, v4;
	_ =	sdelay $0x3  }
0x655: {  	[tilespmem:v2+s24+$0x0] =	vst.idx.msk $0xffff, v1  }
0x656: {  	v2 =	vor.u32 $0x1E08, v0;
	v1 =	vld.idx.msk [tilespmem:v3+s14+$0x0], $0xffff  }
0x657: {  	v3 =	vadd.s32 $0x26D, v4;
	_ =	sdelay $0x3  }
0x658: {  	[tilespmem:v2+s24+$0x0] =	vst.idx.msk $0xffff, v1  }
0x659: {  	v2 =	vor.u32 $0x1E09, v0;
	v1 =	vld.idx.msk [tilespmem:v3+s14+$0x0], $0xffff  }
0x65a: {  	v3 =	vadd.s32 $0x26E, v4;
	_ =	sdelay $0x3  }
0x65b: {  	[tilespmem:v2+s24+$0x0] =	vst.idx.msk $0xffff, v1  }
0x65c: {  	v2 =	vor.u32 $0x1E0A, v0;
	v1 =	vld.idx.msk [tilespmem:v3+s14+$0x0], $0xffff  }
0x65d: {  	v3 =	vadd.s32 $0x26F, v4;
	_ =	sdelay $0x3  }
0x65e: {  	[tilespmem:v2+s24+$0x0] =	vst.idx.msk $0xffff, v1  }
0x65f: {  	v2 =	vor.u32 $0x1E0B, v0;
	v1 =	vld.idx.msk [tilespmem:v3+s14+$0x0], $0xffff  }
0x660: {  	v3 =	vadd.s32 $0x270, v4;
	_ =	sdelay $0x3  }
0x661: {  	[tilespmem:v2+s24+$0x0] =	vst.idx.msk $0xffff, v1  }
0x662: {  	v2 =	vor.u32 $0x1E0C, v0;
	v1 =	vld.idx.msk [tilespmem:v3+s14+$0x0], $0xffff  }
0x663: {  	v3 =	vadd.s32 $0x271, v4;
	_ =	sdelay $0x3  }
0x664: {  	[tilespmem:v2+s24+$0x0] =	vst.idx.msk $0xffff, v1  }
0x665: {  	v2 =	vor.u32 $0x1E0D, v0;
	v1 =	vld.idx.msk [tilespmem:v3+s14+$0x0], $0xffff  }
0x666: {  	v3 =	vadd.s32 $0x272, v4;
	_ =	sdelay $0x3  }
0x667: {  	[tilespmem:v2+s24+$0x0] =	vst.idx.msk $0xffff, v1  }
0x668: {  	v2 =	vor.u32 $0x1E0E, v0;
	v1 =	vld.idx.msk [tilespmem:v3+s14+$0x0], $0xffff  }
0x669: {  	v3 =	vadd.s32 $0x273, v4;
	_ =	sdelay $0x3  }
0x66a: {  	[tilespmem:v2+s24+$0x0] =	vst.idx.msk $0xffff, v1  }
0x66b: {  	v2 =	vor.u32 $0x1E0F, v0;
	v1 =	vld.idx.msk [tilespmem:v3+s14+$0x0], $0xffff;
	_ =	sdelay $0x4  }
0x66c: {  	[tilespmem:v2+s24+$0x0] =	vst.idx.msk $0xffff, v1  }
0x66d: {  	v1 =	vld [tilespmem:$0x3F0];
	_ =	sdelay $0x4  }
0x66e: {  	v1 =	vmul.u32 $0x6, v1;
	_ =	sdelay $0x1  }
0x66f: {  	v2 =	vadd.s32 $0x6, v1;
	_ =	sdelay $0x4  }
0x670: {  	v3 =	vor.u32 $0x1F00, v0;
	v2 =	vld.idx.msk [tilespmem:v2+s14+$0x0], $0xffff  }
0x671: {  	v4 =	vadd.s32 $0x7, v1;
	_ =	sdelay $0x3  }
0x672: {  	v5 =	vld [tilespmem:$0x5F0];
	[tilespmem:v3+s24+$0x0] =	vst.idx.msk $0xffff, v2  }
0x673: {  	v3 =	vor.u32 $0x1F01, v0;
	v2 =	vld.idx.msk [tilespmem:v4+s14+$0x0], $0xffff  }
0x674: {  	v4 =	vadd.s32 $0x8, v1;
	_ =	sdelay $0x3  }
0x675: {  	[tilespmem:v3+s24+$0x0] =	vst.idx.msk $0xffff, v2  }
0x676: {  	v3 =	vor.u32 $0x1F02, v0;
	v2 =	vld.idx.msk [tilespmem:v4+s14+$0x0], $0xffff  }
0x677: {  	v4 =	vadd.s32 $0x9, v1;
	_ =	sdelay $0x3  }
0x678: {  	[tilespmem:v3+s24+$0x0] =	vst.idx.msk $0xffff, v2  }
0x679: {  	v3 =	vor.u32 $0x1F03, v0;
	v2 =	vld.idx.msk [tilespmem:v4+s14+$0x0], $0xffff  }
0x67a: {  	v4 =	vadd.s32 $0xA, v1;
	_ =	sdelay $0x3  }
0x67b: {  	[tilespmem:v3+s24+$0x0] =	vst.idx.msk $0xffff, v2  }
0x67c: {  	v3 =	vor.u32 $0x1F04, v0;
	v2 =	vld.idx.msk [tilespmem:v4+s14+$0x0], $0xffff  }
0x67d: {  	v1 =	vadd.s32 $0xB, v1;
	_ =	sdelay $0x3  }
0x67e: {  	v4 =	vmul.u32 $0xA, v5;
	[tilespmem:v3+s24+$0x0] =	vst.idx.msk $0xffff, v2  }
0x67f: {  	v2 =	vor.u32 $0x1F05, v0;
	v1 =	vld.idx.msk [tilespmem:v1+s14+$0x0], $0xffff  }
0x680: {  	v3 =	vadd.s32 $0x26A, v4;
	_ =	sdelay $0x3  }
0x681: {  	[tilespmem:v2+s24+$0x0] =	vst.idx.msk $0xffff, v1  }
0x682: {  	v2 =	vor.u32 $0x1F06, v0;
	v1 =	vld.idx.msk [tilespmem:v3+s14+$0x0], $0xffff  }
0x683: {  	v3 =	vadd.s32 $0x26B, v4;
	_ =	sdelay $0x3  }
0x684: {  	[tilespmem:v2+s24+$0x0] =	vst.idx.msk $0xffff, v1  }
0x685: {  	v2 =	vor.u32 $0x1F07, v0;
	v1 =	vld.idx.msk [tilespmem:v3+s14+$0x0], $0xffff  }
0x686: {  	v3 =	vadd.s32 $0x26C, v4;
	_ =	sdelay $0x3  }
0x687: {  	[tilespmem:v2+s24+$0x0] =	vst.idx.msk $0xffff, v1  }
0x688: {  	v2 =	vor.u32 $0x1F08, v0;
	v1 =	vld.idx.msk [tilespmem:v3+s14+$0x0], $0xffff  }
0x689: {  	v3 =	vadd.s32 $0x26D, v4;
	_ =	sdelay $0x3  }
0x68a: {  	[tilespmem:v2+s24+$0x0] =	vst.idx.msk $0xffff, v1  }
0x68b: {  	v2 =	vor.u32 $0x1F09, v0;
	v1 =	vld.idx.msk [tilespmem:v3+s14+$0x0], $0xffff  }
0x68c: {  	v3 =	vadd.s32 $0x26E, v4;
	_ =	sdelay $0x3  }
0x68d: {  	[tilespmem:v2+s24+$0x0] =	vst.idx.msk $0xffff, v1  }
0x68e: {  	v2 =	vor.u32 $0x1F0A, v0;
	v1 =	vld.idx.msk [tilespmem:v3+s14+$0x0], $0xffff  }
0x68f: {  	v3 =	vadd.s32 $0x26F, v4;
	_ =	sdelay $0x3  }
0x690: {  	[tilespmem:v2+s24+$0x0] =	vst.idx.msk $0xffff, v1  }
0x691: {  	v2 =	vor.u32 $0x1F0B, v0;
	v1 =	vld.idx.msk [tilespmem:v3+s14+$0x0], $0xffff  }
0x692: {  	v3 =	vadd.s32 $0x270, v4;
	_ =	sdelay $0x3  }
0x693: {  	[tilespmem:v2+s24+$0x0] =	vst.idx.msk $0xffff, v1  }
0x694: {  	v2 =	vor.u32 $0x1F0C, v0;
	v1 =	vld.idx.msk [tilespmem:v3+s14+$0x0], $0xffff  }
0x695: {  	v3 =	vadd.s32 $0x271, v4;
	_ =	sdelay $0x3  }
0x696: {  	[tilespmem:v2+s24+$0x0] =	vst.idx.msk $0xffff, v1  }
0x697: {  	v2 =	vor.u32 $0x1F0D, v0;
	v1 =	vld.idx.msk [tilespmem:v3+s14+$0x0], $0xffff  }
0x698: {  	v3 =	vadd.s32 $0x272, v4;
	_ =	sdelay $0x3  }
0x699: {  	[tilespmem:v2+s24+$0x0] =	vst.idx.msk $0xffff, v1  }
0x69a: {  	v2 =	vor.u32 $0x1F0E, v0;
	v1 =	vld.idx.msk [tilespmem:v3+s14+$0x0], $0xffff  }
0x69b: {  	v3 =	vadd.s32 $0x273, v4;
	_ =	sdelay $0x3  }
0x69c: {  	[tilespmem:v2+s24+$0x0] =	vst.idx.msk $0xffff, v1  }
0x69d: {  	v2 =	vor.u32 $0x1F0F, v0;
	v1 =	vld.idx.msk [tilespmem:v3+s14+$0x0], $0xffff;
	_ =	sdelay $0x4  }
0x69e: {  	[tilespmem:v2+s24+$0x0] =	vst.idx.msk $0xffff, v1  }
0x69f: {  	[hbm4b:s9+s25] =	stream.strided.scatter [tilespmem:s24], [sflag:$0x3], $0x2000, s17, s25, $0x38;
	[tilespmem:$0x7040] =	vst v63  }
0x6a0: {  	_ =	swait.ge [sflag:s26], $0x1000  }
0x6a1: {  	[sflag:s26] =	ssyncset.done $0x0  }
0x6a2: {  	[sflag:s26] =	ssyncadd.s32 $0xFFFFF000  }
0x6a3: {  	_ =	swait.ge [sflag:s26], $0x1000  }
0x6a4: {  	[sflag:s26] =	ssyncset.done $0x0  }
0x6a5: {  	[sflag:s26] =	ssyncadd.s32 $0xFFFFF000  }
0x6a6: {  	_ =	swait.ge [sflag:s26], $0x1000  }
0x6a7: {  	[sflag:s26] =	ssyncset.done $0x0  }
0x6a8: {  	[sflag:s26] =	ssyncadd.s32 $0xFFFFF000  }
0x6a9: {  	_ =	swait.ge [sflag:s26], $0x1000  }
0x6aa: {  	[sflag:s26] =	ssyncset.done $0x0  }
0x6ab: {  	[sflag:s26] =	ssyncadd.s32 $0xFFFFF000  }
0x6ac: {  	[hbm4b:s10+s28] =	stream.strided.scatter [tilespmem:s18], [sflag:$0x3], $0x4000, s17, s28, $0x38;
	[tilespmem:$0x7040] =	vst v63  }
0x6ad: {  	p0 =	sne.s32 s11, $0x1;
	_ =	swait.ge [sflag:s29], $0x2000  }
.Ltmp0:
0x6ae: {  	[sflag:s29] =	ssyncset.done $0x0;
	(pc) =	sbr.rel @p0 .LBB2_1-.Ltmp0, $4  }
0x6af: {  	[sflag:s29] =	ssyncadd.s32 $0xFFFFE000  }
0x6b0: {  	_ =	swait.ge [sflag:s29], $0x4000  }
0x6b1: {  	[sflag:s29] =	ssyncset.done $0x0  }
0x6b2: {  	s11 =	sadd.s32 $0xFFFFFFFF, s11;
	[sflag:s29] =	ssyncadd.s32 $0xFFFFC000  }
0x6b3: {  	_ =	sfence.sel $0x180000  }
0x6b4: {  	[bflag:$0x0] =	sbarrier.arrive $0xFFFF  }
0x6b5: {  	p0 =	sne.s32 s2, $0x0;
	_ =	strace $0x90000047  }
0x6b6: {  	s0 =	sadd.s32 @!p0 $0x100000, s1;
	[bflag:$0x2] =	sbarrier.arrive $0xFFFF  }
0x6b7: {  	[sflag:s0] =	ssyncadd.tile.s32 @!p0 $0x1;
	_ =	shalt  }
.Lfunc_end2:
_tile_overlayer_lowered:
.L_overlay_start_2:
0x6b8: {  	(tag) =	ssettag $0x2  }
0x6b9: {  	s0 =	rddreg [dreg:$0x0];
	s2 =	stileid.u32  }
0x6ba: {  	s1 =	rddreg [dreg:$0x1];
	p0 =	sne.s32 s2, $0x0  }
0x6bb: {  	s3 =	rddreg [dreg:$0x2];
	[bflag:$0x3] =	sbarrier.arrive $0xFFFF;
	s2 =	simm.s32 @!p0 $0x1C04  }
0x6bc: {  	[timem:s3], [sflag:s2] =	dma.local @!p0 [hbm:s0], s1  }
0x6bd: {  	s0 =	simm.s32 @!p0 $0x4  }
0x6be: {  	_ =	swait.ge @!p0 [sflag:s0], s1  }
0x6bf: {  	s1 =	ssub.s32 @!p0 $0x0, s1;
	[sflag:s0] =	ssyncset.done @!p0 $0x0  }
0x6c0: {  	[sflag:s0] =	ssyncadd.s32 @!p0 s1  }
0x6c1: {  	[bflag:$0x3] =	sbarrier.arrive $0xFFFF  }
0x6c2: {  	_ =	shalt  }

</sc_bundles>
